<compile_context>
chip_gen: v7x
topology: tpu7x:2x2x1
jax: 0.10.2.dev20260603
libtpu: 0.0.44.dev20260713+nightly
codegen_flags: <defaults>
</compile_context>

<pallas_src>
import functools

import jax
import jax.numpy as jnp
from jax import lax
from jax.experimental import pallas as pl
from jax.experimental.pallas import tpu as pltpu
from jax.experimental.pallas import tpu_sc as plsc

_N = 10000
_E = 160000
_W = 128
_CH = 128
_NBLK = 39
_MAIN = _NBLK * _CH * 32
_NPW = 632
_BE = 2000
_BN = 2000



def _edge_mlp_block(ef, w1, b1, w2, b2, w3, b3, out):
    t = jnp.maximum(ef[...] @ w1[...] + b1[...], 0.0)
    t = jnp.maximum(t @ w2[...] + b2[...], 0.0)
    t = jnp.maximum(t @ w3[...] + b3[...], 0.0)
    n = t.shape[0]
    out[...] = jnp.concatenate(
        [t, jnp.ones((n, 1), jnp.float32), jnp.zeros((n, _W - 33), jnp.float32)],
        axis=1)


def _node_block(nf, wn, bn_, out):
    h = jnp.maximum(jnp.dot(nf[...], wn[...]) + bn_[...], 0.0)
    out[...] = jnp.concatenate(
        [h, jnp.zeros((h.shape[0], _W - 16), jnp.float32)], axis=1)


def _layer_block(x, e0, e1, g0, g1, we, wx, wl, lb, out):
    es = e0[0] + e1[0]
    g = g0[0] + g1[0]
    acc = jnp.dot(es, we[...]) + jnp.dot(g, wx[...]) \
        + jnp.dot(x[...], wl[...]) + lb[...]
    r = jnp.maximum(acc, 0.0)
    out[...] = jnp.concatenate(
        [r, jnp.zeros((r.shape[0], _W - 32), jnp.float32)], axis=1)


def _final_block(x, e0, e1, g0, g1, we, wx, wl, lb, wlast, blast, out):
    es = e0[0] + e1[0]
    g = g0[0] + g1[0]
    acc = jnp.dot(es, we[...]) + jnp.dot(g, wx[...]) \
        + jnp.dot(x[...], wl[...]) + lb[...]
    x5 = jnp.maximum(acc, 0.0)
    out[...] = jnp.sum(x5 * wlast[...], axis=1, keepdims=True) + blast[...]


def _full(shape):
    return pl.BlockSpec(shape, lambda i: (0,) * len(shape))


def _rows(shape):
    return pl.BlockSpec(shape, lambda i: (i,) + (0,) * (len(shape) - 1))


def _part(c, shape):
    return pl.BlockSpec((1,) + shape, lambda i, _c=c: (_c, i, 0))



def _zero_buf(buf):
    def body(i, carry):
        for j in range(_W // 16):
            buf[i, pl.ds(j * 16, 16)] = jnp.zeros((16,), jnp.float32)
        return carry
    lax.fori_loop(0, buf.shape[0], body, 0)


def _zero_shared_rows(buf, acc, row0):
    off = 0
    while off < _NPW:
        nr = min(_CH, _NPW - off)
        pltpu.sync_copy(buf.at[pl.ds(0, nr)], acc.at[pl.ds(row0 + off, nr)])
        off += nr


def _sc_prelude(buf, acc):
    cid = lax.axis_index("c")
    sid = lax.axis_index("s")
    wid = sid * 2 + cid
    row0 = pl.multiple_of(jnp.minimum(sid * _NPW, _N - _NPW), 8)
    _zero_buf(buf)
    _zero_shared_rows(buf, acc, row0)
    plsc.subcore_barrier()
    start = pl.multiple_of(wid * (_NBLK * _CH), 8)
    return cid, wid, row0, start


def _sc_copy_out(acc, out_hbm, cid, row0):
    plsc.subcore_barrier()
    pltpu.sync_copy(acc.at[pl.ds(row0, _NPW)],
                    out_hbm.at[cid, pl.ds(row0, _NPW)])


@functools.cache
def _get_sc_escatter():
    return functools.partial(
        pl.kernel,
        out_type=jax.ShapeDtypeStruct((2, _N, _W), jnp.float32),
        mesh=plsc.VectorSubcoreMesh(core_axis_name="c", subcore_axis_name="s"),
        scratch_types=[
            pltpu.VMEM((_CH,), jnp.int32),
            pltpu.VMEM((_CH,), jnp.int32),
            pltpu.VMEM((_CH,), jnp.int32),
            pltpu.VMEM((_CH, _W), jnp.float32),
            pltpu.VMEM((_CH, _W), jnp.float32),
            pltpu.VMEM((_CH, _W), jnp.float32),
            pltpu.VMEM_SHARED((_N, _W), jnp.float32),
            pltpu.SemaphoreType.DMA,
            pltpu.SemaphoreType.DMA,
        ],
    )(_sc_escatter_body)


def _sc_escatter_body(e_hbm, dst_hbm, out_hbm,
                      didx0, didx1, didx2, erows0, erows1, erows2, acc,
                      semi, semc):
    cid, wid, row0, start = _sc_prelude(erows0, acc)

    def triple(j, carry):
        b0 = pl.multiple_of(start + (3 * j) * _CH, 8)
        b1 = pl.multiple_of(b0 + _CH, 8)
        b2 = pl.multiple_of(b0 + 2 * _CH, 8)
        ls = [pltpu.async_copy(dst_hbm.at[pl.ds(b0, _CH)], didx0, semi),
              pltpu.async_copy(e_hbm.at[pl.ds(b0, _CH)], erows0, semi),
              pltpu.async_copy(dst_hbm.at[pl.ds(b1, _CH)], didx1, semi),
              pltpu.async_copy(e_hbm.at[pl.ds(b1, _CH)], erows1, semi),
              pltpu.async_copy(dst_hbm.at[pl.ds(b2, _CH)], didx2, semi),
              pltpu.async_copy(e_hbm.at[pl.ds(b2, _CH)], erows2, semi)]
        for l in ls:
            l.wait()
        s0 = pltpu.async_copy(erows0, acc.at[didx0], semc, add=True)
        s1 = pltpu.async_copy(erows1, acc.at[didx1], semc, add=True)
        s2 = pltpu.async_copy(erows2, acc.at[didx2], semc, add=True)
        s0.wait(); s1.wait(); s2.wait()
        return carry
    lax.fori_loop(0, _NBLK // 3, triple, 0)

    @pl.when(wid < 2)
    def _():
        be = pl.multiple_of(_MAIN + wid * _CH, 8)
        pltpu.sync_copy(dst_hbm.at[pl.ds(be, _CH)], didx1)
        pltpu.sync_copy(e_hbm.at[pl.ds(be, _CH)], erows1)
        pltpu.sync_copy(erows1, acc.at[didx1], add=True)

    _sc_copy_out(acc, out_hbm, cid, row0)


@functools.cache
def _get_sc_seg_gather():
    return functools.partial(
        pl.kernel,
        out_type=jax.ShapeDtypeStruct((2, _N, _W), jnp.float32),
        mesh=plsc.VectorSubcoreMesh(core_axis_name="c", subcore_axis_name="s"),
        scratch_types=[
            pltpu.VMEM((_CH,), jnp.int32),
            pltpu.VMEM((_CH,), jnp.int32),
            pltpu.VMEM((_CH,), jnp.int32),
            pltpu.VMEM((_CH,), jnp.int32),
            pltpu.VMEM((_CH,), jnp.int32),
            pltpu.VMEM((_CH,), jnp.int32),
            pltpu.VMEM((_CH, _W), jnp.float32),
            pltpu.VMEM((_CH, _W), jnp.float32),
            pltpu.VMEM((_CH, _W), jnp.float32),
            pltpu.VMEM_SHARED((_N, _W), jnp.float32),
            pltpu.SemaphoreType.DMA,
            pltpu.SemaphoreType.DMA,
            pltpu.SemaphoreType.DMA,
            pltpu.SemaphoreType.DMA,
            pltpu.SemaphoreType.DMA,
        ],
    )(_sc_seg_gather_body)


def _sc_seg_gather_body(x_hbm, src_hbm, dst_hbm, out_hbm,
                        sidx0, didx0, sidx1, didx1, sidx2, didx2,
                        rows0, rows1, rows2, acc,
                        semi, semg0, semg1, semg2, semc):
    cid, wid, row0, start = _sc_prelude(rows0, acc)

    def pair(j, carry):
        b0 = pl.multiple_of(start + (2 * j) * _CH, 8)
        b1 = pl.multiple_of(b0 + _CH, 8)
        l0 = pltpu.async_copy(src_hbm.at[pl.ds(b0, _CH)], sidx0, semi)
        l1 = pltpu.async_copy(dst_hbm.at[pl.ds(b0, _CH)], didx0, semi)
        l2 = pltpu.async_copy(src_hbm.at[pl.ds(b1, _CH)], sidx1, semi)
        l3 = pltpu.async_copy(dst_hbm.at[pl.ds(b1, _CH)], didx1, semi)
        l0.wait(); l1.wait(); l2.wait(); l3.wait()
        g0 = pltpu.async_copy(x_hbm.at[sidx0], rows0, semg0)
        g1 = pltpu.async_copy(x_hbm.at[sidx1], rows1, semg1)
        g0.wait()
        s0 = pltpu.async_copy(rows0, acc.at[didx0], semc, add=True)
        g1.wait()
        s1 = pltpu.async_copy(rows1, acc.at[didx1], semc, add=True)
        s0.wait(); s1.wait()
        return carry
    lax.fori_loop(0, _NBLK // 2, pair, 0)

    bt = pl.multiple_of(start + (_NBLK - 1) * _CH, 8)
    pltpu.sync_copy(src_hbm.at[pl.ds(bt, _CH)], sidx0)
    pltpu.sync_copy(dst_hbm.at[pl.ds(bt, _CH)], didx0)
    pltpu.async_copy(x_hbm.at[sidx0], rows0, semg0).wait()
    pltpu.sync_copy(rows0, acc.at[didx0], add=True)

    @pl.when(wid < 2)
    def _():
        be = pl.multiple_of(_MAIN + wid * _CH, 8)
        pltpu.sync_copy(src_hbm.at[pl.ds(be, _CH)], sidx1)
        pltpu.sync_copy(dst_hbm.at[pl.ds(be, _CH)], didx1)
        pltpu.async_copy(x_hbm.at[sidx1], rows1, semg1).wait()
        pltpu.sync_copy(rows1, acc.at[didx1], add=True)

    _sc_copy_out(acc, out_hbm, cid, row0)



def kernel(node_feature, edge_feature, edge_index,
           Wn, bn, We1, be1, We2, be2, We3, be3,
           netW1, netb1, linW1, linb1,
           netW2, netb2, linW2, linb2,
           netW3, netb3, linW3, linb3,
           netW4, netb4, linW4, linb4,
           netW5, netb5, linW5, linb5,
           Wlast, blast):
    src = edge_index[0]
    dst = edge_index[1]

    h = pl.pallas_call(
        _node_block,
        grid=(1,),
        in_specs=[_full((_N, 3)), _full((3, 16)), _full((1, 16))],
        out_specs=_full((_N, _W)),
        out_shape=jax.ShapeDtypeStruct((_N, _W), jnp.float32),
    )(node_feature, Wn.T, bn.reshape(1, -1))

    gp1 = _get_sc_seg_gather()(h, src, dst)

    e_aug = pl.pallas_call(
        _edge_mlp_block,
        grid=(_E // _BE,),
        in_specs=[_rows((_BE, 301)),
                  _full((301, 128)), _full((1, 128)),
                  _full((128, 64)), _full((1, 64)),
                  _full((64, 32)), _full((1, 32))],
        out_specs=_rows((_BE, _W)),
        out_shape=jax.ShapeDtypeStruct((_E, _W), jnp.float32),
    )(edge_feature, We1.T, be1.reshape(1, -1),
      We2.T, be2.reshape(1, -1), We3.T, be3.reshape(1, -1))

    ep = _get_sc_escatter()(e_aug, dst)

    convs = [(netW1, netb1, linW1, linb1), (netW2, netb2, linW2, linb2),
             (netW3, netb3, linW3, linb3), (netW4, netb4, linW4, linb4),
             (netW5, netb5, linW5, linb5)]

    x = h
    out2d = None
    for li, (nW, nb, lW, lb) in enumerate(convs):
        f_in = lW.shape[1]
        we = jnp.zeros((_W, 32), jnp.float32)
        we = we.at[0:32].set(nW[:, f_in:].T).at[32].set(nb)
        wx = jnp.zeros((_W, 32), jnp.float32).at[0:f_in].set(nW[:, :f_in].T)
        wl = jnp.zeros((_W, 32), jnp.float32).at[0:f_in].set(lW.T)
        lbr = lb.reshape(1, -1)

        gp = gp1 if li == 0 else _get_sc_seg_gather()(x, src, dst)

        common = [_rows((_BN, _W)),
                  _part(0, (_BN, _W)), _part(1, (_BN, _W)),
                  _part(0, (_BN, _W)), _part(1, (_BN, _W)),
                  _full((_W, 32)), _full((_W, 32)), _full((_W, 32)),
                  _full((1, 32))]
        if li < 4:
            x = pl.pallas_call(
                _layer_block,
                grid=(_N // _BN,),
                in_specs=common,
                out_specs=_rows((_BN, _W)),
                out_shape=jax.ShapeDtypeStruct((_N, _W), jnp.float32),
            )(x, ep, ep, gp, gp, we, wx, wl, lbr)
        else:
            out2d = pl.pallas_call(
                _final_block,
                grid=(_N // _BN,),
                in_specs=common + [_full((1, 32)), _full((1, 1))],
                out_specs=_rows((_BN, 1)),
                out_shape=jax.ShapeDtypeStruct((_N, 1), jnp.float32),
            )(x, ep, ep, gp, gp, we, wx, wl, lbr, Wlast, blast.reshape(1, 1))

    return out2d[:, 0]

# --- scband reference (transcript-rebuilt; emitter-appended) ---
"""Pipeline reference for scband-bn-26654567039559 (READ-ONLY COPY).

The authoritative reference and input builder live on the scoring server;
editing this copy changes nothing except your own understanding.
"""

import jax, jax.numpy as jnp
import numpy as np

N = 10000
E = 160000


def _lin_params(k, out_f, in_f):
    k1, k2 = jax.random.split(k)
    s = 1.0 / np.sqrt(in_f)
    W = jax.random.uniform(k1, (out_f, in_f), jnp.float32, -s, s)
    b = jax.random.uniform(k2, (out_f,), jnp.float32, -s, s)
    return W, b


def setup_inputs(seed: int = 0):
    key = jax.random.key(seed)
    k1, k2, k3, kp = jax.random.split(key, 4)
    inp = {
        'node_feature': jax.random.normal(k1, (N, 3), jnp.float32),
        'edge_feature': jax.random.normal(k2, (E, 301), jnp.float32),
        'edge_index': jax.random.randint(k3, (2, E), 0, N, jnp.int32),
    }
    ks = jax.random.split(kp, 16)
    inp['Wn'], inp['bn'] = _lin_params(ks[0], 16, 3)
    inp['We1'], inp['be1'] = _lin_params(ks[1], 128, 301)
    inp['We2'], inp['be2'] = _lin_params(ks[2], 64, 128)
    inp['We3'], inp['be3'] = _lin_params(ks[3], 32, 64)
    ins = [16, 32, 32, 32, 32]
    for i in range(5):
        inp['netW%d' % (i + 1)], inp['netb%d' % (i + 1)] = _lin_params(ks[4 + 2 * i], 32, ins[i] + 32)
        inp['linW%d' % (i + 1)], inp['linb%d' % (i + 1)] = _lin_params(ks[5 + 2 * i], 32, ins[i])
    inp['Wlast'], inp['blast'] = _lin_params(ks[14], 1, 32)
    return inp


def _nnconv(x, src, dst, eattr, netW, netb, linW, linb):
    # message: net(cat([x_j, edge_attr])) where x_j = x[src]
    m = jnp.concatenate([x[src], eattr], axis=-1) @ netW.T + netb
    # aggregate (add) at dst nodes
    agg = jax.ops.segment_sum(m, dst, num_segments=x.shape[0])
    # skip: out += lin(x)
    return agg + x @ linW.T + linb


def reference(node_feature, edge_feature, edge_index,
              Wn, bn, We1, be1, We2, be2, We3, be3,
              netW1, netb1, linW1, linb1,
              netW2, netb2, linW2, linb2,
              netW3, netb3, linW3, linb3,
              netW4, netb4, linW4, linb4,
              netW5, netb5, linW5, linb5,
              Wlast, blast):
    src = edge_index[0]
    dst = edge_index[1]
    h = jax.nn.relu(node_feature @ Wn.T + bn)
    e = jax.nn.relu(edge_feature @ We1.T + be1)
    e = jax.nn.relu(e @ We2.T + be2)
    e = jax.nn.relu(e @ We3.T + be3)
    convs = [(netW1, netb1, linW1, linb1), (netW2, netb2, linW2, linb2),
             (netW3, netb3, linW3, linb3), (netW4, netb4, linW4, linb4),
             (netW5, netb5, linW5, linb5)]
    x = h
    for (nW, nb, lW, lb) in convs:
        x = jax.nn.relu(_nnconv(x, src, dst, e, nW, nb, lW, lb))
    out = x @ Wlast.T + blast
    return jnp.squeeze(out, axis=-1)

if __name__ == "__main__":
    import jax
    _d = setup_inputs()
    print(jax.jit(kernel)(*tuple(_d.values())))

</pallas_src>

<mosaic_0001>
#map = affine_map<(d0, d1) -> (0, 0)>
#map1 = affine_map<(d0, d1) -> (0)>
#map2 = affine_map<(d0, d1) -> (0, 0, 0)>
module attributes {stable_mosaic.version = 14 : i64} {
  func.func @_sc_seg_gather_body(%arg0: i32, %arg1: i32, %arg2: memref<10000x128xf32, #tpu.memory_space<hbm>>, %arg3: memref<160000xi32, #tpu.memory_space<hbm>>, %arg4: memref<160000xi32, #tpu.memory_space<hbm>>, %arg5: memref<2x10000x128xf32, #tpu.memory_space<hbm>>, %arg6: memref<128xi32, #tpu.memory_space<vmem>>, %arg7: memref<128xi32, #tpu.memory_space<vmem>>, %arg8: memref<128xi32, #tpu.memory_space<vmem>>, %arg9: memref<128xi32, #tpu.memory_space<vmem>>, %arg10: memref<128xi32, #tpu.memory_space<vmem>>, %arg11: memref<128xi32, #tpu.memory_space<vmem>>, %arg12: memref<128x128xf32, #tpu.memory_space<vmem>>, %arg13: memref<128x128xf32, #tpu.memory_space<vmem>>, %arg14: memref<128x128xf32, #tpu.memory_space<vmem>>, %arg15: memref<10000x128xf32, #tpu.memory_space<vmem_shared>>, %arg16: memref<!tpu.dma_semaphore, #tpu.memory_space<semaphore_mem>>, %arg17: memref<!tpu.dma_semaphore, #tpu.memory_space<semaphore_mem>>, %arg18: memref<!tpu.dma_semaphore, #tpu.memory_space<semaphore_mem>>, %arg19: memref<!tpu.dma_semaphore, #tpu.memory_space<semaphore_mem>>, %arg20: memref<!tpu.dma_semaphore, #tpu.memory_space<semaphore_mem>>) attributes {dimension_semantics = [#tpu.dimension_semantics<core_parallel>, #tpu.dimension_semantics<subcore_parallel>], iteration_bounds = array<i64: 2, 16>, scalar_prefetch = 0 : i64, scratch_operands = 15 : i64, tpu.core_type = #tpu.core_type<sc_vector_subcore>, window_params = [{transform_indices = #map}, {transform_indices = #map1}, {transform_indices = #map1}, {transform_indices = #map2}]} {
    %mul3A = arith.constant 2 : i32
    %mul3A_0 = arith.muli %arg1, %mul3A : i32
    %add3A = arith.addi %mul3A_0, %arg0 : i32
    %mul3A_1 = arith.constant 632 : i32
    %mul3A_2 = arith.muli %arg1, %mul3A_1 : i32
    %min3A = arith.constant 9368 : i32
    %min3A_3 = arith.minsi %mul3A_2, %min3A : i32
    %multiple_of3A = tpu.assume_multiple %min3A_3, 8 : i32
    %scan3A = arith.constant 0 : i32
    %scan3A_4 = arith.constant 0 : i32
    %scan3A_5 = arith.constant 128 : i32
    %scan3A_6 = arith.addi %scan3A_4, %scan3A_5 : i32
    %scan3A_7 = arith.constant 1 : i32
    scf.for %scan3A_38 = %scan3A_4 to %scan3A_6 step %scan3A_7  : i32 {
      %broadcast_in_dim3A = arith.constant 0.000000e+00 : f32
      %broadcast_in_dim3A_39 = vector.broadcast %broadcast_in_dim3A : f32 to vector<16xf32>
      %swap3A = arith.index_cast %scan3A_38 : i32 to index
      %swap3A_40 = arith.constant 0 : index
      %swap3A_41 = tpu.vector_load %arg12[%swap3A, %swap3A_40] {strides = array<i32>} : memref<128x128xf32, #tpu.memory_space<vmem>>, vector<1x16xf32>,
      %swap3A_42 = vector.shape_cast %swap3A_41 : vector<1x16xf32> to vector<16xf32>
      %swap3A_43 = vector.shape_cast %broadcast_in_dim3A_39 : vector<16xf32> to vector<1x16xf32>
      tpu.vector_store %arg12[%swap3A, %swap3A_40], %swap3A_43 {strides = array<i32>} : memref<128x128xf32, #tpu.memory_space<vmem>>, vector<1x16xf32>,
      %broadcast_in_dim3A_44 = arith.constant 0.000000e+00 : f32
      %broadcast_in_dim3A_45 = vector.broadcast %broadcast_in_dim3A_44 : f32 to vector<16xf32>
      %swap3A_46 = arith.index_cast %scan3A_38 : i32 to index
      %swap3A_47 = arith.constant 16 : index
      %swap3A_48 = tpu.vector_load %arg12[%swap3A_46, %swap3A_47] {strides = array<i32>} : memref<128x128xf32, #tpu.memory_space<vmem>>, vector<1x16xf32>,
      %swap3A_49 = vector.shape_cast %swap3A_48 : vector<1x16xf32> to vector<16xf32>
      %swap3A_50 = vector.shape_cast %broadcast_in_dim3A_45 : vector<16xf32> to vector<1x16xf32>
      tpu.vector_store %arg12[%swap3A_46, %swap3A_47], %swap3A_50 {strides = array<i32>} : memref<128x128xf32, #tpu.memory_space<vmem>>, vector<1x16xf32>,
      %broadcast_in_dim3A_51 = arith.constant 0.000000e+00 : f32
      %broadcast_in_dim3A_52 = vector.broadcast %broadcast_in_dim3A_51 : f32 to vector<16xf32>
      %swap3A_53 = arith.index_cast %scan3A_38 : i32 to index
      %swap3A_54 = arith.constant 32 : index
      %swap3A_55 = tpu.vector_load %arg12[%swap3A_53, %swap3A_54] {strides = array<i32>} : memref<128x128xf32, #tpu.memory_space<vmem>>, vector<1x16xf32>,
      %swap3A_56 = vector.shape_cast %swap3A_55 : vector<1x16xf32> to vector<16xf32>
      %swap3A_57 = vector.shape_cast %broadcast_in_dim3A_52 : vector<16xf32> to vector<1x16xf32>
      tpu.vector_store %arg12[%swap3A_53, %swap3A_54], %swap3A_57 {strides = array<i32>} : memref<128x128xf32, #tpu.memory_space<vmem>>, vector<1x16xf32>,
      %broadcast_in_dim3A_58 = arith.constant 0.000000e+00 : f32
      %broadcast_in_dim3A_59 = vector.broadcast %broadcast_in_dim3A_58 : f32 to vector<16xf32>
      %swap3A_60 = arith.index_cast %scan3A_38 : i32 to index
      %swap3A_61 = arith.constant 48 : index
      %swap3A_62 = tpu.vector_load %arg12[%swap3A_60, %swap3A_61] {strides = array<i32>} : memref<128x128xf32, #tpu.memory_space<vmem>>, vector<1x16xf32>,
      %swap3A_63 = vector.shape_cast %swap3A_62 : vector<1x16xf32> to vector<16xf32>
      %swap3A_64 = vector.shape_cast %broadcast_in_dim3A_59 : vector<16xf32> to vector<1x16xf32>
      tpu.vector_store %arg12[%swap3A_60, %swap3A_61], %swap3A_64 {strides = array<i32>} : memref<128x128xf32, #tpu.memory_space<vmem>>, vector<1x16xf32>,
      %broadcast_in_dim3A_65 = arith.constant 0.000000e+00 : f32
      %broadcast_in_dim3A_66 = vector.broadcast %broadcast_in_dim3A_65 : f32 to vector<16xf32>
      %swap3A_67 = arith.index_cast %scan3A_38 : i32 to index
      %swap3A_68 = arith.constant 64 : index
      %swap3A_69 = tpu.vector_load %arg12[%swap3A_67, %swap3A_68] {strides = array<i32>} : memref<128x128xf32, #tpu.memory_space<vmem>>, vector<1x16xf32>,
      %swap3A_70 = vector.shape_cast %swap3A_69 : vector<1x16xf32> to vector<16xf32>
      %swap3A_71 = vector.shape_cast %broadcast_in_dim3A_66 : vector<16xf32> to vector<1x16xf32>
      tpu.vector_store %arg12[%swap3A_67, %swap3A_68], %swap3A_71 {strides = array<i32>} : memref<128x128xf32, #tpu.memory_space<vmem>>, vector<1x16xf32>,
      %broadcast_in_dim3A_72 = arith.constant 0.000000e+00 : f32
      %broadcast_in_dim3A_73 = vector.broadcast %broadcast_in_dim3A_72 : f32 to vector<16xf32>
      %swap3A_74 = arith.index_cast %scan3A_38 : i32 to index
      %swap3A_75 = arith.constant 80 : index
      %swap3A_76 = tpu.vector_load %arg12[%swap3A_74, %swap3A_75] {strides = array<i32>} : memref<128x128xf32, #tpu.memory_space<vmem>>, vector<1x16xf32>,
      %swap3A_77 = vector.shape_cast %swap3A_76 : vector<1x16xf32> to vector<16xf32>
      %swap3A_78 = vector.shape_cast %broadcast_in_dim3A_73 : vector<16xf32> to vector<1x16xf32>
      tpu.vector_store %arg12[%swap3A_74, %swap3A_75], %swap3A_78 {strides = array<i32>} : memref<128x128xf32, #tpu.memory_space<vmem>>, vector<1x16xf32>,
      %broadcast_in_dim3A_79 = arith.constant 0.000000e+00 : f32
      %broadcast_in_dim3A_80 = vector.broadcast %broadcast_in_dim3A_79 : f32 to vector<16xf32>
      %swap3A_81 = arith.index_cast %scan3A_38 : i32 to index
      %swap3A_82 = arith.constant 96 : index
      %swap3A_83 = tpu.vector_load %arg12[%swap3A_81, %swap3A_82] {strides = array<i32>} : memref<128x128xf32, #tpu.memory_space<vmem>>, vector<1x16xf32>,
      %swap3A_84 = vector.shape_cast %swap3A_83 : vector<1x16xf32> to vector<16xf32>
      %swap3A_85 = vector.shape_cast %broadcast_in_dim3A_80 : vector<16xf32> to vector<1x16xf32>
      tpu.vector_store %arg12[%swap3A_81, %swap3A_82], %swap3A_85 {strides = array<i32>} : memref<128x128xf32, #tpu.memory_space<vmem>>, vector<1x16xf32>,
      %broadcast_in_dim3A_86 = arith.constant 0.000000e+00 : f32
      %broadcast_in_dim3A_87 = vector.broadcast %broadcast_in_dim3A_86 : f32 to vector<16xf32>
      %swap3A_88 = arith.index_cast %scan3A_38 : i32 to index
      %swap3A_89 = arith.constant 112 : index
      %swap3A_90 = tpu.vector_load %arg12[%swap3A_88, %swap3A_89] {strides = array<i32>} : memref<128x128xf32, #tpu.memory_space<vmem>>, vector<1x16xf32>,
      %swap3A_91 = vector.shape_cast %swap3A_90 : vector<1x16xf32> to vector<16xf32>
      %swap3A_92 = vector.shape_cast %broadcast_in_dim3A_87 : vector<16xf32> to vector<1x16xf32>
      tpu.vector_store %arg12[%swap3A_88, %swap3A_89], %swap3A_92 {strides = array<i32>} : memref<128x128xf32, #tpu.memory_space<vmem>>, vector<1x16xf32>,
    }
    %scan3A_8 = arith.constant 128 : i32
    %add3A_9 = arith.constant 0 : i32
    %add3A_10 = arith.addi %multiple_of3A, %add3A_9 : i32
    "tpu.region"() ({
      %run_scoped3A = tpu.sem_alloc : memref<!tpu.dma_semaphore, #tpu.memory_space<semaphore_mem>>
      %dma_start3A_38 = arith.constant 0 : i32
      %dma_start3A_39 = arith.constant 0 : i32
      %dma_start3A_40 = tpu.memref_slice %arg12[%dma_start3A_38, %dma_start3A_39] : memref<128x128xf32, #tpu.memory_space<vmem>> -> memref<128x128xf32, #tpu.memory_space<vmem>>
      %dma_start3A_41 = arith.constant 0 : i32
      %dma_start3A_42 = tpu.memref_slice %arg15[%add3A_10, %dma_start3A_41] : memref<10000x128xf32, #tpu.memory_space<vmem_shared>> -> memref<128x128xf32, #tpu.memory_space<vmem_shared>>
      %dma_start3A_43 = arith.constant 0 : i32
      %dma_start3A_44 = tpu.memref_slice %arg15[%add3A_10, %dma_start3A_43] : memref<10000x128xf32, #tpu.memory_space<vmem_shared>> -> memref<128x128xf32, #tpu.memory_space<vmem_shared>>
      %dma_start3A_45 = arith.constant 0 : i32
      %dma_start3A_46 = arith.constant 0 : i32
      %dma_start3A_47 = tpu.memref_slice %arg12[%dma_start3A_45, %dma_start3A_46] : memref<128x128xf32, #tpu.memory_space<vmem>> -> memref<128x128xf32, #tpu.memory_space<vmem>>
      tpu.enqueue_dma source(%dma_start3A_47 : memref<128x128xf32, #tpu.memory_space<vmem>>) target(%dma_start3A_44 : memref<128x128xf32, #tpu.memory_space<vmem_shared>>) target_semaphore(%run_scoped3A : memref<!tpu.dma_semaphore, #tpu.memory_space<semaphore_mem>>)
      %dma_wait3A_48 = arith.constant 0 : i32
      %dma_wait3A_49 = arith.constant 0 : i32
      %dma_wait3A_50 = tpu.memref_slice %arg12[%dma_wait3A_48, %dma_wait3A_49] : memref<128x128xf32, #tpu.memory_space<vmem>> -> memref<128x128xf32, #tpu.memory_space<vmem>>
      %dma_wait3A_51 = arith.constant 0 : i32
      %dma_wait3A_52 = tpu.memref_slice %arg15[%add3A_10, %dma_wait3A_51] : memref<10000x128xf32, #tpu.memory_space<vmem_shared>> -> memref<128x128xf32, #tpu.memory_space<vmem_shared>>
      %dma_wait3A_53 = arith.constant 0 : i32
      %dma_wait3A_54 = tpu.memref_slice %arg15[%add3A_10, %dma_wait3A_53] : memref<10000x128xf32, #tpu.memory_space<vmem_shared>> -> memref<128x128xf32, #tpu.memory_space<vmem_shared>>
      %dma_wait3A_55 = arith.constant 0 : i32
      %dma_wait3A_56 = arith.constant 0 : i32
      %dma_wait3A_57 = tpu.memref_slice %arg12[%dma_wait3A_55, %dma_wait3A_56] : memref<128x128xf32, #tpu.memory_space<vmem>> -> memref<128x128xf32, #tpu.memory_space<vmem>>
      tpu.wait_dma2 semaphore(%run_scoped3A : memref<!tpu.dma_semaphore, #tpu.memory_space<semaphore_mem>>) src(%dma_wait3A_57 : memref<128x128xf32, #tpu.memory_space<vmem>>) dst(%dma_wait3A_54 : memref<128x128xf32, #tpu.memory_space<vmem_shared>>)
      tpu.yield
    }) : () -> ()
    %add3A_11 = arith.constant 128 : i32
    %add3A_12 = arith.addi %multiple_of3A, %add3A_11 : i32
    "tpu.region"() ({
      %run_scoped3A = tpu.sem_alloc : memref<!tpu.dma_semaphore, #tpu.memory_space<semaphore_mem>>
      %dma_start3A_38 = arith.constant 0 : i32
      %dma_start3A_39 = arith.constant 0 : i32
      %dma_start3A_40 = tpu.memref_slice %arg12[%dma_start3A_38, %dma_start3A_39] : memref<128x128xf32, #tpu.memory_space<vmem>> -> memref<128x128xf32, #tpu.memory_space<vmem>>
      %dma_start3A_41 = arith.constant 0 : i32
      %dma_start3A_42 = tpu.memref_slice %arg15[%add3A_12, %dma_start3A_41] : memref<10000x128xf32, #tpu.memory_space<vmem_shared>> -> memref<128x128xf32, #tpu.memory_space<vmem_shared>>
      %dma_start3A_43 = arith.constant 0 : i32
      %dma_start3A_44 = tpu.memref_slice %arg15[%add3A_12, %dma_start3A_43] : memref<10000x128xf32, #tpu.memory_space<vmem_shared>> -> memref<128x128xf32, #tpu.memory_space<vmem_shared>>
      %dma_start3A_45 = arith.constant 0 : i32
      %dma_start3A_46 = arith.constant 0 : i32
      %dma_start3A_47 = tpu.memref_slice %arg12[%dma_start3A_45, %dma_start3A_46] : memref<128x128xf32, #tpu.memory_space<vmem>> -> memref<128x128xf32, #tpu.memory_space<vmem>>
      tpu.enqueue_dma source(%dma_start3A_47 : memref<128x128xf32, #tpu.memory_space<vmem>>) target(%dma_start3A_44 : memref<128x128xf32, #tpu.memory_space<vmem_shared>>) target_semaphore(%run_scoped3A : memref<!tpu.dma_semaphore, #tpu.memory_space<semaphore_mem>>)
      %dma_wait3A_48 = arith.constant 0 : i32
      %dma_wait3A_49 = arith.constant 0 : i32
      %dma_wait3A_50 = tpu.memref_slice %arg12[%dma_wait3A_48, %dma_wait3A_49] : memref<128x128xf32, #tpu.memory_space<vmem>> -> memref<128x128xf32, #tpu.memory_space<vmem>>
      %dma_wait3A_51 = arith.constant 0 : i32
      %dma_wait3A_52 = tpu.memref_slice %arg15[%add3A_12, %dma_wait3A_51] : memref<10000x128xf32, #tpu.memory_space<vmem_shared>> -> memref<128x128xf32, #tpu.memory_space<vmem_shared>>
      %dma_wait3A_53 = arith.constant 0 : i32
      %dma_wait3A_54 = tpu.memref_slice %arg15[%add3A_12, %dma_wait3A_53] : memref<10000x128xf32, #tpu.memory_space<vmem_shared>> -> memref<128x128xf32, #tpu.memory_space<vmem_shared>>
      %dma_wait3A_55 = arith.constant 0 : i32
      %dma_wait3A_56 = arith.constant 0 : i32
      %dma_wait3A_57 = tpu.memref_slice %arg12[%dma_wait3A_55, %dma_wait3A_56] : memref<128x128xf32, #tpu.memory_space<vmem>> -> memref<128x128xf32, #tpu.memory_space<vmem>>
      tpu.wait_dma2 semaphore(%run_scoped3A : memref<!tpu.dma_semaphore, #tpu.memory_space<semaphore_mem>>) src(%dma_wait3A_57 : memref<128x128xf32, #tpu.memory_space<vmem>>) dst(%dma_wait3A_54 : memref<128x128xf32, #tpu.memory_space<vmem_shared>>)
      tpu.yield
    }) : () -> ()
    %add3A_13 = arith.constant 256 : i32
    %add3A_14 = arith.addi %multiple_of3A, %add3A_13 : i32
    "tpu.region"() ({
      %run_scoped3A = tpu.sem_alloc : memref<!tpu.dma_semaphore, #tpu.memory_space<semaphore_mem>>
      %dma_start3A_38 = arith.constant 0 : i32
      %dma_start3A_39 = arith.constant 0 : i32
      %dma_start3A_40 = tpu.memref_slice %arg12[%dma_start3A_38, %dma_start3A_39] : memref<128x128xf32, #tpu.memory_space<vmem>> -> memref<128x128xf32, #tpu.memory_space<vmem>>
      %dma_start3A_41 = arith.constant 0 : i32
      %dma_start3A_42 = tpu.memref_slice %arg15[%add3A_14, %dma_start3A_41] : memref<10000x128xf32, #tpu.memory_space<vmem_shared>> -> memref<128x128xf32, #tpu.memory_space<vmem_shared>>
      %dma_start3A_43 = arith.constant 0 : i32
      %dma_start3A_44 = tpu.memref_slice %arg15[%add3A_14, %dma_start3A_43] : memref<10000x128xf32, #tpu.memory_space<vmem_shared>> -> memref<128x128xf32, #tpu.memory_space<vmem_shared>>
      %dma_start3A_45 = arith.constant 0 : i32
      %dma_start3A_46 = arith.constant 0 : i32
      %dma_start3A_47 = tpu.memref_slice %arg12[%dma_start3A_45, %dma_start3A_46] : memref<128x128xf32, #tpu.memory_space<vmem>> -> memref<128x128xf32, #tpu.memory_space<vmem>>
      tpu.enqueue_dma source(%dma_start3A_47 : memref<128x128xf32, #tpu.memory_space<vmem>>) target(%dma_start3A_44 : memref<128x128xf32, #tpu.memory_space<vmem_shared>>) target_semaphore(%run_scoped3A : memref<!tpu.dma_semaphore, #tpu.memory_space<semaphore_mem>>)
      %dma_wait3A_48 = arith.constant 0 : i32
      %dma_wait3A_49 = arith.constant 0 : i32
      %dma_wait3A_50 = tpu.memref_slice %arg12[%dma_wait3A_48, %dma_wait3A_49] : memref<128x128xf32, #tpu.memory_space<vmem>> -> memref<128x128xf32, #tpu.memory_space<vmem>>
      %dma_wait3A_51 = arith.constant 0 : i32
      %dma_wait3A_52 = tpu.memref_slice %arg15[%add3A_14, %dma_wait3A_51] : memref<10000x128xf32, #tpu.memory_space<vmem_shared>> -> memref<128x128xf32, #tpu.memory_space<vmem_shared>>
      %dma_wait3A_53 = arith.constant 0 : i32
      %dma_wait3A_54 = tpu.memref_slice %arg15[%add3A_14, %dma_wait3A_53] : memref<10000x128xf32, #tpu.memory_space<vmem_shared>> -> memref<128x128xf32, #tpu.memory_space<vmem_shared>>
      %dma_wait3A_55 = arith.constant 0 : i32
      %dma_wait3A_56 = arith.constant 0 : i32
      %dma_wait3A_57 = tpu.memref_slice %arg12[%dma_wait3A_55, %dma_wait3A_56] : memref<128x128xf32, #tpu.memory_space<vmem>> -> memref<128x128xf32, #tpu.memory_space<vmem>>
      tpu.wait_dma2 semaphore(%run_scoped3A : memref<!tpu.dma_semaphore, #tpu.memory_space<semaphore_mem>>) src(%dma_wait3A_57 : memref<128x128xf32, #tpu.memory_space<vmem>>) dst(%dma_wait3A_54 : memref<128x128xf32, #tpu.memory_space<vmem_shared>>)
      tpu.yield
    }) : () -> ()
    %add3A_15 = arith.constant 384 : i32
    %add3A_16 = arith.addi %multiple_of3A, %add3A_15 : i32
    "tpu.region"() ({
      %run_scoped3A = tpu.sem_alloc : memref<!tpu.dma_semaphore, #tpu.memory_space<semaphore_mem>>
      %dma_start3A_38 = arith.constant 0 : i32
      %dma_start3A_39 = arith.constant 0 : i32
      %dma_start3A_40 = tpu.memref_slice %arg12[%dma_start3A_38, %dma_start3A_39] : memref<128x128xf32, #tpu.memory_space<vmem>> -> memref<128x128xf32, #tpu.memory_space<vmem>>
      %dma_start3A_41 = arith.constant 0 : i32
      %dma_start3A_42 = tpu.memref_slice %arg15[%add3A_16, %dma_start3A_41] : memref<10000x128xf32, #tpu.memory_space<vmem_shared>> -> memref<128x128xf32, #tpu.memory_space<vmem_shared>>
      %dma_start3A_43 = arith.constant 0 : i32
      %dma_start3A_44 = tpu.memref_slice %arg15[%add3A_16, %dma_start3A_43] : memref<10000x128xf32, #tpu.memory_space<vmem_shared>> -> memref<128x128xf32, #tpu.memory_space<vmem_shared>>
      %dma_start3A_45 = arith.constant 0 : i32
      %dma_start3A_46 = arith.constant 0 : i32
      %dma_start3A_47 = tpu.memref_slice %arg12[%dma_start3A_45, %dma_start3A_46] : memref<128x128xf32, #tpu.memory_space<vmem>> -> memref<128x128xf32, #tpu.memory_space<vmem>>
      tpu.enqueue_dma source(%dma_start3A_47 : memref<128x128xf32, #tpu.memory_space<vmem>>) target(%dma_start3A_44 : memref<128x128xf32, #tpu.memory_space<vmem_shared>>) target_semaphore(%run_scoped3A : memref<!tpu.dma_semaphore, #tpu.memory_space<semaphore_mem>>)
      %dma_wait3A_48 = arith.constant 0 : i32
      %dma_wait3A_49 = arith.constant 0 : i32
      %dma_wait3A_50 = tpu.memref_slice %arg12[%dma_wait3A_48, %dma_wait3A_49] : memref<128x128xf32, #tpu.memory_space<vmem>> -> memref<128x128xf32, #tpu.memory_space<vmem>>
      %dma_wait3A_51 = arith.constant 0 : i32
      %dma_wait3A_52 = tpu.memref_slice %arg15[%add3A_16, %dma_wait3A_51] : memref<10000x128xf32, #tpu.memory_space<vmem_shared>> -> memref<128x128xf32, #tpu.memory_space<vmem_shared>>
      %dma_wait3A_53 = arith.constant 0 : i32
      %dma_wait3A_54 = tpu.memref_slice %arg15[%add3A_16, %dma_wait3A_53] : memref<10000x128xf32, #tpu.memory_space<vmem_shared>> -> memref<128x128xf32, #tpu.memory_space<vmem_shared>>
      %dma_wait3A_55 = arith.constant 0 : i32
      %dma_wait3A_56 = arith.constant 0 : i32
      %dma_wait3A_57 = tpu.memref_slice %arg12[%dma_wait3A_55, %dma_wait3A_56] : memref<128x128xf32, #tpu.memory_space<vmem>> -> memref<128x128xf32, #tpu.memory_space<vmem>>
      tpu.wait_dma2 semaphore(%run_scoped3A : memref<!tpu.dma_semaphore, #tpu.memory_space<semaphore_mem>>) src(%dma_wait3A_57 : memref<128x128xf32, #tpu.memory_space<vmem>>) dst(%dma_wait3A_54 : memref<128x128xf32, #tpu.memory_space<vmem_shared>>)
      tpu.yield
    }) : () -> ()
    %add3A_17 = arith.constant 512 : i32
    %add3A_18 = arith.addi %multiple_of3A, %add3A_17 : i32
    "tpu.region"() ({
      %run_scoped3A = tpu.sem_alloc : memref<!tpu.dma_semaphore, #tpu.memory_space<semaphore_mem>>
      %dma_start3A_38 = arith.constant 0 : i32
      %dma_start3A_39 = arith.constant 0 : i32
      %dma_start3A_40 = tpu.memref_slice %arg12[%dma_start3A_38, %dma_start3A_39] : memref<128x128xf32, #tpu.memory_space<vmem>> -> memref<120x128xf32, #tpu.memory_space<vmem>>
      %dma_start3A_41 = arith.constant 0 : i32
      %dma_start3A_42 = tpu.memref_slice %arg15[%add3A_18, %dma_start3A_41] : memref<10000x128xf32, #tpu.memory_space<vmem_shared>> -> memref<120x128xf32, #tpu.memory_space<vmem_shared>>
      %dma_start3A_43 = arith.constant 0 : i32
      %dma_start3A_44 = tpu.memref_slice %arg15[%add3A_18, %dma_start3A_43] : memref<10000x128xf32, #tpu.memory_space<vmem_shared>> -> memref<120x128xf32, #tpu.memory_space<vmem_shared>>
      %dma_start3A_45 = arith.constant 0 : i32
      %dma_start3A_46 = arith.constant 0 : i32
      %dma_start3A_47 = tpu.memref_slice %arg12[%dma_start3A_45, %dma_start3A_46] : memref<128x128xf32, #tpu.memory_space<vmem>> -> memref<120x128xf32, #tpu.memory_space<vmem>>
      tpu.enqueue_dma source(%dma_start3A_47 : memref<120x128xf32, #tpu.memory_space<vmem>>) target(%dma_start3A_44 : memref<120x128xf32, #tpu.memory_space<vmem_shared>>) target_semaphore(%run_scoped3A : memref<!tpu.dma_semaphore, #tpu.memory_space<semaphore_mem>>)
      %dma_wait3A_48 = arith.constant 0 : i32
      %dma_wait3A_49 = arith.constant 0 : i32
      %dma_wait3A_50 = tpu.memref_slice %arg12[%dma_wait3A_48, %dma_wait3A_49] : memref<128x128xf32, #tpu.memory_space<vmem>> -> memref<120x128xf32, #tpu.memory_space<vmem>>
      %dma_wait3A_51 = arith.constant 0 : i32
      %dma_wait3A_52 = tpu.memref_slice %arg15[%add3A_18, %dma_wait3A_51] : memref<10000x128xf32, #tpu.memory_space<vmem_shared>> -> memref<120x128xf32, #tpu.memory_space<vmem_shared>>
      %dma_wait3A_53 = arith.constant 0 : i32
      %dma_wait3A_54 = tpu.memref_slice %arg15[%add3A_18, %dma_wait3A_53] : memref<10000x128xf32, #tpu.memory_space<vmem_shared>> -> memref<120x128xf32, #tpu.memory_space<vmem_shared>>
      %dma_wait3A_55 = arith.constant 0 : i32
      %dma_wait3A_56 = arith.constant 0 : i32
      %dma_wait3A_57 = tpu.memref_slice %arg12[%dma_wait3A_55, %dma_wait3A_56] : memref<128x128xf32, #tpu.memory_space<vmem>> -> memref<120x128xf32, #tpu.memory_space<vmem>>
      tpu.wait_dma2 semaphore(%run_scoped3A : memref<!tpu.dma_semaphore, #tpu.memory_space<semaphore_mem>>) src(%dma_wait3A_57 : memref<120x128xf32, #tpu.memory_space<vmem>>) dst(%dma_wait3A_54 : memref<120x128xf32, #tpu.memory_space<vmem_shared>>)
      tpu.yield
    }) : () -> ()
    %barrier3A = arith.constant 0 : index
    tpu.barrier barrier_id(%barrier3A)
    %mul3A_19 = arith.constant 4992 : i32
    %mul3A_20 = arith.muli %add3A, %mul3A_19 : i32
    %multiple_of3A_21 = tpu.assume_multiple %mul3A_20, 8 : i32
    %scan3A_22 = arith.constant 0 : i32
    %scan3A_23 = arith.constant 0 : i32
    %scan3A_24 = arith.constant 19 : i32
    %scan3A_25 = arith.addi %scan3A_23, %scan3A_24 : i32
    %scan3A_26 = arith.constant 1 : i32
    scf.for %scan3A_38 = %scan3A_23 to %scan3A_25 step %scan3A_26  : i32 {
      %mul3A_39 = arith.constant 2 : i32
      %mul3A_40 = arith.muli %mul3A_39, %scan3A_38 : i32
      %mul3A_41 = arith.constant 128 : i32
      %mul3A_42 = arith.muli %mul3A_40, %mul3A_41 : i32
      %add3A_43 = arith.addi %multiple_of3A_21, %mul3A_42 : i32
      %multiple_of3A_44 = tpu.assume_multiple %add3A_43, 8 : i32
      %add3A_45 = arith.constant 128 : i32
      %add3A_46 = arith.addi %multiple_of3A_44, %add3A_45 : i32
      %multiple_of3A_47 = tpu.assume_multiple %add3A_46, 8 : i32
      %dma_start3A_48 = tpu.memref_slice %arg3[%multiple_of3A_44] : memref<160000xi32, #tpu.memory_space<hbm>> -> memref<128xi32, #tpu.memory_space<hbm>>
      %dma_start3A_49 = tpu.memref_slice %arg3[%multiple_of3A_44] : memref<160000xi32, #tpu.memory_space<hbm>> -> memref<128xi32, #tpu.memory_space<hbm>>
      tpu.enqueue_dma source(%dma_start3A_49 : memref<128xi32, #tpu.memory_space<hbm>>) target(%arg6 : memref<128xi32, #tpu.memory_space<vmem>>) target_semaphore(%arg16 : memref<!tpu.dma_semaphore, #tpu.memory_space<semaphore_mem>>)
      %dma_start3A_50 = tpu.memref_slice %arg4[%multiple_of3A_44] : memref<160000xi32, #tpu.memory_space<hbm>> -> memref<128xi32, #tpu.memory_space<hbm>>
      %dma_start3A_51 = tpu.memref_slice %arg4[%multiple_of3A_44] : memref<160000xi32, #tpu.memory_space<hbm>> -> memref<128xi32, #tpu.memory_space<hbm>>
      tpu.enqueue_dma source(%dma_start3A_51 : memref<128xi32, #tpu.memory_space<hbm>>) target(%arg7 : memref<128xi32, #tpu.memory_space<vmem>>) target_semaphore(%arg16 : memref<!tpu.dma_semaphore, #tpu.memory_space<semaphore_mem>>)
      %dma_start3A_52 = tpu.memref_slice %arg3[%multiple_of3A_47] : memref<160000xi32, #tpu.memory_space<hbm>> -> memref<128xi32, #tpu.memory_space<hbm>>
      %dma_start3A_53 = tpu.memref_slice %arg3[%multiple_of3A_47] : memref<160000xi32, #tpu.memory_space<hbm>> -> memref<128xi32, #tpu.memory_space<hbm>>
      tpu.enqueue_dma source(%dma_start3A_53 : memref<128xi32, #tpu.memory_space<hbm>>) target(%arg8 : memref<128xi32, #tpu.memory_space<vmem>>) target_semaphore(%arg16 : memref<!tpu.dma_semaphore, #tpu.memory_space<semaphore_mem>>)
      %dma_start3A_54 = tpu.memref_slice %arg4[%multiple_of3A_47] : memref<160000xi32, #tpu.memory_space<hbm>> -> memref<128xi32, #tpu.memory_space<hbm>>
      %dma_start3A_55 = tpu.memref_slice %arg4[%multiple_of3A_47] : memref<160000xi32, #tpu.memory_space<hbm>> -> memref<128xi32, #tpu.memory_space<hbm>>
      tpu.enqueue_dma source(%dma_start3A_55 : memref<128xi32, #tpu.memory_space<hbm>>) target(%arg9 : memref<128xi32, #tpu.memory_space<vmem>>) target_semaphore(%arg16 : memref<!tpu.dma_semaphore, #tpu.memory_space<semaphore_mem>>)
      %dma_wait3A_56 = tpu.memref_slice %arg3[%multiple_of3A_44] : memref<160000xi32, #tpu.memory_space<hbm>> -> memref<128xi32, #tpu.memory_space<hbm>>
      %dma_wait3A_57 = tpu.memref_slice %arg3[%multiple_of3A_44] : memref<160000xi32, #tpu.memory_space<hbm>> -> memref<128xi32, #tpu.memory_space<hbm>>
      tpu.wait_dma2 semaphore(%arg16 : memref<!tpu.dma_semaphore, #tpu.memory_space<semaphore_mem>>) src(%dma_wait3A_57 : memref<128xi32, #tpu.memory_space<hbm>>) dst(%arg6 : memref<128xi32, #tpu.memory_space<vmem>>)
      %dma_wait3A_58 = tpu.memref_slice %arg4[%multiple_of3A_44] : memref<160000xi32, #tpu.memory_space<hbm>> -> memref<128xi32, #tpu.memory_space<hbm>>
      %dma_wait3A_59 = tpu.memref_slice %arg4[%multiple_of3A_44] : memref<160000xi32, #tpu.memory_space<hbm>> -> memref<128xi32, #tpu.memory_space<hbm>>
      tpu.wait_dma2 semaphore(%arg16 : memref<!tpu.dma_semaphore, #tpu.memory_space<semaphore_mem>>) src(%dma_wait3A_59 : memref<128xi32, #tpu.memory_space<hbm>>) dst(%arg7 : memref<128xi32, #tpu.memory_space<vmem>>)
      %dma_wait3A_60 = tpu.memref_slice %arg3[%multiple_of3A_47] : memref<160000xi32, #tpu.memory_space<hbm>> -> memref<128xi32, #tpu.memory_space<hbm>>
      %dma_wait3A_61 = tpu.memref_slice %arg3[%multiple_of3A_47] : memref<160000xi32, #tpu.memory_space<hbm>> -> memref<128xi32, #tpu.memory_space<hbm>>
      tpu.wait_dma2 semaphore(%arg16 : memref<!tpu.dma_semaphore, #tpu.memory_space<semaphore_mem>>) src(%dma_wait3A_61 : memref<128xi32, #tpu.memory_space<hbm>>) dst(%arg8 : memref<128xi32, #tpu.memory_space<vmem>>)
      %dma_wait3A_62 = tpu.memref_slice %arg4[%multiple_of3A_47] : memref<160000xi32, #tpu.memory_space<hbm>> -> memref<128xi32, #tpu.memory_space<hbm>>
      %dma_wait3A_63 = tpu.memref_slice %arg4[%multiple_of3A_47] : memref<160000xi32, #tpu.memory_space<hbm>> -> memref<128xi32, #tpu.memory_space<hbm>>
      tpu.wait_dma2 semaphore(%arg16 : memref<!tpu.dma_semaphore, #tpu.memory_space<semaphore_mem>>) src(%dma_wait3A_63 : memref<128xi32, #tpu.memory_space<hbm>>) dst(%arg9 : memref<128xi32, #tpu.memory_space<vmem>>)
      %dma_start3A_64 = arith.constant 0 : i32
      %dma_start3A_65 = arith.constant 0 : i32
      %dma_start3A_66 = tpu.memref_slice %arg2[%dma_start3A_64, %dma_start3A_65] : memref<10000x128xf32, #tpu.memory_space<hbm>> -> memref<10000x128xf32, #tpu.memory_space<hbm>>
      tpu.enqueue_indirect_dma source(%dma_start3A_66 : memref<10000x128xf32, #tpu.memory_space<hbm>>) target(%arg12 : memref<128x128xf32, #tpu.memory_space<vmem>>) offsets(%arg6 : memref<128xi32, #tpu.memory_space<vmem>>) semaphore(%arg17 : memref<!tpu.dma_semaphore, #tpu.memory_space<semaphore_mem>>)
      %dma_start3A_67 = arith.constant 0 : i32
      %dma_start3A_68 = arith.constant 0 : i32
      %dma_start3A_69 = tpu.memref_slice %arg2[%dma_start3A_67, %dma_start3A_68] : memref<10000x128xf32, #tpu.memory_space<hbm>> -> memref<10000x128xf32, #tpu.memory_space<hbm>>
      tpu.enqueue_indirect_dma source(%dma_start3A_69 : memref<10000x128xf32, #tpu.memory_space<hbm>>) target(%arg13 : memref<128x128xf32, #tpu.memory_space<vmem>>) offsets(%arg8 : memref<128xi32, #tpu.memory_space<vmem>>) semaphore(%arg18 : memref<!tpu.dma_semaphore, #tpu.memory_space<semaphore_mem>>)
      %dma_wait3A_70 = arith.constant 0 : i32
      %dma_wait3A_71 = arith.constant 0 : i32
      %dma_wait3A_72 = tpu.memref_slice %arg2[%dma_wait3A_70, %dma_wait3A_71] : memref<10000x128xf32, #tpu.memory_space<hbm>> -> memref<10000x128xf32, #tpu.memory_space<hbm>>
      tpu.wait_indirect_dma semaphore(%arg17 : memref<!tpu.dma_semaphore, #tpu.memory_space<semaphore_mem>>) src(%dma_wait3A_72 : memref<10000x128xf32, #tpu.memory_space<hbm>>) dst(%arg12 : memref<128x128xf32, #tpu.memory_space<vmem>>)
      %dma_start3A_73 = arith.constant 0 : i32
      %dma_start3A_74 = arith.constant 0 : i32
      %dma_start3A_75 = tpu.memref_slice %arg15[%dma_start3A_73, %dma_start3A_74] : memref<10000x128xf32, #tpu.memory_space<vmem_shared>> -> memref<10000x128xf32, #tpu.memory_space<vmem_shared>>
      tpu.enqueue_indirect_dma source(%arg12 : memref<128x128xf32, #tpu.memory_space<vmem>>) target(%dma_start3A_75 : memref<10000x128xf32, #tpu.memory_space<vmem_shared>>) offsets(%arg7 : memref<128xi32, #tpu.memory_space<vmem>>) semaphore(%arg20 : memref<!tpu.dma_semaphore, #tpu.memory_space<semaphore_mem>>) {add = true}
      %dma_wait3A_76 = arith.constant 0 : i32
      %dma_wait3A_77 = arith.constant 0 : i32
      %dma_wait3A_78 = tpu.memref_slice %arg2[%dma_wait3A_76, %dma_wait3A_77] : memref<10000x128xf32, #tpu.memory_space<hbm>> -> memref<10000x128xf32, #tpu.memory_space<hbm>>
      tpu.wait_indirect_dma semaphore(%arg18 : memref<!tpu.dma_semaphore, #tpu.memory_space<semaphore_mem>>) src(%dma_wait3A_78 : memref<10000x128xf32, #tpu.memory_space<hbm>>) dst(%arg13 : memref<128x128xf32, #tpu.memory_space<vmem>>)
      %dma_start3A_79 = arith.constant 0 : i32
      %dma_start3A_80 = arith.constant 0 : i32
      %dma_start3A_81 = tpu.memref_slice %arg15[%dma_start3A_79, %dma_start3A_80] : memref<10000x128xf32, #tpu.memory_space<vmem_shared>> -> memref<10000x128xf32, #tpu.memory_space<vmem_shared>>
      tpu.enqueue_indirect_dma source(%arg13 : memref<128x128xf32, #tpu.memory_space<vmem>>) target(%dma_start3A_81 : memref<10000x128xf32, #tpu.memory_space<vmem_shared>>) offsets(%arg9 : memref<128xi32, #tpu.memory_space<vmem>>) semaphore(%arg20 : memref<!tpu.dma_semaphore, #tpu.memory_space<semaphore_mem>>) {add = true}
      %dma_wait3A_82 = arith.constant 0 : i32
      %dma_wait3A_83 = arith.constant 0 : i32
      %dma_wait3A_84 = tpu.memref_slice %arg15[%dma_wait3A_82, %dma_wait3A_83] : memref<10000x128xf32, #tpu.memory_space<vmem_shared>> -> memref<10000x128xf32, #tpu.memory_space<vmem_shared>>
      tpu.wait_indirect_dma semaphore(%arg20 : memref<!tpu.dma_semaphore, #tpu.memory_space<semaphore_mem>>) src(%arg12 : memref<128x128xf32, #tpu.memory_space<vmem>>) dst(%dma_wait3A_84 : memref<10000x128xf32, #tpu.memory_space<vmem_shared>>)
      %dma_wait3A_85 = arith.constant 0 : i32
      %dma_wait3A_86 = arith.constant 0 : i32
      %dma_wait3A_87 = tpu.memref_slice %arg15[%dma_wait3A_85, %dma_wait3A_86] : memref<10000x128xf32, #tpu.memory_space<vmem_shared>> -> memref<10000x128xf32, #tpu.memory_space<vmem_shared>>
      tpu.wait_indirect_dma semaphore(%arg20 : memref<!tpu.dma_semaphore, #tpu.memory_space<semaphore_mem>>) src(%arg13 : memref<128x128xf32, #tpu.memory_space<vmem>>) dst(%dma_wait3A_87 : memref<10000x128xf32, #tpu.memory_space<vmem_shared>>)
    }
    %scan3A_27 = arith.constant 19 : i32
    %add3A_28 = arith.constant 4864 : i32
    %add3A_29 = arith.addi %multiple_of3A_21, %add3A_28 : i32
    %multiple_of3A_30 = tpu.assume_multiple %add3A_29, 8 : i32
    "tpu.region"() ({
      %run_scoped3A = tpu.sem_alloc : memref<!tpu.dma_semaphore, #tpu.memory_space<semaphore_mem>>
      %dma_start3A_38 = tpu.memref_slice %arg3[%multiple_of3A_30] : memref<160000xi32, #tpu.memory_space<hbm>> -> memref<128xi32, #tpu.memory_space<hbm>>
      %dma_start3A_39 = tpu.memref_slice %arg3[%multiple_of3A_30] : memref<160000xi32, #tpu.memory_space<hbm>> -> memref<128xi32, #tpu.memory_space<hbm>>
      tpu.enqueue_dma source(%dma_start3A_39 : memref<128xi32, #tpu.memory_space<hbm>>) target(%arg6 : memref<128xi32, #tpu.memory_space<vmem>>) target_semaphore(%run_scoped3A : memref<!tpu.dma_semaphore, #tpu.memory_space<semaphore_mem>>)
      %dma_wait3A_40 = tpu.memref_slice %arg3[%multiple_of3A_30] : memref<160000xi32, #tpu.memory_space<hbm>> -> memref<128xi32, #tpu.memory_space<hbm>>
      %dma_wait3A_41 = tpu.memref_slice %arg3[%multiple_of3A_30] : memref<160000xi32, #tpu.memory_space<hbm>> -> memref<128xi32, #tpu.memory_space<hbm>>
      tpu.wait_dma2 semaphore(%run_scoped3A : memref<!tpu.dma_semaphore, #tpu.memory_space<semaphore_mem>>) src(%dma_wait3A_41 : memref<128xi32, #tpu.memory_space<hbm>>) dst(%arg6 : memref<128xi32, #tpu.memory_space<vmem>>)
      tpu.yield
    }) : () -> ()
    "tpu.region"() ({
      %run_scoped3A = tpu.sem_alloc : memref<!tpu.dma_semaphore, #tpu.memory_space<semaphore_mem>>
      %dma_start3A_38 = tpu.memref_slice %arg4[%multiple_of3A_30] : memref<160000xi32, #tpu.memory_space<hbm>> -> memref<128xi32, #tpu.memory_space<hbm>>
      %dma_start3A_39 = tpu.memref_slice %arg4[%multiple_of3A_30] : memref<160000xi32, #tpu.memory_space<hbm>> -> memref<128xi32, #tpu.memory_space<hbm>>
      tpu.enqueue_dma source(%dma_start3A_39 : memref<128xi32, #tpu.memory_space<hbm>>) target(%arg7 : memref<128xi32, #tpu.memory_space<vmem>>) target_semaphore(%run_scoped3A : memref<!tpu.dma_semaphore, #tpu.memory_space<semaphore_mem>>)
      %dma_wait3A_40 = tpu.memref_slice %arg4[%multiple_of3A_30] : memref<160000xi32, #tpu.memory_space<hbm>> -> memref<128xi32, #tpu.memory_space<hbm>>
      %dma_wait3A_41 = tpu.memref_slice %arg4[%multiple_of3A_30] : memref<160000xi32, #tpu.memory_space<hbm>> -> memref<128xi32, #tpu.memory_space<hbm>>
      tpu.wait_dma2 semaphore(%run_scoped3A : memref<!tpu.dma_semaphore, #tpu.memory_space<semaphore_mem>>) src(%dma_wait3A_41 : memref<128xi32, #tpu.memory_space<hbm>>) dst(%arg7 : memref<128xi32, #tpu.memory_space<vmem>>)
      tpu.yield
    }) : () -> ()
    %dma_start3A = arith.constant 0 : i32
    %dma_start3A_31 = arith.constant 0 : i32
    %dma_start3A_32 = tpu.memref_slice %arg2[%dma_start3A, %dma_start3A_31] : memref<10000x128xf32, #tpu.memory_space<hbm>> -> memref<10000x128xf32, #tpu.memory_space<hbm>>
    tpu.enqueue_indirect_dma source(%dma_start3A_32 : memref<10000x128xf32, #tpu.memory_space<hbm>>) target(%arg12 : memref<128x128xf32, #tpu.memory_space<vmem>>) offsets(%arg6 : memref<128xi32, #tpu.memory_space<vmem>>) semaphore(%arg17 : memref<!tpu.dma_semaphore, #tpu.memory_space<semaphore_mem>>)
    %dma_wait3A = arith.constant 0 : i32
    %dma_wait3A_33 = arith.constant 0 : i32
    %dma_wait3A_34 = tpu.memref_slice %arg2[%dma_wait3A, %dma_wait3A_33] : memref<10000x128xf32, #tpu.memory_space<hbm>> -> memref<10000x128xf32, #tpu.memory_space<hbm>>
    tpu.wait_indirect_dma semaphore(%arg17 : memref<!tpu.dma_semaphore, #tpu.memory_space<semaphore_mem>>) src(%dma_wait3A_34 : memref<10000x128xf32, #tpu.memory_space<hbm>>) dst(%arg12 : memref<128x128xf32, #tpu.memory_space<vmem>>)
    "tpu.region"() ({
      %run_scoped3A = tpu.sem_alloc : memref<!tpu.dma_semaphore, #tpu.memory_space<semaphore_mem>>
      %dma_start3A_38 = arith.constant 0 : i32
      %dma_start3A_39 = arith.constant 0 : i32
      %dma_start3A_40 = tpu.memref_slice %arg15[%dma_start3A_38, %dma_start3A_39] : memref<10000x128xf32, #tpu.memory_space<vmem_shared>> -> memref<10000x128xf32, #tpu.memory_space<vmem_shared>>
      tpu.enqueue_indirect_dma source(%arg12 : memref<128x128xf32, #tpu.memory_space<vmem>>) target(%dma_start3A_40 : memref<10000x128xf32, #tpu.memory_space<vmem_shared>>) offsets(%arg7 : memref<128xi32, #tpu.memory_space<vmem>>) semaphore(%run_scoped3A : memref<!tpu.dma_semaphore, #tpu.memory_space<semaphore_mem>>) {add = true}
      %dma_wait3A_41 = arith.constant 0 : i32
      %dma_wait3A_42 = arith.constant 0 : i32
      %dma_wait3A_43 = tpu.memref_slice %arg15[%dma_wait3A_41, %dma_wait3A_42] : memref<10000x128xf32, #tpu.memory_space<vmem_shared>> -> memref<10000x128xf32, #tpu.memory_space<vmem_shared>>
      tpu.wait_indirect_dma semaphore(%run_scoped3A : memref<!tpu.dma_semaphore, #tpu.memory_space<semaphore_mem>>) src(%arg12 : memref<128x128xf32, #tpu.memory_space<vmem>>) dst(%dma_wait3A_43 : memref<10000x128xf32, #tpu.memory_space<vmem_shared>>)
      tpu.yield
    }) : () -> ()
    %lt3A = arith.constant 2 : i32
    %lt3A_35 = arith.cmpi slt, %add3A, %lt3A : i32
    %convert_element_type3A = arith.extui %lt3A_35 : i1 to i32
    %cond3A = arith.constant 0 : i32
    %cond3A_36 = arith.cmpi ne, %convert_element_type3A, %cond3A : i32
    scf.if %cond3A_36 {
      %mul3A_38 = arith.constant 128 : i32
      %mul3A_39 = arith.muli %add3A, %mul3A_38 : i32
      %add3A_40 = arith.constant 159744 : i32
      %add3A_41 = arith.addi %add3A_40, %mul3A_39 : i32
      %multiple_of3A_42 = tpu.assume_multiple %add3A_41, 8 : i32
      "tpu.region"() ({
        %run_scoped3A = tpu.sem_alloc : memref<!tpu.dma_semaphore, #tpu.memory_space<semaphore_mem>>
        %dma_start3A_49 = tpu.memref_slice %arg3[%multiple_of3A_42] : memref<160000xi32, #tpu.memory_space<hbm>> -> memref<128xi32, #tpu.memory_space<hbm>>
        %dma_start3A_50 = tpu.memref_slice %arg3[%multiple_of3A_42] : memref<160000xi32, #tpu.memory_space<hbm>> -> memref<128xi32, #tpu.memory_space<hbm>>
        tpu.enqueue_dma source(%dma_start3A_50 : memref<128xi32, #tpu.memory_space<hbm>>) target(%arg8 : memref<128xi32, #tpu.memory_space<vmem>>) target_semaphore(%run_scoped3A : memref<!tpu.dma_semaphore, #tpu.memory_space<semaphore_mem>>)
        %dma_wait3A_51 = tpu.memref_slice %arg3[%multiple_of3A_42] : memref<160000xi32, #tpu.memory_space<hbm>> -> memref<128xi32, #tpu.memory_space<hbm>>
        %dma_wait3A_52 = tpu.memref_slice %arg3[%multiple_of3A_42] : memref<160000xi32, #tpu.memory_space<hbm>> -> memref<128xi32, #tpu.memory_space<hbm>>
        tpu.wait_dma2 semaphore(%run_scoped3A : memref<!tpu.dma_semaphore, #tpu.memory_space<semaphore_mem>>) src(%dma_wait3A_52 : memref<128xi32, #tpu.memory_space<hbm>>) dst(%arg8 : memref<128xi32, #tpu.memory_space<vmem>>)
        tpu.yield
      }) : () -> ()
      "tpu.region"() ({
        %run_scoped3A = tpu.sem_alloc : memref<!tpu.dma_semaphore, #tpu.memory_space<semaphore_mem>>
        %dma_start3A_49 = tpu.memref_slice %arg4[%multiple_of3A_42] : memref<160000xi32, #tpu.memory_space<hbm>> -> memref<128xi32, #tpu.memory_space<hbm>>
        %dma_start3A_50 = tpu.memref_slice %arg4[%multiple_of3A_42] : memref<160000xi32, #tpu.memory_space<hbm>> -> memref<128xi32, #tpu.memory_space<hbm>>
        tpu.enqueue_dma source(%dma_start3A_50 : memref<128xi32, #tpu.memory_space<hbm>>) target(%arg9 : memref<128xi32, #tpu.memory_space<vmem>>) target_semaphore(%run_scoped3A : memref<!tpu.dma_semaphore, #tpu.memory_space<semaphore_mem>>)
        %dma_wait3A_51 = tpu.memref_slice %arg4[%multiple_of3A_42] : memref<160000xi32, #tpu.memory_space<hbm>> -> memref<128xi32, #tpu.memory_space<hbm>>
        %dma_wait3A_52 = tpu.memref_slice %arg4[%multiple_of3A_42] : memref<160000xi32, #tpu.memory_space<hbm>> -> memref<128xi32, #tpu.memory_space<hbm>>
        tpu.wait_dma2 semaphore(%run_scoped3A : memref<!tpu.dma_semaphore, #tpu.memory_space<semaphore_mem>>) src(%dma_wait3A_52 : memref<128xi32, #tpu.memory_space<hbm>>) dst(%arg9 : memref<128xi32, #tpu.memory_space<vmem>>)
        tpu.yield
      }) : () -> ()
      %dma_start3A_43 = arith.constant 0 : i32
      %dma_start3A_44 = arith.constant 0 : i32
      %dma_start3A_45 = tpu.memref_slice %arg2[%dma_start3A_43, %dma_start3A_44] : memref<10000x128xf32, #tpu.memory_space<hbm>> -> memref<10000x128xf32, #tpu.memory_space<hbm>>
      tpu.enqueue_indirect_dma source(%dma_start3A_45 : memref<10000x128xf32, #tpu.memory_space<hbm>>) target(%arg13 : memref<128x128xf32, #tpu.memory_space<vmem>>) offsets(%arg8 : memref<128xi32, #tpu.memory_space<vmem>>) semaphore(%arg18 : memref<!tpu.dma_semaphore, #tpu.memory_space<semaphore_mem>>)
      %dma_wait3A_46 = arith.constant 0 : i32
      %dma_wait3A_47 = arith.constant 0 : i32
      %dma_wait3A_48 = tpu.memref_slice %arg2[%dma_wait3A_46, %dma_wait3A_47] : memref<10000x128xf32, #tpu.memory_space<hbm>> -> memref<10000x128xf32, #tpu.memory_space<hbm>>
      tpu.wait_indirect_dma semaphore(%arg18 : memref<!tpu.dma_semaphore, #tpu.memory_space<semaphore_mem>>) src(%dma_wait3A_48 : memref<10000x128xf32, #tpu.memory_space<hbm>>) dst(%arg13 : memref<128x128xf32, #tpu.memory_space<vmem>>)
      "tpu.region"() ({
        %run_scoped3A = tpu.sem_alloc : memref<!tpu.dma_semaphore, #tpu.memory_space<semaphore_mem>>
        %dma_start3A_49 = arith.constant 0 : i32
        %dma_start3A_50 = arith.constant 0 : i32
        %dma_start3A_51 = tpu.memref_slice %arg15[%dma_start3A_49, %dma_start3A_50] : memref<10000x128xf32, #tpu.memory_space<vmem_shared>> -> memref<10000x128xf32, #tpu.memory_space<vmem_shared>>
        tpu.enqueue_indirect_dma source(%arg13 : memref<128x128xf32, #tpu.memory_space<vmem>>) target(%dma_start3A_51 : memref<10000x128xf32, #tpu.memory_space<vmem_shared>>) offsets(%arg9 : memref<128xi32, #tpu.memory_space<vmem>>) semaphore(%run_scoped3A : memref<!tpu.dma_semaphore, #tpu.memory_space<semaphore_mem>>) {add = true}
        %dma_wait3A_52 = arith.constant 0 : i32
        %dma_wait3A_53 = arith.constant 0 : i32
        %dma_wait3A_54 = tpu.memref_slice %arg15[%dma_wait3A_52, %dma_wait3A_53] : memref<10000x128xf32, #tpu.memory_space<vmem_shared>> -> memref<10000x128xf32, #tpu.memory_space<vmem_shared>>
        tpu.wait_indirect_dma semaphore(%run_scoped3A : memref<!tpu.dma_semaphore, #tpu.memory_space<semaphore_mem>>) src(%arg13 : memref<128x128xf32, #tpu.memory_space<vmem>>) dst(%dma_wait3A_54 : memref<10000x128xf32, #tpu.memory_space<vmem_shared>>)
        tpu.yield
      }) : () -> ()
    } else {
    }
    %barrier3A_37 = arith.constant 0 : index
    tpu.barrier barrier_id(%barrier3A_37)
    "tpu.region"() ({
      %run_scoped3A = tpu.sem_alloc : memref<!tpu.dma_semaphore, #tpu.memory_space<semaphore_mem>>
      %dma_start3A_38 = arith.constant 0 : i32
      %dma_start3A_39 = tpu.memref_slice %arg5[%arg0, %multiple_of3A, %dma_start3A_38] : memref<2x10000x128xf32, #tpu.memory_space<hbm>> -> memref<1x632x128xf32, #tpu.memory_space<hbm>>
      %dma_start3A_40 = tpu.memref_squeeze %dma_start3A_39 : memref<1x632x128xf32, #tpu.memory_space<hbm>> -> memref<632x128xf32, #tpu.memory_space<hbm>>
      %dma_start3A_41 = arith.constant 0 : i32
      %dma_start3A_42 = tpu.memref_slice %arg15[%multiple_of3A, %dma_start3A_41] : memref<10000x128xf32, #tpu.memory_space<vmem_shared>> -> memref<632x128xf32, #tpu.memory_space<vmem_shared>>
      tpu.enqueue_dma source(%dma_start3A_42 : memref<632x128xf32, #tpu.memory_space<vmem_shared>>) target(%dma_start3A_40 : memref<632x128xf32, #tpu.memory_space<hbm>>) target_semaphore(%run_scoped3A : memref<!tpu.dma_semaphore, #tpu.memory_space<semaphore_mem>>)
      %dma_wait3A_43 = arith.constant 0 : i32
      %dma_wait3A_44 = tpu.memref_slice %arg5[%arg0, %multiple_of3A, %dma_wait3A_43] : memref<2x10000x128xf32, #tpu.memory_space<hbm>> -> memref<1x632x128xf32, #tpu.memory_space<hbm>>
      %dma_wait3A_45 = tpu.memref_squeeze %dma_wait3A_44 : memref<1x632x128xf32, #tpu.memory_space<hbm>> -> memref<632x128xf32, #tpu.memory_space<hbm>>
      %dma_wait3A_46 = arith.constant 0 : i32
      %dma_wait3A_47 = tpu.memref_slice %arg15[%multiple_of3A, %dma_wait3A_46] : memref<10000x128xf32, #tpu.memory_space<vmem_shared>> -> memref<632x128xf32, #tpu.memory_space<vmem_shared>>
      tpu.wait_dma2 semaphore(%run_scoped3A : memref<!tpu.dma_semaphore, #tpu.memory_space<semaphore_mem>>) src(%dma_wait3A_47 : memref<632x128xf32, #tpu.memory_space<vmem_shared>>) dst(%dma_wait3A_45 : memref<632x128xf32, #tpu.memory_space<hbm>>)
      tpu.yield
    }) : () -> ()
    return
  }
}

#map = affine_map<(d0, d1) -> (0, 0)>
#map1 = affine_map<(d0, d1) -> (0)>
#map2 = affine_map<(d0, d1) -> (0, 0, 0)>
module attributes {stable_mosaic.version = 14 : i64} {
  func.func @_sc_seg_gather_body(%arg0: i32, %arg1: i32, %arg2: memref<10000x128xf32, #tpu.memory_space<hbm>>, %arg3: memref<160000xi32, #tpu.memory_space<hbm>>, %arg4: memref<160000xi32, #tpu.memory_space<hbm>>, %arg5: memref<2x10000x128xf32, #tpu.memory_space<hbm>>, %arg6: memref<128xi32, #tpu.memory_space<vmem>>, %arg7: memref<128xi32, #tpu.memory_space<vmem>>, %arg8: memref<128xi32, #tpu.memory_space<vmem>>, %arg9: memref<128xi32, #tpu.memory_space<vmem>>, %arg10: memref<128xi32, #tpu.memory_space<vmem>>, %arg11: memref<128xi32, #tpu.memory_space<vmem>>, %arg12: memref<128x128xf32, #tpu.memory_space<vmem>>, %arg13: memref<128x128xf32, #tpu.memory_space<vmem>>, %arg14: memref<128x128xf32, #tpu.memory_space<vmem>>, %arg15: memref<10000x128xf32, #tpu.memory_space<vmem_shared>>, %arg16: memref<!tpu.dma_semaphore, #tpu.memory_space<semaphore_mem>>, %arg17: memref<!tpu.dma_semaphore, #tpu.memory_space<semaphore_mem>>, %arg18: memref<!tpu.dma_semaphore, #tpu.memory_space<semaphore_mem>>, %arg19: memref<!tpu.dma_semaphore, #tpu.memory_space<semaphore_mem>>, %arg20: memref<!tpu.dma_semaphore, #tpu.memory_space<semaphore_mem>>) attributes {dimension_semantics = [#tpu.dimension_semantics<core_parallel>, #tpu.dimension_semantics<subcore_parallel>], iteration_bounds = array<i64: 2, 16>, scalar_prefetch = 0 : i64, scratch_operands = 15 : i64, tpu.core_type = #tpu.core_type<sc_vector_subcore>, window_params = [{transform_indices = #map}, {transform_indices = #map1}, {transform_indices = #map1}, {transform_indices = #map2}]} {
    %mul3A = arith.constant 2 : i32
    %mul3A_0 = arith.muli %arg1, %mul3A : i32
    %add3A = arith.addi %mul3A_0, %arg0 : i32
    %mul3A_1 = arith.constant 632 : i32
    %mul3A_2 = arith.muli %arg1, %mul3A_1 : i32
    %min3A = arith.constant 9368 : i32
    %min3A_3 = arith.minsi %mul3A_2, %min3A : i32
    %multiple_of3A = tpu.assume_multiple %min3A_3, 8 : i32
    %scan3A = arith.constant 0 : i32
    %scan3A_4 = arith.constant 0 : i32
    %scan3A_5 = arith.constant 128 : i32
    %scan3A_6 = arith.addi %scan3A_4, %scan3A_5 : i32
    %scan3A_7 = arith.constant 1 : i32
    scf.for %scan3A_38 = %scan3A_4 to %scan3A_6 step %scan3A_7  : i32 {
      %broadcast_in_dim3A = arith.constant 0.000000e+00 : f32
      %broadcast_in_dim3A_39 = vector.broadcast %broadcast_in_dim3A : f32 to vector<16xf32>
      %swap3A = arith.index_cast %scan3A_38 : i32 to index
      %swap3A_40 = arith.constant 0 : index
      %swap3A_41 = tpu.vector_load %arg12[%swap3A, %swap3A_40] {strides = array<i32>} : memref<128x128xf32, #tpu.memory_space<vmem>>, vector<1x16xf32>,
      %swap3A_42 = vector.shape_cast %swap3A_41 : vector<1x16xf32> to vector<16xf32>
      %swap3A_43 = vector.shape_cast %broadcast_in_dim3A_39 : vector<16xf32> to vector<1x16xf32>
      tpu.vector_store %arg12[%swap3A, %swap3A_40], %swap3A_43 {strides = array<i32>} : memref<128x128xf32, #tpu.memory_space<vmem>>, vector<1x16xf32>,
      %broadcast_in_dim3A_44 = arith.constant 0.000000e+00 : f32
      %broadcast_in_dim3A_45 = vector.broadcast %broadcast_in_dim3A_44 : f32 to vector<16xf32>
      %swap3A_46 = arith.index_cast %scan3A_38 : i32 to index
      %swap3A_47 = arith.constant 16 : index
      %swap3A_48 = tpu.vector_load %arg12[%swap3A_46, %swap3A_47] {strides = array<i32>} : memref<128x128xf32, #tpu.memory_space<vmem>>, vector<1x16xf32>,
      %swap3A_49 = vector.shape_cast %swap3A_48 : vector<1x16xf32> to vector<16xf32>
      %swap3A_50 = vector.shape_cast %broadcast_in_dim3A_45 : vector<16xf32> to vector<1x16xf32>
      tpu.vector_store %arg12[%swap3A_46, %swap3A_47], %swap3A_50 {strides = array<i32>} : memref<128x128xf32, #tpu.memory_space<vmem>>, vector<1x16xf32>,
      %broadcast_in_dim3A_51 = arith.constant 0.000000e+00 : f32
      %broadcast_in_dim3A_52 = vector.broadcast %broadcast_in_dim3A_51 : f32 to vector<16xf32>
      %swap3A_53 = arith.index_cast %scan3A_38 : i32 to index
      %swap3A_54 = arith.constant 32 : index
      %swap3A_55 = tpu.vector_load %arg12[%swap3A_53, %swap3A_54] {strides = array<i32>} : memref<128x128xf32, #tpu.memory_space<vmem>>, vector<1x16xf32>,
      %swap3A_56 = vector.shape_cast %swap3A_55 : vector<1x16xf32> to vector<16xf32>
      %swap3A_57 = vector.shape_cast %broadcast_in_dim3A_52 : vector<16xf32> to vector<1x16xf32>
      tpu.vector_store %arg12[%swap3A_53, %swap3A_54], %swap3A_57 {strides = array<i32>} : memref<128x128xf32, #tpu.memory_space<vmem>>, vector<1x16xf32>,
      %broadcast_in_dim3A_58 = arith.constant 0.000000e+00 : f32
      %broadcast_in_dim3A_59 = vector.broadcast %broadcast_in_dim3A_58 : f32 to vector<16xf32>
      %swap3A_60 = arith.index_cast %scan3A_38 : i32 to index
      %swap3A_61 = arith.constant 48 : index
      %swap3A_62 = tpu.vector_load %arg12[%swap3A_60, %swap3A_61] {strides = array<i32>} : memref<128x128xf32, #tpu.memory_space<vmem>>, vector<1x16xf32>,
      %swap3A_63 = vector.shape_cast %swap3A_62 : vector<1x16xf32> to vector<16xf32>
      %swap3A_64 = vector.shape_cast %broadcast_in_dim3A_59 : vector<16xf32> to vector<1x16xf32>
      tpu.vector_store %arg12[%swap3A_60, %swap3A_61], %swap3A_64 {strides = array<i32>} : memref<128x128xf32, #tpu.memory_space<vmem>>, vector<1x16xf32>,
      %broadcast_in_dim3A_65 = arith.constant 0.000000e+00 : f32
      %broadcast_in_dim3A_66 = vector.broadcast %broadcast_in_dim3A_65 : f32 to vector<16xf32>
      %swap3A_67 = arith.index_cast %scan3A_38 : i32 to index
      %swap3A_68 = arith.constant 64 : index
      %swap3A_69 = tpu.vector_load %arg12[%swap3A_67, %swap3A_68] {strides = array<i32>} : memref<128x128xf32, #tpu.memory_space<vmem>>, vector<1x16xf32>,
      %swap3A_70 = vector.shape_cast %swap3A_69 : vector<1x16xf32> to vector<16xf32>
      %swap3A_71 = vector.shape_cast %broadcast_in_dim3A_66 : vector<16xf32> to vector<1x16xf32>
      tpu.vector_store %arg12[%swap3A_67, %swap3A_68], %swap3A_71 {strides = array<i32>} : memref<128x128xf32, #tpu.memory_space<vmem>>, vector<1x16xf32>,
      %broadcast_in_dim3A_72 = arith.constant 0.000000e+00 : f32
      %broadcast_in_dim3A_73 = vector.broadcast %broadcast_in_dim3A_72 : f32 to vector<16xf32>
      %swap3A_74 = arith.index_cast %scan3A_38 : i32 to index
      %swap3A_75 = arith.constant 80 : index
      %swap3A_76 = tpu.vector_load %arg12[%swap3A_74, %swap3A_75] {strides = array<i32>} : memref<128x128xf32, #tpu.memory_space<vmem>>, vector<1x16xf32>,
      %swap3A_77 = vector.shape_cast %swap3A_76 : vector<1x16xf32> to vector<16xf32>
      %swap3A_78 = vector.shape_cast %broadcast_in_dim3A_73 : vector<16xf32> to vector<1x16xf32>
      tpu.vector_store %arg12[%swap3A_74, %swap3A_75], %swap3A_78 {strides = array<i32>} : memref<128x128xf32, #tpu.memory_space<vmem>>, vector<1x16xf32>,
      %broadcast_in_dim3A_79 = arith.constant 0.000000e+00 : f32
      %broadcast_in_dim3A_80 = vector.broadcast %broadcast_in_dim3A_79 : f32 to vector<16xf32>
      %swap3A_81 = arith.index_cast %scan3A_38 : i32 to index
      %swap3A_82 = arith.constant 96 : index
      %swap3A_83 = tpu.vector_load %arg12[%swap3A_81, %swap3A_82] {strides = array<i32>} : memref<128x128xf32, #tpu.memory_space<vmem>>, vector<1x16xf32>,
      %swap3A_84 = vector.shape_cast %swap3A_83 : vector<1x16xf32> to vector<16xf32>
      %swap3A_85 = vector.shape_cast %broadcast_in_dim3A_80 : vector<16xf32> to vector<1x16xf32>
      tpu.vector_store %arg12[%swap3A_81, %swap3A_82], %swap3A_85 {strides = array<i32>} : memref<128x128xf32, #tpu.memory_space<vmem>>, vector<1x16xf32>,
      %broadcast_in_dim3A_86 = arith.constant 0.000000e+00 : f32
      %broadcast_in_dim3A_87 = vector.broadcast %broadcast_in_dim3A_86 : f32 to vector<16xf32>
      %swap3A_88 = arith.index_cast %scan3A_38 : i32 to index
      %swap3A_89 = arith.constant 112 : index
      %swap3A_90 = tpu.vector_load %arg12[%swap3A_88, %swap3A_89] {strides = array<i32>} : memref<128x128xf32, #tpu.memory_space<vmem>>, vector<1x16xf32>,
      %swap3A_91 = vector.shape_cast %swap3A_90 : vector<1x16xf32> to vector<16xf32>
      %swap3A_92 = vector.shape_cast %broadcast_in_dim3A_87 : vector<16xf32> to vector<1x16xf32>
      tpu.vector_store %arg12[%swap3A_88, %swap3A_89], %swap3A_92 {strides = array<i32>} : memref<128x128xf32, #tpu.memory_space<vmem>>, vector<1x16xf32>,
    }
    %scan3A_8 = arith.constant 128 : i32
    %add3A_9 = arith.constant 0 : i32
    %add3A_10 = arith.addi %multiple_of3A, %add3A_9 : i32
    "tpu.region"() ({
      %run_scoped3A = tpu.sem_alloc : memref<!tpu.dma_semaphore, #tpu.memory_space<semaphore_mem>>
      %dma_start3A_38 = arith.constant 0 : i32
      %dma_start3A_39 = arith.constant 0 : i32
      %dma_start3A_40 = tpu.memref_slice %arg12[%dma_start3A_38, %dma_start3A_39] : memref<128x128xf32, #tpu.memory_space<vmem>> -> memref<128x128xf32, #tpu.memory_space<vmem>>
      %dma_start3A_41 = arith.constant 0 : i32
      %dma_start3A_42 = tpu.memref_slice %arg15[%add3A_10, %dma_start3A_41] : memref<10000x128xf32, #tpu.memory_space<vmem_shared>> -> memref<128x128xf32, #tpu.memory_space<vmem_shared>>
      %dma_start3A_43 = arith.constant 0 : i32
      %dma_start3A_44 = tpu.memref_slice %arg15[%add3A_10, %dma_start3A_43] : memref<10000x128xf32, #tpu.memory_space<vmem_shared>> -> memref<128x128xf32, #tpu.memory_space<vmem_shared>>
      %dma_start3A_45 = arith.constant 0 : i32
      %dma_start3A_46 = arith.constant 0 : i32
      %dma_start3A_47 = tpu.memref_slice %arg12[%dma_start3A_45, %dma_start3A_46] : memref<128x128xf32, #tpu.memory_space<vmem>> -> memref<128x128xf32, #tpu.memory_space<vmem>>
      tpu.enqueue_dma source(%dma_start3A_47 : memref<128x128xf32, #tpu.memory_space<vmem>>) target(%dma_start3A_44 : memref<128x128xf32, #tpu.memory_space<vmem_shared>>) target_semaphore(%run_scoped3A : memref<!tpu.dma_semaphore, #tpu.memory_space<semaphore_mem>>)
      %dma_wait3A_48 = arith.constant 0 : i32
      %dma_wait3A_49 = arith.constant 0 : i32
      %dma_wait3A_50 = tpu.memref_slice %arg12[%dma_wait3A_48, %dma_wait3A_49] : memref<128x128xf32, #tpu.memory_space<vmem>> -> memref<128x128xf32, #tpu.memory_space<vmem>>
      %dma_wait3A_51 = arith.constant 0 : i32
      %dma_wait3A_52 = tpu.memref_slice %arg15[%add3A_10, %dma_wait3A_51] : memref<10000x128xf32, #tpu.memory_space<vmem_shared>> -> memref<128x128xf32, #tpu.memory_space<vmem_shared>>
      %dma_wait3A_53 = arith.constant 0 : i32
      %dma_wait3A_54 = tpu.memref_slice %arg15[%add3A_10, %dma_wait3A_53] : memref<10000x128xf32, #tpu.memory_space<vmem_shared>> -> memref<128x128xf32, #tpu.memory_space<vmem_shared>>
      %dma_wait3A_55 = arith.constant 0 : i32
      %dma_wait3A_56 = arith.constant 0 : i32
      %dma_wait3A_57 = tpu.memref_slice %arg12[%dma_wait3A_55, %dma_wait3A_56] : memref<128x128xf32, #tpu.memory_space<vmem>> -> memref<128x128xf32, #tpu.memory_space<vmem>>
      tpu.wait_dma2 semaphore(%run_scoped3A : memref<!tpu.dma_semaphore, #tpu.memory_space<semaphore_mem>>) src(%dma_wait3A_57 : memref<128x128xf32, #tpu.memory_space<vmem>>) dst(%dma_wait3A_54 : memref<128x128xf32, #tpu.memory_space<vmem_shared>>)
      tpu.yield
    }) : () -> ()
    %add3A_11 = arith.constant 128 : i32
    %add3A_12 = arith.addi %multiple_of3A, %add3A_11 : i32
    "tpu.region"() ({
      %run_scoped3A = tpu.sem_alloc : memref<!tpu.dma_semaphore, #tpu.memory_space<semaphore_mem>>
      %dma_start3A_38 = arith.constant 0 : i32
      %dma_start3A_39 = arith.constant 0 : i32
      %dma_start3A_40 = tpu.memref_slice %arg12[%dma_start3A_38, %dma_start3A_39] : memref<128x128xf32, #tpu.memory_space<vmem>> -> memref<128x128xf32, #tpu.memory_space<vmem>>
      %dma_start3A_41 = arith.constant 0 : i32
      %dma_start3A_42 = tpu.memref_slice %arg15[%add3A_12, %dma_start3A_41] : memref<10000x128xf32, #tpu.memory_space<vmem_shared>> -> memref<128x128xf32, #tpu.memory_space<vmem_shared>>
      %dma_start3A_43 = arith.constant 0 : i32
      %dma_start3A_44 = tpu.memref_slice %arg15[%add3A_12, %dma_start3A_43] : memref<10000x128xf32, #tpu.memory_space<vmem_shared>> -> memref<128x128xf32, #tpu.memory_space<vmem_shared>>
      %dma_start3A_45 = arith.constant 0 : i32
      %dma_start3A_46 = arith.constant 0 : i32
      %dma_start3A_47 = tpu.memref_slice %arg12[%dma_start3A_45, %dma_start3A_46] : memref<128x128xf32, #tpu.memory_space<vmem>> -> memref<128x128xf32, #tpu.memory_space<vmem>>
      tpu.enqueue_dma source(%dma_start3A_47 : memref<128x128xf32, #tpu.memory_space<vmem>>) target(%dma_start3A_44 : memref<128x128xf32, #tpu.memory_space<vmem_shared>>) target_semaphore(%run_scoped3A : memref<!tpu.dma_semaphore, #tpu.memory_space<semaphore_mem>>)
      %dma_wait3A_48 = arith.constant 0 : i32
      %dma_wait3A_49 = arith.constant 0 : i32
      %dma_wait3A_50 = tpu.memref_slice %arg12[%dma_wait3A_48, %dma_wait3A_49] : memref<128x128xf32, #tpu.memory_space<vmem>> -> memref<128x128xf32, #tpu.memory_space<vmem>>
      %dma_wait3A_51 = arith.constant 0 : i32
      %dma_wait3A_52 = tpu.memref_slice %arg15[%add3A_12, %dma_wait3A_51] : memref<10000x128xf32, #tpu.memory_space<vmem_shared>> -> memref<128x128xf32, #tpu.memory_space<vmem_shared>>
      %dma_wait3A_53 = arith.constant 0 : i32
      %dma_wait3A_54 = tpu.memref_slice %arg15[%add3A_12, %dma_wait3A_53] : memref<10000x128xf32, #tpu.memory_space<vmem_shared>> -> memref<128x128xf32, #tpu.memory_space<vmem_shared>>
      %dma_wait3A_55 = arith.constant 0 : i32
      %dma_wait3A_56 = arith.constant 0 : i32
      %dma_wait3A_57 = tpu.memref_slice %arg12[%dma_wait3A_55, %dma_wait3A_56] : memref<128x128xf32, #tpu.memory_space<vmem>> -> memref<128x128xf32, #tpu.memory_space<vmem>>
      tpu.wait_dma2 semaphore(%run_scoped3A : memref<!tpu.dma_semaphore, #tpu.memory_space<semaphore_mem>>) src(%dma_wait3A_57 : memref<128x128xf32, #tpu.memory_space<vmem>>) dst(%dma_wait3A_54 : memref<128x128xf32, #tpu.memory_space<vmem_shared>>)
      tpu.yield
    }) : () -> ()
    %add3A_13 = arith.constant 256 : i32
    %add3A_14 = arith.addi %multiple_of3A, %add3A_13 : i32
    "tpu.region"() ({
      %run_scoped3A = tpu.sem_alloc : memref<!tpu.dma_semaphore, #tpu.memory_space<semaphore_mem>>
      %dma_start3A_38 = arith.constant 0 : i32
      %dma_start3A_39 = arith.constant 0 : i32
      %dma_start3A_40 = tpu.memref_slice %arg12[%dma_start3A_38, %dma_start3A_39] : memref<128x128xf32, #tpu.memory_space<vmem>> -> memref<128x128xf32, #tpu.memory_space<vmem>>
      %dma_start3A_41 = arith.constant 0 : i32
      %dma_start3A_42 = tpu.memref_slice %arg15[%add3A_14, %dma_start3A_41] : memref<10000x128xf32, #tpu.memory_space<vmem_shared>> -> memref<128x128xf32, #tpu.memory_space<vmem_shared>>
      %dma_start3A_43 = arith.constant 0 : i32
      %dma_start3A_44 = tpu.memref_slice %arg15[%add3A_14, %dma_start3A_43] : memref<10000x128xf32, #tpu.memory_space<vmem_shared>> -> memref<128x128xf32, #tpu.memory_space<vmem_shared>>
      %dma_start3A_45 = arith.constant 0 : i32
      %dma_start3A_46 = arith.constant 0 : i32
      %dma_start3A_47 = tpu.memref_slice %arg12[%dma_start3A_45, %dma_start3A_46] : memref<128x128xf32, #tpu.memory_space<vmem>> -> memref<128x128xf32, #tpu.memory_space<vmem>>
      tpu.enqueue_dma source(%dma_start3A_47 : memref<128x128xf32, #tpu.memory_space<vmem>>) target(%dma_start3A_44 : memref<128x128xf32, #tpu.memory_space<vmem_shared>>) target_semaphore(%run_scoped3A : memref<!tpu.dma_semaphore, #tpu.memory_space<semaphore_mem>>)
      %dma_wait3A_48 = arith.constant 0 : i32
      %dma_wait3A_49 = arith.constant 0 : i32
      %dma_wait3A_50 = tpu.memref_slice %arg12[%dma_wait3A_48, %dma_wait3A_49] : memref<128x128xf32, #tpu.memory_space<vmem>> -> memref<128x128xf32, #tpu.memory_space<vmem>>
      %dma_wait3A_51 = arith.constant 0 : i32
      %dma_wait3A_52 = tpu.memref_slice %arg15[%add3A_14, %dma_wait3A_51] : memref<10000x128xf32, #tpu.memory_space<vmem_shared>> -> memref<128x128xf32, #tpu.memory_space<vmem_shared>>
      %dma_wait3A_53 = arith.constant 0 : i32
      %dma_wait3A_54 = tpu.memref_slice %arg15[%add3A_14, %dma_wait3A_53] : memref<10000x128xf32, #tpu.memory_space<vmem_shared>> -> memref<128x128xf32, #tpu.memory_space<vmem_shared>>
      %dma_wait3A_55 = arith.constant 0 : i32
      %dma_wait3A_56 = arith.constant 0 : i32
      %dma_wait3A_57 = tpu.memref_slice %arg12[%dma_wait3A_55, %dma_wait3A_56] : memref<128x128xf32, #tpu.memory_space<vmem>> -> memref<128x128xf32, #tpu.memory_space<vmem>>
      tpu.wait_dma2 semaphore(%run_scoped3A : memref<!tpu.dma_semaphore, #tpu.memory_space<semaphore_mem>>) src(%dma_wait3A_57 : memref<128x128xf32, #tpu.memory_space<vmem>>) dst(%dma_wait3A_54 : memref<128x128xf32, #tpu.memory_space<vmem_shared>>)
      tpu.yield
    }) : () -> ()
    %add3A_15 = arith.constant 384 : i32
    %add3A_16 = arith.addi %multiple_of3A, %add3A_15 : i32
    "tpu.region"() ({
      %run_scoped3A = tpu.sem_alloc : memref<!tpu.dma_semaphore, #tpu.memory_space<semaphore_mem>>
      %dma_start3A_38 = arith.constant 0 : i32
      %dma_start3A_39 = arith.constant 0 : i32
      %dma_start3A_40 = tpu.memref_slice %arg12[%dma_start3A_38, %dma_start3A_39] : memref<128x128xf32, #tpu.memory_space<vmem>> -> memref<128x128xf32, #tpu.memory_space<vmem>>
      %dma_start3A_41 = arith.constant 0 : i32
      %dma_start3A_42 = tpu.memref_slice %arg15[%add3A_16, %dma_start3A_41] : memref<10000x128xf32, #tpu.memory_space<vmem_shared>> -> memref<128x128xf32, #tpu.memory_space<vmem_shared>>
      %dma_start3A_43 = arith.constant 0 : i32
      %dma_start3A_44 = tpu.memref_slice %arg15[%add3A_16, %dma_start3A_43] : memref<10000x128xf32, #tpu.memory_space<vmem_shared>> -> memref<128x128xf32, #tpu.memory_space<vmem_shared>>
      %dma_start3A_45 = arith.constant 0 : i32
      %dma_start3A_46 = arith.constant 0 : i32
      %dma_start3A_47 = tpu.memref_slice %arg12[%dma_start3A_45, %dma_start3A_46] : memref<128x128xf32, #tpu.memory_space<vmem>> -> memref<128x128xf32, #tpu.memory_space<vmem>>
      tpu.enqueue_dma source(%dma_start3A_47 : memref<128x128xf32, #tpu.memory_space<vmem>>) target(%dma_start3A_44 : memref<128x128xf32, #tpu.memory_space<vmem_shared>>) target_semaphore(%run_scoped3A : memref<!tpu.dma_semaphore, #tpu.memory_space<semaphore_mem>>)
      %dma_wait3A_48 = arith.constant 0 : i32
      %dma_wait3A_49 = arith.constant 0 : i32
      %dma_wait3A_50 = tpu.memref_slice %arg12[%dma_wait3A_48, %dma_wait3A_49] : memref<128x128xf32, #tpu.memory_space<vmem>> -> memref<128x128xf32, #tpu.memory_space<vmem>>
      %dma_wait3A_51 = arith.constant 0 : i32
      %dma_wait3A_52 = tpu.memref_slice %arg15[%add3A_16, %dma_wait3A_51] : memref<10000x128xf32, #tpu.memory_space<vmem_shared>> -> memref<128x128xf32, #tpu.memory_space<vmem_shared>>
      %dma_wait3A_53 = arith.constant 0 : i32
      %dma_wait3A_54 = tpu.memref_slice %arg15[%add3A_16, %dma_wait3A_53] : memref<10000x128xf32, #tpu.memory_space<vmem_shared>> -> memref<128x128xf32, #tpu.memory_space<vmem_shared>>
      %dma_wait3A_55 = arith.constant 0 : i32
      %dma_wait3A_56 = arith.constant 0 : i32
      %dma_wait3A_57 = tpu.memref_slice %arg12[%dma_wait3A_55, %dma_wait3A_56] : memref<128x128xf32, #tpu.memory_space<vmem>> -> memref<128x128xf32, #tpu.memory_space<vmem>>
      tpu.wait_dma2 semaphore(%run_scoped3A : memref<!tpu.dma_semaphore, #tpu.memory_space<semaphore_mem>>) src(%dma_wait3A_57 : memref<128x128xf32, #tpu.memory_space<vmem>>) dst(%dma_wait3A_54 : memref<128x128xf32, #tpu.memory_space<vmem_shared>>)
      tpu.yield
    }) : () -> ()
    %add3A_17 = arith.constant 512 : i32
    %add3A_18 = arith.addi %multiple_of3A, %add3A_17 : i32
    "tpu.region"() ({
      %run_scoped3A = tpu.sem_alloc : memref<!tpu.dma_semaphore, #tpu.memory_space<semaphore_mem>>
      %dma_start3A_38 = arith.constant 0 : i32
      %dma_start3A_39 = arith.constant 0 : i32
      %dma_start3A_40 = tpu.memref_slice %arg12[%dma_start3A_38, %dma_start3A_39] : memref<128x128xf32, #tpu.memory_space<vmem>> -> memref<120x128xf32, #tpu.memory_space<vmem>>
      %dma_start3A_41 = arith.constant 0 : i32
      %dma_start3A_42 = tpu.memref_slice %arg15[%add3A_18, %dma_start3A_41] : memref<10000x128xf32, #tpu.memory_space<vmem_shared>> -> memref<120x128xf32, #tpu.memory_space<vmem_shared>>
      %dma_start3A_43 = arith.constant 0 : i32
      %dma_start3A_44 = tpu.memref_slice %arg15[%add3A_18, %dma_start3A_43] : memref<10000x128xf32, #tpu.memory_space<vmem_shared>> -> memref<120x128xf32, #tpu.memory_space<vmem_shared>>
      %dma_start3A_45 = arith.constant 0 : i32
      %dma_start3A_46 = arith.constant 0 : i32
      %dma_start3A_47 = tpu.memref_slice %arg12[%dma_start3A_45, %dma_start3A_46] : memref<128x128xf32, #tpu.memory_space<vmem>> -> memref<120x128xf32, #tpu.memory_space<vmem>>
      tpu.enqueue_dma source(%dma_start3A_47 : memref<120x128xf32, #tpu.memory_space<vmem>>) target(%dma_start3A_44 : memref<120x128xf32, #tpu.memory_space<vmem_shared>>) target_semaphore(%run_scoped3A : memref<!tpu.dma_semaphore, #tpu.memory_space<semaphore_mem>>)
      %dma_wait3A_48 = arith.constant 0 : i32
      %dma_wait3A_49 = arith.constant 0 : i32
      %dma_wait3A_50 = tpu.memref_slice %arg12[%dma_wait3A_48, %dma_wait3A_49] : memref<128x128xf32, #tpu.memory_space<vmem>> -> memref<120x128xf32, #tpu.memory_space<vmem>>
      %dma_wait3A_51 = arith.constant 0 : i32
      %dma_wait3A_52 = tpu.memref_slice %arg15[%add3A_18, %dma_wait3A_51] : memref<10000x128xf32, #tpu.memory_space<vmem_shared>> -> memref<120x128xf32, #tpu.memory_space<vmem_shared>>
      %dma_wait3A_53 = arith.constant 0 : i32
      %dma_wait3A_54 = tpu.memref_slice %arg15[%add3A_18, %dma_wait3A_53] : memref<10000x128xf32, #tpu.memory_space<vmem_shared>> -> memref<120x128xf32, #tpu.memory_space<vmem_shared>>
      %dma_wait3A_55 = arith.constant 0 : i32
      %dma_wait3A_56 = arith.constant 0 : i32
      %dma_wait3A_57 = tpu.memref_slice %arg12[%dma_wait3A_55, %dma_wait3A_56] : memref<128x128xf32, #tpu.memory_space<vmem>> -> memref<120x128xf32, #tpu.memory_space<vmem>>
      tpu.wait_dma2 semaphore(%run_scoped3A : memref<!tpu.dma_semaphore, #tpu.memory_space<semaphore_mem>>) src(%dma_wait3A_57 : memref<120x128xf32, #tpu.memory_space<vmem>>) dst(%dma_wait3A_54 : memref<120x128xf32, #tpu.memory_space<vmem_shared>>)
      tpu.yield
    }) : () -> ()
    %barrier3A = arith.constant 0 : index
    tpu.barrier barrier_id(%barrier3A)
    %mul3A_19 = arith.constant 4992 : i32
    %mul3A_20 = arith.muli %add3A, %mul3A_19 : i32
    %multiple_of3A_21 = tpu.assume_multiple %mul3A_20, 8 : i32
    %scan3A_22 = arith.constant 0 : i32
    %scan3A_23 = arith.constant 0 : i32
    %scan3A_24 = arith.constant 19 : i32
    %scan3A_25 = arith.addi %scan3A_23, %scan3A_24 : i32
    %scan3A_26 = arith.constant 1 : i32
    scf.for %scan3A_38 = %scan3A_23 to %scan3A_25 step %scan3A_26  : i32 {
      %mul3A_39 = arith.constant 2 : i32
      %mul3A_40 = arith.muli %mul3A_39, %scan3A_38 : i32
      %mul3A_41 = arith.constant 128 : i32
      %mul3A_42 = arith.muli %mul3A_40, %mul3A_41 : i32
      %add3A_43 = arith.addi %multiple_of3A_21, %mul3A_42 : i32
      %multiple_of3A_44 = tpu.assume_multiple %add3A_43, 8 : i32
      %add3A_45 = arith.constant 128 : i32
      %add3A_46 = arith.addi %multiple_of3A_44, %add3A_45 : i32
      %multiple_of3A_47 = tpu.assume_multiple %add3A_46, 8 : i32
      %dma_start3A_48 = tpu.memref_slice %arg3[%multiple_of3A_44] : memref<160000xi32, #tpu.memory_space<hbm>> -> memref<128xi32, #tpu.memory_space<hbm>>
      %dma_start3A_49 = tpu.memref_slice %arg3[%multiple_of3A_44] : memref<160000xi32, #tpu.memory_space<hbm>> -> memref<128xi32, #tpu.memory_space<hbm>>
      tpu.enqueue_dma source(%dma_start3A_49 : memref<128xi32, #tpu.memory_space<hbm>>) target(%arg6 : memref<128xi32, #tpu.memory_space<vmem>>) target_semaphore(%arg16 : memref<!tpu.dma_semaphore, #tpu.memory_space<semaphore_mem>>)
      %dma_start3A_50 = tpu.memref_slice %arg4[%multiple_of3A_44] : memref<160000xi32, #tpu.memory_space<hbm>> -> memref<128xi32, #tpu.memory_space<hbm>>
      %dma_start3A_51 = tpu.memref_slice %arg4[%multiple_of3A_44] : memref<160000xi32, #tpu.memory_space<hbm>> -> memref<128xi32, #tpu.memory_space<hbm>>
      tpu.enqueue_dma source(%dma_start3A_51 : memref<128xi32, #tpu.memory_space<hbm>>) target(%arg7 : memref<128xi32, #tpu.memory_space<vmem>>) target_semaphore(%arg16 : memref<!tpu.dma_semaphore, #tpu.memory_space<semaphore_mem>>)
      %dma_start3A_52 = tpu.memref_slice %arg3[%multiple_of3A_47] : memref<160000xi32, #tpu.memory_space<hbm>> -> memref<128xi32, #tpu.memory_space<hbm>>
      %dma_start3A_53 = tpu.memref_slice %arg3[%multiple_of3A_47] : memref<160000xi32, #tpu.memory_space<hbm>> -> memref<128xi32, #tpu.memory_space<hbm>>
      tpu.enqueue_dma source(%dma_start3A_53 : memref<128xi32, #tpu.memory_space<hbm>>) target(%arg8 : memref<128xi32, #tpu.memory_space<vmem>>) target_semaphore(%arg16 : memref<!tpu.dma_semaphore, #tpu.memory_space<semaphore_mem>>)
      %dma_start3A_54 = tpu.memref_slice %arg4[%multiple_of3A_47] : memref<160000xi32, #tpu.memory_space<hbm>> -> memref<128xi32, #tpu.memory_space<hbm>>
      %dma_start3A_55 = tpu.memref_slice %arg4[%multiple_of3A_47] : memref<160000xi32, #tpu.memory_space<hbm>> -> memref<128xi32, #tpu.memory_space<hbm>>
      tpu.enqueue_dma source(%dma_start3A_55 : memref<128xi32, #tpu.memory_space<hbm>>) target(%arg9 : memref<128xi32, #tpu.memory_space<vmem>>) target_semaphore(%arg16 : memref<!tpu.dma_semaphore, #tpu.memory_space<semaphore_mem>>)
      %dma_wait3A_56 = tpu.memref_slice %arg3[%multiple_of3A_44] : memref<160000xi32, #tpu.memory_space<hbm>> -> memref<128xi32, #tpu.memory_space<hbm>>
      %dma_wait3A_57 = tpu.memref_slice %arg3[%multiple_of3A_44] : memref<160000xi32, #tpu.memory_space<hbm>> -> memref<128xi32, #tpu.memory_space<hbm>>
      tpu.wait_dma2 semaphore(%arg16 : memref<!tpu.dma_semaphore, #tpu.memory_space<semaphore_mem>>) src(%dma_wait3A_57 : memref<128xi32, #tpu.memory_space<hbm>>) dst(%arg6 : memref<128xi32, #tpu.memory_space<vmem>>)
      %dma_wait3A_58 = tpu.memref_slice %arg4[%multiple_of3A_44] : memref<160000xi32, #tpu.memory_space<hbm>> -> memref<128xi32, #tpu.memory_space<hbm>>
      %dma_wait3A_59 = tpu.memref_slice %arg4[%multiple_of3A_44] : memref<160000xi32, #tpu.memory_space<hbm>> -> memref<128xi32, #tpu.memory_space<hbm>>
      tpu.wait_dma2 semaphore(%arg16 : memref<!tpu.dma_semaphore, #tpu.memory_space<semaphore_mem>>) src(%dma_wait3A_59 : memref<128xi32, #tpu.memory_space<hbm>>) dst(%arg7 : memref<128xi32, #tpu.memory_space<vmem>>)
      %dma_wait3A_60 = tpu.memref_slice %arg3[%multiple_of3A_47] : memref<160000xi32, #tpu.memory_space<hbm>> -> memref<128xi32, #tpu.memory_space<hbm>>
      %dma_wait3A_61 = tpu.memref_slice %arg3[%multiple_of3A_47] : memref<160000xi32, #tpu.memory_space<hbm>> -> memref<128xi32, #tpu.memory_space<hbm>>
      tpu.wait_dma2 semaphore(%arg16 : memref<!tpu.dma_semaphore, #tpu.memory_space<semaphore_mem>>) src(%dma_wait3A_61 : memref<128xi32, #tpu.memory_space<hbm>>) dst(%arg8 : memref<128xi32, #tpu.memory_space<vmem>>)
      %dma_wait3A_62 = tpu.memref_slice %arg4[%multiple_of3A_47] : memref<160000xi32, #tpu.memory_space<hbm>> -> memref<128xi32, #tpu.memory_space<hbm>>
      %dma_wait3A_63 = tpu.memref_slice %arg4[%multiple_of3A_47] : memref<160000xi32, #tpu.memory_space<hbm>> -> memref<128xi32, #tpu.memory_space<hbm>>
      tpu.wait_dma2 semaphore(%arg16 : memref<!tpu.dma_semaphore, #tpu.memory_space<semaphore_mem>>) src(%dma_wait3A_63 : memref<128xi32, #tpu.memory_space<hbm>>) dst(%arg9 : memref<128xi32, #tpu.memory_space<vmem>>)
      %dma_start3A_64 = arith.constant 0 : i32
      %dma_start3A_65 = arith.constant 0 : i32
      %dma_start3A_66 = tpu.memref_slice %arg2[%dma_start3A_64, %dma_start3A_65] : memref<10000x128xf32, #tpu.memory_space<hbm>> -> memref<10000x128xf32, #tpu.memory_space<hbm>>
      tpu.enqueue_indirect_dma source(%dma_start3A_66 : memref<10000x128xf32, #tpu.memory_space<hbm>>) target(%arg12 : memref<128x128xf32, #tpu.memory_space<vmem>>) offsets(%arg6 : memref<128xi32, #tpu.memory_space<vmem>>) semaphore(%arg17 : memref<!tpu.dma_semaphore, #tpu.memory_space<semaphore_mem>>)
      %dma_start3A_67 = arith.constant 0 : i32
      %dma_start3A_68 = arith.constant 0 : i32
      %dma_start3A_69 = tpu.memref_slice %arg2[%dma_start3A_67, %dma_start3A_68] : memref<10000x128xf32, #tpu.memory_space<hbm>> -> memref<10000x128xf32, #tpu.memory_space<hbm>>
      tpu.enqueue_indirect_dma source(%dma_start3A_69 : memref<10000x128xf32, #tpu.memory_space<hbm>>) target(%arg13 : memref<128x128xf32, #tpu.memory_space<vmem>>) offsets(%arg8 : memref<128xi32, #tpu.memory_space<vmem>>) semaphore(%arg18 : memref<!tpu.dma_semaphore, #tpu.memory_space<semaphore_mem>>)
      %dma_wait3A_70 = arith.constant 0 : i32
      %dma_wait3A_71 = arith.constant 0 : i32
      %dma_wait3A_72 = tpu.memref_slice %arg2[%dma_wait3A_70, %dma_wait3A_71] : memref<10000x128xf32, #tpu.memory_space<hbm>> -> memref<10000x128xf32, #tpu.memory_space<hbm>>
      tpu.wait_indirect_dma semaphore(%arg17 : memref<!tpu.dma_semaphore, #tpu.memory_space<semaphore_mem>>) src(%dma_wait3A_72 : memref<10000x128xf32, #tpu.memory_space<hbm>>) dst(%arg12 : memref<128x128xf32, #tpu.memory_space<vmem>>)
      %dma_start3A_73 = arith.constant 0 : i32
      %dma_start3A_74 = arith.constant 0 : i32
      %dma_start3A_75 = tpu.memref_slice %arg15[%dma_start3A_73, %dma_start3A_74] : memref<10000x128xf32, #tpu.memory_space<vmem_shared>> -> memref<10000x128xf32, #tpu.memory_space<vmem_shared>>
      tpu.enqueue_indirect_dma source(%arg12 : memref<128x128xf32, #tpu.memory_space<vmem>>) target(%dma_start3A_75 : memref<10000x128xf32, #tpu.memory_space<vmem_shared>>) offsets(%arg7 : memref<128xi32, #tpu.memory_space<vmem>>) semaphore(%arg20 : memref<!tpu.dma_semaphore, #tpu.memory_space<semaphore_mem>>) {add = true}
      %dma_wait3A_76 = arith.constant 0 : i32
      %dma_wait3A_77 = arith.constant 0 : i32
      %dma_wait3A_78 = tpu.memref_slice %arg2[%dma_wait3A_76, %dma_wait3A_77] : memref<10000x128xf32, #tpu.memory_space<hbm>> -> memref<10000x128xf32, #tpu.memory_space<hbm>>
      tpu.wait_indirect_dma semaphore(%arg18 : memref<!tpu.dma_semaphore, #tpu.memory_space<semaphore_mem>>) src(%dma_wait3A_78 : memref<10000x128xf32, #tpu.memory_space<hbm>>) dst(%arg13 : memref<128x128xf32, #tpu.memory_space<vmem>>)
      %dma_start3A_79 = arith.constant 0 : i32
      %dma_start3A_80 = arith.constant 0 : i32
      %dma_start3A_81 = tpu.memref_slice %arg15[%dma_start3A_79, %dma_start3A_80] : memref<10000x128xf32, #tpu.memory_space<vmem_shared>> -> memref<10000x128xf32, #tpu.memory_space<vmem_shared>>
      tpu.enqueue_indirect_dma source(%arg13 : memref<128x128xf32, #tpu.memory_space<vmem>>) target(%dma_start3A_81 : memref<10000x128xf32, #tpu.memory_space<vmem_shared>>) offsets(%arg9 : memref<128xi32, #tpu.memory_space<vmem>>) semaphore(%arg20 : memref<!tpu.dma_semaphore, #tpu.memory_space<semaphore_mem>>) {add = true}
      %dma_wait3A_82 = arith.constant 0 : i32
      %dma_wait3A_83 = arith.constant 0 : i32
      %dma_wait3A_84 = tpu.memref_slice %arg15[%dma_wait3A_82, %dma_wait3A_83] : memref<10000x128xf32, #tpu.memory_space<vmem_shared>> -> memref<10000x128xf32, #tpu.memory_space<vmem_shared>>
      tpu.wait_indirect_dma semaphore(%arg20 : memref<!tpu.dma_semaphore, #tpu.memory_space<semaphore_mem>>) src(%arg12 : memref<128x128xf32, #tpu.memory_space<vmem>>) dst(%dma_wait3A_84 : memref<10000x128xf32, #tpu.memory_space<vmem_shared>>)
      %dma_wait3A_85 = arith.constant 0 : i32
      %dma_wait3A_86 = arith.constant 0 : i32
      %dma_wait3A_87 = tpu.memref_slice %arg15[%dma_wait3A_85, %dma_wait3A_86] : memref<10000x128xf32, #tpu.memory_space<vmem_shared>> -> memref<10000x128xf32, #tpu.memory_space<vmem_shared>>
      tpu.wait_indirect_dma semaphore(%arg20 : memref<!tpu.dma_semaphore, #tpu.memory_space<semaphore_mem>>) src(%arg13 : memref<128x128xf32, #tpu.memory_space<vmem>>) dst(%dma_wait3A_87 : memref<10000x128xf32, #tpu.memory_space<vmem_shared>>)
    }
    %scan3A_27 = arith.constant 19 : i32
    %add3A_28 = arith.constant 4864 : i32
    %add3A_29 = arith.addi %multiple_of3A_21, %add3A_28 : i32
    %multiple_of3A_30 = tpu.assume_multiple %add3A_29, 8 : i32
    "tpu.region"() ({
      %run_scoped3A = tpu.sem_alloc : memref<!tpu.dma_semaphore, #tpu.memory_space<semaphore_mem>>
      %dma_start3A_38 = tpu.memref_slice %arg3[%multiple_of3A_30] : memref<160000xi32, #tpu.memory_space<hbm>> -> memref<128xi32, #tpu.memory_space<hbm>>
      %dma_start3A_39 = tpu.memref_slice %arg3[%multiple_of3A_30] : memref<160000xi32, #tpu.memory_space<hbm>> -> memref<128xi32, #tpu.memory_space<hbm>>
      tpu.enqueue_dma source(%dma_start3A_39 : memref<128xi32, #tpu.memory_space<hbm>>) target(%arg6 : memref<128xi32, #tpu.memory_space<vmem>>) target_semaphore(%run_scoped3A : memref<!tpu.dma_semaphore, #tpu.memory_space<semaphore_mem>>)
      %dma_wait3A_40 = tpu.memref_slice %arg3[%multiple_of3A_30] : memref<160000xi32, #tpu.memory_space<hbm>> -> memref<128xi32, #tpu.memory_space<hbm>>
      %dma_wait3A_41 = tpu.memref_slice %arg3[%multiple_of3A_30] : memref<160000xi32, #tpu.memory_space<hbm>> -> memref<128xi32, #tpu.memory_space<hbm>>
      tpu.wait_dma2 semaphore(%run_scoped3A : memref<!tpu.dma_semaphore, #tpu.memory_space<semaphore_mem>>) src(%dma_wait3A_41 : memref<128xi32, #tpu.memory_space<hbm>>) dst(%arg6 : memref<128xi32, #tpu.memory_space<vmem>>)
      tpu.yield
    }) : () -> ()
    "tpu.region"() ({
      %run_scoped3A = tpu.sem_alloc : memref<!tpu.dma_semaphore, #tpu.memory_space<semaphore_mem>>
      %dma_start3A_38 = tpu.memref_slice %arg4[%multiple_of3A_30] : memref<160000xi32, #tpu.memory_space<hbm>> -> memref<128xi32, #tpu.memory_space<hbm>>
      %dma_start3A_39 = tpu.memref_slice %arg4[%multiple_of3A_30] : memref<160000xi32, #tpu.memory_space<hbm>> -> memref<128xi32, #tpu.memory_space<hbm>>
      tpu.enqueue_dma source(%dma_start3A_39 : memref<128xi32, #tpu.memory_space<hbm>>) target(%arg7 : memref<128xi32, #tpu.memory_space<vmem>>) target_semaphore(%run_scoped3A : memref<!tpu.dma_semaphore, #tpu.memory_space<semaphore_mem>>)
      %dma_wait3A_40 = tpu.memref_slice %arg4[%multiple_of3A_30] : memref<160000xi32, #tpu.memory_space<hbm>> -> memref<128xi32, #tpu.memory_space<hbm>>
      %dma_wait3A_41 = tpu.memref_slice %arg4[%multiple_of3A_30] : memref<160000xi32, #tpu.memory_space<hbm>> -> memref<128xi32, #tpu.memory_space<hbm>>
      tpu.wait_dma2 semaphore(%run_scoped3A : memref<!tpu.dma_semaphore, #tpu.memory_space<semaphore_mem>>) src(%dma_wait3A_41 : memref<128xi32, #tpu.memory_space<hbm>>) dst(%arg7 : memref<128xi32, #tpu.memory_space<vmem>>)
      tpu.yield
    }) : () -> ()
    %dma_start3A = arith.constant 0 : i32
    %dma_start3A_31 = arith.constant 0 : i32
    %dma_start3A_32 = tpu.memref_slice %arg2[%dma_start3A, %dma_start3A_31] : memref<10000x128xf32, #tpu.memory_space<hbm>> -> memref<10000x128xf32, #tpu.memory_space<hbm>>
    tpu.enqueue_indirect_dma source(%dma_start3A_32 : memref<10000x128xf32, #tpu.memory_space<hbm>>) target(%arg12 : memref<128x128xf32, #tpu.memory_space<vmem>>) offsets(%arg6 : memref<128xi32, #tpu.memory_space<vmem>>) semaphore(%arg17 : memref<!tpu.dma_semaphore, #tpu.memory_space<semaphore_mem>>)
    %dma_wait3A = arith.constant 0 : i32
    %dma_wait3A_33 = arith.constant 0 : i32
    %dma_wait3A_34 = tpu.memref_slice %arg2[%dma_wait3A, %dma_wait3A_33] : memref<10000x128xf32, #tpu.memory_space<hbm>> -> memref<10000x128xf32, #tpu.memory_space<hbm>>
    tpu.wait_indirect_dma semaphore(%arg17 : memref<!tpu.dma_semaphore, #tpu.memory_space<semaphore_mem>>) src(%dma_wait3A_34 : memref<10000x128xf32, #tpu.memory_space<hbm>>) dst(%arg12 : memref<128x128xf32, #tpu.memory_space<vmem>>)
    "tpu.region"() ({
      %run_scoped3A = tpu.sem_alloc : memref<!tpu.dma_semaphore, #tpu.memory_space<semaphore_mem>>
      %dma_start3A_38 = arith.constant 0 : i32
      %dma_start3A_39 = arith.constant 0 : i32
      %dma_start3A_40 = tpu.memref_slice %arg15[%dma_start3A_38, %dma_start3A_39] : memref<10000x128xf32, #tpu.memory_space<vmem_shared>> -> memref<10000x128xf32, #tpu.memory_space<vmem_shared>>
      tpu.enqueue_indirect_dma source(%arg12 : memref<128x128xf32, #tpu.memory_space<vmem>>) target(%dma_start3A_40 : memref<10000x128xf32, #tpu.memory_space<vmem_shared>>) offsets(%arg7 : memref<128xi32, #tpu.memory_space<vmem>>) semaphore(%run_scoped3A : memref<!tpu.dma_semaphore, #tpu.memory_space<semaphore_mem>>) {add = true}
      %dma_wait3A_41 = arith.constant 0 : i32
      %dma_wait3A_42 = arith.constant 0 : i32
      %dma_wait3A_43 = tpu.memref_slice %arg15[%dma_wait3A_41, %dma_wait3A_42] : memref<10000x128xf32, #tpu.memory_space<vmem_shared>> -> memref<10000x128xf32, #tpu.memory_space<vmem_shared>>
      tpu.wait_indirect_dma semaphore(%run_scoped3A : memref<!tpu.dma_semaphore, #tpu.memory_space<semaphore_mem>>) src(%arg12 : memref<128x128xf32, #tpu.memory_space<vmem>>) dst(%dma_wait3A_43 : memref<10000x128xf32, #tpu.memory_space<vmem_shared>>)
      tpu.yield
    }) : () -> ()
    %lt3A = arith.constant 2 : i32
    %lt3A_35 = arith.cmpi slt, %add3A, %lt3A : i32
    %convert_element_type3A = arith.extui %lt3A_35 : i1 to i32
    %cond3A = arith.constant 0 : i32
    %cond3A_36 = arith.cmpi ne, %convert_element_type3A, %cond3A : i32
    scf.if %cond3A_36 {
      %mul3A_38 = arith.constant 128 : i32
      %mul3A_39 = arith.muli %add3A, %mul3A_38 : i32
      %add3A_40 = arith.constant 159744 : i32
      %add3A_41 = arith.addi %add3A_40, %mul3A_39 : i32
      %multiple_of3A_42 = tpu.assume_multiple %add3A_41, 8 : i32
      "tpu.region"() ({
        %run_scoped3A = tpu.sem_alloc : memref<!tpu.dma_semaphore, #tpu.memory_space<semaphore_mem>>
        %dma_start3A_49 = tpu.memref_slice %arg3[%multiple_of3A_42] : memref<160000xi32, #tpu.memory_space<hbm>> -> memref<128xi32, #tpu.memory_space<hbm>>
        %dma_start3A_50 = tpu.memref_slice %arg3[%multiple_of3A_42] : memref<160000xi32, #tpu.memory_space<hbm>> -> memref<128xi32, #tpu.memory_space<hbm>>
        tpu.enqueue_dma source(%dma_start3A_50 : memref<128xi32, #tpu.memory_space<hbm>>) target(%arg8 : memref<128xi32, #tpu.memory_space<vmem>>) target_semaphore(%run_scoped3A : memref<!tpu.dma_semaphore, #tpu.memory_space<semaphore_mem>>)
        %dma_wait3A_51 = tpu.memref_slice %arg3[%multiple_of3A_42] : memref<160000xi32, #tpu.memory_space<hbm>> -> memref<128xi32, #tpu.memory_space<hbm>>
        %dma_wait3A_52 = tpu.memref_slice %arg3[%multiple_of3A_42] : memref<160000xi32, #tpu.memory_space<hbm>> -> memref<128xi32, #tpu.memory_space<hbm>>
        tpu.wait_dma2 semaphore(%run_scoped3A : memref<!tpu.dma_semaphore, #tpu.memory_space<semaphore_mem>>) src(%dma_wait3A_52 : memref<128xi32, #tpu.memory_space<hbm>>) dst(%arg8 : memref<128xi32, #tpu.memory_space<vmem>>)
        tpu.yield
      }) : () -> ()
      "tpu.region"() ({
        %run_scoped3A = tpu.sem_alloc : memref<!tpu.dma_semaphore, #tpu.memory_space<semaphore_mem>>
        %dma_start3A_49 = tpu.memref_slice %arg4[%multiple_of3A_42] : memref<160000xi32, #tpu.memory_space<hbm>> -> memref<128xi32, #tpu.memory_space<hbm>>
        %dma_start3A_50 = tpu.memref_slice %arg4[%multiple_of3A_42] : memref<160000xi32, #tpu.memory_space<hbm>> -> memref<128xi32, #tpu.memory_space<hbm>>
        tpu.enqueue_dma source(%dma_start3A_50 : memref<128xi32, #tpu.memory_space<hbm>>) target(%arg9 : memref<128xi32, #tpu.memory_space<vmem>>) target_semaphore(%run_scoped3A : memref<!tpu.dma_semaphore, #tpu.memory_space<semaphore_mem>>)
        %dma_wait3A_51 = tpu.memref_slice %arg4[%multiple_of3A_42] : memref<160000xi32, #tpu.memory_space<hbm>> -> memref<128xi32, #tpu.memory_space<hbm>>
        %dma_wait3A_52 = tpu.memref_slice %arg4[%multiple_of3A_42] : memref<160000xi32, #tpu.memory_space<hbm>> -> memref<128xi32, #tpu.memory_space<hbm>>
        tpu.wait_dma2 semaphore(%run_scoped3A : memref<!tpu.dma_semaphore, #tpu.memory_space<semaphore_mem>>) src(%dma_wait3A_52 : memref<128xi32, #tpu.memory_space<hbm>>) dst(%arg9 : memref<128xi32, #tpu.memory_space<vmem>>)
        tpu.yield
      }) : () -> ()
      %dma_start3A_43 = arith.constant 0 : i32
      %dma_start3A_44 = arith.constant 0 : i32
      %dma_start3A_45 = tpu.memref_slice %arg2[%dma_start3A_43, %dma_start3A_44] : memref<10000x128xf32, #tpu.memory_space<hbm>> -> memref<10000x128xf32, #tpu.memory_space<hbm>>
      tpu.enqueue_indirect_dma source(%dma_start3A_45 : memref<10000x128xf32, #tpu.memory_space<hbm>>) target(%arg13 : memref<128x128xf32, #tpu.memory_space<vmem>>) offsets(%arg8 : memref<128xi32, #tpu.memory_space<vmem>>) semaphore(%arg18 : memref<!tpu.dma_semaphore, #tpu.memory_space<semaphore_mem>>)
      %dma_wait3A_46 = arith.constant 0 : i32
      %dma_wait3A_47 = arith.constant 0 : i32
      %dma_wait3A_48 = tpu.memref_slice %arg2[%dma_wait3A_46, %dma_wait3A_47] : memref<10000x128xf32, #tpu.memory_space<hbm>> -> memref<10000x128xf32, #tpu.memory_space<hbm>>
      tpu.wait_indirect_dma semaphore(%arg18 : memref<!tpu.dma_semaphore, #tpu.memory_space<semaphore_mem>>) src(%dma_wait3A_48 : memref<10000x128xf32, #tpu.memory_space<hbm>>) dst(%arg13 : memref<128x128xf32, #tpu.memory_space<vmem>>)
      "tpu.region"() ({
        %run_scoped3A = tpu.sem_alloc : memref<!tpu.dma_semaphore, #tpu.memory_space<semaphore_mem>>
        %dma_start3A_49 = arith.constant 0 : i32
        %dma_start3A_50 = arith.constant 0 : i32
        %dma_start3A_51 = tpu.memref_slice %arg15[%dma_start3A_49, %dma_start3A_50] : memref<10000x128xf32, #tpu.memory_space<vmem_shared>> -> memref<10000x128xf32, #tpu.memory_space<vmem_shared>>
        tpu.enqueue_indirect_dma source(%arg13 : memref<128x128xf32, #tpu.memory_space<vmem>>) target(%dma_start3A_51 : memref<10000x128xf32, #tpu.memory_space<vmem_shared>>) offsets(%arg9 : memref<128xi32, #tpu.memory_space<vmem>>) semaphore(%run_scoped3A : memref<!tpu.dma_semaphore, #tpu.memory_space<semaphore_mem>>) {add = true}
        %dma_wait3A_52 = arith.constant 0 : i32
        %dma_wait3A_53 = arith.constant 0 : i32
        %dma_wait3A_54 = tpu.memref_slice %arg15[%dma_wait3A_52, %dma_wait3A_53] : memref<10000x128xf32, #tpu.memory_space<vmem_shared>> -> memref<10000x128xf32, #tpu.memory_space<vmem_shared>>
        tpu.wait_indirect_dma semaphore(%run_scoped3A : memref<!tpu.dma_semaphore, #tpu.memory_space<semaphore_mem>>) src(%arg13 : memref<128x128xf32, #tpu.memory_space<vmem>>) dst(%dma_wait3A_54 : memref<10000x128xf32, #tpu.memory_space<vmem_shared>>)
        tpu.yield
      }) : () -> ()
    } else {
    }
    %barrier3A_37 = arith.constant 0 : index
    tpu.barrier barrier_id(%barrier3A_37)
    "tpu.region"() ({
      %run_scoped3A = tpu.sem_alloc : memref<!tpu.dma_semaphore, #tpu.memory_space<semaphore_mem>>
      %dma_start3A_38 = arith.constant 0 : i32
      %dma_start3A_39 = tpu.memref_slice %arg5[%arg0, %multiple_of3A, %dma_start3A_38] : memref<2x10000x128xf32, #tpu.memory_space<hbm>> -> memref<1x632x128xf32, #tpu.memory_space<hbm>>
      %dma_start3A_40 = tpu.memref_squeeze %dma_start3A_39 : memref<1x632x128xf32, #tpu.memory_space<hbm>> -> memref<632x128xf32, #tpu.memory_space<hbm>>
      %dma_start3A_41 = arith.constant 0 : i32
      %dma_start3A_42 = tpu.memref_slice %arg15[%multiple_of3A, %dma_start3A_41] : memref<10000x128xf32, #tpu.memory_space<vmem_shared>> -> memref<632x128xf32, #tpu.memory_space<vmem_shared>>
      tpu.enqueue_dma source(%dma_start3A_42 : memref<632x128xf32, #tpu.memory_space<vmem_shared>>) target(%dma_start3A_40 : memref<632x128xf32, #tpu.memory_space<hbm>>) target_semaphore(%run_scoped3A : memref<!tpu.dma_semaphore, #tpu.memory_space<semaphore_mem>>)
      %dma_wait3A_43 = arith.constant 0 : i32
      %dma_wait3A_44 = tpu.memref_slice %arg5[%arg0, %multiple_of3A, %dma_wait3A_43] : memref<2x10000x128xf32, #tpu.memory_space<hbm>> -> memref<1x632x128xf32, #tpu.memory_space<hbm>>
      %dma_wait3A_45 = tpu.memref_squeeze %dma_wait3A_44 : memref<1x632x128xf32, #tpu.memory_space<hbm>> -> memref<632x128xf32, #tpu.memory_space<hbm>>
      %dma_wait3A_46 = arith.constant 0 : i32
      %dma_wait3A_47 = tpu.memref_slice %arg15[%multiple_of3A, %dma_wait3A_46] : memref<10000x128xf32, #tpu.memory_space<vmem_shared>> -> memref<632x128xf32, #tpu.memory_space<vmem_shared>>
      tpu.wait_dma2 semaphore(%run_scoped3A : memref<!tpu.dma_semaphore, #tpu.memory_space<semaphore_mem>>) src(%dma_wait3A_47 : memref<632x128xf32, #tpu.memory_space<vmem_shared>>) dst(%dma_wait3A_45 : memref<632x128xf32, #tpu.memory_space<hbm>>)
      tpu.yield
    }) : () -> ()
    return
  }
}

#map = affine_map<(d0, d1) -> (0, 0)>
#map1 = affine_map<(d0, d1) -> (0)>
#map2 = affine_map<(d0, d1) -> (0, 0, 0)>
module attributes {stable_mosaic.version = 14 : i64} {
  func.func @_sc_seg_gather_body(%arg0: i32, %arg1: i32, %arg2: memref<10000x128xf32, #tpu.memory_space<hbm>>, %arg3: memref<160000xi32, #tpu.memory_space<hbm>>, %arg4: memref<160000xi32, #tpu.memory_space<hbm>>, %arg5: memref<2x10000x128xf32, #tpu.memory_space<hbm>>, %arg6: memref<128xi32, #tpu.memory_space<vmem>>, %arg7: memref<128xi32, #tpu.memory_space<vmem>>, %arg8: memref<128xi32, #tpu.memory_space<vmem>>, %arg9: memref<128xi32, #tpu.memory_space<vmem>>, %arg10: memref<128xi32, #tpu.memory_space<vmem>>, %arg11: memref<128xi32, #tpu.memory_space<vmem>>, %arg12: memref<128x128xf32, #tpu.memory_space<vmem>>, %arg13: memref<128x128xf32, #tpu.memory_space<vmem>>, %arg14: memref<128x128xf32, #tpu.memory_space<vmem>>, %arg15: memref<10000x128xf32, #tpu.memory_space<vmem_shared>>, %arg16: memref<!tpu.dma_semaphore, #tpu.memory_space<semaphore_mem>>, %arg17: memref<!tpu.dma_semaphore, #tpu.memory_space<semaphore_mem>>, %arg18: memref<!tpu.dma_semaphore, #tpu.memory_space<semaphore_mem>>, %arg19: memref<!tpu.dma_semaphore, #tpu.memory_space<semaphore_mem>>, %arg20: memref<!tpu.dma_semaphore, #tpu.memory_space<semaphore_mem>>) attributes {dimension_semantics = [#tpu.dimension_semantics<core_parallel>, #tpu.dimension_semantics<subcore_parallel>], iteration_bounds = array<i64: 2, 16>, scalar_prefetch = 0 : i64, scratch_operands = 15 : i64, tpu.core_type = #tpu.core_type<sc_vector_subcore>, window_params = [{transform_indices = #map}, {transform_indices = #map1}, {transform_indices = #map1}, {transform_indices = #map2}]} {
    %mul3A = arith.constant 2 : i32
    %mul3A_0 = arith.muli %arg1, %mul3A : i32
    %add3A = arith.addi %mul3A_0, %arg0 : i32
    %mul3A_1 = arith.constant 632 : i32
    %mul3A_2 = arith.muli %arg1, %mul3A_1 : i32
    %min3A = arith.constant 9368 : i32
    %min3A_3 = arith.minsi %mul3A_2, %min3A : i32
    %multiple_of3A = tpu.assume_multiple %min3A_3, 8 : i32
    %scan3A = arith.constant 0 : i32
    %scan3A_4 = arith.constant 0 : i32
    %scan3A_5 = arith.constant 128 : i32
    %scan3A_6 = arith.addi %scan3A_4, %scan3A_5 : i32
    %scan3A_7 = arith.constant 1 : i32
    scf.for %scan3A_38 = %scan3A_4 to %scan3A_6 step %scan3A_7  : i32 {
      %broadcast_in_dim3A = arith.constant 0.000000e+00 : f32
      %broadcast_in_dim3A_39 = vector.broadcast %broadcast_in_dim3A : f32 to vector<16xf32>
      %swap3A = arith.index_cast %scan3A_38 : i32 to index
      %swap3A_40 = arith.constant 0 : index
      %swap3A_41 = tpu.vector_load %arg12[%swap3A, %swap3A_40] {strides = array<i32>} : memref<128x128xf32, #tpu.memory_space<vmem>>, vector<1x16xf32>,
      %swap3A_42 = vector.shape_cast %swap3A_41 : vector<1x16xf32> to vector<16xf32>
      %swap3A_43 = vector.shape_cast %broadcast_in_dim3A_39 : vector<16xf32> to vector<1x16xf32>
      tpu.vector_store %arg12[%swap3A, %swap3A_40], %swap3A_43 {strides = array<i32>} : memref<128x128xf32, #tpu.memory_space<vmem>>, vector<1x16xf32>,
      %broadcast_in_dim3A_44 = arith.constant 0.000000e+00 : f32
      %broadcast_in_dim3A_45 = vector.broadcast %broadcast_in_dim3A_44 : f32 to vector<16xf32>
      %swap3A_46 = arith.index_cast %scan3A_38 : i32 to index
      %swap3A_47 = arith.constant 16 : index
      %swap3A_48 = tpu.vector_load %arg12[%swap3A_46, %swap3A_47] {strides = array<i32>} : memref<128x128xf32, #tpu.memory_space<vmem>>, vector<1x16xf32>,
      %swap3A_49 = vector.shape_cast %swap3A_48 : vector<1x16xf32> to vector<16xf32>
      %swap3A_50 = vector.shape_cast %broadcast_in_dim3A_45 : vector<16xf32> to vector<1x16xf32>
      tpu.vector_store %arg12[%swap3A_46, %swap3A_47], %swap3A_50 {strides = array<i32>} : memref<128x128xf32, #tpu.memory_space<vmem>>, vector<1x16xf32>,
      %broadcast_in_dim3A_51 = arith.constant 0.000000e+00 : f32
      %broadcast_in_dim3A_52 = vector.broadcast %broadcast_in_dim3A_51 : f32 to vector<16xf32>
      %swap3A_53 = arith.index_cast %scan3A_38 : i32 to index
      %swap3A_54 = arith.constant 32 : index
      %swap3A_55 = tpu.vector_load %arg12[%swap3A_53, %swap3A_54] {strides = array<i32>} : memref<128x128xf32, #tpu.memory_space<vmem>>, vector<1x16xf32>,
      %swap3A_56 = vector.shape_cast %swap3A_55 : vector<1x16xf32> to vector<16xf32>
      %swap3A_57 = vector.shape_cast %broadcast_in_dim3A_52 : vector<16xf32> to vector<1x16xf32>
      tpu.vector_store %arg12[%swap3A_53, %swap3A_54], %swap3A_57 {strides = array<i32>} : memref<128x128xf32, #tpu.memory_space<vmem>>, vector<1x16xf32>,
      %broadcast_in_dim3A_58 = arith.constant 0.000000e+00 : f32
      %broadcast_in_dim3A_59 = vector.broadcast %broadcast_in_dim3A_58 : f32 to vector<16xf32>
      %swap3A_60 = arith.index_cast %scan3A_38 : i32 to index
      %swap3A_61 = arith.constant 48 : index
      %swap3A_62 = tpu.vector_load %arg12[%swap3A_60, %swap3A_61] {strides = array<i32>} : memref<128x128xf32, #tpu.memory_space<vmem>>, vector<1x16xf32>,
      %swap3A_63 = vector.shape_cast %swap3A_62 : vector<1x16xf32> to vector<16xf32>
      %swap3A_64 = vector.shape_cast %broadcast_in_dim3A_59 : vector<16xf32> to vector<1x16xf32>
      tpu.vector_store %arg12[%swap3A_60, %swap3A_61], %swap3A_64 {strides = array<i32>} : memref<128x128xf32, #tpu.memory_space<vmem>>, vector<1x16xf32>,
      %broadcast_in_dim3A_65 = arith.constant 0.000000e+00 : f32
      %broadcast_in_dim3A_66 = vector.broadcast %broadcast_in_dim3A_65 : f32 to vector<16xf32>
      %swap3A_67 = arith.index_cast %scan3A_38 : i32 to index
      %swap3A_68 = arith.constant 64 : index
      %swap3A_69 = tpu.vector_load %arg12[%swap3A_67, %swap3A_68] {strides = array<i32>} : memref<128x128xf32, #tpu.memory_space<vmem>>, vector<1x16xf32>,
      %swap3A_70 = vector.shape_cast %swap3A_69 : vector<1x16xf32> to vector<16xf32>
      %swap3A_71 = vector.shape_cast %broadcast_in_dim3A_66 : vector<16xf32> to vector<1x16xf32>
      tpu.vector_store %arg12[%swap3A_67, %swap3A_68], %swap3A_71 {strides = array<i32>} : memref<128x128xf32, #tpu.memory_space<vmem>>, vector<1x16xf32>,
      %broadcast_in_dim3A_72 = arith.constant 0.000000e+00 : f32
      %broadcast_in_dim3A_73 = vector.broadcast %broadcast_in_dim3A_72 : f32 to vector<16xf32>
      %swap3A_74 = arith.index_cast %scan3A_38 : i32 to index
      %swap3A_75 = arith.constant 80 : index
      %swap3A_76 = tpu.vector_load %arg12[%swap3A_74, %swap3A_75] {strides = array<i32>} : memref<128x128xf32, #tpu.memory_space<vmem>>, vector<1x16xf32>,
      %swap3A_77 = vector.shape_cast %swap3A_76 : vector<1x16xf32> to vector<16xf32>
      %swap3A_78 = vector.shape_cast %broadcast_in_dim3A_73 : vector<16xf32> to vector<1x16xf32>
      tpu.vector_store %arg12[%swap3A_74, %swap3A_75], %swap3A_78 {strides = array<i32>} : memref<128x128xf32, #tpu.memory_space<vmem>>, vector<1x16xf32>,
      %broadcast_in_dim3A_79 = arith.constant 0.000000e+00 : f32
      %broadcast_in_dim3A_80 = vector.broadcast %broadcast_in_dim3A_79 : f32 to vector<16xf32>
      %swap3A_81 = arith.index_cast %scan3A_38 : i32 to index
      %swap3A_82 = arith.constant 96 : index
      %swap3A_83 = tpu.vector_load %arg12[%swap3A_81, %swap3A_82] {strides = array<i32>} : memref<128x128xf32, #tpu.memory_space<vmem>>, vector<1x16xf32>,
      %swap3A_84 = vector.shape_cast %swap3A_83 : vector<1x16xf32> to vector<16xf32>
      %swap3A_85 = vector.shape_cast %broadcast_in_dim3A_80 : vector<16xf32> to vector<1x16xf32>
      tpu.vector_store %arg12[%swap3A_81, %swap3A_82], %swap3A_85 {strides = array<i32>} : memref<128x128xf32, #tpu.memory_space<vmem>>, vector<1x16xf32>,
      %broadcast_in_dim3A_86 = arith.constant 0.000000e+00 : f32
      %broadcast_in_dim3A_87 = vector.broadcast %broadcast_in_dim3A_86 : f32 to vector<16xf32>
      %swap3A_88 = arith.index_cast %scan3A_38 : i32 to index
      %swap3A_89 = arith.constant 112 : index
      %swap3A_90 = tpu.vector_load %arg12[%swap3A_88, %swap3A_89] {strides = array<i32>} : memref<128x128xf32, #tpu.memory_space<vmem>>, vector<1x16xf32>,
      %swap3A_91 = vector.shape_cast %swap3A_90 : vector<1x16xf32> to vector<16xf32>
      %swap3A_92 = vector.shape_cast %broadcast_in_dim3A_87 : vector<16xf32> to vector<1x16xf32>
      tpu.vector_store %arg12[%swap3A_88, %swap3A_89], %swap3A_92 {strides = array<i32>} : memref<128x128xf32, #tpu.memory_space<vmem>>, vector<1x16xf32>,
    }
    %scan3A_8 = arith.constant 128 : i32
    %add3A_9 = arith.constant 0 : i32
    %add3A_10 = arith.addi %multiple_of3A, %add3A_9 : i32
    "tpu.region"() ({
      %run_scoped3A = tpu.sem_alloc : memref<!tpu.dma_semaphore, #tpu.memory_space<semaphore_mem>>
      %dma_start3A_38 = arith.constant 0 : i32
      %dma_start3A_39 = arith.constant 0 : i32
      %dma_start3A_40 = tpu.memref_slice %arg12[%dma_start3A_38, %dma_start3A_39] : memref<128x128xf32, #tpu.memory_space<vmem>> -> memref<128x128xf32, #tpu.memory_space<vmem>>
      %dma_start3A_41 = arith.constant 0 : i32
      %dma_start3A_42 = tpu.memref_slice %arg15[%add3A_10, %dma_start3A_41] : memref<10000x128xf32, #tpu.memory_space<vmem_shared>> -> memref<128x128xf32, #tpu.memory_space<vmem_shared>>
      %dma_start3A_43 = arith.constant 0 : i32
      %dma_start3A_44 = tpu.memref_slice %arg15[%add3A_10, %dma_start3A_43] : memref<10000x128xf32, #tpu.memory_space<vmem_shared>> -> memref<128x128xf32, #tpu.memory_space<vmem_shared>>
      %dma_start3A_45 = arith.constant 0 : i32
      %dma_start3A_46 = arith.constant 0 : i32
      %dma_start3A_47 = tpu.memref_slice %arg12[%dma_start3A_45, %dma_start3A_46] : memref<128x128xf32, #tpu.memory_space<vmem>> -> memref<128x128xf32, #tpu.memory_space<vmem>>
      tpu.enqueue_dma source(%dma_start3A_47 : memref<128x128xf32, #tpu.memory_space<vmem>>) target(%dma_start3A_44 : memref<128x128xf32, #tpu.memory_space<vmem_shared>>) target_semaphore(%run_scoped3A : memref<!tpu.dma_semaphore, #tpu.memory_space<semaphore_mem>>)
      %dma_wait3A_48 = arith.constant 0 : i32
      %dma_wait3A_49 = arith.constant 0 : i32
      %dma_wait3A_50 = tpu.memref_slice %arg12[%dma_wait3A_48, %dma_wait3A_49] : memref<128x128xf32, #tpu.memory_space<vmem>> -> memref<128x128xf32, #tpu.memory_space<vmem>>
      %dma_wait3A_51 = arith.constant 0 : i32
      %dma_wait3A_52 = tpu.memref_slice %arg15[%add3A_10, %dma_wait3A_51] : memref<10000x128xf32, #tpu.memory_space<vmem_shared>> -> memref<128x128xf32, #tpu.memory_space<vmem_shared>>
      %dma_wait3A_53 = arith.constant 0 : i32
      %dma_wait3A_54 = tpu.memref_slice %arg15[%add3A_10, %dma_wait3A_53] : memref<10000x128xf32, #tpu.memory_space<vmem_shared>> -> memref<128x128xf32, #tpu.memory_space<vmem_shared>>
      %dma_wait3A_55 = arith.constant 0 : i32
      %dma_wait3A_56 = arith.constant 0 : i32
      %dma_wait3A_57 = tpu.memref_slice %arg12[%dma_wait3A_55, %dma_wait3A_56] : memref<128x128xf32, #tpu.memory_space<vmem>> -> memref<128x128xf32, #tpu.memory_space<vmem>>
      tpu.wait_dma2 semaphore(%run_scoped3A : memref<!tpu.dma_semaphore, #tpu.memory_space<semaphore_mem>>) src(%dma_wait3A_57 : memref<128x128xf32, #tpu.memory_space<vmem>>) dst(%dma_wait3A_54 : memref<128x128xf32, #tpu.memory_space<vmem_shared>>)
      tpu.yield
    }) : () -> ()
    %add3A_11 = arith.constant 128 : i32
    %add3A_12 = arith.addi %multiple_of3A, %add3A_11 : i32
    "tpu.region"() ({
      %run_scoped3A = tpu.sem_alloc : memref<!tpu.dma_semaphore, #tpu.memory_space<semaphore_mem>>
      %dma_start3A_38 = arith.constant 0 : i32
      %dma_start3A_39 = arith.constant 0 : i32
      %dma_start3A_40 = tpu.memref_slice %arg12[%dma_start3A_38, %dma_start3A_39] : memref<128x128xf32, #tpu.memory_space<vmem>> -> memref<128x128xf32, #tpu.memory_space<vmem>>
      %dma_start3A_41 = arith.constant 0 : i32
      %dma_start3A_42 = tpu.memref_slice %arg15[%add3A_12, %dma_start3A_41] : memref<10000x128xf32, #tpu.memory_space<vmem_shared>> -> memref<128x128xf32, #tpu.memory_space<vmem_shared>>
      %dma_start3A_43 = arith.constant 0 : i32
      %dma_start3A_44 = tpu.memref_slice %arg15[%add3A_12, %dma_start3A_43] : memref<10000x128xf32, #tpu.memory_space<vmem_shared>> -> memref<128x128xf32, #tpu.memory_space<vmem_shared>>
      %dma_start3A_45 = arith.constant 0 : i32
      %dma_start3A_46 = arith.constant 0 : i32
      %dma_start3A_47 = tpu.memref_slice %arg12[%dma_start3A_45, %dma_start3A_46] : memref<128x128xf32, #tpu.memory_space<vmem>> -> memref<128x128xf32, #tpu.memory_space<vmem>>
      tpu.enqueue_dma source(%dma_start3A_47 : memref<128x128xf32, #tpu.memory_space<vmem>>) target(%dma_start3A_44 : memref<128x128xf32, #tpu.memory_space<vmem_shared>>) target_semaphore(%run_scoped3A : memref<!tpu.dma_semaphore, #tpu.memory_space<semaphore_mem>>)
      %dma_wait3A_48 = arith.constant 0 : i32
      %dma_wait3A_49 = arith.constant 0 : i32
      %dma_wait3A_50 = tpu.memref_slice %arg12[%dma_wait3A_48, %dma_wait3A_49] : memref<128x128xf32, #tpu.memory_space<vmem>> -> memref<128x128xf32, #tpu.memory_space<vmem>>
      %dma_wait3A_51 = arith.constant 0 : i32
      %dma_wait3A_52 = tpu.memref_slice %arg15[%add3A_12, %dma_wait3A_51] : memref<10000x128xf32, #tpu.memory_space<vmem_shared>> -> memref<128x128xf32, #tpu.memory_space<vmem_shared>>
      %dma_wait3A_53 = arith.constant 0 : i32
      %dma_wait3A_54 = tpu.memref_slice %arg15[%add3A_12, %dma_wait3A_53] : memref<10000x128xf32, #tpu.memory_space<vmem_shared>> -> memref<128x128xf32, #tpu.memory_space<vmem_shared>>
      %dma_wait3A_55 = arith.constant 0 : i32
      %dma_wait3A_56 = arith.constant 0 : i32
      %dma_wait3A_57 = tpu.memref_slice %arg12[%dma_wait3A_55, %dma_wait3A_56] : memref<128x128xf32, #tpu.memory_space<vmem>> -> memref<128x128xf32, #tpu.memory_space<vmem>>
      tpu.wait_dma2 semaphore(%run_scoped3A : memref<!tpu.dma_semaphore, #tpu.memory_space<semaphore_mem>>) src(%dma_wait3A_57 : memref<128x128xf32, #tpu.memory_space<vmem>>) dst(%dma_wait3A_54 : memref<128x128xf32, #tpu.memory_space<vmem_shared>>)
      tpu.yield
    }) : () -> ()
    %add3A_13 = arith.constant 256 : i32
    %add3A_14 = arith.addi %multiple_of3A, %add3A_13 : i32
    "tpu.region"() ({
      %run_scoped3A = tpu.sem_alloc : memref<!tpu.dma_semaphore, #tpu.memory_space<semaphore_mem>>
      %dma_start3A_38 = arith.constant 0 : i32
      %dma_start3A_39 = arith.constant 0 : i32
      %dma_start3A_40 = tpu.memref_slice %arg12[%dma_start3A_38, %dma_start3A_39] : memref<128x128xf32, #tpu.memory_space<vmem>> -> memref<128x128xf32, #tpu.memory_space<vmem>>
      %dma_start3A_41 = arith.constant 0 : i32
      %dma_start3A_42 = tpu.memref_slice %arg15[%add3A_14, %dma_start3A_41] : memref<10000x128xf32, #tpu.memory_space<vmem_shared>> -> memref<128x128xf32, #tpu.memory_space<vmem_shared>>
      %dma_start3A_43 = arith.constant 0 : i32
      %dma_start3A_44 = tpu.memref_slice %arg15[%add3A_14, %dma_start3A_43] : memref<10000x128xf32, #tpu.memory_space<vmem_shared>> -> memref<128x128xf32, #tpu.memory_space<vmem_shared>>
      %dma_start3A_45 = arith.constant 0 : i32
      %dma_start3A_46 = arith.constant 0 : i32
      %dma_start3A_47 = tpu.memref_slice %arg12[%dma_start3A_45, %dma_start3A_46] : memref<128x128xf32, #tpu.memory_space<vmem>> -> memref<128x128xf32, #tpu.memory_space<vmem>>
      tpu.enqueue_dma source(%dma_start3A_47 : memref<128x128xf32, #tpu.memory_space<vmem>>) target(%dma_start3A_44 : memref<128x128xf32, #tpu.memory_space<vmem_shared>>) target_semaphore(%run_scoped3A : memref<!tpu.dma_semaphore, #tpu.memory_space<semaphore_mem>>)
      %dma_wait3A_48 = arith.constant 0 : i32
      %dma_wait3A_49 = arith.constant 0 : i32
      %dma_wait3A_50 = tpu.memref_slice %arg12[%dma_wait3A_48, %dma_wait3A_49] : memref<128x128xf32, #tpu.memory_space<vmem>> -> memref<128x128xf32, #tpu.memory_space<vmem>>
      %dma_wait3A_51 = arith.constant 0 : i32
      %dma_wait3A_52 = tpu.memref_slice %arg15[%add3A_14, %dma_wait3A_51] : memref<10000x128xf32, #tpu.memory_space<vmem_shared>> -> memref<128x128xf32, #tpu.memory_space<vmem_shared>>
      %dma_wait3A_53 = arith.constant 0 : i32
      %dma_wait3A_54 = tpu.memref_slice %arg15[%add3A_14, %dma_wait3A_53] : memref<10000x128xf32, #tpu.memory_space<vmem_shared>> -> memref<128x128xf32, #tpu.memory_space<vmem_shared>>
      %dma_wait3A_55 = arith.constant 0 : i32
      %dma_wait3A_56 = arith.constant 0 : i32
      %dma_wait3A_57 = tpu.memref_slice %arg12[%dma_wait3A_55, %dma_wait3A_56] : memref<128x128xf32, #tpu.memory_space<vmem>> -> memref<128x128xf32, #tpu.memory_space<vmem>>
      tpu.wait_dma2 semaphore(%run_scoped3A : memref<!tpu.dma_semaphore, #tpu.memory_space<semaphore_mem>>) src(%dma_wait3A_57 : memref<128x128xf32, #tpu.memory_space<vmem>>) dst(%dma_wait3A_54 : memref<128x128xf32, #tpu.memory_space<vmem_shared>>)
      tpu.yield
    }) : () -> ()
    %add3A_15 = arith.constant 384 : i32
    %add3A_16 = arith.addi %multiple_of3A, %add3A_15 : i32
    "tpu.region"() ({
      %run_scoped3A = tpu.sem_alloc : memref<!tpu.dma_semaphore, #tpu.memory_space<semaphore_mem>>
      %dma_start3A_38 = arith.constant 0 : i32
      %dma_start3A_39 = arith.constant 0 : i32
      %dma_start3A_40 = tpu.memref_slice %arg12[%dma_start3A_38, %dma_start3A_39] : memref<128x128xf32, #tpu.memory_space<vmem>> -> memref<128x128xf32, #tpu.memory_space<vmem>>
      %dma_start3A_41 = arith.constant 0 : i32
      %dma_start3A_42 = tpu.memref_slice %arg15[%add3A_16, %dma_start3A_41] : memref<10000x128xf32, #tpu.memory_space<vmem_shared>> -> memref<128x128xf32, #tpu.memory_space<vmem_shared>>
      %dma_start3A_43 = arith.constant 0 : i32
      %dma_start3A_44 = tpu.memref_slice %arg15[%add3A_16, %dma_start3A_43] : memref<10000x128xf32, #tpu.memory_space<vmem_shared>> -> memref<128x128xf32, #tpu.memory_space<vmem_shared>>
      %dma_start3A_45 = arith.constant 0 : i32
      %dma_start3A_46 = arith.constant 0 : i32
      %dma_start3A_47 = tpu.memref_slice %arg12[%dma_start3A_45, %dma_start3A_46] : memref<128x128xf32, #tpu.memory_space<vmem>> -> memref<128x128xf32, #tpu.memory_space<vmem>>
      tpu.enqueue_dma source(%dma_start3A_47 : memref<128x128xf32, #tpu.memory_space<vmem>>) target(%dma_start3A_44 : memref<128x128xf32, #tpu.memory_space<vmem_shared>>) target_semaphore(%run_scoped3A : memref<!tpu.dma_semaphore, #tpu.memory_space<semaphore_mem>>)
      %dma_wait3A_48 = arith.constant 0 : i32
      %dma_wait3A_49 = arith.constant 0 : i32
      %dma_wait3A_50 = tpu.memref_slice %arg12[%dma_wait3A_48, %dma_wait3A_49] : memref<128x128xf32, #tpu.memory_space<vmem>> -> memref<128x128xf32, #tpu.memory_space<vmem>>
      %dma_wait3A_51 = arith.constant 0 : i32
      %dma_wait3A_52 = tpu.memref_slice %arg15[%add3A_16, %dma_wait3A_51] : memref<10000x128xf32, #tpu.memory_space<vmem_shared>> -> memref<128x128xf32, #tpu.memory_space<vmem_shared>>
      %dma_wait3A_53 = arith.constant 0 : i32
      %dma_wait3A_54 = tpu.memref_slice %arg15[%add3A_16, %dma_wait3A_53] : memref<10000x128xf32, #tpu.memory_space<vmem_shared>> -> memref<128x128xf32, #tpu.memory_space<vmem_shared>>
      %dma_wait3A_55 = arith.constant 0 : i32
      %dma_wait3A_56 = arith.constant 0 : i32
      %dma_wait3A_57 = tpu.memref_slice %arg12[%dma_wait3A_55, %dma_wait3A_56] : memref<128x128xf32, #tpu.memory_space<vmem>> -> memref<128x128xf32, #tpu.memory_space<vmem>>
      tpu.wait_dma2 semaphore(%run_scoped3A : memref<!tpu.dma_semaphore, #tpu.memory_space<semaphore_mem>>) src(%dma_wait3A_57 : memref<128x128xf32, #tpu.memory_space<vmem>>) dst(%dma_wait3A_54 : memref<128x128xf32, #tpu.memory_space<vmem_shared>>)
      tpu.yield
    }) : () -> ()
    %add3A_17 = arith.constant 512 : i32
    %add3A_18 = arith.addi %multiple_of3A, %add3A_17 : i32
    "tpu.region"() ({
      %run_scoped3A = tpu.sem_alloc : memref<!tpu.dma_semaphore, #tpu.memory_space<semaphore_mem>>
      %dma_start3A_38 = arith.constant 0 : i32
      %dma_start3A_39 = arith.constant 0 : i32
      %dma_start3A_40 = tpu.memref_slice %arg12[%dma_start3A_38, %dma_start3A_39] : memref<128x128xf32, #tpu.memory_space<vmem>> -> memref<120x128xf32, #tpu.memory_space<vmem>>
      %dma_start3A_41 = arith.constant 0 : i32
      %dma_start3A_42 = tpu.memref_slice %arg15[%add3A_18, %dma_start3A_41] : memref<10000x128xf32, #tpu.memory_space<vmem_shared>> -> memref<120x128xf32, #tpu.memory_space<vmem_shared>>
      %dma_start3A_43 = arith.constant 0 : i32
      %dma_start3A_44 = tpu.memref_slice %arg15[%add3A_18, %dma_start3A_43] : memref<10000x128xf32, #tpu.memory_space<vmem_shared>> -> memref<120x128xf32, #tpu.memory_space<vmem_shared>>
      %dma_start3A_45 = arith.constant 0 : i32
      %dma_start3A_46 = arith.constant 0 : i32
      %dma_start3A_47 = tpu.memref_slice %arg12[%dma_start3A_45, %dma_start3A_46] : memref<128x128xf32, #tpu.memory_space<vmem>> -> memref<120x128xf32, #tpu.memory_space<vmem>>
      tpu.enqueue_dma source(%dma_start3A_47 : memref<120x128xf32, #tpu.memory_space<vmem>>) target(%dma_start3A_44 : memref<120x128xf32, #tpu.memory_space<vmem_shared>>) target_semaphore(%run_scoped3A : memref<!tpu.dma_semaphore, #tpu.memory_space<semaphore_mem>>)
      %dma_wait3A_48 = arith.constant 0 : i32
      %dma_wait3A_49 = arith.constant 0 : i32
      %dma_wait3A_50 = tpu.memref_slice %arg12[%dma_wait3A_48, %dma_wait3A_49] : memref<128x128xf32, #tpu.memory_space<vmem>> -> memref<120x128xf32, #tpu.memory_space<vmem>>
      %dma_wait3A_51 = arith.constant 0 : i32
      %dma_wait3A_52 = tpu.memref_slice %arg15[%add3A_18, %dma_wait3A_51] : memref<10000x128xf32, #tpu.memory_space<vmem_shared>> -> memref<120x128xf32, #tpu.memory_space<vmem_shared>>
      %dma_wait3A_53 = arith.constant 0 : i32
      %dma_wait3A_54 = tpu.memref_slice %arg15[%add3A_18, %dma_wait3A_53] : memref<10000x128xf32, #tpu.memory_space<vmem_shared>> -> memref<120x128xf32, #tpu.memory_space<vmem_shared>>
      %dma_wait3A_55 = arith.constant 0 : i32
      %dma_wait3A_56 = arith.constant 0 : i32
      %dma_wait3A_57 = tpu.memref_slice %arg12[%dma_wait3A_55, %dma_wait3A_56] : memref<128x128xf32, #tpu.memory_space<vmem>> -> memref<120x128xf32, #tpu.memory_space<vmem>>
      tpu.wait_dma2 semaphore(%run_scoped3A : memref<!tpu.dma_semaphore, #tpu.memory_space<semaphore_mem>>) src(%dma_wait3A_57 : memref<120x128xf32, #tpu.memory_space<vmem>>) dst(%dma_wait3A_54 : memref<120x128xf32, #tpu.memory_space<vmem_shared>>)
      tpu.yield
    }) : () -> ()
    %barrier3A = arith.constant 0 : index
    tpu.barrier barrier_id(%barrier3A)
    %mul3A_19 = arith.constant 4992 : i32
    %mul3A_20 = arith.muli %add3A, %mul3A_19 : i32
    %multiple_of3A_21 = tpu.assume_multiple %mul3A_20, 8 : i32
    %scan3A_22 = arith.constant 0 : i32
    %scan3A_23 = arith.constant 0 : i32
    %scan3A_24 = arith.constant 19 : i32
    %scan3A_25 = arith.addi %scan3A_23, %scan3A_24 : i32
    %scan3A_26 = arith.constant 1 : i32
    scf.for %scan3A_38 = %scan3A_23 to %scan3A_25 step %scan3A_26  : i32 {
      %mul3A_39 = arith.constant 2 : i32
      %mul3A_40 = arith.muli %mul3A_39, %scan3A_38 : i32
      %mul3A_41 = arith.constant 128 : i32
      %mul3A_42 = arith.muli %mul3A_40, %mul3A_41 : i32
      %add3A_43 = arith.addi %multiple_of3A_21, %mul3A_42 : i32
      %multiple_of3A_44 = tpu.assume_multiple %add3A_43, 8 : i32
      %add3A_45 = arith.constant 128 : i32
      %add3A_46 = arith.addi %multiple_of3A_44, %add3A_45 : i32
      %multiple_of3A_47 = tpu.assume_multiple %add3A_46, 8 : i32
      %dma_start3A_48 = tpu.memref_slice %arg3[%multiple_of3A_44] : memref<160000xi32, #tpu.memory_space<hbm>> -> memref<128xi32, #tpu.memory_space<hbm>>
      %dma_start3A_49 = tpu.memref_slice %arg3[%multiple_of3A_44] : memref<160000xi32, #tpu.memory_space<hbm>> -> memref<128xi32, #tpu.memory_space<hbm>>
      tpu.enqueue_dma source(%dma_start3A_49 : memref<128xi32, #tpu.memory_space<hbm>>) target(%arg6 : memref<128xi32, #tpu.memory_space<vmem>>) target_semaphore(%arg16 : memref<!tpu.dma_semaphore, #tpu.memory_space<semaphore_mem>>)
      %dma_start3A_50 = tpu.memref_slice %arg4[%multiple_of3A_44] : memref<160000xi32, #tpu.memory_space<hbm>> -> memref<128xi32, #tpu.memory_space<hbm>>
      %dma_start3A_51 = tpu.memref_slice %arg4[%multiple_of3A_44] : memref<160000xi32, #tpu.memory_space<hbm>> -> memref<128xi32, #tpu.memory_space<hbm>>
      tpu.enqueue_dma source(%dma_start3A_51 : memref<128xi32, #tpu.memory_space<hbm>>) target(%arg7 : memref<128xi32, #tpu.memory_space<vmem>>) target_semaphore(%arg16 : memref<!tpu.dma_semaphore, #tpu.memory_space<semaphore_mem>>)
      %dma_start3A_52 = tpu.memref_slice %arg3[%multiple_of3A_47] : memref<160000xi32, #tpu.memory_space<hbm>> -> memref<128xi32, #tpu.memory_space<hbm>>
      %dma_start3A_53 = tpu.memref_slice %arg3[%multiple_of3A_47] : memref<160000xi32, #tpu.memory_space<hbm>> -> memref<128xi32, #tpu.memory_space<hbm>>
      tpu.enqueue_dma source(%dma_start3A_53 : memref<128xi32, #tpu.memory_space<hbm>>) target(%arg8 : memref<128xi32, #tpu.memory_space<vmem>>) target_semaphore(%arg16 : memref<!tpu.dma_semaphore, #tpu.memory_space<semaphore_mem>>)
      %dma_start3A_54 = tpu.memref_slice %arg4[%multiple_of3A_47] : memref<160000xi32, #tpu.memory_space<hbm>> -> memref<128xi32, #tpu.memory_space<hbm>>
      %dma_start3A_55 = tpu.memref_slice %arg4[%multiple_of3A_47] : memref<160000xi32, #tpu.memory_space<hbm>> -> memref<128xi32, #tpu.memory_space<hbm>>
      tpu.enqueue_dma source(%dma_start3A_55 : memref<128xi32, #tpu.memory_space<hbm>>) target(%arg9 : memref<128xi32, #tpu.memory_space<vmem>>) target_semaphore(%arg16 : memref<!tpu.dma_semaphore, #tpu.memory_space<semaphore_mem>>)
      %dma_wait3A_56 = tpu.memref_slice %arg3[%multiple_of3A_44] : memref<160000xi32, #tpu.memory_space<hbm>> -> memref<128xi32, #tpu.memory_space<hbm>>
      %dma_wait3A_57 = tpu.memref_slice %arg3[%multiple_of3A_44] : memref<160000xi32, #tpu.memory_space<hbm>> -> memref<128xi32, #tpu.memory_space<hbm>>
      tpu.wait_dma2 semaphore(%arg16 : memref<!tpu.dma_semaphore, #tpu.memory_space<semaphore_mem>>) src(%dma_wait3A_57 : memref<128xi32, #tpu.memory_space<hbm>>) dst(%arg6 : memref<128xi32, #tpu.memory_space<vmem>>)
      %dma_wait3A_58 = tpu.memref_slice %arg4[%multiple_of3A_44] : memref<160000xi32, #tpu.memory_space<hbm>> -> memref<128xi32, #tpu.memory_space<hbm>>
      %dma_wait3A_59 = tpu.memref_slice %arg4[%multiple_of3A_44] : memref<160000xi32, #tpu.memory_space<hbm>> -> memref<128xi32, #tpu.memory_space<hbm>>
      tpu.wait_dma2 semaphore(%arg16 : memref<!tpu.dma_semaphore, #tpu.memory_space<semaphore_mem>>) src(%dma_wait3A_59 : memref<128xi32, #tpu.memory_space<hbm>>) dst(%arg7 : memref<128xi32, #tpu.memory_space<vmem>>)
      %dma_wait3A_60 = tpu.memref_slice %arg3[%multiple_of3A_47] : memref<160000xi32, #tpu.memory_space<hbm>> -> memref<128xi32, #tpu.memory_space<hbm>>
      %dma_wait3A_61 = tpu.memref_slice %arg3[%multiple_of3A_47] : memref<160000xi32, #tpu.memory_space<hbm>> -> memref<128xi32, #tpu.memory_space<hbm>>
      tpu.wait_dma2 semaphore(%arg16 : memref<!tpu.dma_semaphore, #tpu.memory_space<semaphore_mem>>) src(%dma_wait3A_61 : memref<128xi32, #tpu.memory_space<hbm>>) dst(%arg8 : memref<128xi32, #tpu.memory_space<vmem>>)
      %dma_wait3A_62 = tpu.memref_slice %arg4[%multiple_of3A_47] : memref<160000xi32, #tpu.memory_space<hbm>> -> memref<128xi32, #tpu.memory_space<hbm>>
      %dma_wait3A_63 = tpu.memref_slice %arg4[%multiple_of3A_47] : memref<160000xi32, #tpu.memory_space<hbm>> -> memref<128xi32, #tpu.memory_space<hbm>>
      tpu.wait_dma2 semaphore(%arg16 : memref<!tpu.dma_semaphore, #tpu.memory_space<semaphore_mem>>) src(%dma_wait3A_63 : memref<128xi32, #tpu.memory_space<hbm>>) dst(%arg9 : memref<128xi32, #tpu.memory_space<vmem>>)
      %dma_start3A_64 = arith.constant 0 : i32
      %dma_start3A_65 = arith.constant 0 : i32
      %dma_start3A_66 = tpu.memref_slice %arg2[%dma_start3A_64, %dma_start3A_65] : memref<10000x128xf32, #tpu.memory_space<hbm>> -> memref<10000x128xf32, #tpu.memory_space<hbm>>
      tpu.enqueue_indirect_dma source(%dma_start3A_66 : memref<10000x128xf32, #tpu.memory_space<hbm>>) target(%arg12 : memref<128x128xf32, #tpu.memory_space<vmem>>) offsets(%arg6 : memref<128xi32, #tpu.memory_space<vmem>>) semaphore(%arg17 : memref<!tpu.dma_semaphore, #tpu.memory_space<semaphore_mem>>)
      %dma_start3A_67 = arith.constant 0 : i32
      %dma_start3A_68 = arith.constant 0 : i32
      %dma_start3A_69 = tpu.memref_slice %arg2[%dma_start3A_67, %dma_start3A_68] : memref<10000x128xf32, #tpu.memory_space<hbm>> -> memref<10000x128xf32, #tpu.memory_space<hbm>>
      tpu.enqueue_indirect_dma source(%dma_start3A_69 : memref<10000x128xf32, #tpu.memory_space<hbm>>) target(%arg13 : memref<128x128xf32, #tpu.memory_space<vmem>>) offsets(%arg8 : memref<128xi32, #tpu.memory_space<vmem>>) semaphore(%arg18 : memref<!tpu.dma_semaphore, #tpu.memory_space<semaphore_mem>>)
      %dma_wait3A_70 = arith.constant 0 : i32
      %dma_wait3A_71 = arith.constant 0 : i32
      %dma_wait3A_72 = tpu.memref_slice %arg2[%dma_wait3A_70, %dma_wait3A_71] : memref<10000x128xf32, #tpu.memory_space<hbm>> -> memref<10000x128xf32, #tpu.memory_space<hbm>>
      tpu.wait_indirect_dma semaphore(%arg17 : memref<!tpu.dma_semaphore, #tpu.memory_space<semaphore_mem>>) src(%dma_wait3A_72 : memref<10000x128xf32, #tpu.memory_space<hbm>>) dst(%arg12 : memref<128x128xf32, #tpu.memory_space<vmem>>)
      %dma_start3A_73 = arith.constant 0 : i32
      %dma_start3A_74 = arith.constant 0 : i32
      %dma_start3A_75 = tpu.memref_slice %arg15[%dma_start3A_73, %dma_start3A_74] : memref<10000x128xf32, #tpu.memory_space<vmem_shared>> -> memref<10000x128xf32, #tpu.memory_space<vmem_shared>>
      tpu.enqueue_indirect_dma source(%arg12 : memref<128x128xf32, #tpu.memory_space<vmem>>) target(%dma_start3A_75 : memref<10000x128xf32, #tpu.memory_space<vmem_shared>>) offsets(%arg7 : memref<128xi32, #tpu.memory_space<vmem>>) semaphore(%arg20 : memref<!tpu.dma_semaphore, #tpu.memory_space<semaphore_mem>>) {add = true}
      %dma_wait3A_76 = arith.constant 0 : i32
      %dma_wait3A_77 = arith.constant 0 : i32
      %dma_wait3A_78 = tpu.memref_slice %arg2[%dma_wait3A_76, %dma_wait3A_77] : memref<10000x128xf32, #tpu.memory_space<hbm>> -> memref<10000x128xf32, #tpu.memory_space<hbm>>
      tpu.wait_indirect_dma semaphore(%arg18 : memref<!tpu.dma_semaphore, #tpu.memory_space<semaphore_mem>>) src(%dma_wait3A_78 : memref<10000x128xf32, #tpu.memory_space<hbm>>) dst(%arg13 : memref<128x128xf32, #tpu.memory_space<vmem>>)
      %dma_start3A_79 = arith.constant 0 : i32
      %dma_start3A_80 = arith.constant 0 : i32
      %dma_start3A_81 = tpu.memref_slice %arg15[%dma_start3A_79, %dma_start3A_80] : memref<10000x128xf32, #tpu.memory_space<vmem_shared>> -> memref<10000x128xf32, #tpu.memory_space<vmem_shared>>
      tpu.enqueue_indirect_dma source(%arg13 : memref<128x128xf32, #tpu.memory_space<vmem>>) target(%dma_start3A_81 : memref<10000x128xf32, #tpu.memory_space<vmem_shared>>) offsets(%arg9 : memref<128xi32, #tpu.memory_space<vmem>>) semaphore(%arg20 : memref<!tpu.dma_semaphore, #tpu.memory_space<semaphore_mem>>) {add = true}
      %dma_wait3A_82 = arith.constant 0 : i32
      %dma_wait3A_83 = arith.constant 0 : i32
      %dma_wait3A_84 = tpu.memref_slice %arg15[%dma_wait3A_82, %dma_wait3A_83] : memref<10000x128xf32, #tpu.memory_space<vmem_shared>> -> memref<10000x128xf32, #tpu.memory_space<vmem_shared>>
      tpu.wait_indirect_dma semaphore(%arg20 : memref<!tpu.dma_semaphore, #tpu.memory_space<semaphore_mem>>) src(%arg12 : memref<128x128xf32, #tpu.memory_space<vmem>>) dst(%dma_wait3A_84 : memref<10000x128xf32, #tpu.memory_space<vmem_shared>>)
      %dma_wait3A_85 = arith.constant 0 : i32
      %dma_wait3A_86 = arith.constant 0 : i32
      %dma_wait3A_87 = tpu.memref_slice %arg15[%dma_wait3A_85, %dma_wait3A_86] : memref<10000x128xf32, #tpu.memory_space<vmem_shared>> -> memref<10000x128xf32, #tpu.memory_space<vmem_shared>>
      tpu.wait_indirect_dma semaphore(%arg20 : memref<!tpu.dma_semaphore, #tpu.memory_space<semaphore_mem>>) src(%arg13 : memref<128x128xf32, #tpu.memory_space<vmem>>) dst(%dma_wait3A_87 : memref<10000x128xf32, #tpu.memory_space<vmem_shared>>)
    }
    %scan3A_27 = arith.constant 19 : i32
    %add3A_28 = arith.constant 4864 : i32
    %add3A_29 = arith.addi %multiple_of3A_21, %add3A_28 : i32
    %multiple_of3A_30 = tpu.assume_multiple %add3A_29, 8 : i32
    "tpu.region"() ({
      %run_scoped3A = tpu.sem_alloc : memref<!tpu.dma_semaphore, #tpu.memory_space<semaphore_mem>>
      %dma_start3A_38 = tpu.memref_slice %arg3[%multiple_of3A_30] : memref<160000xi32, #tpu.memory_space<hbm>> -> memref<128xi32, #tpu.memory_space<hbm>>
      %dma_start3A_39 = tpu.memref_slice %arg3[%multiple_of3A_30] : memref<160000xi32, #tpu.memory_space<hbm>> -> memref<128xi32, #tpu.memory_space<hbm>>
      tpu.enqueue_dma source(%dma_start3A_39 : memref<128xi32, #tpu.memory_space<hbm>>) target(%arg6 : memref<128xi32, #tpu.memory_space<vmem>>) target_semaphore(%run_scoped3A : memref<!tpu.dma_semaphore, #tpu.memory_space<semaphore_mem>>)
      %dma_wait3A_40 = tpu.memref_slice %arg3[%multiple_of3A_30] : memref<160000xi32, #tpu.memory_space<hbm>> -> memref<128xi32, #tpu.memory_space<hbm>>
      %dma_wait3A_41 = tpu.memref_slice %arg3[%multiple_of3A_30] : memref<160000xi32, #tpu.memory_space<hbm>> -> memref<128xi32, #tpu.memory_space<hbm>>
      tpu.wait_dma2 semaphore(%run_scoped3A : memref<!tpu.dma_semaphore, #tpu.memory_space<semaphore_mem>>) src(%dma_wait3A_41 : memref<128xi32, #tpu.memory_space<hbm>>) dst(%arg6 : memref<128xi32, #tpu.memory_space<vmem>>)
      tpu.yield
    }) : () -> ()
    "tpu.region"() ({
      %run_scoped3A = tpu.sem_alloc : memref<!tpu.dma_semaphore, #tpu.memory_space<semaphore_mem>>
      %dma_start3A_38 = tpu.memref_slice %arg4[%multiple_of3A_30] : memref<160000xi32, #tpu.memory_space<hbm>> -> memref<128xi32, #tpu.memory_space<hbm>>
      %dma_start3A_39 = tpu.memref_slice %arg4[%multiple_of3A_30] : memref<160000xi32, #tpu.memory_space<hbm>> -> memref<128xi32, #tpu.memory_space<hbm>>
      tpu.enqueue_dma source(%dma_start3A_39 : memref<128xi32, #tpu.memory_space<hbm>>) target(%arg7 : memref<128xi32, #tpu.memory_space<vmem>>) target_semaphore(%run_scoped3A : memref<!tpu.dma_semaphore, #tpu.memory_space<semaphore_mem>>)
      %dma_wait3A_40 = tpu.memref_slice %arg4[%multiple_of3A_30] : memref<160000xi32, #tpu.memory_space<hbm>> -> memref<128xi32, #tpu.memory_space<hbm>>
      %dma_wait3A_41 = tpu.memref_slice %arg4[%multiple_of3A_30] : memref<160000xi32, #tpu.memory_space<hbm>> -> memref<128xi32, #tpu.memory_space<hbm>>
      tpu.wait_dma2 semaphore(%run_scoped3A : memref<!tpu.dma_semaphore, #tpu.memory_space<semaphore_mem>>) src(%dma_wait3A_41 : memref<128xi32, #tpu.memory_space<hbm>>) dst(%arg7 : memref<128xi32, #tpu.memory_space<vmem>>)
      tpu.yield
    }) : () -> ()
    %dma_start3A = arith.constant 0 : i32
    %dma_start3A_31 = arith.constant 0 : i32
    %dma_start3A_32 = tpu.memref_slice %arg2[%dma_start3A, %dma_start3A_31] : memref<10000x128xf32, #tpu.memory_space<hbm>> -> memref<10000x128xf32, #tpu.memory_space<hbm>>
    tpu.enqueue_indirect_dma source(%dma_start3A_32 : memref<10000x128xf32, #tpu.memory_space<hbm>>) target(%arg12 : memref<128x128xf32, #tpu.memory_space<vmem>>) offsets(%arg6 : memref<128xi32, #tpu.memory_space<vmem>>) semaphore(%arg17 : memref<!tpu.dma_semaphore, #tpu.memory_space<semaphore_mem>>)
    %dma_wait3A = arith.constant 0 : i32
    %dma_wait3A_33 = arith.constant 0 : i32
    %dma_wait3A_34 = tpu.memref_slice %arg2[%dma_wait3A, %dma_wait3A_33] : memref<10000x128xf32, #tpu.memory_space<hbm>> -> memref<10000x128xf32, #tpu.memory_space<hbm>>
    tpu.wait_indirect_dma semaphore(%arg17 : memref<!tpu.dma_semaphore, #tpu.memory_space<semaphore_mem>>) src(%dma_wait3A_34 : memref<10000x128xf32, #tpu.memory_space<hbm>>) dst(%arg12 : memref<128x128xf32, #tpu.memory_space<vmem>>)
    "tpu.region"() ({
      %run_scoped3A = tpu.sem_alloc : memref<!tpu.dma_semaphore, #tpu.memory_space<semaphore_mem>>
      %dma_start3A_38 = arith.constant 0 : i32
      %dma_start3A_39 = arith.constant 0 : i32
      %dma_start3A_40 = tpu.memref_slice %arg15[%dma_start3A_38, %dma_start3A_39] : memref<10000x128xf32, #tpu.memory_space<vmem_shared>> -> memref<10000x128xf32, #tpu.memory_space<vmem_shared>>
      tpu.enqueue_indirect_dma source(%arg12 : memref<128x128xf32, #tpu.memory_space<vmem>>) target(%dma_start3A_40 : memref<10000x128xf32, #tpu.memory_space<vmem_shared>>) offsets(%arg7 : memref<128xi32, #tpu.memory_space<vmem>>) semaphore(%run_scoped3A : memref<!tpu.dma_semaphore, #tpu.memory_space<semaphore_mem>>) {add = true}
      %dma_wait3A_41 = arith.constant 0 : i32
      %dma_wait3A_42 = arith.constant 0 : i32
      %dma_wait3A_43 = tpu.memref_slice %arg15[%dma_wait3A_41, %dma_wait3A_42] : memref<10000x128xf32, #tpu.memory_space<vmem_shared>> -> memref<10000x128xf32, #tpu.memory_space<vmem_shared>>
      tpu.wait_indirect_dma semaphore(%run_scoped3A : memref<!tpu.dma_semaphore, #tpu.memory_space<semaphore_mem>>) src(%arg12 : memref<128x128xf32, #tpu.memory_space<vmem>>) dst(%dma_wait3A_43 : memref<10000x128xf32, #tpu.memory_space<vmem_shared>>)
      tpu.yield
    }) : () -> ()
    %lt3A = arith.constant 2 : i32
    %lt3A_35 = arith.cmpi slt, %add3A, %lt3A : i32
    %convert_element_type3A = arith.extui %lt3A_35 : i1 to i32
    %cond3A = arith.constant 0 : i32
    %cond3A_36 = arith.cmpi ne, %convert_element_type3A, %cond3A : i32
    scf.if %cond3A_36 {
      %mul3A_38 = arith.constant 128 : i32
      %mul3A_39 = arith.muli %add3A, %mul3A_38 : i32
      %add3A_40 = arith.constant 159744 : i32
      %add3A_41 = arith.addi %add3A_40, %mul3A_39 : i32
      %multiple_of3A_42 = tpu.assume_multiple %add3A_41, 8 : i32
      "tpu.region"() ({
        %run_scoped3A = tpu.sem_alloc : memref<!tpu.dma_semaphore, #tpu.memory_space<semaphore_mem>>
        %dma_start3A_49 = tpu.memref_slice %arg3[%multiple_of3A_42] : memref<160000xi32, #tpu.memory_space<hbm>> -> memref<128xi32, #tpu.memory_space<hbm>>
        %dma_start3A_50 = tpu.memref_slice %arg3[%multiple_of3A_42] : memref<160000xi32, #tpu.memory_space<hbm>> -> memref<128xi32, #tpu.memory_space<hbm>>
        tpu.enqueue_dma source(%dma_start3A_50 : memref<128xi32, #tpu.memory_space<hbm>>) target(%arg8 : memref<128xi32, #tpu.memory_space<vmem>>) target_semaphore(%run_scoped3A : memref<!tpu.dma_semaphore, #tpu.memory_space<semaphore_mem>>)
        %dma_wait3A_51 = tpu.memref_slice %arg3[%multiple_of3A_42] : memref<160000xi32, #tpu.memory_space<hbm>> -> memref<128xi32, #tpu.memory_space<hbm>>
        %dma_wait3A_52 = tpu.memref_slice %arg3[%multiple_of3A_42] : memref<160000xi32, #tpu.memory_space<hbm>> -> memref<128xi32, #tpu.memory_space<hbm>>
        tpu.wait_dma2 semaphore(%run_scoped3A : memref<!tpu.dma_semaphore, #tpu.memory_space<semaphore_mem>>) src(%dma_wait3A_52 : memref<128xi32, #tpu.memory_space<hbm>>) dst(%arg8 : memref<128xi32, #tpu.memory_space<vmem>>)
        tpu.yield
      }) : () -> ()
      "tpu.region"() ({
        %run_scoped3A = tpu.sem_alloc : memref<!tpu.dma_semaphore, #tpu.memory_space<semaphore_mem>>
        %dma_start3A_49 = tpu.memref_slice %arg4[%multiple_of3A_42] : memref<160000xi32, #tpu.memory_space<hbm>> -> memref<128xi32, #tpu.memory_space<hbm>>
        %dma_start3A_50 = tpu.memref_slice %arg4[%multiple_of3A_42] : memref<160000xi32, #tpu.memory_space<hbm>> -> memref<128xi32, #tpu.memory_space<hbm>>
        tpu.enqueue_dma source(%dma_start3A_50 : memref<128xi32, #tpu.memory_space<hbm>>) target(%arg9 : memref<128xi32, #tpu.memory_space<vmem>>) target_semaphore(%run_scoped3A : memref<!tpu.dma_semaphore, #tpu.memory_space<semaphore_mem>>)
        %dma_wait3A_51 = tpu.memref_slice %arg4[%multiple_of3A_42] : memref<160000xi32, #tpu.memory_space<hbm>> -> memref<128xi32, #tpu.memory_space<hbm>>
        %dma_wait3A_52 = tpu.memref_slice %arg4[%multiple_of3A_42] : memref<160000xi32, #tpu.memory_space<hbm>> -> memref<128xi32, #tpu.memory_space<hbm>>
        tpu.wait_dma2 semaphore(%run_scoped3A : memref<!tpu.dma_semaphore, #tpu.memory_space<semaphore_mem>>) src(%dma_wait3A_52 : memref<128xi32, #tpu.memory_space<hbm>>) dst(%arg9 : memref<128xi32, #tpu.memory_space<vmem>>)
        tpu.yield
      }) : () -> ()
      %dma_start3A_43 = arith.constant 0 : i32
      %dma_start3A_44 = arith.constant 0 : i32
      %dma_start3A_45 = tpu.memref_slice %arg2[%dma_start3A_43, %dma_start3A_44] : memref<10000x128xf32, #tpu.memory_space<hbm>> -> memref<10000x128xf32, #tpu.memory_space<hbm>>
      tpu.enqueue_indirect_dma source(%dma_start3A_45 : memref<10000x128xf32, #tpu.memory_space<hbm>>) target(%arg13 : memref<128x128xf32, #tpu.memory_space<vmem>>) offsets(%arg8 : memref<128xi32, #tpu.memory_space<vmem>>) semaphore(%arg18 : memref<!tpu.dma_semaphore, #tpu.memory_space<semaphore_mem>>)
      %dma_wait3A_46 = arith.constant 0 : i32
      %dma_wait3A_47 = arith.constant 0 : i32
      %dma_wait3A_48 = tpu.memref_slice %arg2[%dma_wait3A_46, %dma_wait3A_47] : memref<10000x128xf32, #tpu.memory_space<hbm>> -> memref<10000x128xf32, #tpu.memory_space<hbm>>
      tpu.wait_indirect_dma semaphore(%arg18 : memref<!tpu.dma_semaphore, #tpu.memory_space<semaphore_mem>>) src(%dma_wait3A_48 : memref<10000x128xf32, #tpu.memory_space<hbm>>) dst(%arg13 : memref<128x128xf32, #tpu.memory_space<vmem>>)
      "tpu.region"() ({
        %run_scoped3A = tpu.sem_alloc : memref<!tpu.dma_semaphore, #tpu.memory_space<semaphore_mem>>
        %dma_start3A_49 = arith.constant 0 : i32
        %dma_start3A_50 = arith.constant 0 : i32
        %dma_start3A_51 = tpu.memref_slice %arg15[%dma_start3A_49, %dma_start3A_50] : memref<10000x128xf32, #tpu.memory_space<vmem_shared>> -> memref<10000x128xf32, #tpu.memory_space<vmem_shared>>
        tpu.enqueue_indirect_dma source(%arg13 : memref<128x128xf32, #tpu.memory_space<vmem>>) target(%dma_start3A_51 : memref<10000x128xf32, #tpu.memory_space<vmem_shared>>) offsets(%arg9 : memref<128xi32, #tpu.memory_space<vmem>>) semaphore(%run_scoped3A : memref<!tpu.dma_semaphore, #tpu.memory_space<semaphore_mem>>) {add = true}
        %dma_wait3A_52 = arith.constant 0 : i32
        %dma_wait3A_53 = arith.constant 0 : i32
        %dma_wait3A_54 = tpu.memref_slice %arg15[%dma_wait3A_52, %dma_wait3A_53] : memref<10000x128xf32, #tpu.memory_space<vmem_shared>> -> memref<10000x128xf32, #tpu.memory_space<vmem_shared>>
        tpu.wait_indirect_dma semaphore(%run_scoped3A : memref<!tpu.dma_semaphore, #tpu.memory_space<semaphore_mem>>) src(%arg13 : memref<128x128xf32, #tpu.memory_space<vmem>>) dst(%dma_wait3A_54 : memref<10000x128xf32, #tpu.memory_space<vmem_shared>>)
        tpu.yield
      }) : () -> ()
    } else {
    }
    %barrier3A_37 = arith.constant 0 : index
    tpu.barrier barrier_id(%barrier3A_37)
    "tpu.region"() ({
      %run_scoped3A = tpu.sem_alloc : memref<!tpu.dma_semaphore, #tpu.memory_space<semaphore_mem>>
      %dma_start3A_38 = arith.constant 0 : i32
      %dma_start3A_39 = tpu.memref_slice %arg5[%arg0, %multiple_of3A, %dma_start3A_38] : memref<2x10000x128xf32, #tpu.memory_space<hbm>> -> memref<1x632x128xf32, #tpu.memory_space<hbm>>
      %dma_start3A_40 = tpu.memref_squeeze %dma_start3A_39 : memref<1x632x128xf32, #tpu.memory_space<hbm>> -> memref<632x128xf32, #tpu.memory_space<hbm>>
      %dma_start3A_41 = arith.constant 0 : i32
      %dma_start3A_42 = tpu.memref_slice %arg15[%multiple_of3A, %dma_start3A_41] : memref<10000x128xf32, #tpu.memory_space<vmem_shared>> -> memref<632x128xf32, #tpu.memory_space<vmem_shared>>
      tpu.enqueue_dma source(%dma_start3A_42 : memref<632x128xf32, #tpu.memory_space<vmem_shared>>) target(%dma_start3A_40 : memref<632x128xf32, #tpu.memory_space<hbm>>) target_semaphore(%run_scoped3A : memref<!tpu.dma_semaphore, #tpu.memory_space<semaphore_mem>>)
      %dma_wait3A_43 = arith.constant 0 : i32
      %dma_wait3A_44 = tpu.memref_slice %arg5[%arg0, %multiple_of3A, %dma_wait3A_43] : memref<2x10000x128xf32, #tpu.memory_space<hbm>> -> memref<1x632x128xf32, #tpu.memory_space<hbm>>
      %dma_wait3A_45 = tpu.memref_squeeze %dma_wait3A_44 : memref<1x632x128xf32, #tpu.memory_space<hbm>> -> memref<632x128xf32, #tpu.memory_space<hbm>>
      %dma_wait3A_46 = arith.constant 0 : i32
      %dma_wait3A_47 = tpu.memref_slice %arg15[%multiple_of3A, %dma_wait3A_46] : memref<10000x128xf32, #tpu.memory_space<vmem_shared>> -> memref<632x128xf32, #tpu.memory_space<vmem_shared>>
      tpu.wait_dma2 semaphore(%run_scoped3A : memref<!tpu.dma_semaphore, #tpu.memory_space<semaphore_mem>>) src(%dma_wait3A_47 : memref<632x128xf32, #tpu.memory_space<vmem_shared>>) dst(%dma_wait3A_45 : memref<632x128xf32, #tpu.memory_space<hbm>>)
      tpu.yield
    }) : () -> ()
    return
  }
}

#map = affine_map<(d0, d1) -> (0, 0)>
#map1 = affine_map<(d0, d1) -> (0)>
#map2 = affine_map<(d0, d1) -> (0, 0, 0)>
module attributes {stable_mosaic.version = 14 : i64} {
  func.func @_sc_escatter_body(%arg0: i32, %arg1: i32, %arg2: memref<160000x128xf32, #tpu.memory_space<hbm>>, %arg3: memref<160000xi32, #tpu.memory_space<hbm>>, %arg4: memref<2x10000x128xf32, #tpu.memory_space<hbm>>, %arg5: memref<128xi32, #tpu.memory_space<vmem>>, %arg6: memref<128xi32, #tpu.memory_space<vmem>>, %arg7: memref<128xi32, #tpu.memory_space<vmem>>, %arg8: memref<128x128xf32, #tpu.memory_space<vmem>>, %arg9: memref<128x128xf32, #tpu.memory_space<vmem>>, %arg10: memref<128x128xf32, #tpu.memory_space<vmem>>, %arg11: memref<10000x128xf32, #tpu.memory_space<vmem_shared>>, %arg12: memref<!tpu.dma_semaphore, #tpu.memory_space<semaphore_mem>>, %arg13: memref<!tpu.dma_semaphore, #tpu.memory_space<semaphore_mem>>) attributes {dimension_semantics = [#tpu.dimension_semantics<core_parallel>, #tpu.dimension_semantics<subcore_parallel>], iteration_bounds = array<i64: 2, 16>, scalar_prefetch = 0 : i64, scratch_operands = 9 : i64, tpu.core_type = #tpu.core_type<sc_vector_subcore>, window_params = [{transform_indices = #map}, {transform_indices = #map1}, {transform_indices = #map2}]} {
    %mul3A = arith.constant 2 : i32
    %mul3A_0 = arith.muli %arg1, %mul3A : i32
    %add3A = arith.addi %mul3A_0, %arg0 : i32
    %mul3A_1 = arith.constant 632 : i32
    %mul3A_2 = arith.muli %arg1, %mul3A_1 : i32
    %min3A = arith.constant 9368 : i32
    %min3A_3 = arith.minsi %mul3A_2, %min3A : i32
    %multiple_of3A = tpu.assume_multiple %min3A_3, 8 : i32
    %scan3A = arith.constant 0 : i32
    %scan3A_4 = arith.constant 0 : i32
    %scan3A_5 = arith.constant 128 : i32
    %scan3A_6 = arith.addi %scan3A_4, %scan3A_5 : i32
    %scan3A_7 = arith.constant 1 : i32
    scf.for %scan3A_31 = %scan3A_4 to %scan3A_6 step %scan3A_7  : i32 {
      %broadcast_in_dim3A = arith.constant 0.000000e+00 : f32
      %broadcast_in_dim3A_32 = vector.broadcast %broadcast_in_dim3A : f32 to vector<16xf32>
      %swap3A = arith.index_cast %scan3A_31 : i32 to index
      %swap3A_33 = arith.constant 0 : index
      %swap3A_34 = tpu.vector_load %arg8[%swap3A, %swap3A_33] {strides = array<i32>} : memref<128x128xf32, #tpu.memory_space<vmem>>, vector<1x16xf32>,
      %swap3A_35 = vector.shape_cast %swap3A_34 : vector<1x16xf32> to vector<16xf32>
      %swap3A_36 = vector.shape_cast %broadcast_in_dim3A_32 : vector<16xf32> to vector<1x16xf32>
      tpu.vector_store %arg8[%swap3A, %swap3A_33], %swap3A_36 {strides = array<i32>} : memref<128x128xf32, #tpu.memory_space<vmem>>, vector<1x16xf32>,
      %broadcast_in_dim3A_37 = arith.constant 0.000000e+00 : f32
      %broadcast_in_dim3A_38 = vector.broadcast %broadcast_in_dim3A_37 : f32 to vector<16xf32>
      %swap3A_39 = arith.index_cast %scan3A_31 : i32 to index
      %swap3A_40 = arith.constant 16 : index
      %swap3A_41 = tpu.vector_load %arg8[%swap3A_39, %swap3A_40] {strides = array<i32>} : memref<128x128xf32, #tpu.memory_space<vmem>>, vector<1x16xf32>,
      %swap3A_42 = vector.shape_cast %swap3A_41 : vector<1x16xf32> to vector<16xf32>
      %swap3A_43 = vector.shape_cast %broadcast_in_dim3A_38 : vector<16xf32> to vector<1x16xf32>
      tpu.vector_store %arg8[%swap3A_39, %swap3A_40], %swap3A_43 {strides = array<i32>} : memref<128x128xf32, #tpu.memory_space<vmem>>, vector<1x16xf32>,
      %broadcast_in_dim3A_44 = arith.constant 0.000000e+00 : f32
      %broadcast_in_dim3A_45 = vector.broadcast %broadcast_in_dim3A_44 : f32 to vector<16xf32>
      %swap3A_46 = arith.index_cast %scan3A_31 : i32 to index
      %swap3A_47 = arith.constant 32 : index
      %swap3A_48 = tpu.vector_load %arg8[%swap3A_46, %swap3A_47] {strides = array<i32>} : memref<128x128xf32, #tpu.memory_space<vmem>>, vector<1x16xf32>,
      %swap3A_49 = vector.shape_cast %swap3A_48 : vector<1x16xf32> to vector<16xf32>
      %swap3A_50 = vector.shape_cast %broadcast_in_dim3A_45 : vector<16xf32> to vector<1x16xf32>
      tpu.vector_store %arg8[%swap3A_46, %swap3A_47], %swap3A_50 {strides = array<i32>} : memref<128x128xf32, #tpu.memory_space<vmem>>, vector<1x16xf32>,
      %broadcast_in_dim3A_51 = arith.constant 0.000000e+00 : f32
      %broadcast_in_dim3A_52 = vector.broadcast %broadcast_in_dim3A_51 : f32 to vector<16xf32>
      %swap3A_53 = arith.index_cast %scan3A_31 : i32 to index
      %swap3A_54 = arith.constant 48 : index
      %swap3A_55 = tpu.vector_load %arg8[%swap3A_53, %swap3A_54] {strides = array<i32>} : memref<128x128xf32, #tpu.memory_space<vmem>>, vector<1x16xf32>,
      %swap3A_56 = vector.shape_cast %swap3A_55 : vector<1x16xf32> to vector<16xf32>
      %swap3A_57 = vector.shape_cast %broadcast_in_dim3A_52 : vector<16xf32> to vector<1x16xf32>
      tpu.vector_store %arg8[%swap3A_53, %swap3A_54], %swap3A_57 {strides = array<i32>} : memref<128x128xf32, #tpu.memory_space<vmem>>, vector<1x16xf32>,
      %broadcast_in_dim3A_58 = arith.constant 0.000000e+00 : f32
      %broadcast_in_dim3A_59 = vector.broadcast %broadcast_in_dim3A_58 : f32 to vector<16xf32>
      %swap3A_60 = arith.index_cast %scan3A_31 : i32 to index
      %swap3A_61 = arith.constant 64 : index
      %swap3A_62 = tpu.vector_load %arg8[%swap3A_60, %swap3A_61] {strides = array<i32>} : memref<128x128xf32, #tpu.memory_space<vmem>>, vector<1x16xf32>,
      %swap3A_63 = vector.shape_cast %swap3A_62 : vector<1x16xf32> to vector<16xf32>
      %swap3A_64 = vector.shape_cast %broadcast_in_dim3A_59 : vector<16xf32> to vector<1x16xf32>
      tpu.vector_store %arg8[%swap3A_60, %swap3A_61], %swap3A_64 {strides = array<i32>} : memref<128x128xf32, #tpu.memory_space<vmem>>, vector<1x16xf32>,
      %broadcast_in_dim3A_65 = arith.constant 0.000000e+00 : f32
      %broadcast_in_dim3A_66 = vector.broadcast %broadcast_in_dim3A_65 : f32 to vector<16xf32>
      %swap3A_67 = arith.index_cast %scan3A_31 : i32 to index
      %swap3A_68 = arith.constant 80 : index
      %swap3A_69 = tpu.vector_load %arg8[%swap3A_67, %swap3A_68] {strides = array<i32>} : memref<128x128xf32, #tpu.memory_space<vmem>>, vector<1x16xf32>,
      %swap3A_70 = vector.shape_cast %swap3A_69 : vector<1x16xf32> to vector<16xf32>
      %swap3A_71 = vector.shape_cast %broadcast_in_dim3A_66 : vector<16xf32> to vector<1x16xf32>
      tpu.vector_store %arg8[%swap3A_67, %swap3A_68], %swap3A_71 {strides = array<i32>} : memref<128x128xf32, #tpu.memory_space<vmem>>, vector<1x16xf32>,
      %broadcast_in_dim3A_72 = arith.constant 0.000000e+00 : f32
      %broadcast_in_dim3A_73 = vector.broadcast %broadcast_in_dim3A_72 : f32 to vector<16xf32>
      %swap3A_74 = arith.index_cast %scan3A_31 : i32 to index
      %swap3A_75 = arith.constant 96 : index
      %swap3A_76 = tpu.vector_load %arg8[%swap3A_74, %swap3A_75] {strides = array<i32>} : memref<128x128xf32, #tpu.memory_space<vmem>>, vector<1x16xf32>,
      %swap3A_77 = vector.shape_cast %swap3A_76 : vector<1x16xf32> to vector<16xf32>
      %swap3A_78 = vector.shape_cast %broadcast_in_dim3A_73 : vector<16xf32> to vector<1x16xf32>
      tpu.vector_store %arg8[%swap3A_74, %swap3A_75], %swap3A_78 {strides = array<i32>} : memref<128x128xf32, #tpu.memory_space<vmem>>, vector<1x16xf32>,
      %broadcast_in_dim3A_79 = arith.constant 0.000000e+00 : f32
      %broadcast_in_dim3A_80 = vector.broadcast %broadcast_in_dim3A_79 : f32 to vector<16xf32>
      %swap3A_81 = arith.index_cast %scan3A_31 : i32 to index
      %swap3A_82 = arith.constant 112 : index
      %swap3A_83 = tpu.vector_load %arg8[%swap3A_81, %swap3A_82] {strides = array<i32>} : memref<128x128xf32, #tpu.memory_space<vmem>>, vector<1x16xf32>,
      %swap3A_84 = vector.shape_cast %swap3A_83 : vector<1x16xf32> to vector<16xf32>
      %swap3A_85 = vector.shape_cast %broadcast_in_dim3A_80 : vector<16xf32> to vector<1x16xf32>
      tpu.vector_store %arg8[%swap3A_81, %swap3A_82], %swap3A_85 {strides = array<i32>} : memref<128x128xf32, #tpu.memory_space<vmem>>, vector<1x16xf32>,
    }
    %scan3A_8 = arith.constant 128 : i32
    %add3A_9 = arith.constant 0 : i32
    %add3A_10 = arith.addi %multiple_of3A, %add3A_9 : i32
    "tpu.region"() ({
      %run_scoped3A = tpu.sem_alloc : memref<!tpu.dma_semaphore, #tpu.memory_space<semaphore_mem>>
      %dma_start3A = arith.constant 0 : i32
      %dma_start3A_31 = arith.constant 0 : i32
      %dma_start3A_32 = tpu.memref_slice %arg8[%dma_start3A, %dma_start3A_31] : memref<128x128xf32, #tpu.memory_space<vmem>> -> memref<128x128xf32, #tpu.memory_space<vmem>>
      %dma_start3A_33 = arith.constant 0 : i32
      %dma_start3A_34 = tpu.memref_slice %arg11[%add3A_10, %dma_start3A_33] : memref<10000x128xf32, #tpu.memory_space<vmem_shared>> -> memref<128x128xf32, #tpu.memory_space<vmem_shared>>
      %dma_start3A_35 = arith.constant 0 : i32
      %dma_start3A_36 = tpu.memref_slice %arg11[%add3A_10, %dma_start3A_35] : memref<10000x128xf32, #tpu.memory_space<vmem_shared>> -> memref<128x128xf32, #tpu.memory_space<vmem_shared>>
      %dma_start3A_37 = arith.constant 0 : i32
      %dma_start3A_38 = arith.constant 0 : i32
      %dma_start3A_39 = tpu.memref_slice %arg8[%dma_start3A_37, %dma_start3A_38] : memref<128x128xf32, #tpu.memory_space<vmem>> -> memref<128x128xf32, #tpu.memory_space<vmem>>
      tpu.enqueue_dma source(%dma_start3A_39 : memref<128x128xf32, #tpu.memory_space<vmem>>) target(%dma_start3A_36 : memref<128x128xf32, #tpu.memory_space<vmem_shared>>) target_semaphore(%run_scoped3A : memref<!tpu.dma_semaphore, #tpu.memory_space<semaphore_mem>>)
      %dma_wait3A = arith.constant 0 : i32
      %dma_wait3A_40 = arith.constant 0 : i32
      %dma_wait3A_41 = tpu.memref_slice %arg8[%dma_wait3A, %dma_wait3A_40] : memref<128x128xf32, #tpu.memory_space<vmem>> -> memref<128x128xf32, #tpu.memory_space<vmem>>
      %dma_wait3A_42 = arith.constant 0 : i32
      %dma_wait3A_43 = tpu.memref_slice %arg11[%add3A_10, %dma_wait3A_42] : memref<10000x128xf32, #tpu.memory_space<vmem_shared>> -> memref<128x128xf32, #tpu.memory_space<vmem_shared>>
      %dma_wait3A_44 = arith.constant 0 : i32
      %dma_wait3A_45 = tpu.memref_slice %arg11[%add3A_10, %dma_wait3A_44] : memref<10000x128xf32, #tpu.memory_space<vmem_shared>> -> memref<128x128xf32, #tpu.memory_space<vmem_shared>>
      %dma_wait3A_46 = arith.constant 0 : i32
      %dma_wait3A_47 = arith.constant 0 : i32
      %dma_wait3A_48 = tpu.memref_slice %arg8[%dma_wait3A_46, %dma_wait3A_47] : memref<128x128xf32, #tpu.memory_space<vmem>> -> memref<128x128xf32, #tpu.memory_space<vmem>>
      tpu.wait_dma2 semaphore(%run_scoped3A : memref<!tpu.dma_semaphore, #tpu.memory_space<semaphore_mem>>) src(%dma_wait3A_48 : memref<128x128xf32, #tpu.memory_space<vmem>>) dst(%dma_wait3A_45 : memref<128x128xf32, #tpu.memory_space<vmem_shared>>)
      tpu.yield
    }) : () -> ()
    %add3A_11 = arith.constant 128 : i32
    %add3A_12 = arith.addi %multiple_of3A, %add3A_11 : i32
    "tpu.region"() ({
      %run_scoped3A = tpu.sem_alloc : memref<!tpu.dma_semaphore, #tpu.memory_space<semaphore_mem>>
      %dma_start3A = arith.constant 0 : i32
      %dma_start3A_31 = arith.constant 0 : i32
      %dma_start3A_32 = tpu.memref_slice %arg8[%dma_start3A, %dma_start3A_31] : memref<128x128xf32, #tpu.memory_space<vmem>> -> memref<128x128xf32, #tpu.memory_space<vmem>>
      %dma_start3A_33 = arith.constant 0 : i32
      %dma_start3A_34 = tpu.memref_slice %arg11[%add3A_12, %dma_start3A_33] : memref<10000x128xf32, #tpu.memory_space<vmem_shared>> -> memref<128x128xf32, #tpu.memory_space<vmem_shared>>
      %dma_start3A_35 = arith.constant 0 : i32
      %dma_start3A_36 = tpu.memref_slice %arg11[%add3A_12, %dma_start3A_35] : memref<10000x128xf32, #tpu.memory_space<vmem_shared>> -> memref<128x128xf32, #tpu.memory_space<vmem_shared>>
      %dma_start3A_37 = arith.constant 0 : i32
      %dma_start3A_38 = arith.constant 0 : i32
      %dma_start3A_39 = tpu.memref_slice %arg8[%dma_start3A_37, %dma_start3A_38] : memref<128x128xf32, #tpu.memory_space<vmem>> -> memref<128x128xf32, #tpu.memory_space<vmem>>
      tpu.enqueue_dma source(%dma_start3A_39 : memref<128x128xf32, #tpu.memory_space<vmem>>) target(%dma_start3A_36 : memref<128x128xf32, #tpu.memory_space<vmem_shared>>) target_semaphore(%run_scoped3A : memref<!tpu.dma_semaphore, #tpu.memory_space<semaphore_mem>>)
      %dma_wait3A = arith.constant 0 : i32
      %dma_wait3A_40 = arith.constant 0 : i32
      %dma_wait3A_41 = tpu.memref_slice %arg8[%dma_wait3A, %dma_wait3A_40] : memref<128x128xf32, #tpu.memory_space<vmem>> -> memref<128x128xf32, #tpu.memory_space<vmem>>
      %dma_wait3A_42 = arith.constant 0 : i32
      %dma_wait3A_43 = tpu.memref_slice %arg11[%add3A_12, %dma_wait3A_42] : memref<10000x128xf32, #tpu.memory_space<vmem_shared>> -> memref<128x128xf32, #tpu.memory_space<vmem_shared>>
      %dma_wait3A_44 = arith.constant 0 : i32
      %dma_wait3A_45 = tpu.memref_slice %arg11[%add3A_12, %dma_wait3A_44] : memref<10000x128xf32, #tpu.memory_space<vmem_shared>> -> memref<128x128xf32, #tpu.memory_space<vmem_shared>>
      %dma_wait3A_46 = arith.constant 0 : i32
      %dma_wait3A_47 = arith.constant 0 : i32
      %dma_wait3A_48 = tpu.memref_slice %arg8[%dma_wait3A_46, %dma_wait3A_47] : memref<128x128xf32, #tpu.memory_space<vmem>> -> memref<128x128xf32, #tpu.memory_space<vmem>>
      tpu.wait_dma2 semaphore(%run_scoped3A : memref<!tpu.dma_semaphore, #tpu.memory_space<semaphore_mem>>) src(%dma_wait3A_48 : memref<128x128xf32, #tpu.memory_space<vmem>>) dst(%dma_wait3A_45 : memref<128x128xf32, #tpu.memory_space<vmem_shared>>)
      tpu.yield
    }) : () -> ()
    %add3A_13 = arith.constant 256 : i32
    %add3A_14 = arith.addi %multiple_of3A, %add3A_13 : i32
    "tpu.region"() ({
      %run_scoped3A = tpu.sem_alloc : memref<!tpu.dma_semaphore, #tpu.memory_space<semaphore_mem>>
      %dma_start3A = arith.constant 0 : i32
      %dma_start3A_31 = arith.constant 0 : i32
      %dma_start3A_32 = tpu.memref_slice %arg8[%dma_start3A, %dma_start3A_31] : memref<128x128xf32, #tpu.memory_space<vmem>> -> memref<128x128xf32, #tpu.memory_space<vmem>>
      %dma_start3A_33 = arith.constant 0 : i32
      %dma_start3A_34 = tpu.memref_slice %arg11[%add3A_14, %dma_start3A_33] : memref<10000x128xf32, #tpu.memory_space<vmem_shared>> -> memref<128x128xf32, #tpu.memory_space<vmem_shared>>
      %dma_start3A_35 = arith.constant 0 : i32
      %dma_start3A_36 = tpu.memref_slice %arg11[%add3A_14, %dma_start3A_35] : memref<10000x128xf32, #tpu.memory_space<vmem_shared>> -> memref<128x128xf32, #tpu.memory_space<vmem_shared>>
      %dma_start3A_37 = arith.constant 0 : i32
      %dma_start3A_38 = arith.constant 0 : i32
      %dma_start3A_39 = tpu.memref_slice %arg8[%dma_start3A_37, %dma_start3A_38] : memref<128x128xf32, #tpu.memory_space<vmem>> -> memref<128x128xf32, #tpu.memory_space<vmem>>
      tpu.enqueue_dma source(%dma_start3A_39 : memref<128x128xf32, #tpu.memory_space<vmem>>) target(%dma_start3A_36 : memref<128x128xf32, #tpu.memory_space<vmem_shared>>) target_semaphore(%run_scoped3A : memref<!tpu.dma_semaphore, #tpu.memory_space<semaphore_mem>>)
      %dma_wait3A = arith.constant 0 : i32
      %dma_wait3A_40 = arith.constant 0 : i32
      %dma_wait3A_41 = tpu.memref_slice %arg8[%dma_wait3A, %dma_wait3A_40] : memref<128x128xf32, #tpu.memory_space<vmem>> -> memref<128x128xf32, #tpu.memory_space<vmem>>
      %dma_wait3A_42 = arith.constant 0 : i32
      %dma_wait3A_43 = tpu.memref_slice %arg11[%add3A_14, %dma_wait3A_42] : memref<10000x128xf32, #tpu.memory_space<vmem_shared>> -> memref<128x128xf32, #tpu.memory_space<vmem_shared>>
      %dma_wait3A_44 = arith.constant 0 : i32
      %dma_wait3A_45 = tpu.memref_slice %arg11[%add3A_14, %dma_wait3A_44] : memref<10000x128xf32, #tpu.memory_space<vmem_shared>> -> memref<128x128xf32, #tpu.memory_space<vmem_shared>>
      %dma_wait3A_46 = arith.constant 0 : i32
      %dma_wait3A_47 = arith.constant 0 : i32
      %dma_wait3A_48 = tpu.memref_slice %arg8[%dma_wait3A_46, %dma_wait3A_47] : memref<128x128xf32, #tpu.memory_space<vmem>> -> memref<128x128xf32, #tpu.memory_space<vmem>>
      tpu.wait_dma2 semaphore(%run_scoped3A : memref<!tpu.dma_semaphore, #tpu.memory_space<semaphore_mem>>) src(%dma_wait3A_48 : memref<128x128xf32, #tpu.memory_space<vmem>>) dst(%dma_wait3A_45 : memref<128x128xf32, #tpu.memory_space<vmem_shared>>)
      tpu.yield
    }) : () -> ()
    %add3A_15 = arith.constant 384 : i32
    %add3A_16 = arith.addi %multiple_of3A, %add3A_15 : i32
    "tpu.region"() ({
      %run_scoped3A = tpu.sem_alloc : memref<!tpu.dma_semaphore, #tpu.memory_space<semaphore_mem>>
      %dma_start3A = arith.constant 0 : i32
      %dma_start3A_31 = arith.constant 0 : i32
      %dma_start3A_32 = tpu.memref_slice %arg8[%dma_start3A, %dma_start3A_31] : memref<128x128xf32, #tpu.memory_space<vmem>> -> memref<128x128xf32, #tpu.memory_space<vmem>>
      %dma_start3A_33 = arith.constant 0 : i32
      %dma_start3A_34 = tpu.memref_slice %arg11[%add3A_16, %dma_start3A_33] : memref<10000x128xf32, #tpu.memory_space<vmem_shared>> -> memref<128x128xf32, #tpu.memory_space<vmem_shared>>
      %dma_start3A_35 = arith.constant 0 : i32
      %dma_start3A_36 = tpu.memref_slice %arg11[%add3A_16, %dma_start3A_35] : memref<10000x128xf32, #tpu.memory_space<vmem_shared>> -> memref<128x128xf32, #tpu.memory_space<vmem_shared>>
      %dma_start3A_37 = arith.constant 0 : i32
      %dma_start3A_38 = arith.constant 0 : i32
      %dma_start3A_39 = tpu.memref_slice %arg8[%dma_start3A_37, %dma_start3A_38] : memref<128x128xf32, #tpu.memory_space<vmem>> -> memref<128x128xf32, #tpu.memory_space<vmem>>
      tpu.enqueue_dma source(%dma_start3A_39 : memref<128x128xf32, #tpu.memory_space<vmem>>) target(%dma_start3A_36 : memref<128x128xf32, #tpu.memory_space<vmem_shared>>) target_semaphore(%run_scoped3A : memref<!tpu.dma_semaphore, #tpu.memory_space<semaphore_mem>>)
      %dma_wait3A = arith.constant 0 : i32
      %dma_wait3A_40 = arith.constant 0 : i32
      %dma_wait3A_41 = tpu.memref_slice %arg8[%dma_wait3A, %dma_wait3A_40] : memref<128x128xf32, #tpu.memory_space<vmem>> -> memref<128x128xf32, #tpu.memory_space<vmem>>
      %dma_wait3A_42 = arith.constant 0 : i32
      %dma_wait3A_43 = tpu.memref_slice %arg11[%add3A_16, %dma_wait3A_42] : memref<10000x128xf32, #tpu.memory_space<vmem_shared>> -> memref<128x128xf32, #tpu.memory_space<vmem_shared>>
      %dma_wait3A_44 = arith.constant 0 : i32
      %dma_wait3A_45 = tpu.memref_slice %arg11[%add3A_16, %dma_wait3A_44] : memref<10000x128xf32, #tpu.memory_space<vmem_shared>> -> memref<128x128xf32, #tpu.memory_space<vmem_shared>>
      %dma_wait3A_46 = arith.constant 0 : i32
      %dma_wait3A_47 = arith.constant 0 : i32
      %dma_wait3A_48 = tpu.memref_slice %arg8[%dma_wait3A_46, %dma_wait3A_47] : memref<128x128xf32, #tpu.memory_space<vmem>> -> memref<128x128xf32, #tpu.memory_space<vmem>>
      tpu.wait_dma2 semaphore(%run_scoped3A : memref<!tpu.dma_semaphore, #tpu.memory_space<semaphore_mem>>) src(%dma_wait3A_48 : memref<128x128xf32, #tpu.memory_space<vmem>>) dst(%dma_wait3A_45 : memref<128x128xf32, #tpu.memory_space<vmem_shared>>)
      tpu.yield
    }) : () -> ()
    %add3A_17 = arith.constant 512 : i32
    %add3A_18 = arith.addi %multiple_of3A, %add3A_17 : i32
    "tpu.region"() ({
      %run_scoped3A = tpu.sem_alloc : memref<!tpu.dma_semaphore, #tpu.memory_space<semaphore_mem>>
      %dma_start3A = arith.constant 0 : i32
      %dma_start3A_31 = arith.constant 0 : i32
      %dma_start3A_32 = tpu.memref_slice %arg8[%dma_start3A, %dma_start3A_31] : memref<128x128xf32, #tpu.memory_space<vmem>> -> memref<120x128xf32, #tpu.memory_space<vmem>>
      %dma_start3A_33 = arith.constant 0 : i32
      %dma_start3A_34 = tpu.memref_slice %arg11[%add3A_18, %dma_start3A_33] : memref<10000x128xf32, #tpu.memory_space<vmem_shared>> -> memref<120x128xf32, #tpu.memory_space<vmem_shared>>
      %dma_start3A_35 = arith.constant 0 : i32
      %dma_start3A_36 = tpu.memref_slice %arg11[%add3A_18, %dma_start3A_35] : memref<10000x128xf32, #tpu.memory_space<vmem_shared>> -> memref<120x128xf32, #tpu.memory_space<vmem_shared>>
      %dma_start3A_37 = arith.constant 0 : i32
      %dma_start3A_38 = arith.constant 0 : i32
      %dma_start3A_39 = tpu.memref_slice %arg8[%dma_start3A_37, %dma_start3A_38] : memref<128x128xf32, #tpu.memory_space<vmem>> -> memref<120x128xf32, #tpu.memory_space<vmem>>
      tpu.enqueue_dma source(%dma_start3A_39 : memref<120x128xf32, #tpu.memory_space<vmem>>) target(%dma_start3A_36 : memref<120x128xf32, #tpu.memory_space<vmem_shared>>) target_semaphore(%run_scoped3A : memref<!tpu.dma_semaphore, #tpu.memory_space<semaphore_mem>>)
      %dma_wait3A = arith.constant 0 : i32
      %dma_wait3A_40 = arith.constant 0 : i32
      %dma_wait3A_41 = tpu.memref_slice %arg8[%dma_wait3A, %dma_wait3A_40] : memref<128x128xf32, #tpu.memory_space<vmem>> -> memref<120x128xf32, #tpu.memory_space<vmem>>
      %dma_wait3A_42 = arith.constant 0 : i32
      %dma_wait3A_43 = tpu.memref_slice %arg11[%add3A_18, %dma_wait3A_42] : memref<10000x128xf32, #tpu.memory_space<vmem_shared>> -> memref<120x128xf32, #tpu.memory_space<vmem_shared>>
      %dma_wait3A_44 = arith.constant 0 : i32
      %dma_wait3A_45 = tpu.memref_slice %arg11[%add3A_18, %dma_wait3A_44] : memref<10000x128xf32, #tpu.memory_space<vmem_shared>> -> memref<120x128xf32, #tpu.memory_space<vmem_shared>>
      %dma_wait3A_46 = arith.constant 0 : i32
      %dma_wait3A_47 = arith.constant 0 : i32
      %dma_wait3A_48 = tpu.memref_slice %arg8[%dma_wait3A_46, %dma_wait3A_47] : memref<128x128xf32, #tpu.memory_space<vmem>> -> memref<120x128xf32, #tpu.memory_space<vmem>>
      tpu.wait_dma2 semaphore(%run_scoped3A : memref<!tpu.dma_semaphore, #tpu.memory_space<semaphore_mem>>) src(%dma_wait3A_48 : memref<120x128xf32, #tpu.memory_space<vmem>>) dst(%dma_wait3A_45 : memref<120x128xf32, #tpu.memory_space<vmem_shared>>)
      tpu.yield
    }) : () -> ()
    %barrier3A = arith.constant 0 : index
    tpu.barrier barrier_id(%barrier3A)
    %mul3A_19 = arith.constant 4992 : i32
    %mul3A_20 = arith.muli %add3A, %mul3A_19 : i32
    %multiple_of3A_21 = tpu.assume_multiple %mul3A_20, 8 : i32
    %scan3A_22 = arith.constant 0 : i32
    %scan3A_23 = arith.constant 0 : i32
    %scan3A_24 = arith.constant 13 : i32
    %scan3A_25 = arith.addi %scan3A_23, %scan3A_24 : i32
    %scan3A_26 = arith.constant 1 : i32
    scf.for %scan3A_31 = %scan3A_23 to %scan3A_25 step %scan3A_26  : i32 {
      %mul3A_32 = arith.constant 3 : i32
      %mul3A_33 = arith.muli %mul3A_32, %scan3A_31 : i32
      %mul3A_34 = arith.constant 128 : i32
      %mul3A_35 = arith.muli %mul3A_33, %mul3A_34 : i32
      %add3A_36 = arith.addi %multiple_of3A_21, %mul3A_35 : i32
      %multiple_of3A_37 = tpu.assume_multiple %add3A_36, 8 : i32
      %add3A_38 = arith.constant 128 : i32
      %add3A_39 = arith.addi %multiple_of3A_37, %add3A_38 : i32
      %multiple_of3A_40 = tpu.assume_multiple %add3A_39, 8 : i32
      %add3A_41 = arith.constant 256 : i32
      %add3A_42 = arith.addi %multiple_of3A_37, %add3A_41 : i32
      %multiple_of3A_43 = tpu.assume_multiple %add3A_42, 8 : i32
      %dma_start3A = tpu.memref_slice %arg3[%multiple_of3A_37] : memref<160000xi32, #tpu.memory_space<hbm>> -> memref<128xi32, #tpu.memory_space<hbm>>
      %dma_start3A_44 = tpu.memref_slice %arg3[%multiple_of3A_37] : memref<160000xi32, #tpu.memory_space<hbm>> -> memref<128xi32, #tpu.memory_space<hbm>>
      tpu.enqueue_dma source(%dma_start3A_44 : memref<128xi32, #tpu.memory_space<hbm>>) target(%arg5 : memref<128xi32, #tpu.memory_space<vmem>>) target_semaphore(%arg12 : memref<!tpu.dma_semaphore, #tpu.memory_space<semaphore_mem>>)
      %dma_start3A_45 = arith.constant 0 : i32
      %dma_start3A_46 = tpu.memref_slice %arg2[%multiple_of3A_37, %dma_start3A_45] : memref<160000x128xf32, #tpu.memory_space<hbm>> -> memref<128x128xf32, #tpu.memory_space<hbm>>
      %dma_start3A_47 = arith.constant 0 : i32
      %dma_start3A_48 = tpu.memref_slice %arg2[%multiple_of3A_37, %dma_start3A_47] : memref<160000x128xf32, #tpu.memory_space<hbm>> -> memref<128x128xf32, #tpu.memory_space<hbm>>
      tpu.enqueue_dma source(%dma_start3A_48 : memref<128x128xf32, #tpu.memory_space<hbm>>) target(%arg8 : memref<128x128xf32, #tpu.memory_space<vmem>>) target_semaphore(%arg12 : memref<!tpu.dma_semaphore, #tpu.memory_space<semaphore_mem>>)
      %dma_start3A_49 = tpu.memref_slice %arg3[%multiple_of3A_40] : memref<160000xi32, #tpu.memory_space<hbm>> -> memref<128xi32, #tpu.memory_space<hbm>>
      %dma_start3A_50 = tpu.memref_slice %arg3[%multiple_of3A_40] : memref<160000xi32, #tpu.memory_space<hbm>> -> memref<128xi32, #tpu.memory_space<hbm>>
      tpu.enqueue_dma source(%dma_start3A_50 : memref<128xi32, #tpu.memory_space<hbm>>) target(%arg6 : memref<128xi32, #tpu.memory_space<vmem>>) target_semaphore(%arg12 : memref<!tpu.dma_semaphore, #tpu.memory_space<semaphore_mem>>)
      %dma_start3A_51 = arith.constant 0 : i32
      %dma_start3A_52 = tpu.memref_slice %arg2[%multiple_of3A_40, %dma_start3A_51] : memref<160000x128xf32, #tpu.memory_space<hbm>> -> memref<128x128xf32, #tpu.memory_space<hbm>>
      %dma_start3A_53 = arith.constant 0 : i32
      %dma_start3A_54 = tpu.memref_slice %arg2[%multiple_of3A_40, %dma_start3A_53] : memref<160000x128xf32, #tpu.memory_space<hbm>> -> memref<128x128xf32, #tpu.memory_space<hbm>>
      tpu.enqueue_dma source(%dma_start3A_54 : memref<128x128xf32, #tpu.memory_space<hbm>>) target(%arg9 : memref<128x128xf32, #tpu.memory_space<vmem>>) target_semaphore(%arg12 : memref<!tpu.dma_semaphore, #tpu.memory_space<semaphore_mem>>)
      %dma_start3A_55 = tpu.memref_slice %arg3[%multiple_of3A_43] : memref<160000xi32, #tpu.memory_space<hbm>> -> memref<128xi32, #tpu.memory_space<hbm>>
      %dma_start3A_56 = tpu.memref_slice %arg3[%multiple_of3A_43] : memref<160000xi32, #tpu.memory_space<hbm>> -> memref<128xi32, #tpu.memory_space<hbm>>
      tpu.enqueue_dma source(%dma_start3A_56 : memref<128xi32, #tpu.memory_space<hbm>>) target(%arg7 : memref<128xi32, #tpu.memory_space<vmem>>) target_semaphore(%arg12 : memref<!tpu.dma_semaphore, #tpu.memory_space<semaphore_mem>>)
      %dma_start3A_57 = arith.constant 0 : i32
      %dma_start3A_58 = tpu.memref_slice %arg2[%multiple_of3A_43, %dma_start3A_57] : memref<160000x128xf32, #tpu.memory_space<hbm>> -> memref<128x128xf32, #tpu.memory_space<hbm>>
      %dma_start3A_59 = arith.constant 0 : i32
      %dma_start3A_60 = tpu.memref_slice %arg2[%multiple_of3A_43, %dma_start3A_59] : memref<160000x128xf32, #tpu.memory_space<hbm>> -> memref<128x128xf32, #tpu.memory_space<hbm>>
      tpu.enqueue_dma source(%dma_start3A_60 : memref<128x128xf32, #tpu.memory_space<hbm>>) target(%arg10 : memref<128x128xf32, #tpu.memory_space<vmem>>) target_semaphore(%arg12 : memref<!tpu.dma_semaphore, #tpu.memory_space<semaphore_mem>>)
      %dma_wait3A = tpu.memref_slice %arg3[%multiple_of3A_37] : memref<160000xi32, #tpu.memory_space<hbm>> -> memref<128xi32, #tpu.memory_space<hbm>>
      %dma_wait3A_61 = tpu.memref_slice %arg3[%multiple_of3A_37] : memref<160000xi32, #tpu.memory_space<hbm>> -> memref<128xi32, #tpu.memory_space<hbm>>
      tpu.wait_dma2 semaphore(%arg12 : memref<!tpu.dma_semaphore, #tpu.memory_space<semaphore_mem>>) src(%dma_wait3A_61 : memref<128xi32, #tpu.memory_space<hbm>>) dst(%arg5 : memref<128xi32, #tpu.memory_space<vmem>>)
      %dma_wait3A_62 = arith.constant 0 : i32
      %dma_wait3A_63 = tpu.memref_slice %arg2[%multiple_of3A_37, %dma_wait3A_62] : memref<160000x128xf32, #tpu.memory_space<hbm>> -> memref<128x128xf32, #tpu.memory_space<hbm>>
      %dma_wait3A_64 = arith.constant 0 : i32
      %dma_wait3A_65 = tpu.memref_slice %arg2[%multiple_of3A_37, %dma_wait3A_64] : memref<160000x128xf32, #tpu.memory_space<hbm>> -> memref<128x128xf32, #tpu.memory_space<hbm>>
      tpu.wait_dma2 semaphore(%arg12 : memref<!tpu.dma_semaphore, #tpu.memory_space<semaphore_mem>>) src(%dma_wait3A_65 : memref<128x128xf32, #tpu.memory_space<hbm>>) dst(%arg8 : memref<128x128xf32, #tpu.memory_space<vmem>>)
      %dma_wait3A_66 = tpu.memref_slice %arg3[%multiple_of3A_40] : memref<160000xi32, #tpu.memory_space<hbm>> -> memref<128xi32, #tpu.memory_space<hbm>>
      %dma_wait3A_67 = tpu.memref_slice %arg3[%multiple_of3A_40] : memref<160000xi32, #tpu.memory_space<hbm>> -> memref<128xi32, #tpu.memory_space<hbm>>
      tpu.wait_dma2 semaphore(%arg12 : memref<!tpu.dma_semaphore, #tpu.memory_space<semaphore_mem>>) src(%dma_wait3A_67 : memref<128xi32, #tpu.memory_space<hbm>>) dst(%arg6 : memref<128xi32, #tpu.memory_space<vmem>>)
      %dma_wait3A_68 = arith.constant 0 : i32
      %dma_wait3A_69 = tpu.memref_slice %arg2[%multiple_of3A_40, %dma_wait3A_68] : memref<160000x128xf32, #tpu.memory_space<hbm>> -> memref<128x128xf32, #tpu.memory_space<hbm>>
      %dma_wait3A_70 = arith.constant 0 : i32
      %dma_wait3A_71 = tpu.memref_slice %arg2[%multiple_of3A_40, %dma_wait3A_70] : memref<160000x128xf32, #tpu.memory_space<hbm>> -> memref<128x128xf32, #tpu.memory_space<hbm>>
      tpu.wait_dma2 semaphore(%arg12 : memref<!tpu.dma_semaphore, #tpu.memory_space<semaphore_mem>>) src(%dma_wait3A_71 : memref<128x128xf32, #tpu.memory_space<hbm>>) dst(%arg9 : memref<128x128xf32, #tpu.memory_space<vmem>>)
      %dma_wait3A_72 = tpu.memref_slice %arg3[%multiple_of3A_43] : memref<160000xi32, #tpu.memory_space<hbm>> -> memref<128xi32, #tpu.memory_space<hbm>>
      %dma_wait3A_73 = tpu.memref_slice %arg3[%multiple_of3A_43] : memref<160000xi32, #tpu.memory_space<hbm>> -> memref<128xi32, #tpu.memory_space<hbm>>
      tpu.wait_dma2 semaphore(%arg12 : memref<!tpu.dma_semaphore, #tpu.memory_space<semaphore_mem>>) src(%dma_wait3A_73 : memref<128xi32, #tpu.memory_space<hbm>>) dst(%arg7 : memref<128xi32, #tpu.memory_space<vmem>>)
      %dma_wait3A_74 = arith.constant 0 : i32
      %dma_wait3A_75 = tpu.memref_slice %arg2[%multiple_of3A_43, %dma_wait3A_74] : memref<160000x128xf32, #tpu.memory_space<hbm>> -> memref<128x128xf32, #tpu.memory_space<hbm>>
      %dma_wait3A_76 = arith.constant 0 : i32
      %dma_wait3A_77 = tpu.memref_slice %arg2[%multiple_of3A_43, %dma_wait3A_76] : memref<160000x128xf32, #tpu.memory_space<hbm>> -> memref<128x128xf32, #tpu.memory_space<hbm>>
      tpu.wait_dma2 semaphore(%arg12 : memref<!tpu.dma_semaphore, #tpu.memory_space<semaphore_mem>>) src(%dma_wait3A_77 : memref<128x128xf32, #tpu.memory_space<hbm>>) dst(%arg10 : memref<128x128xf32, #tpu.memory_space<vmem>>)
      %dma_start3A_78 = arith.constant 0 : i32
      %dma_start3A_79 = arith.constant 0 : i32
      %dma_start3A_80 = tpu.memref_slice %arg11[%dma_start3A_78, %dma_start3A_79] : memref<10000x128xf32, #tpu.memory_space<vmem_shared>> -> memref<10000x128xf32, #tpu.memory_space<vmem_shared>>
      tpu.enqueue_indirect_dma source(%arg8 : memref<128x128xf32, #tpu.memory_space<vmem>>) target(%dma_start3A_80 : memref<10000x128xf32, #tpu.memory_space<vmem_shared>>) offsets(%arg5 : memref<128xi32, #tpu.memory_space<vmem>>) semaphore(%arg13 : memref<!tpu.dma_semaphore, #tpu.memory_space<semaphore_mem>>) {add = true}
      %dma_start3A_81 = arith.constant 0 : i32
      %dma_start3A_82 = arith.constant 0 : i32
      %dma_start3A_83 = tpu.memref_slice %arg11[%dma_start3A_81, %dma_start3A_82] : memref<10000x128xf32, #tpu.memory_space<vmem_shared>> -> memref<10000x128xf32, #tpu.memory_space<vmem_shared>>
      tpu.enqueue_indirect_dma source(%arg9 : memref<128x128xf32, #tpu.memory_space<vmem>>) target(%dma_start3A_83 : memref<10000x128xf32, #tpu.memory_space<vmem_shared>>) offsets(%arg6 : memref<128xi32, #tpu.memory_space<vmem>>) semaphore(%arg13 : memref<!tpu.dma_semaphore, #tpu.memory_space<semaphore_mem>>) {add = true}
      %dma_start3A_84 = arith.constant 0 : i32
      %dma_start3A_85 = arith.constant 0 : i32
      %dma_start3A_86 = tpu.memref_slice %arg11[%dma_start3A_84, %dma_start3A_85] : memref<10000x128xf32, #tpu.memory_space<vmem_shared>> -> memref<10000x128xf32, #tpu.memory_space<vmem_shared>>
      tpu.enqueue_indirect_dma source(%arg10 : memref<128x128xf32, #tpu.memory_space<vmem>>) target(%dma_start3A_86 : memref<10000x128xf32, #tpu.memory_space<vmem_shared>>) offsets(%arg7 : memref<128xi32, #tpu.memory_space<vmem>>) semaphore(%arg13 : memref<!tpu.dma_semaphore, #tpu.memory_space<semaphore_mem>>) {add = true}
      %dma_wait3A_87 = arith.constant 0 : i32
      %dma_wait3A_88 = arith.constant 0 : i32
      %dma_wait3A_89 = tpu.memref_slice %arg11[%dma_wait3A_87, %dma_wait3A_88] : memref<10000x128xf32, #tpu.memory_space<vmem_shared>> -> memref<10000x128xf32, #tpu.memory_space<vmem_shared>>
      tpu.wait_indirect_dma semaphore(%arg13 : memref<!tpu.dma_semaphore, #tpu.memory_space<semaphore_mem>>) src(%arg8 : memref<128x128xf32, #tpu.memory_space<vmem>>) dst(%dma_wait3A_89 : memref<10000x128xf32, #tpu.memory_space<vmem_shared>>)
      %dma_wait3A_90 = arith.constant 0 : i32
      %dma_wait3A_91 = arith.constant 0 : i32
      %dma_wait3A_92 = tpu.memref_slice %arg11[%dma_wait3A_90, %dma_wait3A_91] : memref<10000x128xf32, #tpu.memory_space<vmem_shared>> -> memref<10000x128xf32, #tpu.memory_space<vmem_shared>>
      tpu.wait_indirect_dma semaphore(%arg13 : memref<!tpu.dma_semaphore, #tpu.memory_space<semaphore_mem>>) src(%arg9 : memref<128x128xf32, #tpu.memory_space<vmem>>) dst(%dma_wait3A_92 : memref<10000x128xf32, #tpu.memory_space<vmem_shared>>)
      %dma_wait3A_93 = arith.constant 0 : i32
      %dma_wait3A_94 = arith.constant 0 : i32
      %dma_wait3A_95 = tpu.memref_slice %arg11[%dma_wait3A_93, %dma_wait3A_94] : memref<10000x128xf32, #tpu.memory_space<vmem_shared>> -> memref<10000x128xf32, #tpu.memory_space<vmem_shared>>
      tpu.wait_indirect_dma semaphore(%arg13 : memref<!tpu.dma_semaphore, #tpu.memory_space<semaphore_mem>>) src(%arg10 : memref<128x128xf32, #tpu.memory_space<vmem>>) dst(%dma_wait3A_95 : memref<10000x128xf32, #tpu.memory_space<vmem_shared>>)
    }
    %scan3A_27 = arith.constant 13 : i32
    %lt3A = arith.constant 2 : i32
    %lt3A_28 = arith.cmpi slt, %add3A, %lt3A : i32
    %convert_element_type3A = arith.extui %lt3A_28 : i1 to i32
    %cond3A = arith.constant 0 : i32
    %cond3A_29 = arith.cmpi ne, %convert_element_type3A, %cond3A : i32
    scf.if %cond3A_29 {
      %mul3A_31 = arith.constant 128 : i32
      %mul3A_32 = arith.muli %add3A, %mul3A_31 : i32
      %add3A_33 = arith.constant 159744 : i32
      %add3A_34 = arith.addi %add3A_33, %mul3A_32 : i32
      %multiple_of3A_35 = tpu.assume_multiple %add3A_34, 8 : i32
      "tpu.region"() ({
        %run_scoped3A = tpu.sem_alloc : memref<!tpu.dma_semaphore, #tpu.memory_space<semaphore_mem>>
        %dma_start3A = tpu.memref_slice %arg3[%multiple_of3A_35] : memref<160000xi32, #tpu.memory_space<hbm>> -> memref<128xi32, #tpu.memory_space<hbm>>
        %dma_start3A_36 = tpu.memref_slice %arg3[%multiple_of3A_35] : memref<160000xi32, #tpu.memory_space<hbm>> -> memref<128xi32, #tpu.memory_space<hbm>>
        tpu.enqueue_dma source(%dma_start3A_36 : memref<128xi32, #tpu.memory_space<hbm>>) target(%arg6 : memref<128xi32, #tpu.memory_space<vmem>>) target_semaphore(%run_scoped3A : memref<!tpu.dma_semaphore, #tpu.memory_space<semaphore_mem>>)
        %dma_wait3A = tpu.memref_slice %arg3[%multiple_of3A_35] : memref<160000xi32, #tpu.memory_space<hbm>> -> memref<128xi32, #tpu.memory_space<hbm>>
        %dma_wait3A_37 = tpu.memref_slice %arg3[%multiple_of3A_35] : memref<160000xi32, #tpu.memory_space<hbm>> -> memref<128xi32, #tpu.memory_space<hbm>>
        tpu.wait_dma2 semaphore(%run_scoped3A : memref<!tpu.dma_semaphore, #tpu.memory_space<semaphore_mem>>) src(%dma_wait3A_37 : memref<128xi32, #tpu.memory_space<hbm>>) dst(%arg6 : memref<128xi32, #tpu.memory_space<vmem>>)
        tpu.yield
      }) : () -> ()
      "tpu.region"() ({
        %run_scoped3A = tpu.sem_alloc : memref<!tpu.dma_semaphore, #tpu.memory_space<semaphore_mem>>
        %dma_start3A = arith.constant 0 : i32
        %dma_start3A_36 = tpu.memref_slice %arg2[%multiple_of3A_35, %dma_start3A] : memref<160000x128xf32, #tpu.memory_space<hbm>> -> memref<128x128xf32, #tpu.memory_space<hbm>>
        %dma_start3A_37 = arith.constant 0 : i32
        %dma_start3A_38 = tpu.memref_slice %arg2[%multiple_of3A_35, %dma_start3A_37] : memref<160000x128xf32, #tpu.memory_space<hbm>> -> memref<128x128xf32, #tpu.memory_space<hbm>>
        tpu.enqueue_dma source(%dma_start3A_38 : memref<128x128xf32, #tpu.memory_space<hbm>>) target(%arg9 : memref<128x128xf32, #tpu.memory_space<vmem>>) target_semaphore(%run_scoped3A : memref<!tpu.dma_semaphore, #tpu.memory_space<semaphore_mem>>)
        %dma_wait3A = arith.constant 0 : i32
        %dma_wait3A_39 = tpu.memref_slice %arg2[%multiple_of3A_35, %dma_wait3A] : memref<160000x128xf32, #tpu.memory_space<hbm>> -> memref<128x128xf32, #tpu.memory_space<hbm>>
        %dma_wait3A_40 = arith.constant 0 : i32
        %dma_wait3A_41 = tpu.memref_slice %arg2[%multiple_of3A_35, %dma_wait3A_40] : memref<160000x128xf32, #tpu.memory_space<hbm>> -> memref<128x128xf32, #tpu.memory_space<hbm>>
        tpu.wait_dma2 semaphore(%run_scoped3A : memref<!tpu.dma_semaphore, #tpu.memory_space<semaphore_mem>>) src(%dma_wait3A_41 : memref<128x128xf32, #tpu.memory_space<hbm>>) dst(%arg9 : memref<128x128xf32, #tpu.memory_space<vmem>>)
        tpu.yield
      }) : () -> ()
      "tpu.region"() ({
        %run_scoped3A = tpu.sem_alloc : memref<!tpu.dma_semaphore, #tpu.memory_space<semaphore_mem>>
        %dma_start3A = arith.constant 0 : i32
        %dma_start3A_36 = arith.constant 0 : i32
        %dma_start3A_37 = tpu.memref_slice %arg11[%dma_start3A, %dma_start3A_36] : memref<10000x128xf32, #tpu.memory_space<vmem_shared>> -> memref<10000x128xf32, #tpu.memory_space<vmem_shared>>
        tpu.enqueue_indirect_dma source(%arg9 : memref<128x128xf32, #tpu.memory_space<vmem>>) target(%dma_start3A_37 : memref<10000x128xf32, #tpu.memory_space<vmem_shared>>) offsets(%arg6 : memref<128xi32, #tpu.memory_space<vmem>>) semaphore(%run_scoped3A : memref<!tpu.dma_semaphore, #tpu.memory_space<semaphore_mem>>) {add = true}
        %dma_wait3A = arith.constant 0 : i32
        %dma_wait3A_38 = arith.constant 0 : i32
        %dma_wait3A_39 = tpu.memref_slice %arg11[%dma_wait3A, %dma_wait3A_38] : memref<10000x128xf32, #tpu.memory_space<vmem_shared>> -> memref<10000x128xf32, #tpu.memory_space<vmem_shared>>
        tpu.wait_indirect_dma semaphore(%run_scoped3A : memref<!tpu.dma_semaphore, #tpu.memory_space<semaphore_mem>>) src(%arg9 : memref<128x128xf32, #tpu.memory_space<vmem>>) dst(%dma_wait3A_39 : memref<10000x128xf32, #tpu.memory_space<vmem_shared>>)
        tpu.yield
      }) : () -> ()
    } else {
    }
    %barrier3A_30 = arith.constant 0 : index
    tpu.barrier barrier_id(%barrier3A_30)
    "tpu.region"() ({
      %run_scoped3A = tpu.sem_alloc : memref<!tpu.dma_semaphore, #tpu.memory_space<semaphore_mem>>
      %dma_start3A = arith.constant 0 : i32
      %dma_start3A_31 = tpu.memref_slice %arg4[%arg0, %multiple_of3A, %dma_start3A] : memref<2x10000x128xf32, #tpu.memory_space<hbm>> -> memref<1x632x128xf32, #tpu.memory_space<hbm>>
      %dma_start3A_32 = tpu.memref_squeeze %dma_start3A_31 : memref<1x632x128xf32, #tpu.memory_space<hbm>> -> memref<632x128xf32, #tpu.memory_space<hbm>>
      %dma_start3A_33 = arith.constant 0 : i32
      %dma_start3A_34 = tpu.memref_slice %arg11[%multiple_of3A, %dma_start3A_33] : memref<10000x128xf32, #tpu.memory_space<vmem_shared>> -> memref<632x128xf32, #tpu.memory_space<vmem_shared>>
      tpu.enqueue_dma source(%dma_start3A_34 : memref<632x128xf32, #tpu.memory_space<vmem_shared>>) target(%dma_start3A_32 : memref<632x128xf32, #tpu.memory_space<hbm>>) target_semaphore(%run_scoped3A : memref<!tpu.dma_semaphore, #tpu.memory_space<semaphore_mem>>)
      %dma_wait3A = arith.constant 0 : i32
      %dma_wait3A_35 = tpu.memref_slice %arg4[%arg0, %multiple_of3A, %dma_wait3A] : memref<2x10000x128xf32, #tpu.memory_space<hbm>> -> memref<1x632x128xf32, #tpu.memory_space<hbm>>
      %dma_wait3A_36 = tpu.memref_squeeze %dma_wait3A_35 : memref<1x632x128xf32, #tpu.memory_space<hbm>> -> memref<632x128xf32, #tpu.memory_space<hbm>>
      %dma_wait3A_37 = arith.constant 0 : i32
      %dma_wait3A_38 = tpu.memref_slice %arg11[%multiple_of3A, %dma_wait3A_37] : memref<10000x128xf32, #tpu.memory_space<vmem_shared>> -> memref<632x128xf32, #tpu.memory_space<vmem_shared>>
      tpu.wait_dma2 semaphore(%run_scoped3A : memref<!tpu.dma_semaphore, #tpu.memory_space<semaphore_mem>>) src(%dma_wait3A_38 : memref<632x128xf32, #tpu.memory_space<vmem_shared>>) dst(%dma_wait3A_36 : memref<632x128xf32, #tpu.memory_space<hbm>>)
      tpu.yield
    }) : () -> ()
    return
  }
}

#map = affine_map<(d0, d1) -> (0, 0)>
#map1 = affine_map<(d0, d1) -> (0)>
#map2 = affine_map<(d0, d1) -> (0, 0, 0)>
module attributes {stable_mosaic.version = 14 : i64} {
  func.func @_sc_seg_gather_body(%arg0: i32, %arg1: i32, %arg2: memref<10000x128xf32, #tpu.memory_space<hbm>>, %arg3: memref<160000xi32, #tpu.memory_space<hbm>>, %arg4: memref<160000xi32, #tpu.memory_space<hbm>>, %arg5: memref<2x10000x128xf32, #tpu.memory_space<hbm>>, %arg6: memref<128xi32, #tpu.memory_space<vmem>>, %arg7: memref<128xi32, #tpu.memory_space<vmem>>, %arg8: memref<128xi32, #tpu.memory_space<vmem>>, %arg9: memref<128xi32, #tpu.memory_space<vmem>>, %arg10: memref<128xi32, #tpu.memory_space<vmem>>, %arg11: memref<128xi32, #tpu.memory_space<vmem>>, %arg12: memref<128x128xf32, #tpu.memory_space<vmem>>, %arg13: memref<128x128xf32, #tpu.memory_space<vmem>>, %arg14: memref<128x128xf32, #tpu.memory_space<vmem>>, %arg15: memref<10000x128xf32, #tpu.memory_space<vmem_shared>>, %arg16: memref<!tpu.dma_semaphore, #tpu.memory_space<semaphore_mem>>, %arg17: memref<!tpu.dma_semaphore, #tpu.memory_space<semaphore_mem>>, %arg18: memref<!tpu.dma_semaphore, #tpu.memory_space<semaphore_mem>>, %arg19: memref<!tpu.dma_semaphore, #tpu.memory_space<semaphore_mem>>, %arg20: memref<!tpu.dma_semaphore, #tpu.memory_space<semaphore_mem>>) attributes {dimension_semantics = [#tpu.dimension_semantics<core_parallel>, #tpu.dimension_semantics<subcore_parallel>], iteration_bounds = array<i64: 2, 16>, scalar_prefetch = 0 : i64, scratch_operands = 15 : i64, tpu.core_type = #tpu.core_type<sc_vector_subcore>, window_params = [{transform_indices = #map}, {transform_indices = #map1}, {transform_indices = #map1}, {transform_indices = #map2}]} {
    %mul3A = arith.constant 2 : i32
    %mul3A_0 = arith.muli %arg1, %mul3A : i32
    %add3A = arith.addi %mul3A_0, %arg0 : i32
    %mul3A_1 = arith.constant 632 : i32
    %mul3A_2 = arith.muli %arg1, %mul3A_1 : i32
    %min3A = arith.constant 9368 : i32
    %min3A_3 = arith.minsi %mul3A_2, %min3A : i32
    %multiple_of3A = tpu.assume_multiple %min3A_3, 8 : i32
    %scan3A = arith.constant 0 : i32
    %scan3A_4 = arith.constant 0 : i32
    %scan3A_5 = arith.constant 128 : i32
    %scan3A_6 = arith.addi %scan3A_4, %scan3A_5 : i32
    %scan3A_7 = arith.constant 1 : i32
    scf.for %scan3A_38 = %scan3A_4 to %scan3A_6 step %scan3A_7  : i32 {
      %broadcast_in_dim3A = arith.constant 0.000000e+00 : f32
      %broadcast_in_dim3A_39 = vector.broadcast %broadcast_in_dim3A : f32 to vector<16xf32>
      %swap3A = arith.index_cast %scan3A_38 : i32 to index
      %swap3A_40 = arith.constant 0 : index
      %swap3A_41 = tpu.vector_load %arg12[%swap3A, %swap3A_40] {strides = array<i32>} : memref<128x128xf32, #tpu.memory_space<vmem>>, vector<1x16xf32>,
      %swap3A_42 = vector.shape_cast %swap3A_41 : vector<1x16xf32> to vector<16xf32>
      %swap3A_43 = vector.shape_cast %broadcast_in_dim3A_39 : vector<16xf32> to vector<1x16xf32>
      tpu.vector_store %arg12[%swap3A, %swap3A_40], %swap3A_43 {strides = array<i32>} : memref<128x128xf32, #tpu.memory_space<vmem>>, vector<1x16xf32>,
      %broadcast_in_dim3A_44 = arith.constant 0.000000e+00 : f32
      %broadcast_in_dim3A_45 = vector.broadcast %broadcast_in_dim3A_44 : f32 to vector<16xf32>
      %swap3A_46 = arith.index_cast %scan3A_38 : i32 to index
      %swap3A_47 = arith.constant 16 : index
      %swap3A_48 = tpu.vector_load %arg12[%swap3A_46, %swap3A_47] {strides = array<i32>} : memref<128x128xf32, #tpu.memory_space<vmem>>, vector<1x16xf32>,
      %swap3A_49 = vector.shape_cast %swap3A_48 : vector<1x16xf32> to vector<16xf32>
      %swap3A_50 = vector.shape_cast %broadcast_in_dim3A_45 : vector<16xf32> to vector<1x16xf32>
      tpu.vector_store %arg12[%swap3A_46, %swap3A_47], %swap3A_50 {strides = array<i32>} : memref<128x128xf32, #tpu.memory_space<vmem>>, vector<1x16xf32>,
      %broadcast_in_dim3A_51 = arith.constant 0.000000e+00 : f32
      %broadcast_in_dim3A_52 = vector.broadcast %broadcast_in_dim3A_51 : f32 to vector<16xf32>
      %swap3A_53 = arith.index_cast %scan3A_38 : i32 to index
      %swap3A_54 = arith.constant 32 : index
      %swap3A_55 = tpu.vector_load %arg12[%swap3A_53, %swap3A_54] {strides = array<i32>} : memref<128x128xf32, #tpu.memory_space<vmem>>, vector<1x16xf32>,
      %swap3A_56 = vector.shape_cast %swap3A_55 : vector<1x16xf32> to vector<16xf32>
      %swap3A_57 = vector.shape_cast %broadcast_in_dim3A_52 : vector<16xf32> to vector<1x16xf32>
      tpu.vector_store %arg12[%swap3A_53, %swap3A_54], %swap3A_57 {strides = array<i32>} : memref<128x128xf32, #tpu.memory_space<vmem>>, vector<1x16xf32>,
      %broadcast_in_dim3A_58 = arith.constant 0.000000e+00 : f32
      %broadcast_in_dim3A_59 = vector.broadcast %broadcast_in_dim3A_58 : f32 to vector<16xf32>
      %swap3A_60 = arith.index_cast %scan3A_38 : i32 to index
      %swap3A_61 = arith.constant 48 : index
      %swap3A_62 = tpu.vector_load %arg12[%swap3A_60, %swap3A_61] {strides = array<i32>} : memref<128x128xf32, #tpu.memory_space<vmem>>, vector<1x16xf32>,
      %swap3A_63 = vector.shape_cast %swap3A_62 : vector<1x16xf32> to vector<16xf32>
      %swap3A_64 = vector.shape_cast %broadcast_in_dim3A_59 : vector<16xf32> to vector<1x16xf32>
      tpu.vector_store %arg12[%swap3A_60, %swap3A_61], %swap3A_64 {strides = array<i32>} : memref<128x128xf32, #tpu.memory_space<vmem>>, vector<1x16xf32>,
      %broadcast_in_dim3A_65 = arith.constant 0.000000e+00 : f32
      %broadcast_in_dim3A_66 = vector.broadcast %broadcast_in_dim3A_65 : f32 to vector<16xf32>
      %swap3A_67 = arith.index_cast %scan3A_38 : i32 to index
      %swap3A_68 = arith.constant 64 : index
      %swap3A_69 = tpu.vector_load %arg12[%swap3A_67, %swap3A_68] {strides = array<i32>} : memref<128x128xf32, #tpu.memory_space<vmem>>, vector<1x16xf32>,
      %swap3A_70 = vector.shape_cast %swap3A_69 : vector<1x16xf32> to vector<16xf32>
      %swap3A_71 = vector.shape_cast %broadcast_in_dim3A_66 : vector<16xf32> to vector<1x16xf32>
      tpu.vector_store %arg12[%swap3A_67, %swap3A_68], %swap3A_71 {strides = array<i32>} : memref<128x128xf32, #tpu.memory_space<vmem>>, vector<1x16xf32>,
      %broadcast_in_dim3A_72 = arith.constant 0.000000e+00 : f32
      %broadcast_in_dim3A_73 = vector.broadcast %broadcast_in_dim3A_72 : f32 to vector<16xf32>
      %swap3A_74 = arith.index_cast %scan3A_38 : i32 to index
      %swap3A_75 = arith.constant 80 : index
      %swap3A_76 = tpu.vector_load %arg12[%swap3A_74, %swap3A_75] {strides = array<i32>} : memref<128x128xf32, #tpu.memory_space<vmem>>, vector<1x16xf32>,
      %swap3A_77 = vector.shape_cast %swap3A_76 : vector<1x16xf32> to vector<16xf32>
      %swap3A_78 = vector.shape_cast %broadcast_in_dim3A_73 : vector<16xf32> to vector<1x16xf32>
      tpu.vector_store %arg12[%swap3A_74, %swap3A_75], %swap3A_78 {strides = array<i32>} : memref<128x128xf32, #tpu.memory_space<vmem>>, vector<1x16xf32>,
      %broadcast_in_dim3A_79 = arith.constant 0.000000e+00 : f32
      %broadcast_in_dim3A_80 = vector.broadcast %broadcast_in_dim3A_79 : f32 to vector<16xf32>
      %swap3A_81 = arith.index_cast %scan3A_38 : i32 to index
      %swap3A_82 = arith.constant 96 : index
      %swap3A_83 = tpu.vector_load %arg12[%swap3A_81, %swap3A_82] {strides = array<i32>} : memref<128x128xf32, #tpu.memory_space<vmem>>, vector<1x16xf32>,
      %swap3A_84 = vector.shape_cast %swap3A_83 : vector<1x16xf32> to vector<16xf32>
      %swap3A_85 = vector.shape_cast %broadcast_in_dim3A_80 : vector<16xf32> to vector<1x16xf32>
      tpu.vector_store %arg12[%swap3A_81, %swap3A_82], %swap3A_85 {strides = array<i32>} : memref<128x128xf32, #tpu.memory_space<vmem>>, vector<1x16xf32>,
      %broadcast_in_dim3A_86 = arith.constant 0.000000e+00 : f32
      %broadcast_in_dim3A_87 = vector.broadcast %broadcast_in_dim3A_86 : f32 to vector<16xf32>
      %swap3A_88 = arith.index_cast %scan3A_38 : i32 to index
      %swap3A_89 = arith.constant 112 : index
      %swap3A_90 = tpu.vector_load %arg12[%swap3A_88, %swap3A_89] {strides = array<i32>} : memref<128x128xf32, #tpu.memory_space<vmem>>, vector<1x16xf32>,
      %swap3A_91 = vector.shape_cast %swap3A_90 : vector<1x16xf32> to vector<16xf32>
      %swap3A_92 = vector.shape_cast %broadcast_in_dim3A_87 : vector<16xf32> to vector<1x16xf32>
      tpu.vector_store %arg12[%swap3A_88, %swap3A_89], %swap3A_92 {strides = array<i32>} : memref<128x128xf32, #tpu.memory_space<vmem>>, vector<1x16xf32>,
    }
    %scan3A_8 = arith.constant 128 : i32
    %add3A_9 = arith.constant 0 : i32
    %add3A_10 = arith.addi %multiple_of3A, %add3A_9 : i32
    "tpu.region"() ({
      %run_scoped3A = tpu.sem_alloc : memref<!tpu.dma_semaphore, #tpu.memory_space<semaphore_mem>>
      %dma_start3A_38 = arith.constant 0 : i32
      %dma_start3A_39 = arith.constant 0 : i32
      %dma_start3A_40 = tpu.memref_slice %arg12[%dma_start3A_38, %dma_start3A_39] : memref<128x128xf32, #tpu.memory_space<vmem>> -> memref<128x128xf32, #tpu.memory_space<vmem>>
      %dma_start3A_41 = arith.constant 0 : i32
      %dma_start3A_42 = tpu.memref_slice %arg15[%add3A_10, %dma_start3A_41] : memref<10000x128xf32, #tpu.memory_space<vmem_shared>> -> memref<128x128xf32, #tpu.memory_space<vmem_shared>>
      %dma_start3A_43 = arith.constant 0 : i32
      %dma_start3A_44 = tpu.memref_slice %arg15[%add3A_10, %dma_start3A_43] : memref<10000x128xf32, #tpu.memory_space<vmem_shared>> -> memref<128x128xf32, #tpu.memory_space<vmem_shared>>
      %dma_start3A_45 = arith.constant 0 : i32
      %dma_start3A_46 = arith.constant 0 : i32
      %dma_start3A_47 = tpu.memref_slice %arg12[%dma_start3A_45, %dma_start3A_46] : memref<128x128xf32, #tpu.memory_space<vmem>> -> memref<128x128xf32, #tpu.memory_space<vmem>>
      tpu.enqueue_dma source(%dma_start3A_47 : memref<128x128xf32, #tpu.memory_space<vmem>>) target(%dma_start3A_44 : memref<128x128xf32, #tpu.memory_space<vmem_shared>>) target_semaphore(%run_scoped3A : memref<!tpu.dma_semaphore, #tpu.memory_space<semaphore_mem>>)
      %dma_wait3A_48 = arith.constant 0 : i32
      %dma_wait3A_49 = arith.constant 0 : i32
      %dma_wait3A_50 = tpu.memref_slice %arg12[%dma_wait3A_48, %dma_wait3A_49] : memref<128x128xf32, #tpu.memory_space<vmem>> -> memref<128x128xf32, #tpu.memory_space<vmem>>
      %dma_wait3A_51 = arith.constant 0 : i32
      %dma_wait3A_52 = tpu.memref_slice %arg15[%add3A_10, %dma_wait3A_51] : memref<10000x128xf32, #tpu.memory_space<vmem_shared>> -> memref<128x128xf32, #tpu.memory_space<vmem_shared>>
      %dma_wait3A_53 = arith.constant 0 : i32
      %dma_wait3A_54 = tpu.memref_slice %arg15[%add3A_10, %dma_wait3A_53] : memref<10000x128xf32, #tpu.memory_space<vmem_shared>> -> memref<128x128xf32, #tpu.memory_space<vmem_shared>>
      %dma_wait3A_55 = arith.constant 0 : i32
      %dma_wait3A_56 = arith.constant 0 : i32
      %dma_wait3A_57 = tpu.memref_slice %arg12[%dma_wait3A_55, %dma_wait3A_56] : memref<128x128xf32, #tpu.memory_space<vmem>> -> memref<128x128xf32, #tpu.memory_space<vmem>>
      tpu.wait_dma2 semaphore(%run_scoped3A : memref<!tpu.dma_semaphore, #tpu.memory_space<semaphore_mem>>) src(%dma_wait3A_57 : memref<128x128xf32, #tpu.memory_space<vmem>>) dst(%dma_wait3A_54 : memref<128x128xf32, #tpu.memory_space<vmem_shared>>)
      tpu.yield
    }) : () -> ()
    %add3A_11 = arith.constant 128 : i32
    %add3A_12 = arith.addi %multiple_of3A, %add3A_11 : i32
    "tpu.region"() ({
      %run_scoped3A = tpu.sem_alloc : memref<!tpu.dma_semaphore, #tpu.memory_space<semaphore_mem>>
      %dma_start3A_38 = arith.constant 0 : i32
      %dma_start3A_39 = arith.constant 0 : i32
      %dma_start3A_40 = tpu.memref_slice %arg12[%dma_start3A_38, %dma_start3A_39] : memref<128x128xf32, #tpu.memory_space<vmem>> -> memref<128x128xf32, #tpu.memory_space<vmem>>
      %dma_start3A_41 = arith.constant 0 : i32
      %dma_start3A_42 = tpu.memref_slice %arg15[%add3A_12, %dma_start3A_41] : memref<10000x128xf32, #tpu.memory_space<vmem_shared>> -> memref<128x128xf32, #tpu.memory_space<vmem_shared>>
      %dma_start3A_43 = arith.constant 0 : i32
      %dma_start3A_44 = tpu.memref_slice %arg15[%add3A_12, %dma_start3A_43] : memref<10000x128xf32, #tpu.memory_space<vmem_shared>> -> memref<128x128xf32, #tpu.memory_space<vmem_shared>>
      %dma_start3A_45 = arith.constant 0 : i32
      %dma_start3A_46 = arith.constant 0 : i32
      %dma_start3A_47 = tpu.memref_slice %arg12[%dma_start3A_45, %dma_start3A_46] : memref<128x128xf32, #tpu.memory_space<vmem>> -> memref<128x128xf32, #tpu.memory_space<vmem>>
      tpu.enqueue_dma source(%dma_start3A_47 : memref<128x128xf32, #tpu.memory_space<vmem>>) target(%dma_start3A_44 : memref<128x128xf32, #tpu.memory_space<vmem_shared>>) target_semaphore(%run_scoped3A : memref<!tpu.dma_semaphore, #tpu.memory_space<semaphore_mem>>)
      %dma_wait3A_48 = arith.constant 0 : i32
      %dma_wait3A_49 = arith.constant 0 : i32
      %dma_wait3A_50 = tpu.memref_slice %arg12[%dma_wait3A_48, %dma_wait3A_49] : memref<128x128xf32, #tpu.memory_space<vmem>> -> memref<128x128xf32, #tpu.memory_space<vmem>>
      %dma_wait3A_51 = arith.constant 0 : i32
      %dma_wait3A_52 = tpu.memref_slice %arg15[%add3A_12, %dma_wait3A_51] : memref<10000x128xf32, #tpu.memory_space<vmem_shared>> -> memref<128x128xf32, #tpu.memory_space<vmem_shared>>
      %dma_wait3A_53 = arith.constant 0 : i32
      %dma_wait3A_54 = tpu.memref_slice %arg15[%add3A_12, %dma_wait3A_53] : memref<10000x128xf32, #tpu.memory_space<vmem_shared>> -> memref<128x128xf32, #tpu.memory_space<vmem_shared>>
      %dma_wait3A_55 = arith.constant 0 : i32
      %dma_wait3A_56 = arith.constant 0 : i32
      %dma_wait3A_57 = tpu.memref_slice %arg12[%dma_wait3A_55, %dma_wait3A_56] : memref<128x128xf32, #tpu.memory_space<vmem>> -> memref<128x128xf32, #tpu.memory_space<vmem>>
      tpu.wait_dma2 semaphore(%run_scoped3A : memref<!tpu.dma_semaphore, #tpu.memory_space<semaphore_mem>>) src(%dma_wait3A_57 : memref<128x128xf32, #tpu.memory_space<vmem>>) dst(%dma_wait3A_54 : memref<128x128xf32, #tpu.memory_space<vmem_shared>>)
      tpu.yield
    }) : () -> ()
    %add3A_13 = arith.constant 256 : i32
    %add3A_14 = arith.addi %multiple_of3A, %add3A_13 : i32
    "tpu.region"() ({
      %run_scoped3A = tpu.sem_alloc : memref<!tpu.dma_semaphore, #tpu.memory_space<semaphore_mem>>
      %dma_start3A_38 = arith.constant 0 : i32
      %dma_start3A_39 = arith.constant 0 : i32
      %dma_start3A_40 = tpu.memref_slice %arg12[%dma_start3A_38, %dma_start3A_39] : memref<128x128xf32, #tpu.memory_space<vmem>> -> memref<128x128xf32, #tpu.memory_space<vmem>>
      %dma_start3A_41 = arith.constant 0 : i32
      %dma_start3A_42 = tpu.memref_slice %arg15[%add3A_14, %dma_start3A_41] : memref<10000x128xf32, #tpu.memory_space<vmem_shared>> -> memref<128x128xf32, #tpu.memory_space<vmem_shared>>
      %dma_start3A_43 = arith.constant 0 : i32
      %dma_start3A_44 = tpu.memref_slice %arg15[%add3A_14, %dma_start3A_43] : memref<10000x128xf32, #tpu.memory_space<vmem_shared>> -> memref<128x128xf32, #tpu.memory_space<vmem_shared>>
      %dma_start3A_45 = arith.constant 0 : i32
      %dma_start3A_46 = arith.constant 0 : i32
      %dma_start3A_47 = tpu.memref_slice %arg12[%dma_start3A_45, %dma_start3A_46] : memref<128x128xf32, #tpu.memory_space<vmem>> -> memref<128x128xf32, #tpu.memory_space<vmem>>
      tpu.enqueue_dma source(%dma_start3A_47 : memref<128x128xf32, #tpu.memory_space<vmem>>) target(%dma_start3A_44 : memref<128x128xf32, #tpu.memory_space<vmem_shared>>) target_semaphore(%run_scoped3A : memref<!tpu.dma_semaphore, #tpu.memory_space<semaphore_mem>>)
      %dma_wait3A_48 = arith.constant 0 : i32
      %dma_wait3A_49 = arith.constant 0 : i32
      %dma_wait3A_50 = tpu.memref_slice %arg12[%dma_wait3A_48, %dma_wait3A_49] : memref<128x128xf32, #tpu.memory_space<vmem>> -> memref<128x128xf32, #tpu.memory_space<vmem>>
      %dma_wait3A_51 = arith.constant 0 : i32
      %dma_wait3A_52 = tpu.memref_slice %arg15[%add3A_14, %dma_wait3A_51] : memref<10000x128xf32, #tpu.memory_space<vmem_shared>> -> memref<128x128xf32, #tpu.memory_space<vmem_shared>>
      %dma_wait3A_53 = arith.constant 0 : i32
      %dma_wait3A_54 = tpu.memref_slice %arg15[%add3A_14, %dma_wait3A_53] : memref<10000x128xf32, #tpu.memory_space<vmem_shared>> -> memref<128x128xf32, #tpu.memory_space<vmem_shared>>
      %dma_wait3A_55 = arith.constant 0 : i32
      %dma_wait3A_56 = arith.constant 0 : i32
      %dma_wait3A_57 = tpu.memref_slice %arg12[%dma_wait3A_55, %dma_wait3A_56] : memref<128x128xf32, #tpu.memory_space<vmem>> -> memref<128x128xf32, #tpu.memory_space<vmem>>
      tpu.wait_dma2 semaphore(%run_scoped3A : memref<!tpu.dma_semaphore, #tpu.memory_space<semaphore_mem>>) src(%dma_wait3A_57 : memref<128x128xf32, #tpu.memory_space<vmem>>) dst(%dma_wait3A_54 : memref<128x128xf32, #tpu.memory_space<vmem_shared>>)
      tpu.yield
    }) : () -> ()
    %add3A_15 = arith.constant 384 : i32
    %add3A_16 = arith.addi %multiple_of3A, %add3A_15 : i32
    "tpu.region"() ({
      %run_scoped3A = tpu.sem_alloc : memref<!tpu.dma_semaphore, #tpu.memory_space<semaphore_mem>>
      %dma_start3A_38 = arith.constant 0 : i32
      %dma_start3A_39 = arith.constant 0 : i32
      %dma_start3A_40 = tpu.memref_slice %arg12[%dma_start3A_38, %dma_start3A_39] : memref<128x128xf32, #tpu.memory_space<vmem>> -> memref<128x128xf32, #tpu.memory_space<vmem>>
      %dma_start3A_41 = arith.constant 0 : i32
      %dma_start3A_42 = tpu.memref_slice %arg15[%add3A_16, %dma_start3A_41] : memref<10000x128xf32, #tpu.memory_space<vmem_shared>> -> memref<128x128xf32, #tpu.memory_space<vmem_shared>>
      %dma_start3A_43 = arith.constant 0 : i32
      %dma_start3A_44 = tpu.memref_slice %arg15[%add3A_16, %dma_start3A_43] : memref<10000x128xf32, #tpu.memory_space<vmem_shared>> -> memref<128x128xf32, #tpu.memory_space<vmem_shared>>
      %dma_start3A_45 = arith.constant 0 : i32
      %dma_start3A_46 = arith.constant 0 : i32
      %dma_start3A_47 = tpu.memref_slice %arg12[%dma_start3A_45, %dma_start3A_46] : memref<128x128xf32, #tpu.memory_space<vmem>> -> memref<128x128xf32, #tpu.memory_space<vmem>>
      tpu.enqueue_dma source(%dma_start3A_47 : memref<128x128xf32, #tpu.memory_space<vmem>>) target(%dma_start3A_44 : memref<128x128xf32, #tpu.memory_space<vmem_shared>>) target_semaphore(%run_scoped3A : memref<!tpu.dma_semaphore, #tpu.memory_space<semaphore_mem>>)
      %dma_wait3A_48 = arith.constant 0 : i32
      %dma_wait3A_49 = arith.constant 0 : i32
      %dma_wait3A_50 = tpu.memref_slice %arg12[%dma_wait3A_48, %dma_wait3A_49] : memref<128x128xf32, #tpu.memory_space<vmem>> -> memref<128x128xf32, #tpu.memory_space<vmem>>
      %dma_wait3A_51 = arith.constant 0 : i32
      %dma_wait3A_52 = tpu.memref_slice %arg15[%add3A_16, %dma_wait3A_51] : memref<10000x128xf32, #tpu.memory_space<vmem_shared>> -> memref<128x128xf32, #tpu.memory_space<vmem_shared>>
      %dma_wait3A_53 = arith.constant 0 : i32
      %dma_wait3A_54 = tpu.memref_slice %arg15[%add3A_16, %dma_wait3A_53] : memref<10000x128xf32, #tpu.memory_space<vmem_shared>> -> memref<128x128xf32, #tpu.memory_space<vmem_shared>>
      %dma_wait3A_55 = arith.constant 0 : i32
      %dma_wait3A_56 = arith.constant 0 : i32
      %dma_wait3A_57 = tpu.memref_slice %arg12[%dma_wait3A_55, %dma_wait3A_56] : memref<128x128xf32, #tpu.memory_space<vmem>> -> memref<128x128xf32, #tpu.memory_space<vmem>>
      tpu.wait_dma2 semaphore(%run_scoped3A : memref<!tpu.dma_semaphore, #tpu.memory_space<semaphore_mem>>) src(%dma_wait3A_57 : memref<128x128xf32, #tpu.memory_space<vmem>>) dst(%dma_wait3A_54 : memref<128x128xf32, #tpu.memory_space<vmem_shared>>)
      tpu.yield
    }) : () -> ()
    %add3A_17 = arith.constant 512 : i32
    %add3A_18 = arith.addi %multiple_of3A, %add3A_17 : i32
    "tpu.region"() ({
      %run_scoped3A = tpu.sem_alloc : memref<!tpu.dma_semaphore, #tpu.memory_space<semaphore_mem>>
      %dma_start3A_38 = arith.constant 0 : i32
      %dma_start3A_39 = arith.constant 0 : i32
      %dma_start3A_40 = tpu.memref_slice %arg12[%dma_start3A_38, %dma_start3A_39] : memref<128x128xf32, #tpu.memory_space<vmem>> -> memref<120x128xf32, #tpu.memory_space<vmem>>
      %dma_start3A_41 = arith.constant 0 : i32
      %dma_start3A_42 = tpu.memref_slice %arg15[%add3A_18, %dma_start3A_41] : memref<10000x128xf32, #tpu.memory_space<vmem_shared>> -> memref<120x128xf32, #tpu.memory_space<vmem_shared>>
      %dma_start3A_43 = arith.constant 0 : i32
      %dma_start3A_44 = tpu.memref_slice %arg15[%add3A_18, %dma_start3A_43] : memref<10000x128xf32, #tpu.memory_space<vmem_shared>> -> memref<120x128xf32, #tpu.memory_space<vmem_shared>>
      %dma_start3A_45 = arith.constant 0 : i32
      %dma_start3A_46 = arith.constant 0 : i32
      %dma_start3A_47 = tpu.memref_slice %arg12[%dma_start3A_45, %dma_start3A_46] : memref<128x128xf32, #tpu.memory_space<vmem>> -> memref<120x128xf32, #tpu.memory_space<vmem>>
      tpu.enqueue_dma source(%dma_start3A_47 : memref<120x128xf32, #tpu.memory_space<vmem>>) target(%dma_start3A_44 : memref<120x128xf32, #tpu.memory_space<vmem_shared>>) target_semaphore(%run_scoped3A : memref<!tpu.dma_semaphore, #tpu.memory_space<semaphore_mem>>)
      %dma_wait3A_48 = arith.constant 0 : i32
      %dma_wait3A_49 = arith.constant 0 : i32
      %dma_wait3A_50 = tpu.memref_slice %arg12[%dma_wait3A_48, %dma_wait3A_49] : memref<128x128xf32, #tpu.memory_space<vmem>> -> memref<120x128xf32, #tpu.memory_space<vmem>>
      %dma_wait3A_51 = arith.constant 0 : i32
      %dma_wait3A_52 = tpu.memref_slice %arg15[%add3A_18, %dma_wait3A_51] : memref<10000x128xf32, #tpu.memory_space<vmem_shared>> -> memref<120x128xf32, #tpu.memory_space<vmem_shared>>
      %dma_wait3A_53 = arith.constant 0 : i32
      %dma_wait3A_54 = tpu.memref_slice %arg15[%add3A_18, %dma_wait3A_53] : memref<10000x128xf32, #tpu.memory_space<vmem_shared>> -> memref<120x128xf32, #tpu.memory_space<vmem_shared>>
      %dma_wait3A_55 = arith.constant 0 : i32
      %dma_wait3A_56 = arith.constant 0 : i32
      %dma_wait3A_57 = tpu.memref_slice %arg12[%dma_wait3A_55, %dma_wait3A_56] : memref<128x128xf32, #tpu.memory_space<vmem>> -> memref<120x128xf32, #tpu.memory_space<vmem>>
      tpu.wait_dma2 semaphore(%run_scoped3A : memref<!tpu.dma_semaphore, #tpu.memory_space<semaphore_mem>>) src(%dma_wait3A_57 : memref<120x128xf32, #tpu.memory_space<vmem>>) dst(%dma_wait3A_54 : memref<120x128xf32, #tpu.memory_space<vmem_shared>>)
      tpu.yield
    }) : () -> ()
    %barrier3A = arith.constant 0 : index
    tpu.barrier barrier_id(%barrier3A)
    %mul3A_19 = arith.constant 4992 : i32
    %mul3A_20 = arith.muli %add3A, %mul3A_19 : i32
    %multiple_of3A_21 = tpu.assume_multiple %mul3A_20, 8 : i32
    %scan3A_22 = arith.constant 0 : i32
    %scan3A_23 = arith.constant 0 : i32
    %scan3A_24 = arith.constant 19 : i32
    %scan3A_25 = arith.addi %scan3A_23, %scan3A_24 : i32
    %scan3A_26 = arith.constant 1 : i32
    scf.for %scan3A_38 = %scan3A_23 to %scan3A_25 step %scan3A_26  : i32 {
      %mul3A_39 = arith.constant 2 : i32
      %mul3A_40 = arith.muli %mul3A_39, %scan3A_38 : i32
      %mul3A_41 = arith.constant 128 : i32
      %mul3A_42 = arith.muli %mul3A_40, %mul3A_41 : i32
      %add3A_43 = arith.addi %multiple_of3A_21, %mul3A_42 : i32
      %multiple_of3A_44 = tpu.assume_multiple %add3A_43, 8 : i32
      %add3A_45 = arith.constant 128 : i32
      %add3A_46 = arith.addi %multiple_of3A_44, %add3A_45 : i32
      %multiple_of3A_47 = tpu.assume_multiple %add3A_46, 8 : i32
      %dma_start3A_48 = tpu.memref_slice %arg3[%multiple_of3A_44] : memref<160000xi32, #tpu.memory_space<hbm>> -> memref<128xi32, #tpu.memory_space<hbm>>
      %dma_start3A_49 = tpu.memref_slice %arg3[%multiple_of3A_44] : memref<160000xi32, #tpu.memory_space<hbm>> -> memref<128xi32, #tpu.memory_space<hbm>>
      tpu.enqueue_dma source(%dma_start3A_49 : memref<128xi32, #tpu.memory_space<hbm>>) target(%arg6 : memref<128xi32, #tpu.memory_space<vmem>>) target_semaphore(%arg16 : memref<!tpu.dma_semaphore, #tpu.memory_space<semaphore_mem>>)
      %dma_start3A_50 = tpu.memref_slice %arg4[%multiple_of3A_44] : memref<160000xi32, #tpu.memory_space<hbm>> -> memref<128xi32, #tpu.memory_space<hbm>>
      %dma_start3A_51 = tpu.memref_slice %arg4[%multiple_of3A_44] : memref<160000xi32, #tpu.memory_space<hbm>> -> memref<128xi32, #tpu.memory_space<hbm>>
      tpu.enqueue_dma source(%dma_start3A_51 : memref<128xi32, #tpu.memory_space<hbm>>) target(%arg7 : memref<128xi32, #tpu.memory_space<vmem>>) target_semaphore(%arg16 : memref<!tpu.dma_semaphore, #tpu.memory_space<semaphore_mem>>)
      %dma_start3A_52 = tpu.memref_slice %arg3[%multiple_of3A_47] : memref<160000xi32, #tpu.memory_space<hbm>> -> memref<128xi32, #tpu.memory_space<hbm>>
      %dma_start3A_53 = tpu.memref_slice %arg3[%multiple_of3A_47] : memref<160000xi32, #tpu.memory_space<hbm>> -> memref<128xi32, #tpu.memory_space<hbm>>
      tpu.enqueue_dma source(%dma_start3A_53 : memref<128xi32, #tpu.memory_space<hbm>>) target(%arg8 : memref<128xi32, #tpu.memory_space<vmem>>) target_semaphore(%arg16 : memref<!tpu.dma_semaphore, #tpu.memory_space<semaphore_mem>>)
      %dma_start3A_54 = tpu.memref_slice %arg4[%multiple_of3A_47] : memref<160000xi32, #tpu.memory_space<hbm>> -> memref<128xi32, #tpu.memory_space<hbm>>
      %dma_start3A_55 = tpu.memref_slice %arg4[%multiple_of3A_47] : memref<160000xi32, #tpu.memory_space<hbm>> -> memref<128xi32, #tpu.memory_space<hbm>>
      tpu.enqueue_dma source(%dma_start3A_55 : memref<128xi32, #tpu.memory_space<hbm>>) target(%arg9 : memref<128xi32, #tpu.memory_space<vmem>>) target_semaphore(%arg16 : memref<!tpu.dma_semaphore, #tpu.memory_space<semaphore_mem>>)
      %dma_wait3A_56 = tpu.memref_slice %arg3[%multiple_of3A_44] : memref<160000xi32, #tpu.memory_space<hbm>> -> memref<128xi32, #tpu.memory_space<hbm>>
      %dma_wait3A_57 = tpu.memref_slice %arg3[%multiple_of3A_44] : memref<160000xi32, #tpu.memory_space<hbm>> -> memref<128xi32, #tpu.memory_space<hbm>>
      tpu.wait_dma2 semaphore(%arg16 : memref<!tpu.dma_semaphore, #tpu.memory_space<semaphore_mem>>) src(%dma_wait3A_57 : memref<128xi32, #tpu.memory_space<hbm>>) dst(%arg6 : memref<128xi32, #tpu.memory_space<vmem>>)
      %dma_wait3A_58 = tpu.memref_slice %arg4[%multiple_of3A_44] : memref<160000xi32, #tpu.memory_space<hbm>> -> memref<128xi32, #tpu.memory_space<hbm>>
      %dma_wait3A_59 = tpu.memref_slice %arg4[%multiple_of3A_44] : memref<160000xi32, #tpu.memory_space<hbm>> -> memref<128xi32, #tpu.memory_space<hbm>>
      tpu.wait_dma2 semaphore(%arg16 : memref<!tpu.dma_semaphore, #tpu.memory_space<semaphore_mem>>) src(%dma_wait3A_59 : memref<128xi32, #tpu.memory_space<hbm>>) dst(%arg7 : memref<128xi32, #tpu.memory_space<vmem>>)
      %dma_wait3A_60 = tpu.memref_slice %arg3[%multiple_of3A_47] : memref<160000xi32, #tpu.memory_space<hbm>> -> memref<128xi32, #tpu.memory_space<hbm>>
      %dma_wait3A_61 = tpu.memref_slice %arg3[%multiple_of3A_47] : memref<160000xi32, #tpu.memory_space<hbm>> -> memref<128xi32, #tpu.memory_space<hbm>>
      tpu.wait_dma2 semaphore(%arg16 : memref<!tpu.dma_semaphore, #tpu.memory_space<semaphore_mem>>) src(%dma_wait3A_61 : memref<128xi32, #tpu.memory_space<hbm>>) dst(%arg8 : memref<128xi32, #tpu.memory_space<vmem>>)
      %dma_wait3A_62 = tpu.memref_slice %arg4[%multiple_of3A_47] : memref<160000xi32, #tpu.memory_space<hbm>> -> memref<128xi32, #tpu.memory_space<hbm>>
      %dma_wait3A_63 = tpu.memref_slice %arg4[%multiple_of3A_47] : memref<160000xi32, #tpu.memory_space<hbm>> -> memref<128xi32, #tpu.memory_space<hbm>>
      tpu.wait_dma2 semaphore(%arg16 : memref<!tpu.dma_semaphore, #tpu.memory_space<semaphore_mem>>) src(%dma_wait3A_63 : memref<128xi32, #tpu.memory_space<hbm>>) dst(%arg9 : memref<128xi32, #tpu.memory_space<vmem>>)
      %dma_start3A_64 = arith.constant 0 : i32
      %dma_start3A_65 = arith.constant 0 : i32
      %dma_start3A_66 = tpu.memref_slice %arg2[%dma_start3A_64, %dma_start3A_65] : memref<10000x128xf32, #tpu.memory_space<hbm>> -> memref<10000x128xf32, #tpu.memory_space<hbm>>
      tpu.enqueue_indirect_dma source(%dma_start3A_66 : memref<10000x128xf32, #tpu.memory_space<hbm>>) target(%arg12 : memref<128x128xf32, #tpu.memory_space<vmem>>) offsets(%arg6 : memref<128xi32, #tpu.memory_space<vmem>>) semaphore(%arg17 : memref<!tpu.dma_semaphore, #tpu.memory_space<semaphore_mem>>)
      %dma_start3A_67 = arith.constant 0 : i32
      %dma_start3A_68 = arith.constant 0 : i32
      %dma_start3A_69 = tpu.memref_slice %arg2[%dma_start3A_67, %dma_start3A_68] : memref<10000x128xf32, #tpu.memory_space<hbm>> -> memref<10000x128xf32, #tpu.memory_space<hbm>>
      tpu.enqueue_indirect_dma source(%dma_start3A_69 : memref<10000x128xf32, #tpu.memory_space<hbm>>) target(%arg13 : memref<128x128xf32, #tpu.memory_space<vmem>>) offsets(%arg8 : memref<128xi32, #tpu.memory_space<vmem>>) semaphore(%arg18 : memref<!tpu.dma_semaphore, #tpu.memory_space<semaphore_mem>>)
      %dma_wait3A_70 = arith.constant 0 : i32
      %dma_wait3A_71 = arith.constant 0 : i32
      %dma_wait3A_72 = tpu.memref_slice %arg2[%dma_wait3A_70, %dma_wait3A_71] : memref<10000x128xf32, #tpu.memory_space<hbm>> -> memref<10000x128xf32, #tpu.memory_space<hbm>>
      tpu.wait_indirect_dma semaphore(%arg17 : memref<!tpu.dma_semaphore, #tpu.memory_space<semaphore_mem>>) src(%dma_wait3A_72 : memref<10000x128xf32, #tpu.memory_space<hbm>>) dst(%arg12 : memref<128x128xf32, #tpu.memory_space<vmem>>)
      %dma_start3A_73 = arith.constant 0 : i32
      %dma_start3A_74 = arith.constant 0 : i32
      %dma_start3A_75 = tpu.memref_slice %arg15[%dma_start3A_73, %dma_start3A_74] : memref<10000x128xf32, #tpu.memory_space<vmem_shared>> -> memref<10000x128xf32, #tpu.memory_space<vmem_shared>>
      tpu.enqueue_indirect_dma source(%arg12 : memref<128x128xf32, #tpu.memory_space<vmem>>) target(%dma_start3A_75 : memref<10000x128xf32, #tpu.memory_space<vmem_shared>>) offsets(%arg7 : memref<128xi32, #tpu.memory_space<vmem>>) semaphore(%arg20 : memref<!tpu.dma_semaphore, #tpu.memory_space<semaphore_mem>>) {add = true}
      %dma_wait3A_76 = arith.constant 0 : i32
      %dma_wait3A_77 = arith.constant 0 : i32
      %dma_wait3A_78 = tpu.memref_slice %arg2[%dma_wait3A_76, %dma_wait3A_77] : memref<10000x128xf32, #tpu.memory_space<hbm>> -> memref<10000x128xf32, #tpu.memory_space<hbm>>
      tpu.wait_indirect_dma semaphore(%arg18 : memref<!tpu.dma_semaphore, #tpu.memory_space<semaphore_mem>>) src(%dma_wait3A_78 : memref<10000x128xf32, #tpu.memory_space<hbm>>) dst(%arg13 : memref<128x128xf32, #tpu.memory_space<vmem>>)
      %dma_start3A_79 = arith.constant 0 : i32
      %dma_start3A_80 = arith.constant 0 : i32
      %dma_start3A_81 = tpu.memref_slice %arg15[%dma_start3A_79, %dma_start3A_80] : memref<10000x128xf32, #tpu.memory_space<vmem_shared>> -> memref<10000x128xf32, #tpu.memory_space<vmem_shared>>
      tpu.enqueue_indirect_dma source(%arg13 : memref<128x128xf32, #tpu.memory_space<vmem>>) target(%dma_start3A_81 : memref<10000x128xf32, #tpu.memory_space<vmem_shared>>) offsets(%arg9 : memref<128xi32, #tpu.memory_space<vmem>>) semaphore(%arg20 : memref<!tpu.dma_semaphore, #tpu.memory_space<semaphore_mem>>) {add = true}
      %dma_wait3A_82 = arith.constant 0 : i32
      %dma_wait3A_83 = arith.constant 0 : i32
      %dma_wait3A_84 = tpu.memref_slice %arg15[%dma_wait3A_82, %dma_wait3A_83] : memref<10000x128xf32, #tpu.memory_space<vmem_shared>> -> memref<10000x128xf32, #tpu.memory_space<vmem_shared>>
      tpu.wait_indirect_dma semaphore(%arg20 : memref<!tpu.dma_semaphore, #tpu.memory_space<semaphore_mem>>) src(%arg12 : memref<128x128xf32, #tpu.memory_space<vmem>>) dst(%dma_wait3A_84 : memref<10000x128xf32, #tpu.memory_space<vmem_shared>>)
      %dma_wait3A_85 = arith.constant 0 : i32
      %dma_wait3A_86 = arith.constant 0 : i32
      %dma_wait3A_87 = tpu.memref_slice %arg15[%dma_wait3A_85, %dma_wait3A_86] : memref<10000x128xf32, #tpu.memory_space<vmem_shared>> -> memref<10000x128xf32, #tpu.memory_space<vmem_shared>>
      tpu.wait_indirect_dma semaphore(%arg20 : memref<!tpu.dma_semaphore, #tpu.memory_space<semaphore_mem>>) src(%arg13 : memref<128x128xf32, #tpu.memory_space<vmem>>) dst(%dma_wait3A_87 : memref<10000x128xf32, #tpu.memory_space<vmem_shared>>)
    }
    %scan3A_27 = arith.constant 19 : i32
    %add3A_28 = arith.constant 4864 : i32
    %add3A_29 = arith.addi %multiple_of3A_21, %add3A_28 : i32
    %multiple_of3A_30 = tpu.assume_multiple %add3A_29, 8 : i32
    "tpu.region"() ({
      %run_scoped3A = tpu.sem_alloc : memref<!tpu.dma_semaphore, #tpu.memory_space<semaphore_mem>>
      %dma_start3A_38 = tpu.memref_slice %arg3[%multiple_of3A_30] : memref<160000xi32, #tpu.memory_space<hbm>> -> memref<128xi32, #tpu.memory_space<hbm>>
      %dma_start3A_39 = tpu.memref_slice %arg3[%multiple_of3A_30] : memref<160000xi32, #tpu.memory_space<hbm>> -> memref<128xi32, #tpu.memory_space<hbm>>
      tpu.enqueue_dma source(%dma_start3A_39 : memref<128xi32, #tpu.memory_space<hbm>>) target(%arg6 : memref<128xi32, #tpu.memory_space<vmem>>) target_semaphore(%run_scoped3A : memref<!tpu.dma_semaphore, #tpu.memory_space<semaphore_mem>>)
      %dma_wait3A_40 = tpu.memref_slice %arg3[%multiple_of3A_30] : memref<160000xi32, #tpu.memory_space<hbm>> -> memref<128xi32, #tpu.memory_space<hbm>>
      %dma_wait3A_41 = tpu.memref_slice %arg3[%multiple_of3A_30] : memref<160000xi32, #tpu.memory_space<hbm>> -> memref<128xi32, #tpu.memory_space<hbm>>
      tpu.wait_dma2 semaphore(%run_scoped3A : memref<!tpu.dma_semaphore, #tpu.memory_space<semaphore_mem>>) src(%dma_wait3A_41 : memref<128xi32, #tpu.memory_space<hbm>>) dst(%arg6 : memref<128xi32, #tpu.memory_space<vmem>>)
      tpu.yield
    }) : () -> ()
    "tpu.region"() ({
      %run_scoped3A = tpu.sem_alloc : memref<!tpu.dma_semaphore, #tpu.memory_space<semaphore_mem>>
      %dma_start3A_38 = tpu.memref_slice %arg4[%multiple_of3A_30] : memref<160000xi32, #tpu.memory_space<hbm>> -> memref<128xi32, #tpu.memory_space<hbm>>
      %dma_start3A_39 = tpu.memref_slice %arg4[%multiple_of3A_30] : memref<160000xi32, #tpu.memory_space<hbm>> -> memref<128xi32, #tpu.memory_space<hbm>>
      tpu.enqueue_dma source(%dma_start3A_39 : memref<128xi32, #tpu.memory_space<hbm>>) target(%arg7 : memref<128xi32, #tpu.memory_space<vmem>>) target_semaphore(%run_scoped3A : memref<!tpu.dma_semaphore, #tpu.memory_space<semaphore_mem>>)
      %dma_wait3A_40 = tpu.memref_slice %arg4[%multiple_of3A_30] : memref<160000xi32, #tpu.memory_space<hbm>> -> memref<128xi32, #tpu.memory_space<hbm>>
      %dma_wait3A_41 = tpu.memref_slice %arg4[%multiple_of3A_30] : memref<160000xi32, #tpu.memory_space<hbm>> -> memref<128xi32, #tpu.memory_space<hbm>>
      tpu.wait_dma2 semaphore(%run_scoped3A : memref<!tpu.dma_semaphore, #tpu.memory_space<semaphore_mem>>) src(%dma_wait3A_41 : memref<128xi32, #tpu.memory_space<hbm>>) dst(%arg7 : memref<128xi32, #tpu.memory_space<vmem>>)
      tpu.yield
    }) : () -> ()
    %dma_start3A = arith.constant 0 : i32
    %dma_start3A_31 = arith.constant 0 : i32
    %dma_start3A_32 = tpu.memref_slice %arg2[%dma_start3A, %dma_start3A_31] : memref<10000x128xf32, #tpu.memory_space<hbm>> -> memref<10000x128xf32, #tpu.memory_space<hbm>>
    tpu.enqueue_indirect_dma source(%dma_start3A_32 : memref<10000x128xf32, #tpu.memory_space<hbm>>) target(%arg12 : memref<128x128xf32, #tpu.memory_space<vmem>>) offsets(%arg6 : memref<128xi32, #tpu.memory_space<vmem>>) semaphore(%arg17 : memref<!tpu.dma_semaphore, #tpu.memory_space<semaphore_mem>>)
    %dma_wait3A = arith.constant 0 : i32
    %dma_wait3A_33 = arith.constant 0 : i32
    %dma_wait3A_34 = tpu.memref_slice %arg2[%dma_wait3A, %dma_wait3A_33] : memref<10000x128xf32, #tpu.memory_space<hbm>> -> memref<10000x128xf32, #tpu.memory_space<hbm>>
    tpu.wait_indirect_dma semaphore(%arg17 : memref<!tpu.dma_semaphore, #tpu.memory_space<semaphore_mem>>) src(%dma_wait3A_34 : memref<10000x128xf32, #tpu.memory_space<hbm>>) dst(%arg12 : memref<128x128xf32, #tpu.memory_space<vmem>>)
    "tpu.region"() ({
      %run_scoped3A = tpu.sem_alloc : memref<!tpu.dma_semaphore, #tpu.memory_space<semaphore_mem>>
      %dma_start3A_38 = arith.constant 0 : i32
      %dma_start3A_39 = arith.constant 0 : i32
      %dma_start3A_40 = tpu.memref_slice %arg15[%dma_start3A_38, %dma_start3A_39] : memref<10000x128xf32, #tpu.memory_space<vmem_shared>> -> memref<10000x128xf32, #tpu.memory_space<vmem_shared>>
      tpu.enqueue_indirect_dma source(%arg12 : memref<128x128xf32, #tpu.memory_space<vmem>>) target(%dma_start3A_40 : memref<10000x128xf32, #tpu.memory_space<vmem_shared>>) offsets(%arg7 : memref<128xi32, #tpu.memory_space<vmem>>) semaphore(%run_scoped3A : memref<!tpu.dma_semaphore, #tpu.memory_space<semaphore_mem>>) {add = true}
      %dma_wait3A_41 = arith.constant 0 : i32
      %dma_wait3A_42 = arith.constant 0 : i32
      %dma_wait3A_43 = tpu.memref_slice %arg15[%dma_wait3A_41, %dma_wait3A_42] : memref<10000x128xf32, #tpu.memory_space<vmem_shared>> -> memref<10000x128xf32, #tpu.memory_space<vmem_shared>>
      tpu.wait_indirect_dma semaphore(%run_scoped3A : memref<!tpu.dma_semaphore, #tpu.memory_space<semaphore_mem>>) src(%arg12 : memref<128x128xf32, #tpu.memory_space<vmem>>) dst(%dma_wait3A_43 : memref<10000x128xf32, #tpu.memory_space<vmem_shared>>)
      tpu.yield
    }) : () -> ()
    %lt3A = arith.constant 2 : i32
    %lt3A_35 = arith.cmpi slt, %add3A, %lt3A : i32
    %convert_element_type3A = arith.extui %lt3A_35 : i1 to i32
    %cond3A = arith.constant 0 : i32
    %cond3A_36 = arith.cmpi ne, %convert_element_type3A, %cond3A : i32
    scf.if %cond3A_36 {
      %mul3A_38 = arith.constant 128 : i32
      %mul3A_39 = arith.muli %add3A, %mul3A_38 : i32
      %add3A_40 = arith.constant 159744 : i32
      %add3A_41 = arith.addi %add3A_40, %mul3A_39 : i32
      %multiple_of3A_42 = tpu.assume_multiple %add3A_41, 8 : i32
      "tpu.region"() ({
        %run_scoped3A = tpu.sem_alloc : memref<!tpu.dma_semaphore, #tpu.memory_space<semaphore_mem>>
        %dma_start3A_49 = tpu.memref_slice %arg3[%multiple_of3A_42] : memref<160000xi32, #tpu.memory_space<hbm>> -> memref<128xi32, #tpu.memory_space<hbm>>
        %dma_start3A_50 = tpu.memref_slice %arg3[%multiple_of3A_42] : memref<160000xi32, #tpu.memory_space<hbm>> -> memref<128xi32, #tpu.memory_space<hbm>>
        tpu.enqueue_dma source(%dma_start3A_50 : memref<128xi32, #tpu.memory_space<hbm>>) target(%arg8 : memref<128xi32, #tpu.memory_space<vmem>>) target_semaphore(%run_scoped3A : memref<!tpu.dma_semaphore, #tpu.memory_space<semaphore_mem>>)
        %dma_wait3A_51 = tpu.memref_slice %arg3[%multiple_of3A_42] : memref<160000xi32, #tpu.memory_space<hbm>> -> memref<128xi32, #tpu.memory_space<hbm>>
        %dma_wait3A_52 = tpu.memref_slice %arg3[%multiple_of3A_42] : memref<160000xi32, #tpu.memory_space<hbm>> -> memref<128xi32, #tpu.memory_space<hbm>>
        tpu.wait_dma2 semaphore(%run_scoped3A : memref<!tpu.dma_semaphore, #tpu.memory_space<semaphore_mem>>) src(%dma_wait3A_52 : memref<128xi32, #tpu.memory_space<hbm>>) dst(%arg8 : memref<128xi32, #tpu.memory_space<vmem>>)
        tpu.yield
      }) : () -> ()
      "tpu.region"() ({
        %run_scoped3A = tpu.sem_alloc : memref<!tpu.dma_semaphore, #tpu.memory_space<semaphore_mem>>
        %dma_start3A_49 = tpu.memref_slice %arg4[%multiple_of3A_42] : memref<160000xi32, #tpu.memory_space<hbm>> -> memref<128xi32, #tpu.memory_space<hbm>>
        %dma_start3A_50 = tpu.memref_slice %arg4[%multiple_of3A_42] : memref<160000xi32, #tpu.memory_space<hbm>> -> memref<128xi32, #tpu.memory_space<hbm>>
        tpu.enqueue_dma source(%dma_start3A_50 : memref<128xi32, #tpu.memory_space<hbm>>) target(%arg9 : memref<128xi32, #tpu.memory_space<vmem>>) target_semaphore(%run_scoped3A : memref<!tpu.dma_semaphore, #tpu.memory_space<semaphore_mem>>)
        %dma_wait3A_51 = tpu.memref_slice %arg4[%multiple_of3A_42] : memref<160000xi32, #tpu.memory_space<hbm>> -> memref<128xi32, #tpu.memory_space<hbm>>
        %dma_wait3A_52 = tpu.memref_slice %arg4[%multiple_of3A_42] : memref<160000xi32, #tpu.memory_space<hbm>> -> memref<128xi32, #tpu.memory_space<hbm>>
        tpu.wait_dma2 semaphore(%run_scoped3A : memref<!tpu.dma_semaphore, #tpu.memory_space<semaphore_mem>>) src(%dma_wait3A_52 : memref<128xi32, #tpu.memory_space<hbm>>) dst(%arg9 : memref<128xi32, #tpu.memory_space<vmem>>)
        tpu.yield
      }) : () -> ()
      %dma_start3A_43 = arith.constant 0 : i32
      %dma_start3A_44 = arith.constant 0 : i32
      %dma_start3A_45 = tpu.memref_slice %arg2[%dma_start3A_43, %dma_start3A_44] : memref<10000x128xf32, #tpu.memory_space<hbm>> -> memref<10000x128xf32, #tpu.memory_space<hbm>>
      tpu.enqueue_indirect_dma source(%dma_start3A_45 : memref<10000x128xf32, #tpu.memory_space<hbm>>) target(%arg13 : memref<128x128xf32, #tpu.memory_space<vmem>>) offsets(%arg8 : memref<128xi32, #tpu.memory_space<vmem>>) semaphore(%arg18 : memref<!tpu.dma_semaphore, #tpu.memory_space<semaphore_mem>>)
      %dma_wait3A_46 = arith.constant 0 : i32
      %dma_wait3A_47 = arith.constant 0 : i32
      %dma_wait3A_48 = tpu.memref_slice %arg2[%dma_wait3A_46, %dma_wait3A_47] : memref<10000x128xf32, #tpu.memory_space<hbm>> -> memref<10000x128xf32, #tpu.memory_space<hbm>>
      tpu.wait_indirect_dma semaphore(%arg18 : memref<!tpu.dma_semaphore, #tpu.memory_space<semaphore_mem>>) src(%dma_wait3A_48 : memref<10000x128xf32, #tpu.memory_space<hbm>>) dst(%arg13 : memref<128x128xf32, #tpu.memory_space<vmem>>)
      "tpu.region"() ({
        %run_scoped3A = tpu.sem_alloc : memref<!tpu.dma_semaphore, #tpu.memory_space<semaphore_mem>>
        %dma_start3A_49 = arith.constant 0 : i32
        %dma_start3A_50 = arith.constant 0 : i32
        %dma_start3A_51 = tpu.memref_slice %arg15[%dma_start3A_49, %dma_start3A_50] : memref<10000x128xf32, #tpu.memory_space<vmem_shared>> -> memref<10000x128xf32, #tpu.memory_space<vmem_shared>>
        tpu.enqueue_indirect_dma source(%arg13 : memref<128x128xf32, #tpu.memory_space<vmem>>) target(%dma_start3A_51 : memref<10000x128xf32, #tpu.memory_space<vmem_shared>>) offsets(%arg9 : memref<128xi32, #tpu.memory_space<vmem>>) semaphore(%run_scoped3A : memref<!tpu.dma_semaphore, #tpu.memory_space<semaphore_mem>>) {add = true}
        %dma_wait3A_52 = arith.constant 0 : i32
        %dma_wait3A_53 = arith.constant 0 : i32
        %dma_wait3A_54 = tpu.memref_slice %arg15[%dma_wait3A_52, %dma_wait3A_53] : memref<10000x128xf32, #tpu.memory_space<vmem_shared>> -> memref<10000x128xf32, #tpu.memory_space<vmem_shared>>
        tpu.wait_indirect_dma semaphore(%run_scoped3A : memref<!tpu.dma_semaphore, #tpu.memory_space<semaphore_mem>>) src(%arg13 : memref<128x128xf32, #tpu.memory_space<vmem>>) dst(%dma_wait3A_54 : memref<10000x128xf32, #tpu.memory_space<vmem_shared>>)
        tpu.yield
      }) : () -> ()
    } else {
    }
    %barrier3A_37 = arith.constant 0 : index
    tpu.barrier barrier_id(%barrier3A_37)
    "tpu.region"() ({
      %run_scoped3A = tpu.sem_alloc : memref<!tpu.dma_semaphore, #tpu.memory_space<semaphore_mem>>
      %dma_start3A_38 = arith.constant 0 : i32
      %dma_start3A_39 = tpu.memref_slice %arg5[%arg0, %multiple_of3A, %dma_start3A_38] : memref<2x10000x128xf32, #tpu.memory_space<hbm>> -> memref<1x632x128xf32, #tpu.memory_space<hbm>>
      %dma_start3A_40 = tpu.memref_squeeze %dma_start3A_39 : memref<1x632x128xf32, #tpu.memory_space<hbm>> -> memref<632x128xf32, #tpu.memory_space<hbm>>
      %dma_start3A_41 = arith.constant 0 : i32
      %dma_start3A_42 = tpu.memref_slice %arg15[%multiple_of3A, %dma_start3A_41] : memref<10000x128xf32, #tpu.memory_space<vmem_shared>> -> memref<632x128xf32, #tpu.memory_space<vmem_shared>>
      tpu.enqueue_dma source(%dma_start3A_42 : memref<632x128xf32, #tpu.memory_space<vmem_shared>>) target(%dma_start3A_40 : memref<632x128xf32, #tpu.memory_space<hbm>>) target_semaphore(%run_scoped3A : memref<!tpu.dma_semaphore, #tpu.memory_space<semaphore_mem>>)
      %dma_wait3A_43 = arith.constant 0 : i32
      %dma_wait3A_44 = tpu.memref_slice %arg5[%arg0, %multiple_of3A, %dma_wait3A_43] : memref<2x10000x128xf32, #tpu.memory_space<hbm>> -> memref<1x632x128xf32, #tpu.memory_space<hbm>>
      %dma_wait3A_45 = tpu.memref_squeeze %dma_wait3A_44 : memref<1x632x128xf32, #tpu.memory_space<hbm>> -> memref<632x128xf32, #tpu.memory_space<hbm>>
      %dma_wait3A_46 = arith.constant 0 : i32
      %dma_wait3A_47 = tpu.memref_slice %arg15[%multiple_of3A, %dma_wait3A_46] : memref<10000x128xf32, #tpu.memory_space<vmem_shared>> -> memref<632x128xf32, #tpu.memory_space<vmem_shared>>
      tpu.wait_dma2 semaphore(%run_scoped3A : memref<!tpu.dma_semaphore, #tpu.memory_space<semaphore_mem>>) src(%dma_wait3A_47 : memref<632x128xf32, #tpu.memory_space<vmem_shared>>) dst(%dma_wait3A_45 : memref<632x128xf32, #tpu.memory_space<hbm>>)
      tpu.yield
    }) : () -> ()
    return
  }
}

#map = affine_map<(d0, d1) -> (0, 0)>
#map1 = affine_map<(d0, d1) -> (0)>
#map2 = affine_map<(d0, d1) -> (0, 0, 0)>
module attributes {stable_mosaic.version = 14 : i64} {
  func.func @_sc_seg_gather_body(%arg0: i32, %arg1: i32, %arg2: memref<10000x128xf32, #tpu.memory_space<hbm>>, %arg3: memref<160000xi32, #tpu.memory_space<hbm>>, %arg4: memref<160000xi32, #tpu.memory_space<hbm>>, %arg5: memref<2x10000x128xf32, #tpu.memory_space<hbm>>, %arg6: memref<128xi32, #tpu.memory_space<vmem>>, %arg7: memref<128xi32, #tpu.memory_space<vmem>>, %arg8: memref<128xi32, #tpu.memory_space<vmem>>, %arg9: memref<128xi32, #tpu.memory_space<vmem>>, %arg10: memref<128xi32, #tpu.memory_space<vmem>>, %arg11: memref<128xi32, #tpu.memory_space<vmem>>, %arg12: memref<128x128xf32, #tpu.memory_space<vmem>>, %arg13: memref<128x128xf32, #tpu.memory_space<vmem>>, %arg14: memref<128x128xf32, #tpu.memory_space<vmem>>, %arg15: memref<10000x128xf32, #tpu.memory_space<vmem_shared>>, %arg16: memref<!tpu.dma_semaphore, #tpu.memory_space<semaphore_mem>>, %arg17: memref<!tpu.dma_semaphore, #tpu.memory_space<semaphore_mem>>, %arg18: memref<!tpu.dma_semaphore, #tpu.memory_space<semaphore_mem>>, %arg19: memref<!tpu.dma_semaphore, #tpu.memory_space<semaphore_mem>>, %arg20: memref<!tpu.dma_semaphore, #tpu.memory_space<semaphore_mem>>) attributes {dimension_semantics = [#tpu.dimension_semantics<core_parallel>, #tpu.dimension_semantics<subcore_parallel>], iteration_bounds = array<i64: 2, 16>, scalar_prefetch = 0 : i64, scratch_operands = 15 : i64, tpu.core_type = #tpu.core_type<sc_vector_subcore>, window_params = [{transform_indices = #map}, {transform_indices = #map1}, {transform_indices = #map1}, {transform_indices = #map2}]} {
    %mul3A = arith.constant 2 : i32
    %mul3A_0 = arith.muli %arg1, %mul3A : i32
    %add3A = arith.addi %mul3A_0, %arg0 : i32
    %mul3A_1 = arith.constant 632 : i32
    %mul3A_2 = arith.muli %arg1, %mul3A_1 : i32
    %min3A = arith.constant 9368 : i32
    %min3A_3 = arith.minsi %mul3A_2, %min3A : i32
    %multiple_of3A = tpu.assume_multiple %min3A_3, 8 : i32
    %scan3A = arith.constant 0 : i32
    %scan3A_4 = arith.constant 0 : i32
    %scan3A_5 = arith.constant 128 : i32
    %scan3A_6 = arith.addi %scan3A_4, %scan3A_5 : i32
    %scan3A_7 = arith.constant 1 : i32
    scf.for %scan3A_38 = %scan3A_4 to %scan3A_6 step %scan3A_7  : i32 {
      %broadcast_in_dim3A = arith.constant 0.000000e+00 : f32
      %broadcast_in_dim3A_39 = vector.broadcast %broadcast_in_dim3A : f32 to vector<16xf32>
      %swap3A = arith.index_cast %scan3A_38 : i32 to index
      %swap3A_40 = arith.constant 0 : index
      %swap3A_41 = tpu.vector_load %arg12[%swap3A, %swap3A_40] {strides = array<i32>} : memref<128x128xf32, #tpu.memory_space<vmem>>, vector<1x16xf32>,
      %swap3A_42 = vector.shape_cast %swap3A_41 : vector<1x16xf32> to vector<16xf32>
      %swap3A_43 = vector.shape_cast %broadcast_in_dim3A_39 : vector<16xf32> to vector<1x16xf32>
      tpu.vector_store %arg12[%swap3A, %swap3A_40], %swap3A_43 {strides = array<i32>} : memref<128x128xf32, #tpu.memory_space<vmem>>, vector<1x16xf32>,
      %broadcast_in_dim3A_44 = arith.constant 0.000000e+00 : f32
      %broadcast_in_dim3A_45 = vector.broadcast %broadcast_in_dim3A_44 : f32 to vector<16xf32>
      %swap3A_46 = arith.index_cast %scan3A_38 : i32 to index
      %swap3A_47 = arith.constant 16 : index
      %swap3A_48 = tpu.vector_load %arg12[%swap3A_46, %swap3A_47] {strides = array<i32>} : memref<128x128xf32, #tpu.memory_space<vmem>>, vector<1x16xf32>,
      %swap3A_49 = vector.shape_cast %swap3A_48 : vector<1x16xf32> to vector<16xf32>
      %swap3A_50 = vector.shape_cast %broadcast_in_dim3A_45 : vector<16xf32> to vector<1x16xf32>
      tpu.vector_store %arg12[%swap3A_46, %swap3A_47], %swap3A_50 {strides = array<i32>} : memref<128x128xf32, #tpu.memory_space<vmem>>, vector<1x16xf32>,
      %broadcast_in_dim3A_51 = arith.constant 0.000000e+00 : f32
      %broadcast_in_dim3A_52 = vector.broadcast %broadcast_in_dim3A_51 : f32 to vector<16xf32>
      %swap3A_53 = arith.index_cast %scan3A_38 : i32 to index
      %swap3A_54 = arith.constant 32 : index
      %swap3A_55 = tpu.vector_load %arg12[%swap3A_53, %swap3A_54] {strides = array<i32>} : memref<128x128xf32, #tpu.memory_space<vmem>>, vector<1x16xf32>,
      %swap3A_56 = vector.shape_cast %swap3A_55 : vector<1x16xf32> to vector<16xf32>
      %swap3A_57 = vector.shape_cast %broadcast_in_dim3A_52 : vector<16xf32> to vector<1x16xf32>
      tpu.vector_store %arg12[%swap3A_53, %swap3A_54], %swap3A_57 {strides = array<i32>} : memref<128x128xf32, #tpu.memory_space<vmem>>, vector<1x16xf32>,
      %broadcast_in_dim3A_58 = arith.constant 0.000000e+00 : f32
      %broadcast_in_dim3A_59 = vector.broadcast %broadcast_in_dim3A_58 : f32 to vector<16xf32>
      %swap3A_60 = arith.index_cast %scan3A_38 : i32 to index
      %swap3A_61 = arith.constant 48 : index
      %swap3A_62 = tpu.vector_load %arg12[%swap3A_60, %swap3A_61] {strides = array<i32>} : memref<128x128xf32, #tpu.memory_space<vmem>>, vector<1x16xf32>,
      %swap3A_63 = vector.shape_cast %swap3A_62 : vector<1x16xf32> to vector<16xf32>
      %swap3A_64 = vector.shape_cast %broadcast_in_dim3A_59 : vector<16xf32> to vector<1x16xf32>
      tpu.vector_store %arg12[%swap3A_60, %swap3A_61], %swap3A_64 {strides = array<i32>} : memref<128x128xf32, #tpu.memory_space<vmem>>, vector<1x16xf32>,
      %broadcast_in_dim3A_65 = arith.constant 0.000000e+00 : f32
      %broadcast_in_dim3A_66 = vector.broadcast %broadcast_in_dim3A_65 : f32 to vector<16xf32>
      %swap3A_67 = arith.index_cast %scan3A_38 : i32 to index
      %swap3A_68 = arith.constant 64 : index
      %swap3A_69 = tpu.vector_load %arg12[%swap3A_67, %swap3A_68] {strides = array<i32>} : memref<128x128xf32, #tpu.memory_space<vmem>>, vector<1x16xf32>,
      %swap3A_70 = vector.shape_cast %swap3A_69 : vector<1x16xf32> to vector<16xf32>
      %swap3A_71 = vector.shape_cast %broadcast_in_dim3A_66 : vector<16xf32> to vector<1x16xf32>
      tpu.vector_store %arg12[%swap3A_67, %swap3A_68], %swap3A_71 {strides = array<i32>} : memref<128x128xf32, #tpu.memory_space<vmem>>, vector<1x16xf32>,
      %broadcast_in_dim3A_72 = arith.constant 0.000000e+00 : f32
      %broadcast_in_dim3A_73 = vector.broadcast %broadcast_in_dim3A_72 : f32 to vector<16xf32>
      %swap3A_74 = arith.index_cast %scan3A_38 : i32 to index
      %swap3A_75 = arith.constant 80 : index
      %swap3A_76 = tpu.vector_load %arg12[%swap3A_74, %swap3A_75] {strides = array<i32>} : memref<128x128xf32, #tpu.memory_space<vmem>>, vector<1x16xf32>,
      %swap3A_77 = vector.shape_cast %swap3A_76 : vector<1x16xf32> to vector<16xf32>
      %swap3A_78 = vector.shape_cast %broadcast_in_dim3A_73 : vector<16xf32> to vector<1x16xf32>
      tpu.vector_store %arg12[%swap3A_74, %swap3A_75], %swap3A_78 {strides = array<i32>} : memref<128x128xf32, #tpu.memory_space<vmem>>, vector<1x16xf32>,
      %broadcast_in_dim3A_79 = arith.constant 0.000000e+00 : f32
      %broadcast_in_dim3A_80 = vector.broadcast %broadcast_in_dim3A_79 : f32 to vector<16xf32>
      %swap3A_81 = arith.index_cast %scan3A_38 : i32 to index
      %swap3A_82 = arith.constant 96 : index
      %swap3A_83 = tpu.vector_load %arg12[%swap3A_81, %swap3A_82] {strides = array<i32>} : memref<128x128xf32, #tpu.memory_space<vmem>>, vector<1x16xf32>,
      %swap3A_84 = vector.shape_cast %swap3A_83 : vector<1x16xf32> to vector<16xf32>
      %swap3A_85 = vector.shape_cast %broadcast_in_dim3A_80 : vector<16xf32> to vector<1x16xf32>
      tpu.vector_store %arg12[%swap3A_81, %swap3A_82], %swap3A_85 {strides = array<i32>} : memref<128x128xf32, #tpu.memory_space<vmem>>, vector<1x16xf32>,
      %broadcast_in_dim3A_86 = arith.constant 0.000000e+00 : f32
      %broadcast_in_dim3A_87 = vector.broadcast %broadcast_in_dim3A_86 : f32 to vector<16xf32>
      %swap3A_88 = arith.index_cast %scan3A_38 : i32 to index
      %swap3A_89 = arith.constant 112 : index
      %swap3A_90 = tpu.vector_load %arg12[%swap3A_88, %swap3A_89] {strides = array<i32>} : memref<128x128xf32, #tpu.memory_space<vmem>>, vector<1x16xf32>,
      %swap3A_91 = vector.shape_cast %swap3A_90 : vector<1x16xf32> to vector<16xf32>
      %swap3A_92 = vector.shape_cast %broadcast_in_dim3A_87 : vector<16xf32> to vector<1x16xf32>
      tpu.vector_store %arg12[%swap3A_88, %swap3A_89], %swap3A_92 {strides = array<i32>} : memref<128x128xf32, #tpu.memory_space<vmem>>, vector<1x16xf32>,
    }
    %scan3A_8 = arith.constant 128 : i32
    %add3A_9 = arith.constant 0 : i32
    %add3A_10 = arith.addi %multiple_of3A, %add3A_9 : i32
    "tpu.region"() ({
      %run_scoped3A = tpu.sem_alloc : memref<!tpu.dma_semaphore, #tpu.memory_space<semaphore_mem>>
      %dma_start3A_38 = arith.constant 0 : i32
      %dma_start3A_39 = arith.constant 0 : i32
      %dma_start3A_40 = tpu.memref_slice %arg12[%dma_start3A_38, %dma_start3A_39] : memref<128x128xf32, #tpu.memory_space<vmem>> -> memref<128x128xf32, #tpu.memory_space<vmem>>
      %dma_start3A_41 = arith.constant 0 : i32
      %dma_start3A_42 = tpu.memref_slice %arg15[%add3A_10, %dma_start3A_41] : memref<10000x128xf32, #tpu.memory_space<vmem_shared>> -> memref<128x128xf32, #tpu.memory_space<vmem_shared>>
      %dma_start3A_43 = arith.constant 0 : i32
      %dma_start3A_44 = tpu.memref_slice %arg15[%add3A_10, %dma_start3A_43] : memref<10000x128xf32, #tpu.memory_space<vmem_shared>> -> memref<128x128xf32, #tpu.memory_space<vmem_shared>>
      %dma_start3A_45 = arith.constant 0 : i32
      %dma_start3A_46 = arith.constant 0 : i32
      %dma_start3A_47 = tpu.memref_slice %arg12[%dma_start3A_45, %dma_start3A_46] : memref<128x128xf32, #tpu.memory_space<vmem>> -> memref<128x128xf32, #tpu.memory_space<vmem>>
      tpu.enqueue_dma source(%dma_start3A_47 : memref<128x128xf32, #tpu.memory_space<vmem>>) target(%dma_start3A_44 : memref<128x128xf32, #tpu.memory_space<vmem_shared>>) target_semaphore(%run_scoped3A : memref<!tpu.dma_semaphore, #tpu.memory_space<semaphore_mem>>)
      %dma_wait3A_48 = arith.constant 0 : i32
      %dma_wait3A_49 = arith.constant 0 : i32
      %dma_wait3A_50 = tpu.memref_slice %arg12[%dma_wait3A_48, %dma_wait3A_49] : memref<128x128xf32, #tpu.memory_space<vmem>> -> memref<128x128xf32, #tpu.memory_space<vmem>>
      %dma_wait3A_51 = arith.constant 0 : i32
      %dma_wait3A_52 = tpu.memref_slice %arg15[%add3A_10, %dma_wait3A_51] : memref<10000x128xf32, #tpu.memory_space<vmem_shared>> -> memref<128x128xf32, #tpu.memory_space<vmem_shared>>
      %dma_wait3A_53 = arith.constant 0 : i32
      %dma_wait3A_54 = tpu.memref_slice %arg15[%add3A_10, %dma_wait3A_53] : memref<10000x128xf32, #tpu.memory_space<vmem_shared>> -> memref<128x128xf32, #tpu.memory_space<vmem_shared>>
      %dma_wait3A_55 = arith.constant 0 : i32
      %dma_wait3A_56 = arith.constant 0 : i32
      %dma_wait3A_57 = tpu.memref_slice %arg12[%dma_wait3A_55, %dma_wait3A_56] : memref<128x128xf32, #tpu.memory_space<vmem>> -> memref<128x128xf32, #tpu.memory_space<vmem>>
      tpu.wait_dma2 semaphore(%run_scoped3A : memref<!tpu.dma_semaphore, #tpu.memory_space<semaphore_mem>>) src(%dma_wait3A_57 : memref<128x128xf32, #tpu.memory_space<vmem>>) dst(%dma_wait3A_54 : memref<128x128xf32, #tpu.memory_space<vmem_shared>>)
      tpu.yield
    }) : () -> ()
    %add3A_11 = arith.constant 128 : i32
    %add3A_12 = arith.addi %multiple_of3A, %add3A_11 : i32
    "tpu.region"() ({
      %run_scoped3A = tpu.sem_alloc : memref<!tpu.dma_semaphore, #tpu.memory_space<semaphore_mem>>
      %dma_start3A_38 = arith.constant 0 : i32
      %dma_start3A_39 = arith.constant 0 : i32
      %dma_start3A_40 = tpu.memref_slice %arg12[%dma_start3A_38, %dma_start3A_39] : memref<128x128xf32, #tpu.memory_space<vmem>> -> memref<128x128xf32, #tpu.memory_space<vmem>>
      %dma_start3A_41 = arith.constant 0 : i32
      %dma_start3A_42 = tpu.memref_slice %arg15[%add3A_12, %dma_start3A_41] : memref<10000x128xf32, #tpu.memory_space<vmem_shared>> -> memref<128x128xf32, #tpu.memory_space<vmem_shared>>
      %dma_start3A_43 = arith.constant 0 : i32
      %dma_start3A_44 = tpu.memref_slice %arg15[%add3A_12, %dma_start3A_43] : memref<10000x128xf32, #tpu.memory_space<vmem_shared>> -> memref<128x128xf32, #tpu.memory_space<vmem_shared>>
      %dma_start3A_45 = arith.constant 0 : i32
      %dma_start3A_46 = arith.constant 0 : i32
      %dma_start3A_47 = tpu.memref_slice %arg12[%dma_start3A_45, %dma_start3A_46] : memref<128x128xf32, #tpu.memory_space<vmem>> -> memref<128x128xf32, #tpu.memory_space<vmem>>
      tpu.enqueue_dma source(%dma_start3A_47 : memref<128x128xf32, #tpu.memory_space<vmem>>) target(%dma_start3A_44 : memref<128x128xf32, #tpu.memory_space<vmem_shared>>) target_semaphore(%run_scoped3A : memref<!tpu.dma_semaphore, #tpu.memory_space<semaphore_mem>>)
      %dma_wait3A_48 = arith.constant 0 : i32
      %dma_wait3A_49 = arith.constant 0 : i32
      %dma_wait3A_50 = tpu.memref_slice %arg12[%dma_wait3A_48, %dma_wait3A_49] : memref<128x128xf32, #tpu.memory_space<vmem>> -> memref<128x128xf32, #tpu.memory_space<vmem>>
      %dma_wait3A_51 = arith.constant 0 : i32
      %dma_wait3A_52 = tpu.memref_slice %arg15[%add3A_12, %dma_wait3A_51] : memref<10000x128xf32, #tpu.memory_space<vmem_shared>> -> memref<128x128xf32, #tpu.memory_space<vmem_shared>>
      %dma_wait3A_53 = arith.constant 0 : i32
      %dma_wait3A_54 = tpu.memref_slice %arg15[%add3A_12, %dma_wait3A_53] : memref<10000x128xf32, #tpu.memory_space<vmem_shared>> -> memref<128x128xf32, #tpu.memory_space<vmem_shared>>
      %dma_wait3A_55 = arith.constant 0 : i32
      %dma_wait3A_56 = arith.constant 0 : i32
      %dma_wait3A_57 = tpu.memref_slice %arg12[%dma_wait3A_55, %dma_wait3A_56] : memref<128x128xf32, #tpu.memory_space<vmem>> -> memref<128x128xf32, #tpu.memory_space<vmem>>
      tpu.wait_dma2 semaphore(%run_scoped3A : memref<!tpu.dma_semaphore, #tpu.memory_space<semaphore_mem>>) src(%dma_wait3A_57 : memref<128x128xf32, #tpu.memory_space<vmem>>) dst(%dma_wait3A_54 : memref<128x128xf32, #tpu.memory_space<vmem_shared>>)
      tpu.yield
    }) : () -> ()
    %add3A_13 = arith.constant 256 : i32
    %add3A_14 = arith.addi %multiple_of3A, %add3A_13 : i32
    "tpu.region"() ({
      %run_scoped3A = tpu.sem_alloc : memref<!tpu.dma_semaphore, #tpu.memory_space<semaphore_mem>>
      %dma_start3A_38 = arith.constant 0 : i32
      %dma_start3A_39 = arith.constant 0 : i32
      %dma_start3A_40 = tpu.memref_slice %arg12[%dma_start3A_38, %dma_start3A_39] : memref<128x128xf32, #tpu.memory_space<vmem>> -> memref<128x128xf32, #tpu.memory_space<vmem>>
      %dma_start3A_41 = arith.constant 0 : i32
      %dma_start3A_42 = tpu.memref_slice %arg15[%add3A_14, %dma_start3A_41] : memref<10000x128xf32, #tpu.memory_space<vmem_shared>> -> memref<128x128xf32, #tpu.memory_space<vmem_shared>>
      %dma_start3A_43 = arith.constant 0 : i32
      %dma_start3A_44 = tpu.memref_slice %arg15[%add3A_14, %dma_start3A_43] : memref<10000x128xf32, #tpu.memory_space<vmem_shared>> -> memref<128x128xf32, #tpu.memory_space<vmem_shared>>
      %dma_start3A_45 = arith.constant 0 : i32
      %dma_start3A_46 = arith.constant 0 : i32
      %dma_start3A_47 = tpu.memref_slice %arg12[%dma_start3A_45, %dma_start3A_46] : memref<128x128xf32, #tpu.memory_space<vmem>> -> memref<128x128xf32, #tpu.memory_space<vmem>>
      tpu.enqueue_dma source(%dma_start3A_47 : memref<128x128xf32, #tpu.memory_space<vmem>>) target(%dma_start3A_44 : memref<128x128xf32, #tpu.memory_space<vmem_shared>>) target_semaphore(%run_scoped3A : memref<!tpu.dma_semaphore, #tpu.memory_space<semaphore_mem>>)
      %dma_wait3A_48 = arith.constant 0 : i32
      %dma_wait3A_49 = arith.constant 0 : i32
      %dma_wait3A_50 = tpu.memref_slice %arg12[%dma_wait3A_48, %dma_wait3A_49] : memref<128x128xf32, #tpu.memory_space<vmem>> -> memref<128x128xf32, #tpu.memory_space<vmem>>
      %dma_wait3A_51 = arith.constant 0 : i32
      %dma_wait3A_52 = tpu.memref_slice %arg15[%add3A_14, %dma_wait3A_51] : memref<10000x128xf32, #tpu.memory_space<vmem_shared>> -> memref<128x128xf32, #tpu.memory_space<vmem_shared>>
      %dma_wait3A_53 = arith.constant 0 : i32
      %dma_wait3A_54 = tpu.memref_slice %arg15[%add3A_14, %dma_wait3A_53] : memref<10000x128xf32, #tpu.memory_space<vmem_shared>> -> memref<128x128xf32, #tpu.memory_space<vmem_shared>>
      %dma_wait3A_55 = arith.constant 0 : i32
      %dma_wait3A_56 = arith.constant 0 : i32
      %dma_wait3A_57 = tpu.memref_slice %arg12[%dma_wait3A_55, %dma_wait3A_56] : memref<128x128xf32, #tpu.memory_space<vmem>> -> memref<128x128xf32, #tpu.memory_space<vmem>>
      tpu.wait_dma2 semaphore(%run_scoped3A : memref<!tpu.dma_semaphore, #tpu.memory_space<semaphore_mem>>) src(%dma_wait3A_57 : memref<128x128xf32, #tpu.memory_space<vmem>>) dst(%dma_wait3A_54 : memref<128x128xf32, #tpu.memory_space<vmem_shared>>)
      tpu.yield
    }) : () -> ()
    %add3A_15 = arith.constant 384 : i32
    %add3A_16 = arith.addi %multiple_of3A, %add3A_15 : i32
    "tpu.region"() ({
      %run_scoped3A = tpu.sem_alloc : memref<!tpu.dma_semaphore, #tpu.memory_space<semaphore_mem>>
      %dma_start3A_38 = arith.constant 0 : i32
      %dma_start3A_39 = arith.constant 0 : i32
      %dma_start3A_40 = tpu.memref_slice %arg12[%dma_start3A_38, %dma_start3A_39] : memref<128x128xf32, #tpu.memory_space<vmem>> -> memref<128x128xf32, #tpu.memory_space<vmem>>
      %dma_start3A_41 = arith.constant 0 : i32
      %dma_start3A_42 = tpu.memref_slice %arg15[%add3A_16, %dma_start3A_41] : memref<10000x128xf32, #tpu.memory_space<vmem_shared>> -> memref<128x128xf32, #tpu.memory_space<vmem_shared>>
      %dma_start3A_43 = arith.constant 0 : i32
      %dma_start3A_44 = tpu.memref_slice %arg15[%add3A_16, %dma_start3A_43] : memref<10000x128xf32, #tpu.memory_space<vmem_shared>> -> memref<128x128xf32, #tpu.memory_space<vmem_shared>>
      %dma_start3A_45 = arith.constant 0 : i32
      %dma_start3A_46 = arith.constant 0 : i32
      %dma_start3A_47 = tpu.memref_slice %arg12[%dma_start3A_45, %dma_start3A_46] : memref<128x128xf32, #tpu.memory_space<vmem>> -> memref<128x128xf32, #tpu.memory_space<vmem>>
      tpu.enqueue_dma source(%dma_start3A_47 : memref<128x128xf32, #tpu.memory_space<vmem>>) target(%dma_start3A_44 : memref<128x128xf32, #tpu.memory_space<vmem_shared>>) target_semaphore(%run_scoped3A : memref<!tpu.dma_semaphore, #tpu.memory_space<semaphore_mem>>)
      %dma_wait3A_48 = arith.constant 0 : i32
      %dma_wait3A_49 = arith.constant 0 : i32
      %dma_wait3A_50 = tpu.memref_slice %arg12[%dma_wait3A_48, %dma_wait3A_49] : memref<128x128xf32, #tpu.memory_space<vmem>> -> memref<128x128xf32, #tpu.memory_space<vmem>>
      %dma_wait3A_51 = arith.constant 0 : i32
      %dma_wait3A_52 = tpu.memref_slice %arg15[%add3A_16, %dma_wait3A_51] : memref<10000x128xf32, #tpu.memory_space<vmem_shared>> -> memref<128x128xf32, #tpu.memory_space<vmem_shared>>
      %dma_wait3A_53 = arith.constant 0 : i32
      %dma_wait3A_54 = tpu.memref_slice %arg15[%add3A_16, %dma_wait3A_53] : memref<10000x128xf32, #tpu.memory_space<vmem_shared>> -> memref<128x128xf32, #tpu.memory_space<vmem_shared>>
      %dma_wait3A_55 = arith.constant 0 : i32
      %dma_wait3A_56 = arith.constant 0 : i32
      %dma_wait3A_57 = tpu.memref_slice %arg12[%dma_wait3A_55, %dma_wait3A_56] : memref<128x128xf32, #tpu.memory_space<vmem>> -> memref<128x128xf32, #tpu.memory_space<vmem>>
      tpu.wait_dma2 semaphore(%run_scoped3A : memref<!tpu.dma_semaphore, #tpu.memory_space<semaphore_mem>>) src(%dma_wait3A_57 : memref<128x128xf32, #tpu.memory_space<vmem>>) dst(%dma_wait3A_54 : memref<128x128xf32, #tpu.memory_space<vmem_shared>>)
      tpu.yield
    }) : () -> ()
    %add3A_17 = arith.constant 512 : i32
    %add3A_18 = arith.addi %multiple_of3A, %add3A_17 : i32
    "tpu.region"() ({
      %run_scoped3A = tpu.sem_alloc : memref<!tpu.dma_semaphore, #tpu.memory_space<semaphore_mem>>
      %dma_start3A_38 = arith.constant 0 : i32
      %dma_start3A_39 = arith.constant 0 : i32
      %dma_start3A_40 = tpu.memref_slice %arg12[%dma_start3A_38, %dma_start3A_39] : memref<128x128xf32, #tpu.memory_space<vmem>> -> memref<120x128xf32, #tpu.memory_space<vmem>>
      %dma_start3A_41 = arith.constant 0 : i32
      %dma_start3A_42 = tpu.memref_slice %arg15[%add3A_18, %dma_start3A_41] : memref<10000x128xf32, #tpu.memory_space<vmem_shared>> -> memref<120x128xf32, #tpu.memory_space<vmem_shared>>
      %dma_start3A_43 = arith.constant 0 : i32
      %dma_start3A_44 = tpu.memref_slice %arg15[%add3A_18, %dma_start3A_43] : memref<10000x128xf32, #tpu.memory_space<vmem_shared>> -> memref<120x128xf32, #tpu.memory_space<vmem_shared>>
      %dma_start3A_45 = arith.constant 0 : i32
      %dma_start3A_46 = arith.constant 0 : i32
      %dma_start3A_47 = tpu.memref_slice %arg12[%dma_start3A_45, %dma_start3A_46] : memref<128x128xf32, #tpu.memory_space<vmem>> -> memref<120x128xf32, #tpu.memory_space<vmem>>
      tpu.enqueue_dma source(%dma_start3A_47 : memref<120x128xf32, #tpu.memory_space<vmem>>) target(%dma_start3A_44 : memref<120x128xf32, #tpu.memory_space<vmem_shared>>) target_semaphore(%run_scoped3A : memref<!tpu.dma_semaphore, #tpu.memory_space<semaphore_mem>>)
      %dma_wait3A_48 = arith.constant 0 : i32
      %dma_wait3A_49 = arith.constant 0 : i32
      %dma_wait3A_50 = tpu.memref_slice %arg12[%dma_wait3A_48, %dma_wait3A_49] : memref<128x128xf32, #tpu.memory_space<vmem>> -> memref<120x128xf32, #tpu.memory_space<vmem>>
      %dma_wait3A_51 = arith.constant 0 : i32
      %dma_wait3A_52 = tpu.memref_slice %arg15[%add3A_18, %dma_wait3A_51] : memref<10000x128xf32, #tpu.memory_space<vmem_shared>> -> memref<120x128xf32, #tpu.memory_space<vmem_shared>>
      %dma_wait3A_53 = arith.constant 0 : i32
      %dma_wait3A_54 = tpu.memref_slice %arg15[%add3A_18, %dma_wait3A_53] : memref<10000x128xf32, #tpu.memory_space<vmem_shared>> -> memref<120x128xf32, #tpu.memory_space<vmem_shared>>
      %dma_wait3A_55 = arith.constant 0 : i32
      %dma_wait3A_56 = arith.constant 0 : i32
      %dma_wait3A_57 = tpu.memref_slice %arg12[%dma_wait3A_55, %dma_wait3A_56] : memref<128x128xf32, #tpu.memory_space<vmem>> -> memref<120x128xf32, #tpu.memory_space<vmem>>
      tpu.wait_dma2 semaphore(%run_scoped3A : memref<!tpu.dma_semaphore, #tpu.memory_space<semaphore_mem>>) src(%dma_wait3A_57 : memref<120x128xf32, #tpu.memory_space<vmem>>) dst(%dma_wait3A_54 : memref<120x128xf32, #tpu.memory_space<vmem_shared>>)
      tpu.yield
    }) : () -> ()
    %barrier3A = arith.constant 0 : index
    tpu.barrier barrier_id(%barrier3A)
    %mul3A_19 = arith.constant 4992 : i32
    %mul3A_20 = arith.muli %add3A, %mul3A_19 : i32
    %multiple_of3A_21 = tpu.assume_multiple %mul3A_20, 8 : i32
    %scan3A_22 = arith.constant 0 : i32
    %scan3A_23 = arith.constant 0 : i32
    %scan3A_24 = arith.constant 19 : i32
    %scan3A_25 = arith.addi %scan3A_23, %scan3A_24 : i32
    %scan3A_26 = arith.constant 1 : i32
    scf.for %scan3A_38 = %scan3A_23 to %scan3A_25 step %scan3A_26  : i32 {
      %mul3A_39 = arith.constant 2 : i32
      %mul3A_40 = arith.muli %mul3A_39, %scan3A_38 : i32
      %mul3A_41 = arith.constant 128 : i32
      %mul3A_42 = arith.muli %mul3A_40, %mul3A_41 : i32
      %add3A_43 = arith.addi %multiple_of3A_21, %mul3A_42 : i32
      %multiple_of3A_44 = tpu.assume_multiple %add3A_43, 8 : i32
      %add3A_45 = arith.constant 128 : i32
      %add3A_46 = arith.addi %multiple_of3A_44, %add3A_45 : i32
      %multiple_of3A_47 = tpu.assume_multiple %add3A_46, 8 : i32
      %dma_start3A_48 = tpu.memref_slice %arg3[%multiple_of3A_44] : memref<160000xi32, #tpu.memory_space<hbm>> -> memref<128xi32, #tpu.memory_space<hbm>>
      %dma_start3A_49 = tpu.memref_slice %arg3[%multiple_of3A_44] : memref<160000xi32, #tpu.memory_space<hbm>> -> memref<128xi32, #tpu.memory_space<hbm>>
      tpu.enqueue_dma source(%dma_start3A_49 : memref<128xi32, #tpu.memory_space<hbm>>) target(%arg6 : memref<128xi32, #tpu.memory_space<vmem>>) target_semaphore(%arg16 : memref<!tpu.dma_semaphore, #tpu.memory_space<semaphore_mem>>)
      %dma_start3A_50 = tpu.memref_slice %arg4[%multiple_of3A_44] : memref<160000xi32, #tpu.memory_space<hbm>> -> memref<128xi32, #tpu.memory_space<hbm>>
      %dma_start3A_51 = tpu.memref_slice %arg4[%multiple_of3A_44] : memref<160000xi32, #tpu.memory_space<hbm>> -> memref<128xi32, #tpu.memory_space<hbm>>
      tpu.enqueue_dma source(%dma_start3A_51 : memref<128xi32, #tpu.memory_space<hbm>>) target(%arg7 : memref<128xi32, #tpu.memory_space<vmem>>) target_semaphore(%arg16 : memref<!tpu.dma_semaphore, #tpu.memory_space<semaphore_mem>>)
      %dma_start3A_52 = tpu.memref_slice %arg3[%multiple_of3A_47] : memref<160000xi32, #tpu.memory_space<hbm>> -> memref<128xi32, #tpu.memory_space<hbm>>
      %dma_start3A_53 = tpu.memref_slice %arg3[%multiple_of3A_47] : memref<160000xi32, #tpu.memory_space<hbm>> -> memref<128xi32, #tpu.memory_space<hbm>>
      tpu.enqueue_dma source(%dma_start3A_53 : memref<128xi32, #tpu.memory_space<hbm>>) target(%arg8 : memref<128xi32, #tpu.memory_space<vmem>>) target_semaphore(%arg16 : memref<!tpu.dma_semaphore, #tpu.memory_space<semaphore_mem>>)
      %dma_start3A_54 = tpu.memref_slice %arg4[%multiple_of3A_47] : memref<160000xi32, #tpu.memory_space<hbm>> -> memref<128xi32, #tpu.memory_space<hbm>>
      %dma_start3A_55 = tpu.memref_slice %arg4[%multiple_of3A_47] : memref<160000xi32, #tpu.memory_space<hbm>> -> memref<128xi32, #tpu.memory_space<hbm>>
      tpu.enqueue_dma source(%dma_start3A_55 : memref<128xi32, #tpu.memory_space<hbm>>) target(%arg9 : memref<128xi32, #tpu.memory_space<vmem>>) target_semaphore(%arg16 : memref<!tpu.dma_semaphore, #tpu.memory_space<semaphore_mem>>)
      %dma_wait3A_56 = tpu.memref_slice %arg3[%multiple_of3A_44] : memref<160000xi32, #tpu.memory_space<hbm>> -> memref<128xi32, #tpu.memory_space<hbm>>
      %dma_wait3A_57 = tpu.memref_slice %arg3[%multiple_of3A_44] : memref<160000xi32, #tpu.memory_space<hbm>> -> memref<128xi32, #tpu.memory_space<hbm>>
      tpu.wait_dma2 semaphore(%arg16 : memref<!tpu.dma_semaphore, #tpu.memory_space<semaphore_mem>>) src(%dma_wait3A_57 : memref<128xi32, #tpu.memory_space<hbm>>) dst(%arg6 : memref<128xi32, #tpu.memory_space<vmem>>)
      %dma_wait3A_58 = tpu.memref_slice %arg4[%multiple_of3A_44] : memref<160000xi32, #tpu.memory_space<hbm>> -> memref<128xi32, #tpu.memory_space<hbm>>
      %dma_wait3A_59 = tpu.memref_slice %arg4[%multiple_of3A_44] : memref<160000xi32, #tpu.memory_space<hbm>> -> memref<128xi32, #tpu.memory_space<hbm>>
      tpu.wait_dma2 semaphore(%arg16 : memref<!tpu.dma_semaphore, #tpu.memory_space<semaphore_mem>>) src(%dma_wait3A_59 : memref<128xi32, #tpu.memory_space<hbm>>) dst(%arg7 : memref<128xi32, #tpu.memory_space<vmem>>)
      %dma_wait3A_60 = tpu.memref_slice %arg3[%multiple_of3A_47] : memref<160000xi32, #tpu.memory_space<hbm>> -> memref<128xi32, #tpu.memory_space<hbm>>
      %dma_wait3A_61 = tpu.memref_slice %arg3[%multiple_of3A_47] : memref<160000xi32, #tpu.memory_space<hbm>> -> memref<128xi32, #tpu.memory_space<hbm>>
      tpu.wait_dma2 semaphore(%arg16 : memref<!tpu.dma_semaphore, #tpu.memory_space<semaphore_mem>>) src(%dma_wait3A_61 : memref<128xi32, #tpu.memory_space<hbm>>) dst(%arg8 : memref<128xi32, #tpu.memory_space<vmem>>)
      %dma_wait3A_62 = tpu.memref_slice %arg4[%multiple_of3A_47] : memref<160000xi32, #tpu.memory_space<hbm>> -> memref<128xi32, #tpu.memory_space<hbm>>
      %dma_wait3A_63 = tpu.memref_slice %arg4[%multiple_of3A_47] : memref<160000xi32, #tpu.memory_space<hbm>> -> memref<128xi32, #tpu.memory_space<hbm>>
      tpu.wait_dma2 semaphore(%arg16 : memref<!tpu.dma_semaphore, #tpu.memory_space<semaphore_mem>>) src(%dma_wait3A_63 : memref<128xi32, #tpu.memory_space<hbm>>) dst(%arg9 : memref<128xi32, #tpu.memory_space<vmem>>)
      %dma_start3A_64 = arith.constant 0 : i32
      %dma_start3A_65 = arith.constant 0 : i32
      %dma_start3A_66 = tpu.memref_slice %arg2[%dma_start3A_64, %dma_start3A_65] : memref<10000x128xf32, #tpu.memory_space<hbm>> -> memref<10000x128xf32, #tpu.memory_space<hbm>>
      tpu.enqueue_indirect_dma source(%dma_start3A_66 : memref<10000x128xf32, #tpu.memory_space<hbm>>) target(%arg12 : memref<128x128xf32, #tpu.memory_space<vmem>>) offsets(%arg6 : memref<128xi32, #tpu.memory_space<vmem>>) semaphore(%arg17 : memref<!tpu.dma_semaphore, #tpu.memory_space<semaphore_mem>>)
      %dma_start3A_67 = arith.constant 0 : i32
      %dma_start3A_68 = arith.constant 0 : i32
      %dma_start3A_69 = tpu.memref_slice %arg2[%dma_start3A_67, %dma_start3A_68] : memref<10000x128xf32, #tpu.memory_space<hbm>> -> memref<10000x128xf32, #tpu.memory_space<hbm>>
      tpu.enqueue_indirect_dma source(%dma_start3A_69 : memref<10000x128xf32, #tpu.memory_space<hbm>>) target(%arg13 : memref<128x128xf32, #tpu.memory_space<vmem>>) offsets(%arg8 : memref<128xi32, #tpu.memory_space<vmem>>) semaphore(%arg18 : memref<!tpu.dma_semaphore, #tpu.memory_space<semaphore_mem>>)
      %dma_wait3A_70 = arith.constant 0 : i32
      %dma_wait3A_71 = arith.constant 0 : i32
      %dma_wait3A_72 = tpu.memref_slice %arg2[%dma_wait3A_70, %dma_wait3A_71] : memref<10000x128xf32, #tpu.memory_space<hbm>> -> memref<10000x128xf32, #tpu.memory_space<hbm>>
      tpu.wait_indirect_dma semaphore(%arg17 : memref<!tpu.dma_semaphore, #tpu.memory_space<semaphore_mem>>) src(%dma_wait3A_72 : memref<10000x128xf32, #tpu.memory_space<hbm>>) dst(%arg12 : memref<128x128xf32, #tpu.memory_space<vmem>>)
      %dma_start3A_73 = arith.constant 0 : i32
      %dma_start3A_74 = arith.constant 0 : i32
      %dma_start3A_75 = tpu.memref_slice %arg15[%dma_start3A_73, %dma_start3A_74] : memref<10000x128xf32, #tpu.memory_space<vmem_shared>> -> memref<10000x128xf32, #tpu.memory_space<vmem_shared>>
      tpu.enqueue_indirect_dma source(%arg12 : memref<128x128xf32, #tpu.memory_space<vmem>>) target(%dma_start3A_75 : memref<10000x128xf32, #tpu.memory_space<vmem_shared>>) offsets(%arg7 : memref<128xi32, #tpu.memory_space<vmem>>) semaphore(%arg20 : memref<!tpu.dma_semaphore, #tpu.memory_space<semaphore_mem>>) {add = true}
      %dma_wait3A_76 = arith.constant 0 : i32
      %dma_wait3A_77 = arith.constant 0 : i32
      %dma_wait3A_78 = tpu.memref_slice %arg2[%dma_wait3A_76, %dma_wait3A_77] : memref<10000x128xf32, #tpu.memory_space<hbm>> -> memref<10000x128xf32, #tpu.memory_space<hbm>>
      tpu.wait_indirect_dma semaphore(%arg18 : memref<!tpu.dma_semaphore, #tpu.memory_space<semaphore_mem>>) src(%dma_wait3A_78 : memref<10000x128xf32, #tpu.memory_space<hbm>>) dst(%arg13 : memref<128x128xf32, #tpu.memory_space<vmem>>)
      %dma_start3A_79 = arith.constant 0 : i32
      %dma_start3A_80 = arith.constant 0 : i32
      %dma_start3A_81 = tpu.memref_slice %arg15[%dma_start3A_79, %dma_start3A_80] : memref<10000x128xf32, #tpu.memory_space<vmem_shared>> -> memref<10000x128xf32, #tpu.memory_space<vmem_shared>>
      tpu.enqueue_indirect_dma source(%arg13 : memref<128x128xf32, #tpu.memory_space<vmem>>) target(%dma_start3A_81 : memref<10000x128xf32, #tpu.memory_space<vmem_shared>>) offsets(%arg9 : memref<128xi32, #tpu.memory_space<vmem>>) semaphore(%arg20 : memref<!tpu.dma_semaphore, #tpu.memory_space<semaphore_mem>>) {add = true}
      %dma_wait3A_82 = arith.constant 0 : i32
      %dma_wait3A_83 = arith.constant 0 : i32
      %dma_wait3A_84 = tpu.memref_slice %arg15[%dma_wait3A_82, %dma_wait3A_83] : memref<10000x128xf32, #tpu.memory_space<vmem_shared>> -> memref<10000x128xf32, #tpu.memory_space<vmem_shared>>
      tpu.wait_indirect_dma semaphore(%arg20 : memref<!tpu.dma_semaphore, #tpu.memory_space<semaphore_mem>>) src(%arg12 : memref<128x128xf32, #tpu.memory_space<vmem>>) dst(%dma_wait3A_84 : memref<10000x128xf32, #tpu.memory_space<vmem_shared>>)
      %dma_wait3A_85 = arith.constant 0 : i32
      %dma_wait3A_86 = arith.constant 0 : i32
      %dma_wait3A_87 = tpu.memref_slice %arg15[%dma_wait3A_85, %dma_wait3A_86] : memref<10000x128xf32, #tpu.memory_space<vmem_shared>> -> memref<10000x128xf32, #tpu.memory_space<vmem_shared>>
      tpu.wait_indirect_dma semaphore(%arg20 : memref<!tpu.dma_semaphore, #tpu.memory_space<semaphore_mem>>) src(%arg13 : memref<128x128xf32, #tpu.memory_space<vmem>>) dst(%dma_wait3A_87 : memref<10000x128xf32, #tpu.memory_space<vmem_shared>>)
    }
    %scan3A_27 = arith.constant 19 : i32
    %add3A_28 = arith.constant 4864 : i32
    %add3A_29 = arith.addi %multiple_of3A_21, %add3A_28 : i32
    %multiple_of3A_30 = tpu.assume_multiple %add3A_29, 8 : i32
    "tpu.region"() ({
      %run_scoped3A = tpu.sem_alloc : memref<!tpu.dma_semaphore, #tpu.memory_space<semaphore_mem>>
      %dma_start3A_38 = tpu.memref_slice %arg3[%multiple_of3A_30] : memref<160000xi32, #tpu.memory_space<hbm>> -> memref<128xi32, #tpu.memory_space<hbm>>
      %dma_start3A_39 = tpu.memref_slice %arg3[%multiple_of3A_30] : memref<160000xi32, #tpu.memory_space<hbm>> -> memref<128xi32, #tpu.memory_space<hbm>>
      tpu.enqueue_dma source(%dma_start3A_39 : memref<128xi32, #tpu.memory_space<hbm>>) target(%arg6 : memref<128xi32, #tpu.memory_space<vmem>>) target_semaphore(%run_scoped3A : memref<!tpu.dma_semaphore, #tpu.memory_space<semaphore_mem>>)
      %dma_wait3A_40 = tpu.memref_slice %arg3[%multiple_of3A_30] : memref<160000xi32, #tpu.memory_space<hbm>> -> memref<128xi32, #tpu.memory_space<hbm>>
      %dma_wait3A_41 = tpu.memref_slice %arg3[%multiple_of3A_30] : memref<160000xi32, #tpu.memory_space<hbm>> -> memref<128xi32, #tpu.memory_space<hbm>>
      tpu.wait_dma2 semaphore(%run_scoped3A : memref<!tpu.dma_semaphore, #tpu.memory_space<semaphore_mem>>) src(%dma_wait3A_41 : memref<128xi32, #tpu.memory_space<hbm>>) dst(%arg6 : memref<128xi32, #tpu.memory_space<vmem>>)
      tpu.yield
    }) : () -> ()
    "tpu.region"() ({
      %run_scoped3A = tpu.sem_alloc : memref<!tpu.dma_semaphore, #tpu.memory_space<semaphore_mem>>
      %dma_start3A_38 = tpu.memref_slice %arg4[%multiple_of3A_30] : memref<160000xi32, #tpu.memory_space<hbm>> -> memref<128xi32, #tpu.memory_space<hbm>>
      %dma_start3A_39 = tpu.memref_slice %arg4[%multiple_of3A_30] : memref<160000xi32, #tpu.memory_space<hbm>> -> memref<128xi32, #tpu.memory_space<hbm>>
      tpu.enqueue_dma source(%dma_start3A_39 : memref<128xi32, #tpu.memory_space<hbm>>) target(%arg7 : memref<128xi32, #tpu.memory_space<vmem>>) target_semaphore(%run_scoped3A : memref<!tpu.dma_semaphore, #tpu.memory_space<semaphore_mem>>)
      %dma_wait3A_40 = tpu.memref_slice %arg4[%multiple_of3A_30] : memref<160000xi32, #tpu.memory_space<hbm>> -> memref<128xi32, #tpu.memory_space<hbm>>
      %dma_wait3A_41 = tpu.memref_slice %arg4[%multiple_of3A_30] : memref<160000xi32, #tpu.memory_space<hbm>> -> memref<128xi32, #tpu.memory_space<hbm>>
      tpu.wait_dma2 semaphore(%run_scoped3A : memref<!tpu.dma_semaphore, #tpu.memory_space<semaphore_mem>>) src(%dma_wait3A_41 : memref<128xi32, #tpu.memory_space<hbm>>) dst(%arg7 : memref<128xi32, #tpu.memory_space<vmem>>)
      tpu.yield
    }) : () -> ()
    %dma_start3A = arith.constant 0 : i32
    %dma_start3A_31 = arith.constant 0 : i32
    %dma_start3A_32 = tpu.memref_slice %arg2[%dma_start3A, %dma_start3A_31] : memref<10000x128xf32, #tpu.memory_space<hbm>> -> memref<10000x128xf32, #tpu.memory_space<hbm>>
    tpu.enqueue_indirect_dma source(%dma_start3A_32 : memref<10000x128xf32, #tpu.memory_space<hbm>>) target(%arg12 : memref<128x128xf32, #tpu.memory_space<vmem>>) offsets(%arg6 : memref<128xi32, #tpu.memory_space<vmem>>) semaphore(%arg17 : memref<!tpu.dma_semaphore, #tpu.memory_space<semaphore_mem>>)
    %dma_wait3A = arith.constant 0 : i32
    %dma_wait3A_33 = arith.constant 0 : i32
    %dma_wait3A_34 = tpu.memref_slice %arg2[%dma_wait3A, %dma_wait3A_33] : memref<10000x128xf32, #tpu.memory_space<hbm>> -> memref<10000x128xf32, #tpu.memory_space<hbm>>
    tpu.wait_indirect_dma semaphore(%arg17 : memref<!tpu.dma_semaphore, #tpu.memory_space<semaphore_mem>>) src(%dma_wait3A_34 : memref<10000x128xf32, #tpu.memory_space<hbm>>) dst(%arg12 : memref<128x128xf32, #tpu.memory_space<vmem>>)
    "tpu.region"() ({
      %run_scoped3A = tpu.sem_alloc : memref<!tpu.dma_semaphore, #tpu.memory_space<semaphore_mem>>
      %dma_start3A_38 = arith.constant 0 : i32
      %dma_start3A_39 = arith.constant 0 : i32
      %dma_start3A_40 = tpu.memref_slice %arg15[%dma_start3A_38, %dma_start3A_39] : memref<10000x128xf32, #tpu.memory_space<vmem_shared>> -> memref<10000x128xf32, #tpu.memory_space<vmem_shared>>
      tpu.enqueue_indirect_dma source(%arg12 : memref<128x128xf32, #tpu.memory_space<vmem>>) target(%dma_start3A_40 : memref<10000x128xf32, #tpu.memory_space<vmem_shared>>) offsets(%arg7 : memref<128xi32, #tpu.memory_space<vmem>>) semaphore(%run_scoped3A : memref<!tpu.dma_semaphore, #tpu.memory_space<semaphore_mem>>) {add = true}
      %dma_wait3A_41 = arith.constant 0 : i32
      %dma_wait3A_42 = arith.constant 0 : i32
      %dma_wait3A_43 = tpu.memref_slice %arg15[%dma_wait3A_41, %dma_wait3A_42] : memref<10000x128xf32, #tpu.memory_space<vmem_shared>> -> memref<10000x128xf32, #tpu.memory_space<vmem_shared>>
      tpu.wait_indirect_dma semaphore(%run_scoped3A : memref<!tpu.dma_semaphore, #tpu.memory_space<semaphore_mem>>) src(%arg12 : memref<128x128xf32, #tpu.memory_space<vmem>>) dst(%dma_wait3A_43 : memref<10000x128xf32, #tpu.memory_space<vmem_shared>>)
      tpu.yield
    }) : () -> ()
    %lt3A = arith.constant 2 : i32
    %lt3A_35 = arith.cmpi slt, %add3A, %lt3A : i32
    %convert_element_type3A = arith.extui %lt3A_35 : i1 to i32
    %cond3A = arith.constant 0 : i32
    %cond3A_36 = arith.cmpi ne, %convert_element_type3A, %cond3A : i32
    scf.if %cond3A_36 {
      %mul3A_38 = arith.constant 128 : i32
      %mul3A_39 = arith.muli %add3A, %mul3A_38 : i32
      %add3A_40 = arith.constant 159744 : i32
      %add3A_41 = arith.addi %add3A_40, %mul3A_39 : i32
      %multiple_of3A_42 = tpu.assume_multiple %add3A_41, 8 : i32
      "tpu.region"() ({
        %run_scoped3A = tpu.sem_alloc : memref<!tpu.dma_semaphore, #tpu.memory_space<semaphore_mem>>
        %dma_start3A_49 = tpu.memref_slice %arg3[%multiple_of3A_42] : memref<160000xi32, #tpu.memory_space<hbm>> -> memref<128xi32, #tpu.memory_space<hbm>>
        %dma_start3A_50 = tpu.memref_slice %arg3[%multiple_of3A_42] : memref<160000xi32, #tpu.memory_space<hbm>> -> memref<128xi32, #tpu.memory_space<hbm>>
        tpu.enqueue_dma source(%dma_start3A_50 : memref<128xi32, #tpu.memory_space<hbm>>) target(%arg8 : memref<128xi32, #tpu.memory_space<vmem>>) target_semaphore(%run_scoped3A : memref<!tpu.dma_semaphore, #tpu.memory_space<semaphore_mem>>)
        %dma_wait3A_51 = tpu.memref_slice %arg3[%multiple_of3A_42] : memref<160000xi32, #tpu.memory_space<hbm>> -> memref<128xi32, #tpu.memory_space<hbm>>
        %dma_wait3A_52 = tpu.memref_slice %arg3[%multiple_of3A_42] : memref<160000xi32, #tpu.memory_space<hbm>> -> memref<128xi32, #tpu.memory_space<hbm>>
        tpu.wait_dma2 semaphore(%run_scoped3A : memref<!tpu.dma_semaphore, #tpu.memory_space<semaphore_mem>>) src(%dma_wait3A_52 : memref<128xi32, #tpu.memory_space<hbm>>) dst(%arg8 : memref<128xi32, #tpu.memory_space<vmem>>)
        tpu.yield
      }) : () -> ()
      "tpu.region"() ({
        %run_scoped3A = tpu.sem_alloc : memref<!tpu.dma_semaphore, #tpu.memory_space<semaphore_mem>>
        %dma_start3A_49 = tpu.memref_slice %arg4[%multiple_of3A_42] : memref<160000xi32, #tpu.memory_space<hbm>> -> memref<128xi32, #tpu.memory_space<hbm>>
        %dma_start3A_50 = tpu.memref_slice %arg4[%multiple_of3A_42] : memref<160000xi32, #tpu.memory_space<hbm>> -> memref<128xi32, #tpu.memory_space<hbm>>
        tpu.enqueue_dma source(%dma_start3A_50 : memref<128xi32, #tpu.memory_space<hbm>>) target(%arg9 : memref<128xi32, #tpu.memory_space<vmem>>) target_semaphore(%run_scoped3A : memref<!tpu.dma_semaphore, #tpu.memory_space<semaphore_mem>>)
        %dma_wait3A_51 = tpu.memref_slice %arg4[%multiple_of3A_42] : memref<160000xi32, #tpu.memory_space<hbm>> -> memref<128xi32, #tpu.memory_space<hbm>>
        %dma_wait3A_52 = tpu.memref_slice %arg4[%multiple_of3A_42] : memref<160000xi32, #tpu.memory_space<hbm>> -> memref<128xi32, #tpu.memory_space<hbm>>
        tpu.wait_dma2 semaphore(%run_scoped3A : memref<!tpu.dma_semaphore, #tpu.memory_space<semaphore_mem>>) src(%dma_wait3A_52 : memref<128xi32, #tpu.memory_space<hbm>>) dst(%arg9 : memref<128xi32, #tpu.memory_space<vmem>>)
        tpu.yield
      }) : () -> ()
      %dma_start3A_43 = arith.constant 0 : i32
      %dma_start3A_44 = arith.constant 0 : i32
      %dma_start3A_45 = tpu.memref_slice %arg2[%dma_start3A_43, %dma_start3A_44] : memref<10000x128xf32, #tpu.memory_space<hbm>> -> memref<10000x128xf32, #tpu.memory_space<hbm>>
      tpu.enqueue_indirect_dma source(%dma_start3A_45 : memref<10000x128xf32, #tpu.memory_space<hbm>>) target(%arg13 : memref<128x128xf32, #tpu.memory_space<vmem>>) offsets(%arg8 : memref<128xi32, #tpu.memory_space<vmem>>) semaphore(%arg18 : memref<!tpu.dma_semaphore, #tpu.memory_space<semaphore_mem>>)
      %dma_wait3A_46 = arith.constant 0 : i32
      %dma_wait3A_47 = arith.constant 0 : i32
      %dma_wait3A_48 = tpu.memref_slice %arg2[%dma_wait3A_46, %dma_wait3A_47] : memref<10000x128xf32, #tpu.memory_space<hbm>> -> memref<10000x128xf32, #tpu.memory_space<hbm>>
      tpu.wait_indirect_dma semaphore(%arg18 : memref<!tpu.dma_semaphore, #tpu.memory_space<semaphore_mem>>) src(%dma_wait3A_48 : memref<10000x128xf32, #tpu.memory_space<hbm>>) dst(%arg13 : memref<128x128xf32, #tpu.memory_space<vmem>>)
      "tpu.region"() ({
        %run_scoped3A = tpu.sem_alloc : memref<!tpu.dma_semaphore, #tpu.memory_space<semaphore_mem>>
        %dma_start3A_49 = arith.constant 0 : i32
        %dma_start3A_50 = arith.constant 0 : i32
        %dma_start3A_51 = tpu.memref_slice %arg15[%dma_start3A_49, %dma_start3A_50] : memref<10000x128xf32, #tpu.memory_space<vmem_shared>> -> memref<10000x128xf32, #tpu.memory_space<vmem_shared>>
        tpu.enqueue_indirect_dma source(%arg13 : memref<128x128xf32, #tpu.memory_space<vmem>>) target(%dma_start3A_51 : memref<10000x128xf32, #tpu.memory_space<vmem_shared>>) offsets(%arg9 : memref<128xi32, #tpu.memory_space<vmem>>) semaphore(%run_scoped3A : memref<!tpu.dma_semaphore, #tpu.memory_space<semaphore_mem>>) {add = true}
        %dma_wait3A_52 = arith.constant 0 : i32
        %dma_wait3A_53 = arith.constant 0 : i32
        %dma_wait3A_54 = tpu.memref_slice %arg15[%dma_wait3A_52, %dma_wait3A_53] : memref<10000x128xf32, #tpu.memory_space<vmem_shared>> -> memref<10000x128xf32, #tpu.memory_space<vmem_shared>>
        tpu.wait_indirect_dma semaphore(%run_scoped3A : memref<!tpu.dma_semaphore, #tpu.memory_space<semaphore_mem>>) src(%arg13 : memref<128x128xf32, #tpu.memory_space<vmem>>) dst(%dma_wait3A_54 : memref<10000x128xf32, #tpu.memory_space<vmem_shared>>)
        tpu.yield
      }) : () -> ()
    } else {
    }
    %barrier3A_37 = arith.constant 0 : index
    tpu.barrier barrier_id(%barrier3A_37)
    "tpu.region"() ({
      %run_scoped3A = tpu.sem_alloc : memref<!tpu.dma_semaphore, #tpu.memory_space<semaphore_mem>>
      %dma_start3A_38 = arith.constant 0 : i32
      %dma_start3A_39 = tpu.memref_slice %arg5[%arg0, %multiple_of3A, %dma_start3A_38] : memref<2x10000x128xf32, #tpu.memory_space<hbm>> -> memref<1x632x128xf32, #tpu.memory_space<hbm>>
      %dma_start3A_40 = tpu.memref_squeeze %dma_start3A_39 : memref<1x632x128xf32, #tpu.memory_space<hbm>> -> memref<632x128xf32, #tpu.memory_space<hbm>>
      %dma_start3A_41 = arith.constant 0 : i32
      %dma_start3A_42 = tpu.memref_slice %arg15[%multiple_of3A, %dma_start3A_41] : memref<10000x128xf32, #tpu.memory_space<vmem_shared>> -> memref<632x128xf32, #tpu.memory_space<vmem_shared>>
      tpu.enqueue_dma source(%dma_start3A_42 : memref<632x128xf32, #tpu.memory_space<vmem_shared>>) target(%dma_start3A_40 : memref<632x128xf32, #tpu.memory_space<hbm>>) target_semaphore(%run_scoped3A : memref<!tpu.dma_semaphore, #tpu.memory_space<semaphore_mem>>)
      %dma_wait3A_43 = arith.constant 0 : i32
      %dma_wait3A_44 = tpu.memref_slice %arg5[%arg0, %multiple_of3A, %dma_wait3A_43] : memref<2x10000x128xf32, #tpu.memory_space<hbm>> -> memref<1x632x128xf32, #tpu.memory_space<hbm>>
      %dma_wait3A_45 = tpu.memref_squeeze %dma_wait3A_44 : memref<1x632x128xf32, #tpu.memory_space<hbm>> -> memref<632x128xf32, #tpu.memory_space<hbm>>
      %dma_wait3A_46 = arith.constant 0 : i32
      %dma_wait3A_47 = tpu.memref_slice %arg15[%multiple_of3A, %dma_wait3A_46] : memref<10000x128xf32, #tpu.memory_space<vmem_shared>> -> memref<632x128xf32, #tpu.memory_space<vmem_shared>>
      tpu.wait_dma2 semaphore(%run_scoped3A : memref<!tpu.dma_semaphore, #tpu.memory_space<semaphore_mem>>) src(%dma_wait3A_47 : memref<632x128xf32, #tpu.memory_space<vmem_shared>>) dst(%dma_wait3A_45 : memref<632x128xf32, #tpu.memory_space<hbm>>)
      tpu.yield
    }) : () -> ()
    return
  }
}

module attributes {stable_mosaic.version = 14 : i64} {
  func.func @_edge_mlp_block(%arg0: i32, %arg1: memref<2000x301xf32, #tpu.memory_space<vmem>>, %arg2: memref<301x128xf32, #tpu.memory_space<vmem>>, %arg3: memref<1x128xf32, #tpu.memory_space<vmem>>, %arg4: memref<128x64xf32, #tpu.memory_space<vmem>>, %arg5: memref<1x64xf32, #tpu.memory_space<vmem>>, %arg6: memref<64x32xf32, #tpu.memory_space<vmem>>, %arg7: memref<1x32xf32, #tpu.memory_space<vmem>>, %arg8: memref<2000x128xf32, #tpu.memory_space<vmem>>) attributes {dimension_semantics = [#tpu.dimension_semantics<arbitrary>], iteration_bounds = array<i64: 80>, scalar_prefetch = 0 : i64, scratch_operands = 0 : i64, tpu.core_type = #tpu.core_type<tc>, window_params = [{transform_indices = @transform_0, window_bounds = array<i64: 2000, 301>}, {pipeline_mode = #tpu.pipeline_mode<synchronous>, transform_indices = @transform_1, window_bounds = array<i64: 301, 128>}, {pipeline_mode = #tpu.pipeline_mode<synchronous>, transform_indices = @transform_2, window_bounds = array<i64: 1, 128>}, {pipeline_mode = #tpu.pipeline_mode<synchronous>, transform_indices = @transform_3, window_bounds = array<i64: 128, 64>}, {pipeline_mode = #tpu.pipeline_mode<synchronous>, transform_indices = @transform_4, window_bounds = array<i64: 1, 64>}, {pipeline_mode = #tpu.pipeline_mode<synchronous>, transform_indices = @transform_5, window_bounds = array<i64: 64, 32>}, {pipeline_mode = #tpu.pipeline_mode<synchronous>, transform_indices = @transform_6, window_bounds = array<i64: 1, 32>}, {transform_indices = @transform_7, window_bounds = array<i64: 2000, 128>}]} {
    %get3A = arith.constant 0 : index
    %get3A_0 = arith.constant 0 : index
    %get3A_1 = vector.load %arg1[%get3A, %get3A_0] : memref<2000x301xf32, #tpu.memory_space<vmem>>, vector<2000x301xf32>
    %get3A_2 = arith.constant 0 : index
    %get3A_3 = arith.constant 0 : index
    %get3A_4 = vector.load %arg2[%get3A_2, %get3A_3] : memref<301x128xf32, #tpu.memory_space<vmem>>, vector<301x128xf32>
    %dot_general3A = arith.constant dense<0.000000e+00> : vector<2000x128xf32>
    %dot_general3A_5 = tpu.matmul %get3A_1, %get3A_4, %dot_general3A {dimension_numbers = #tpu.dot_dimension_numbers<[1], [0], [0], [1], [0, 0, 1, 1], [], []>, transpose_lhs_hint = false} : vector<2000x301xf32>, vector<301x128xf32>, vector<2000x128xf32> -> vector<2000x128xf32>
    %get3A_6 = arith.constant 0 : index
    %get3A_7 = arith.constant 0 : index
    %get3A_8 = vector.load %arg3[%get3A_6, %get3A_7] : memref<1x128xf32, #tpu.memory_space<vmem>>, vector<1x128xf32>
    %add3A = vector.broadcast %get3A_8 : vector<1x128xf32> to vector<2000x128xf32>
    %add3A_9 = arith.addf %dot_general3A_5, %add3A : vector<2000x128xf32>
    %max3A = arith.constant 0.000000e+00 : f32
    %max3A_10 = vector.broadcast %max3A : f32 to vector<2000x128xf32>
    %max3A_11 = arith.maximumf %add3A_9, %max3A_10 : vector<2000x128xf32>
    %get3A_12 = arith.constant 0 : index
    %get3A_13 = arith.constant 0 : index
    %get3A_14 = vector.load %arg4[%get3A_12, %get3A_13] : memref<128x64xf32, #tpu.memory_space<vmem>>, vector<128x64xf32>
    %dot_general3A_15 = arith.constant dense<0.000000e+00> : vector<2000x64xf32>
    %dot_general3A_16 = tpu.matmul %max3A_11, %get3A_14, %dot_general3A_15 {dimension_numbers = #tpu.dot_dimension_numbers<[1], [0], [0], [1], [0, 0, 1, 1], [], []>, transpose_lhs_hint = false} : vector<2000x128xf32>, vector<128x64xf32>, vector<2000x64xf32> -> vector<2000x64xf32>
    %get3A_17 = arith.constant 0 : index
    %get3A_18 = arith.constant 0 : index
    %get3A_19 = vector.load %arg5[%get3A_17, %get3A_18] : memref<1x64xf32, #tpu.memory_space<vmem>>, vector<1x64xf32>
    %add3A_20 = vector.broadcast %get3A_19 : vector<1x64xf32> to vector<2000x64xf32>
    %add3A_21 = arith.addf %dot_general3A_16, %add3A_20 : vector<2000x64xf32>
    %max3A_22 = arith.constant 0.000000e+00 : f32
    %max3A_23 = vector.broadcast %max3A_22 : f32 to vector<2000x64xf32>
    %max3A_24 = arith.maximumf %add3A_21, %max3A_23 : vector<2000x64xf32>
    %get3A_25 = arith.constant 0 : index
    %get3A_26 = arith.constant 0 : index
    %get3A_27 = vector.load %arg6[%get3A_25, %get3A_26] : memref<64x32xf32, #tpu.memory_space<vmem>>, vector<64x32xf32>
    %dot_general3A_28 = arith.constant dense<0.000000e+00> : vector<2000x32xf32>
    %dot_general3A_29 = tpu.matmul %max3A_24, %get3A_27, %dot_general3A_28 {dimension_numbers = #tpu.dot_dimension_numbers<[1], [0], [0], [1], [0, 0, 1, 1], [], []>, transpose_lhs_hint = false} : vector<2000x64xf32>, vector<64x32xf32>, vector<2000x32xf32> -> vector<2000x32xf32>
    %get3A_30 = arith.constant 0 : index
    %get3A_31 = arith.constant 0 : index
    %get3A_32 = vector.load %arg7[%get3A_30, %get3A_31] : memref<1x32xf32, #tpu.memory_space<vmem>>, vector<1x32xf32>
    %add3A_33 = vector.broadcast %get3A_32 : vector<1x32xf32> to vector<2000x32xf32>
    %add3A_34 = arith.addf %dot_general3A_29, %add3A_33 : vector<2000x32xf32>
    %max3A_35 = arith.constant 0.000000e+00 : f32
    %max3A_36 = vector.broadcast %max3A_35 : f32 to vector<2000x32xf32>
    %max3A_37 = arith.maximumf %add3A_34, %max3A_36 : vector<2000x32xf32>
    %broadcast_in_dim3A = arith.constant 1.000000e+00 : f32
    %broadcast_in_dim3A_38 = vector.broadcast %broadcast_in_dim3A : f32 to vector<2000x1xf32>
    %broadcast_in_dim3A_39 = arith.constant 0.000000e+00 : f32
    %broadcast_in_dim3A_40 = vector.broadcast %broadcast_in_dim3A_39 : f32 to vector<2000x95xf32>
    %concatenate3A = tpu.concatenate %max3A_37, %broadcast_in_dim3A_38, %broadcast_in_dim3A_40 in 1 : vector<2000x32xf32>, vector<2000x1xf32>, vector<2000x95xf32> -> vector<2000x128xf32>
    %swap3A = arith.constant 0 : index
    %swap3A_41 = arith.constant 0 : index
    %swap3A_42 = vector.load %arg8[%swap3A, %swap3A_41] : memref<2000x128xf32, #tpu.memory_space<vmem>>, vector<2000x128xf32>
    tpu.vector_store %arg8[%swap3A, %swap3A_41], %concatenate3A {strides = array<i32>} : memref<2000x128xf32, #tpu.memory_space<vmem>>, vector<2000x128xf32>,
    return
  }
  func.func @transform_0(%arg0: i32) -> (i32, i32) {
    %c0_i32 = arith.constant 0 : i32
    %c0_i32_0 = arith.constant 0 : i32
    return %arg0, %c0_i32 : i32, i32
  }
  func.func @transform_1(%arg0: i32) -> (i32, i32) {
    %c0_i32 = arith.constant 0 : i32
    %c0_i32_0 = arith.constant 0 : i32
    %c0_i32_1 = arith.constant 0 : i32
    return %c0_i32, %c0_i32_0 : i32, i32
  }
  func.func @transform_2(%arg0: i32) -> (i32, i32) {
    %c0_i32 = arith.constant 0 : i32
    %c0_i32_0 = arith.constant 0 : i32
    %c0_i32_1 = arith.constant 0 : i32
    return %c0_i32, %c0_i32_0 : i32, i32
  }
  func.func @transform_3(%arg0: i32) -> (i32, i32) {
    %c0_i32 = arith.constant 0 : i32
    %c0_i32_0 = arith.constant 0 : i32
    %c0_i32_1 = arith.constant 0 : i32
    return %c0_i32, %c0_i32_0 : i32, i32
  }
  func.func @transform_4(%arg0: i32) -> (i32, i32) {
    %c0_i32 = arith.constant 0 : i32
    %c0_i32_0 = arith.constant 0 : i32
    %c0_i32_1 = arith.constant 0 : i32
    return %c0_i32, %c0_i32_0 : i32, i32
  }
  func.func @transform_5(%arg0: i32) -> (i32, i32) {
    %c0_i32 = arith.constant 0 : i32
    %c0_i32_0 = arith.constant 0 : i32
    %c0_i32_1 = arith.constant 0 : i32
    return %c0_i32, %c0_i32_0 : i32, i32
  }
  func.func @transform_6(%arg0: i32) -> (i32, i32) {
    %c0_i32 = arith.constant 0 : i32
    %c0_i32_0 = arith.constant 0 : i32
    %c0_i32_1 = arith.constant 0 : i32
    return %c0_i32, %c0_i32_0 : i32, i32
  }
  func.func @transform_7(%arg0: i32) -> (i32, i32) {
    %c0_i32 = arith.constant 0 : i32
    %c0_i32_0 = arith.constant 0 : i32
    return %arg0, %c0_i32 : i32, i32
  }
}

module attributes {stable_mosaic.version = 14 : i64} {
  func.func @_node_block(%arg0: i32, %arg1: memref<10000x3xf32, #tpu.memory_space<vmem>>, %arg2: memref<3x16xf32, #tpu.memory_space<vmem>>, %arg3: memref<1x16xf32, #tpu.memory_space<vmem>>, %arg4: memref<10000x128xf32, #tpu.memory_space<vmem>>) attributes {dimension_semantics = [#tpu.dimension_semantics<arbitrary>], iteration_bounds = array<i64: 1>, scalar_prefetch = 0 : i64, scratch_operands = 0 : i64, tpu.core_type = #tpu.core_type<tc>, window_params = [{pipeline_mode = #tpu.pipeline_mode<synchronous>, transform_indices = @transform_0, window_bounds = array<i64: 10000, 3>}, {pipeline_mode = #tpu.pipeline_mode<synchronous>, transform_indices = @transform_1, window_bounds = array<i64: 3, 16>}, {pipeline_mode = #tpu.pipeline_mode<synchronous>, transform_indices = @transform_2, window_bounds = array<i64: 1, 16>}, {pipeline_mode = #tpu.pipeline_mode<synchronous>, transform_indices = @transform_3, window_bounds = array<i64: 10000, 128>}]} {
    %get3A = arith.constant 0 : index
    %get3A_0 = arith.constant 0 : index
    %get3A_1 = vector.load %arg1[%get3A, %get3A_0] : memref<10000x3xf32, #tpu.memory_space<vmem>>, vector<10000x3xf32>
    %get3A_2 = arith.constant 0 : index
    %get3A_3 = arith.constant 0 : index
    %get3A_4 = vector.load %arg2[%get3A_2, %get3A_3] : memref<3x16xf32, #tpu.memory_space<vmem>>, vector<3x16xf32>
    %dot_general3A = arith.constant dense<0.000000e+00> : vector<10000x16xf32>
    %dot_general3A_5 = tpu.matmul %get3A_1, %get3A_4, %dot_general3A {dimension_numbers = #tpu.dot_dimension_numbers<[1], [0], [0], [1], [0, 0, 1, 1], [], []>, transpose_lhs_hint = false} : vector<10000x3xf32>, vector<3x16xf32>, vector<10000x16xf32> -> vector<10000x16xf32>
    %get3A_6 = arith.constant 0 : index
    %get3A_7 = arith.constant 0 : index
    %get3A_8 = vector.load %arg3[%get3A_6, %get3A_7] : memref<1x16xf32, #tpu.memory_space<vmem>>, vector<1x16xf32>
    %add3A = vector.broadcast %get3A_8 : vector<1x16xf32> to vector<10000x16xf32>
    %add3A_9 = arith.addf %dot_general3A_5, %add3A : vector<10000x16xf32>
    %max3A = arith.constant 0.000000e+00 : f32
    %max3A_10 = vector.broadcast %max3A : f32 to vector<10000x16xf32>
    %max3A_11 = arith.maximumf %add3A_9, %max3A_10 : vector<10000x16xf32>
    %broadcast_in_dim3A = arith.constant 0.000000e+00 : f32
    %broadcast_in_dim3A_12 = vector.broadcast %broadcast_in_dim3A : f32 to vector<10000x112xf32>
    %concatenate3A = tpu.concatenate %max3A_11, %broadcast_in_dim3A_12 in 1 : vector<10000x16xf32>, vector<10000x112xf32> -> vector<10000x128xf32>
    %swap3A = arith.constant 0 : index
    %swap3A_13 = arith.constant 0 : index
    %swap3A_14 = vector.load %arg4[%swap3A, %swap3A_13] : memref<10000x128xf32, #tpu.memory_space<vmem>>, vector<10000x128xf32>
    tpu.vector_store %arg4[%swap3A, %swap3A_13], %concatenate3A {strides = array<i32>} : memref<10000x128xf32, #tpu.memory_space<vmem>>, vector<10000x128xf32>,
    return
  }
  func.func @transform_0(%arg0: i32) -> (i32, i32) {
    %c0_i32 = arith.constant 0 : i32
    %c0_i32_0 = arith.constant 0 : i32
    %c0_i32_1 = arith.constant 0 : i32
    return %c0_i32, %c0_i32_0 : i32, i32
  }
  func.func @transform_1(%arg0: i32) -> (i32, i32) {
    %c0_i32 = arith.constant 0 : i32
    %c0_i32_0 = arith.constant 0 : i32
    %c0_i32_1 = arith.constant 0 : i32
    return %c0_i32, %c0_i32_0 : i32, i32
  }
  func.func @transform_2(%arg0: i32) -> (i32, i32) {
    %c0_i32 = arith.constant 0 : i32
    %c0_i32_0 = arith.constant 0 : i32
    %c0_i32_1 = arith.constant 0 : i32
    return %c0_i32, %c0_i32_0 : i32, i32
  }
  func.func @transform_3(%arg0: i32) -> (i32, i32) {
    %c0_i32 = arith.constant 0 : i32
    %c0_i32_0 = arith.constant 0 : i32
    %c0_i32_1 = arith.constant 0 : i32
    return %c0_i32, %c0_i32_0 : i32, i32
  }
}

module attributes {stable_mosaic.version = 14 : i64} {
  func.func @_layer_block(%arg0: i32, %arg1: memref<2000x128xf32, #tpu.memory_space<vmem>>, %arg2: memref<1x2000x128xf32, #tpu.memory_space<vmem>>, %arg3: memref<1x2000x128xf32, #tpu.memory_space<vmem>>, %arg4: memref<1x2000x128xf32, #tpu.memory_space<vmem>>, %arg5: memref<1x2000x128xf32, #tpu.memory_space<vmem>>, %arg6: memref<128x32xf32, #tpu.memory_space<vmem>>, %arg7: memref<128x32xf32, #tpu.memory_space<vmem>>, %arg8: memref<128x32xf32, #tpu.memory_space<vmem>>, %arg9: memref<1x32xf32, #tpu.memory_space<vmem>>, %arg10: memref<2000x128xf32, #tpu.memory_space<vmem>>) attributes {dimension_semantics = [#tpu.dimension_semantics<arbitrary>], iteration_bounds = array<i64: 5>, scalar_prefetch = 0 : i64, scratch_operands = 0 : i64, tpu.core_type = #tpu.core_type<tc>, window_params = [{transform_indices = @transform_0, window_bounds = array<i64: 2000, 128>}, {transform_indices = @transform_1, window_bounds = array<i64: 1, 2000, 128>}, {transform_indices = @transform_2, window_bounds = array<i64: 1, 2000, 128>}, {transform_indices = @transform_3, window_bounds = array<i64: 1, 2000, 128>}, {transform_indices = @transform_4, window_bounds = array<i64: 1, 2000, 128>}, {pipeline_mode = #tpu.pipeline_mode<synchronous>, transform_indices = @transform_5, window_bounds = array<i64: 128, 32>}, {pipeline_mode = #tpu.pipeline_mode<synchronous>, transform_indices = @transform_6, window_bounds = array<i64: 128, 32>}, {pipeline_mode = #tpu.pipeline_mode<synchronous>, transform_indices = @transform_7, window_bounds = array<i64: 128, 32>}, {pipeline_mode = #tpu.pipeline_mode<synchronous>, transform_indices = @transform_8, window_bounds = array<i64: 1, 32>}, {transform_indices = @transform_9, window_bounds = array<i64: 2000, 128>}]} {
    %get3A = arith.constant 0 : index
    %get3A_0 = arith.constant 0 : index
    %get3A_1 = arith.constant 0 : index
    %get3A_2 = vector.load %arg2[%get3A, %get3A_0, %get3A_1] : memref<1x2000x128xf32, #tpu.memory_space<vmem>>, vector<1x2000x128xf32>
    %get3A_3 = vector.shape_cast %get3A_2 : vector<1x2000x128xf32> to vector<2000x128xf32>
    %get3A_4 = arith.constant 0 : index
    %get3A_5 = arith.constant 0 : index
    %get3A_6 = arith.constant 0 : index
    %get3A_7 = vector.load %arg3[%get3A_4, %get3A_5, %get3A_6] : memref<1x2000x128xf32, #tpu.memory_space<vmem>>, vector<1x2000x128xf32>
    %get3A_8 = vector.shape_cast %get3A_7 : vector<1x2000x128xf32> to vector<2000x128xf32>
    %add3A = arith.addf %get3A_3, %get3A_8 : vector<2000x128xf32>
    %get3A_9 = arith.constant 0 : index
    %get3A_10 = arith.constant 0 : index
    %get3A_11 = arith.constant 0 : index
    %get3A_12 = vector.load %arg4[%get3A_9, %get3A_10, %get3A_11] : memref<1x2000x128xf32, #tpu.memory_space<vmem>>, vector<1x2000x128xf32>
    %get3A_13 = vector.shape_cast %get3A_12 : vector<1x2000x128xf32> to vector<2000x128xf32>
    %get3A_14 = arith.constant 0 : index
    %get3A_15 = arith.constant 0 : index
    %get3A_16 = arith.constant 0 : index
    %get3A_17 = vector.load %arg5[%get3A_14, %get3A_15, %get3A_16] : memref<1x2000x128xf32, #tpu.memory_space<vmem>>, vector<1x2000x128xf32>
    %get3A_18 = vector.shape_cast %get3A_17 : vector<1x2000x128xf32> to vector<2000x128xf32>
    %add3A_19 = arith.addf %get3A_13, %get3A_18 : vector<2000x128xf32>
    %get3A_20 = arith.constant 0 : index
    %get3A_21 = arith.constant 0 : index
    %get3A_22 = vector.load %arg6[%get3A_20, %get3A_21] : memref<128x32xf32, #tpu.memory_space<vmem>>, vector<128x32xf32>
    %dot_general3A = arith.constant dense<0.000000e+00> : vector<2000x32xf32>
    %dot_general3A_23 = tpu.matmul %add3A, %get3A_22, %dot_general3A {dimension_numbers = #tpu.dot_dimension_numbers<[1], [0], [0], [1], [0, 0, 1, 1], [], []>, transpose_lhs_hint = false} : vector<2000x128xf32>, vector<128x32xf32>, vector<2000x32xf32> -> vector<2000x32xf32>
    %get3A_24 = arith.constant 0 : index
    %get3A_25 = arith.constant 0 : index
    %get3A_26 = vector.load %arg7[%get3A_24, %get3A_25] : memref<128x32xf32, #tpu.memory_space<vmem>>, vector<128x32xf32>
    %dot_general3A_27 = arith.constant dense<0.000000e+00> : vector<2000x32xf32>
    %dot_general3A_28 = tpu.matmul %add3A_19, %get3A_26, %dot_general3A_27 {dimension_numbers = #tpu.dot_dimension_numbers<[1], [0], [0], [1], [0, 0, 1, 1], [], []>, transpose_lhs_hint = false} : vector<2000x128xf32>, vector<128x32xf32>, vector<2000x32xf32> -> vector<2000x32xf32>
    %add3A_29 = arith.addf %dot_general3A_23, %dot_general3A_28 : vector<2000x32xf32>
    %get3A_30 = arith.constant 0 : index
    %get3A_31 = arith.constant 0 : index
    %get3A_32 = vector.load %arg1[%get3A_30, %get3A_31] : memref<2000x128xf32, #tpu.memory_space<vmem>>, vector<2000x128xf32>
    %get3A_33 = arith.constant 0 : index
    %get3A_34 = arith.constant 0 : index
    %get3A_35 = vector.load %arg8[%get3A_33, %get3A_34] : memref<128x32xf32, #tpu.memory_space<vmem>>, vector<128x32xf32>
    %dot_general3A_36 = arith.constant dense<0.000000e+00> : vector<2000x32xf32>
    %dot_general3A_37 = tpu.matmul %get3A_32, %get3A_35, %dot_general3A_36 {dimension_numbers = #tpu.dot_dimension_numbers<[1], [0], [0], [1], [0, 0, 1, 1], [], []>, transpose_lhs_hint = false} : vector<2000x128xf32>, vector<128x32xf32>, vector<2000x32xf32> -> vector<2000x32xf32>
    %add3A_38 = arith.addf %add3A_29, %dot_general3A_37 : vector<2000x32xf32>
    %get3A_39 = arith.constant 0 : index
    %get3A_40 = arith.constant 0 : index
    %get3A_41 = vector.load %arg9[%get3A_39, %get3A_40] : memref<1x32xf32, #tpu.memory_space<vmem>>, vector<1x32xf32>
    %add3A_42 = vector.broadcast %get3A_41 : vector<1x32xf32> to vector<2000x32xf32>
    %add3A_43 = arith.addf %add3A_38, %add3A_42 : vector<2000x32xf32>
    %max3A = arith.constant 0.000000e+00 : f32
    %max3A_44 = vector.broadcast %max3A : f32 to vector<2000x32xf32>
    %max3A_45 = arith.maximumf %add3A_43, %max3A_44 : vector<2000x32xf32>
    %broadcast_in_dim3A = arith.constant 0.000000e+00 : f32
    %broadcast_in_dim3A_46 = vector.broadcast %broadcast_in_dim3A : f32 to vector<2000x96xf32>
    %concatenate3A = tpu.concatenate %max3A_45, %broadcast_in_dim3A_46 in 1 : vector<2000x32xf32>, vector<2000x96xf32> -> vector<2000x128xf32>
    %swap3A = arith.constant 0 : index
    %swap3A_47 = arith.constant 0 : index
    %swap3A_48 = vector.load %arg10[%swap3A, %swap3A_47] : memref<2000x128xf32, #tpu.memory_space<vmem>>, vector<2000x128xf32>
    tpu.vector_store %arg10[%swap3A, %swap3A_47], %concatenate3A {strides = array<i32>} : memref<2000x128xf32, #tpu.memory_space<vmem>>, vector<2000x128xf32>,
    return
  }
  func.func @transform_0(%arg0: i32) -> (i32, i32) {
    %c0_i32 = arith.constant 0 : i32
    %c0_i32_0 = arith.constant 0 : i32
    return %arg0, %c0_i32 : i32, i32
  }
  func.func @transform_1(%arg0: i32) -> (i32, i32, i32) {
    %c0_i32 = arith.constant 0 : i32
    %c0_i32_0 = arith.constant 0 : i32
    %c0_i32_1 = arith.constant 0 : i32
    return %c0_i32, %arg0, %c0_i32_0 : i32, i32, i32
  }
  func.func @transform_2(%arg0: i32) -> (i32, i32, i32) {
    %c1_i32 = arith.constant 1 : i32
    %c0_i32 = arith.constant 0 : i32
    %c0_i32_0 = arith.constant 0 : i32
    return %c1_i32, %arg0, %c0_i32 : i32, i32, i32
  }
  func.func @transform_3(%arg0: i32) -> (i32, i32, i32) {
    %c0_i32 = arith.constant 0 : i32
    %c0_i32_0 = arith.constant 0 : i32
    %c0_i32_1 = arith.constant 0 : i32
    return %c0_i32, %arg0, %c0_i32_0 : i32, i32, i32
  }
  func.func @transform_4(%arg0: i32) -> (i32, i32, i32) {
    %c1_i32 = arith.constant 1 : i32
    %c0_i32 = arith.constant 0 : i32
    %c0_i32_0 = arith.constant 0 : i32
    return %c1_i32, %arg0, %c0_i32 : i32, i32, i32
  }
  func.func @transform_5(%arg0: i32) -> (i32, i32) {
    %c0_i32 = arith.constant 0 : i32
    %c0_i32_0 = arith.constant 0 : i32
    %c0_i32_1 = arith.constant 0 : i32
    return %c0_i32, %c0_i32_0 : i32, i32
  }
  func.func @transform_6(%arg0: i32) -> (i32, i32) {
    %c0_i32 = arith.constant 0 : i32
    %c0_i32_0 = arith.constant 0 : i32
    %c0_i32_1 = arith.constant 0 : i32
    return %c0_i32, %c0_i32_0 : i32, i32
  }
  func.func @transform_7(%arg0: i32) -> (i32, i32) {
    %c0_i32 = arith.constant 0 : i32
    %c0_i32_0 = arith.constant 0 : i32
    %c0_i32_1 = arith.constant 0 : i32
    return %c0_i32, %c0_i32_0 : i32, i32
  }
  func.func @transform_8(%arg0: i32) -> (i32, i32) {
    %c0_i32 = arith.constant 0 : i32
    %c0_i32_0 = arith.constant 0 : i32
    %c0_i32_1 = arith.constant 0 : i32
    return %c0_i32, %c0_i32_0 : i32, i32
  }
  func.func @transform_9(%arg0: i32) -> (i32, i32) {
    %c0_i32 = arith.constant 0 : i32
    %c0_i32_0 = arith.constant 0 : i32
    return %arg0, %c0_i32 : i32, i32
  }
}

module attributes {stable_mosaic.version = 14 : i64} {
  func.func @_final_block(%arg0: i32, %arg1: memref<2000x128xf32, #tpu.memory_space<vmem>>, %arg2: memref<1x2000x128xf32, #tpu.memory_space<vmem>>, %arg3: memref<1x2000x128xf32, #tpu.memory_space<vmem>>, %arg4: memref<1x2000x128xf32, #tpu.memory_space<vmem>>, %arg5: memref<1x2000x128xf32, #tpu.memory_space<vmem>>, %arg6: memref<128x32xf32, #tpu.memory_space<vmem>>, %arg7: memref<128x32xf32, #tpu.memory_space<vmem>>, %arg8: memref<128x32xf32, #tpu.memory_space<vmem>>, %arg9: memref<1x32xf32, #tpu.memory_space<vmem>>, %arg10: memref<1x32xf32, #tpu.memory_space<vmem>>, %arg11: memref<1x1xf32, #tpu.memory_space<vmem>>, %arg12: memref<2000x1xf32, #tpu.memory_space<vmem>>) attributes {dimension_semantics = [#tpu.dimension_semantics<arbitrary>], iteration_bounds = array<i64: 5>, scalar_prefetch = 0 : i64, scratch_operands = 0 : i64, tpu.core_type = #tpu.core_type<tc>, window_params = [{transform_indices = @transform_0, window_bounds = array<i64: 2000, 128>}, {transform_indices = @transform_1, window_bounds = array<i64: 1, 2000, 128>}, {transform_indices = @transform_2, window_bounds = array<i64: 1, 2000, 128>}, {transform_indices = @transform_3, window_bounds = array<i64: 1, 2000, 128>}, {transform_indices = @transform_4, window_bounds = array<i64: 1, 2000, 128>}, {pipeline_mode = #tpu.pipeline_mode<synchronous>, transform_indices = @transform_5, window_bounds = array<i64: 128, 32>}, {pipeline_mode = #tpu.pipeline_mode<synchronous>, transform_indices = @transform_6, window_bounds = array<i64: 128, 32>}, {pipeline_mode = #tpu.pipeline_mode<synchronous>, transform_indices = @transform_7, window_bounds = array<i64: 128, 32>}, {pipeline_mode = #tpu.pipeline_mode<synchronous>, transform_indices = @transform_8, window_bounds = array<i64: 1, 32>}, {pipeline_mode = #tpu.pipeline_mode<synchronous>, transform_indices = @transform_9, window_bounds = array<i64: 1, 32>}, {pipeline_mode = #tpu.pipeline_mode<synchronous>, transform_indices = @transform_10, window_bounds = array<i64: 1, 1>}, {transform_indices = @transform_11, window_bounds = array<i64: 2000, 1>}]} {
    %get3A = arith.constant 0 : index
    %get3A_0 = arith.constant 0 : index
    %get3A_1 = arith.constant 0 : index
    %get3A_2 = vector.load %arg2[%get3A, %get3A_0, %get3A_1] : memref<1x2000x128xf32, #tpu.memory_space<vmem>>, vector<1x2000x128xf32>
    %get3A_3 = vector.shape_cast %get3A_2 : vector<1x2000x128xf32> to vector<2000x128xf32>
    %get3A_4 = arith.constant 0 : index
    %get3A_5 = arith.constant 0 : index
    %get3A_6 = arith.constant 0 : index
    %get3A_7 = vector.load %arg3[%get3A_4, %get3A_5, %get3A_6] : memref<1x2000x128xf32, #tpu.memory_space<vmem>>, vector<1x2000x128xf32>
    %get3A_8 = vector.shape_cast %get3A_7 : vector<1x2000x128xf32> to vector<2000x128xf32>
    %add3A = arith.addf %get3A_3, %get3A_8 : vector<2000x128xf32>
    %get3A_9 = arith.constant 0 : index
    %get3A_10 = arith.constant 0 : index
    %get3A_11 = arith.constant 0 : index
    %get3A_12 = vector.load %arg4[%get3A_9, %get3A_10, %get3A_11] : memref<1x2000x128xf32, #tpu.memory_space<vmem>>, vector<1x2000x128xf32>
    %get3A_13 = vector.shape_cast %get3A_12 : vector<1x2000x128xf32> to vector<2000x128xf32>
    %get3A_14 = arith.constant 0 : index
    %get3A_15 = arith.constant 0 : index
    %get3A_16 = arith.constant 0 : index
    %get3A_17 = vector.load %arg5[%get3A_14, %get3A_15, %get3A_16] : memref<1x2000x128xf32, #tpu.memory_space<vmem>>, vector<1x2000x128xf32>
    %get3A_18 = vector.shape_cast %get3A_17 : vector<1x2000x128xf32> to vector<2000x128xf32>
    %add3A_19 = arith.addf %get3A_13, %get3A_18 : vector<2000x128xf32>
    %get3A_20 = arith.constant 0 : index
    %get3A_21 = arith.constant 0 : index
    %get3A_22 = vector.load %arg6[%get3A_20, %get3A_21] : memref<128x32xf32, #tpu.memory_space<vmem>>, vector<128x32xf32>
    %dot_general3A = arith.constant dense<0.000000e+00> : vector<2000x32xf32>
    %dot_general3A_23 = tpu.matmul %add3A, %get3A_22, %dot_general3A {dimension_numbers = #tpu.dot_dimension_numbers<[1], [0], [0], [1], [0, 0, 1, 1], [], []>, transpose_lhs_hint = false} : vector<2000x128xf32>, vector<128x32xf32>, vector<2000x32xf32> -> vector<2000x32xf32>
    %get3A_24 = arith.constant 0 : index
    %get3A_25 = arith.constant 0 : index
    %get3A_26 = vector.load %arg7[%get3A_24, %get3A_25] : memref<128x32xf32, #tpu.memory_space<vmem>>, vector<128x32xf32>
    %dot_general3A_27 = arith.constant dense<0.000000e+00> : vector<2000x32xf32>
    %dot_general3A_28 = tpu.matmul %add3A_19, %get3A_26, %dot_general3A_27 {dimension_numbers = #tpu.dot_dimension_numbers<[1], [0], [0], [1], [0, 0, 1, 1], [], []>, transpose_lhs_hint = false} : vector<2000x128xf32>, vector<128x32xf32>, vector<2000x32xf32> -> vector<2000x32xf32>
    %add3A_29 = arith.addf %dot_general3A_23, %dot_general3A_28 : vector<2000x32xf32>
    %get3A_30 = arith.constant 0 : index
    %get3A_31 = arith.constant 0 : index
    %get3A_32 = vector.load %arg1[%get3A_30, %get3A_31] : memref<2000x128xf32, #tpu.memory_space<vmem>>, vector<2000x128xf32>
    %get3A_33 = arith.constant 0 : index
    %get3A_34 = arith.constant 0 : index
    %get3A_35 = vector.load %arg8[%get3A_33, %get3A_34] : memref<128x32xf32, #tpu.memory_space<vmem>>, vector<128x32xf32>
    %dot_general3A_36 = arith.constant dense<0.000000e+00> : vector<2000x32xf32>
    %dot_general3A_37 = tpu.matmul %get3A_32, %get3A_35, %dot_general3A_36 {dimension_numbers = #tpu.dot_dimension_numbers<[1], [0], [0], [1], [0, 0, 1, 1], [], []>, transpose_lhs_hint = false} : vector<2000x128xf32>, vector<128x32xf32>, vector<2000x32xf32> -> vector<2000x32xf32>
    %add3A_38 = arith.addf %add3A_29, %dot_general3A_37 : vector<2000x32xf32>
    %get3A_39 = arith.constant 0 : index
    %get3A_40 = arith.constant 0 : index
    %get3A_41 = vector.load %arg9[%get3A_39, %get3A_40] : memref<1x32xf32, #tpu.memory_space<vmem>>, vector<1x32xf32>
    %add3A_42 = vector.broadcast %get3A_41 : vector<1x32xf32> to vector<2000x32xf32>
    %add3A_43 = arith.addf %add3A_38, %add3A_42 : vector<2000x32xf32>
    %max3A = arith.constant 0.000000e+00 : f32
    %max3A_44 = vector.broadcast %max3A : f32 to vector<2000x32xf32>
    %max3A_45 = arith.maximumf %add3A_43, %max3A_44 : vector<2000x32xf32>
    %get3A_46 = arith.constant 0 : index
    %get3A_47 = arith.constant 0 : index
    %get3A_48 = vector.load %arg10[%get3A_46, %get3A_47] : memref<1x32xf32, #tpu.memory_space<vmem>>, vector<1x32xf32>
    %mul3A = vector.broadcast %get3A_48 : vector<1x32xf32> to vector<2000x32xf32>
    %mul3A_49 = arith.mulf %max3A_45, %mul3A : vector<2000x32xf32>
    %reduce_sum3A = arith.constant dense<0.000000e+00> : vector<2000xf32>
    %reduce_sum3A_50 = vector.multi_reduction <add>, %mul3A_49, %reduce_sum3A [1] : vector<2000x32xf32> to vector<2000xf32>
    %broadcast_in_dim3A = vector.shape_cast %reduce_sum3A_50 : vector<2000xf32> to vector<2000x1xf32>
    %get3A_51 = arith.constant 0 : index
    %get3A_52 = arith.constant 0 : index
    %get3A_53 = vector.load %arg11[%get3A_51, %get3A_52] : memref<1x1xf32, #tpu.memory_space<vmem>>, vector<1x1xf32>
    %add3A_54 = vector.broadcast %get3A_53 : vector<1x1xf32> to vector<2000x1xf32>
    %add3A_55 = arith.addf %broadcast_in_dim3A, %add3A_54 : vector<2000x1xf32>
    %swap3A = arith.constant 0 : index
    %swap3A_56 = arith.constant 0 : index
    %swap3A_57 = vector.load %arg12[%swap3A, %swap3A_56] : memref<2000x1xf32, #tpu.memory_space<vmem>>, vector<2000x1xf32>
    tpu.vector_store %arg12[%swap3A, %swap3A_56], %add3A_55 {strides = array<i32>} : memref<2000x1xf32, #tpu.memory_space<vmem>>, vector<2000x1xf32>,
    return
  }
  func.func @transform_0(%arg0: i32) -> (i32, i32) {
    %c0_i32 = arith.constant 0 : i32
    %c0_i32_0 = arith.constant 0 : i32
    return %arg0, %c0_i32 : i32, i32
  }
  func.func @transform_1(%arg0: i32) -> (i32, i32, i32) {
    %c0_i32 = arith.constant 0 : i32
    %c0_i32_0 = arith.constant 0 : i32
    %c0_i32_1 = arith.constant 0 : i32
    return %c0_i32, %arg0, %c0_i32_0 : i32, i32, i32
  }
  func.func @transform_2(%arg0: i32) -> (i32, i32, i32) {
    %c1_i32 = arith.constant 1 : i32
    %c0_i32 = arith.constant 0 : i32
    %c0_i32_0 = arith.constant 0 : i32
    return %c1_i32, %arg0, %c0_i32 : i32, i32, i32
  }
  func.func @transform_3(%arg0: i32) -> (i32, i32, i32) {
    %c0_i32 = arith.constant 0 : i32
    %c0_i32_0 = arith.constant 0 : i32
    %c0_i32_1 = arith.constant 0 : i32
    return %c0_i32, %arg0, %c0_i32_0 : i32, i32, i32
  }
  func.func @transform_4(%arg0: i32) -> (i32, i32, i32) {
    %c1_i32 = arith.constant 1 : i32
    %c0_i32 = arith.constant 0 : i32
    %c0_i32_0 = arith.constant 0 : i32
    return %c1_i32, %arg0, %c0_i32 : i32, i32, i32
  }
  func.func @transform_5(%arg0: i32) -> (i32, i32) {
    %c0_i32 = arith.constant 0 : i32
    %c0_i32_0 = arith.constant 0 : i32
    %c0_i32_1 = arith.constant 0 : i32
    return %c0_i32, %c0_i32_0 : i32, i32
  }
  func.func @transform_6(%arg0: i32) -> (i32, i32) {
    %c0_i32 = arith.constant 0 : i32
    %c0_i32_0 = arith.constant 0 : i32
    %c0_i32_1 = arith.constant 0 : i32
    return %c0_i32, %c0_i32_0 : i32, i32
  }
  func.func @transform_7(%arg0: i32) -> (i32, i32) {
    %c0_i32 = arith.constant 0 : i32
    %c0_i32_0 = arith.constant 0 : i32
    %c0_i32_1 = arith.constant 0 : i32
    return %c0_i32, %c0_i32_0 : i32, i32
  }
  func.func @transform_8(%arg0: i32) -> (i32, i32) {
    %c0_i32 = arith.constant 0 : i32
    %c0_i32_0 = arith.constant 0 : i32
    %c0_i32_1 = arith.constant 0 : i32
    return %c0_i32, %c0_i32_0 : i32, i32
  }
  func.func @transform_9(%arg0: i32) -> (i32, i32) {
    %c0_i32 = arith.constant 0 : i32
    %c0_i32_0 = arith.constant 0 : i32
    %c0_i32_1 = arith.constant 0 : i32
    return %c0_i32, %c0_i32_0 : i32, i32
  }
  func.func @transform_10(%arg0: i32) -> (i32, i32) {
    %c0_i32 = arith.constant 0 : i32
    %c0_i32_0 = arith.constant 0 : i32
    %c0_i32_1 = arith.constant 0 : i32
    return %c0_i32, %c0_i32_0 : i32, i32
  }
  func.func @transform_11(%arg0: i32) -> (i32, i32) {
    %c0_i32 = arith.constant 0 : i32
    %c0_i32_0 = arith.constant 0 : i32
    return %arg0, %c0_i32 : i32, i32
  }
}

</mosaic_0001>

<sc_bundles>
// kernel: kernel.15.cloned.1.call-start
scs
__scs_entry_jumppad:
0x0: {  	(pc) =	sbr.rel $0x88, $3  }
0x1: {  	(tag) =	ssettag $0x0;
	lr =	simm.s32 $0x1  }
0x2: {  	[smem:$0x3F80] =	sst lr;
	_ =	strace $0xD0000000  }
0x3: {  	_ = 	snop  }
0x4: {  	_ = 	snop  }
0x5: {  	_ = 	snop  }
0x6: {  	_ = 	snop  }
0x7: {  	_ = 	snop  }
__scs_overlays_trampoline_lowered:
0x8: {  	[smem:$0x3F8F] =	sst s0  }
0x9: {  	[smem:$0x3F90] =	sst s1  }
0xa: {  	[smem:$0x3F91] =	sst s2  }
0xb: {  	[smem:$0x3F92] =	sst s3  }
0xc: {  	[smem:$0x3F93] =	sst s4  }
0xd: {  	[smem:$0x3F94] =	sst s5  }
0xe: {  	[smem:$0x3F95] =	sst s6  }
0xf: {  	[smem:$0x3F96] =	sst s7  }
0x10: {  	[smem:$0x3F97] =	sst s8  }
0x11: {  	[smem:$0x3F98] =	sst s9;
	s0 =	simm.s32 @!p0 $0x0  }
0x12: {  	s1 =	sld [smem:$0x3F7E];
	s0 =	simm.s32 @p0 $0x1  }
0x13: {  	[smem:$0x3F99] =	sst s0;
	s0 =	simm.s32 @!p1 $0x0  }
0x14: {  	s2 =	sld [smem:$0x3F7D];
	s0 =	simm.s32 @p1 $0x1  }
0x15: {  	[smem:$0x3F9A] =	sst s0;
	s0 =	simm.s32 @!p2 $0x0  }
0x16: {  	s3 =	sld [smem:$0x3FDB];
	s0 =	simm.s32 @p2 $0x1  }
0x17: {  	s4 =	simm.s32 $0x1BF5;
	[smem:$0x3F9C] =	sst s0  }
0x18: {  	s0 =	sld [smem:$0x3F7F];
	_ =	swait.ge [sflag:s4], $0x0  }
0x19: {  	s7 =	sld [smem:$0x3F80]  }
0x1a: {  	s8 =	sadd.s32 $0xFFFFE003, lr  }
0x1b: {  	s9 =	sadd.s32 $0xFFFFFEF7, lr;
	s5 =	simm.s32 $0xFFFFFFFF;
	p2 =	slt.u32 s8, $0xFFFFF086  }
0x1c: {  	p1 =	slt.u32 s9, $0xF7A;
	s5 =	simm.s32 @!p2 $0x0  }
0x1d: {  	s5 =	simm.s32 @p1 $0x1;
	p0 =	seq.s32 s7, s2  }
0x1e: {  	s7 =	smul.u32 @!p0 $0xF7A, s2;
	p2 =	seq.s32 @!p0 s5, $0x0  }
0x1f: {  	s9 =	smul.u32 $0xF7A, s1;
	s8 =	simm.s32 @!p0 $0x1BF5;
	p2 =	por !p2, p0  }
0x20: {  	[sflag:s8] =	ssyncset.s32 @!p0 $0xFFFFF086;
	s6 =	sadd.s32 @!p0 s3, s7;
	s7 =	simm.s32 @!p0 $0x108  }
0x21: {  	s3 =	sadd.s32 s3, s9;
	s6 =	sadd.s32 @!p0 $0x88, s6;
	s7 =	simm.s32 @p2 $0x1082  }
0x22: {  	[simem:s7], [sflag:s8] =	dma.local @!p0 [hbm:s6], $0xF7A  }
0x23: {  	s9 =	sor.u32 $0xD0000000, s2;
	s6 =	simm.s32 $0x108;
	_ =	swait.ge @!p0 [sflag:s8], $0x0  }
0x24: {  	s3 =	sadd.s32 $0x88, s3;
	s6 =	simm.s32 @!p1 $0x1082;
	[sflag:s4] =	ssyncset.s32 $0xFFFFF086  }
0x25: {  	[simem:s6], [sflag:s4] =	dma.local [hbm:s3], $0xF7A  }
0x26: {  	[smem:$0x3F80] =	sst s1;
	(tag) =	ssettag s2;
	_ =	strace s9  }
0x27: {  	s1 =	sld [smem:$0x3F90]  }
0x28: {  	s2 =	sld [smem:$0x3F91]  }
0x29: {  	s4 =	sld [smem:$0x3F93]  }
0x2a: {  	p0 =	seq.s32 s5, $0x0;
	s5 =	sld [smem:$0x3F94]  }
0x2b: {  	s6 =	sld [smem:$0x3F95]  }
0x2c: {  	s7 =	sld [smem:$0x3F96]  }
0x2d: {  	s3 =	simm.s32 $0x108;
	s8 =	sld [smem:$0x3F97]  }
0x2e: {  	s3 =	simm.s32 @!p0 $0x1082;
	s9 =	sld [smem:$0x3F98]  }
0x2f: {  	lr =	sadd.s32 s0, s3;
	s0 =	sld [smem:$0x3F8F]  }
0x30: {  	s3 =	sld [smem:$0x3F92]  }
0x31: {  	[smem:$0x3F9B] =	sst s10  }
0x32: {  	s10 =	sld [smem:$0x3F99];
	_ =	sdelay $0x3  }
0x33: {  	p0 =	seq.s32 s10, $0x1;
	s10 =	sld [smem:$0x3F9B];
	_ =	sdelay $0x3  }
0x34: {  	[smem:$0x3F9B] =	sst s10  }
0x35: {  	s10 =	sld [smem:$0x3F9A];
	_ =	sdelay $0x3  }
0x36: {  	p1 =	seq.s32 s10, $0x1;
	s10 =	sld [smem:$0x3F9B];
	_ =	sdelay $0x3  }
0x37: {  	[smem:$0x3F9B] =	sst s10  }
0x38: {  	s10 =	sld [smem:$0x3F9C]  }
0x39: {  	_ = 	snop;
	(pc) =	sbr.ind lr, $3  }
0x3a: {  	_ = 	snop  }
0x3b: {  	_ = 	snop  }
0x3c: {  	p2 =	seq.s32 s10, $0x1;
	s10 =	sld [smem:$0x3F9B]  }
0x3d: {  	_ =	shalt  }
0x3e: {  	_ =	shalt  }
0x3f: {  	_ =	shalt  }
0x40: {  	_ =	shalt  }
0x41: {  	_ =	shalt  }
0x42: {  	_ =	shalt  }
0x43: {  	_ =	shalt  }
0x44: {  	_ =	shalt  }
0x45: {  	_ =	shalt  }
0x46: {  	_ =	shalt  }
0x47: {  	_ =	shalt  }
0x48: {  	_ =	shalt  }
0x49: {  	_ =	shalt  }
0x4a: {  	_ =	shalt  }
0x4b: {  	_ =	shalt  }
0x4c: {  	_ =	shalt  }
0x4d: {  	_ =	shalt  }
0x4e: {  	_ =	shalt  }
0x4f: {  	_ =	shalt  }
0x50: {  	_ =	shalt  }
0x51: {  	_ =	shalt  }
0x52: {  	_ =	shalt  }
0x53: {  	_ =	shalt  }
0x54: {  	_ =	shalt  }
0x55: {  	_ =	shalt  }
0x56: {  	_ =	shalt  }
0x57: {  	_ =	shalt  }
0x58: {  	_ =	shalt  }
0x59: {  	_ =	shalt  }
0x5a: {  	_ =	shalt  }
0x5b: {  	_ =	shalt  }
0x5c: {  	_ =	shalt  }
0x5d: {  	_ =	shalt  }
0x5e: {  	_ =	shalt  }
0x5f: {  	_ =	shalt  }
0x60: {  	_ =	shalt  }
0x61: {  	_ =	shalt  }
0x62: {  	_ =	shalt  }
0x63: {  	_ =	shalt  }
0x64: {  	_ =	shalt  }
0x65: {  	_ =	shalt  }
0x66: {  	_ =	shalt  }
0x67: {  	_ =	shalt  }
0x68: {  	_ =	shalt  }
0x69: {  	_ =	shalt  }
0x6a: {  	_ =	shalt  }
0x6b: {  	_ =	shalt  }
0x6c: {  	_ =	shalt  }
0x6d: {  	_ =	shalt  }
0x6e: {  	_ =	shalt  }
0x6f: {  	_ =	shalt  }
0x70: {  	_ =	shalt  }
0x71: {  	_ =	shalt  }
0x72: {  	_ =	shalt  }
0x73: {  	_ =	shalt  }
0x74: {  	_ =	shalt  }
0x75: {  	_ =	shalt  }
0x76: {  	_ =	shalt  }
0x77: {  	_ =	shalt  }
0x78: {  	_ =	shalt  }
0x79: {  	_ =	shalt  }
0x7a: {  	_ =	shalt  }
0x7b: {  	_ =	shalt  }
0x7c: {  	_ =	shalt  }
0x7d: {  	_ =	shalt  }
0x7e: {  	_ =	shalt  }
0x7f: {  	_ =	shalt  }
0x80: {  	_ =	shalt  }
0x81: {  	_ =	shalt  }
0x82: {  	_ =	shalt  }
0x83: {  	_ =	shalt  }
0x84: {  	_ =	shalt  }
0x85: {  	_ =	shalt  }
0x86: {  	_ =	shalt  }
0x87: {  	_ =	shalt  }
.Lfunc_end0:
.L_simem_size_0:
called_computation_lowered:
.L_overlay_start_0:
0x88: {  	s2 =	sld [smem:$0x3FD9]  }
0x89: {  	s3 =	sld [smem:$0x3FFE];
	_ =	sdelay $0x1  }
0x8a: {  	s1 =	srdreg.scid  }
0x8b: {  	s0 =	sand.u32 $0x1, s1  }
0x8c: {  	s17 =	sshll.u32 s0, $0xA;
	s2 =	sadd.s32 s3, s2  }
0x8d: {  	s2 =	sadd.s32 s2, s17  }
0x8e: {  	[smem:$0x3FA7] =	sst s2  }
0x8f: {  	_ = 	snop  }
0x90: {  	(tm) =	ssettm $0x1  }
0x91: {  	s18 =	sld [smem:$0x3FFB];
	_ =	sdelay $0x3  }
0x92: {  	_ =	strace s18  }
0x93: {  	s2 =	sld [smem:$0x3FFC];
	_ =	sdelay $0x3  }
0x94: {  	_ =	strace s2  }
0x95: {  	s2 =	sld [smem:$0x3FFD];
	_ =	sdelay $0x3  }
0x96: {  	_ =	strace s2  }
0x97: {  	_ =	strace $0x8FFFFFFF  }
0x98: {  	s19 =	sld [smem:$0x3FDB];
	_ =	sdelay $0x1  }
0x99: {  	s20 =	simm.s32 $_scs_section_size  }
0x9a: {  	s4 =	simm.s32 $_size__tile_overlayer_lowered;
	s5 =	simm.s32 $_tile_overlayer_lowered  }
0x9b: {  	s6 =	simm.s32 $0x1BFF;
	s21 =	sshll.u32 s5, $0x1;
	s3 =	sadd.s32 s20, s19  }
0x9c: {  	s22 =	simm.s32 $0x0;
	s4 =	sshll.u32 s4, $0x1;
	s5 =	sadd.s32 s21, s3  }
0x9d: {  	[timem:s22], [sflag:s6] =	dma.local [hbm:s5], s4  }
0x9e: {  	_ =	swait.ge [sflag:s6], s4  }
0x9f: {  	s4 =	ssub.s32 $0x0, s4;
	[sflag:s6] =	ssyncset.done $0x0  }
0xa0: {  	[sflag:s6] =	ssyncadd.s32 s4;
	_ =	sdelay $0x1  }
0xa1: {  	s23 =	simm.s32 $0x1B8B  }
0xa2: {  	_ =	swait.ge [sflag:s23], $0x1  }
0xa3: {  	[sflag:s23] =	ssyncset.done $0x0  }
0xa4: {  	[sflag:s23] =	ssyncadd.s32 $0xFFFFFFFF  }
0xa5: {  	s4 =	sld [smem:$0x0]  }
0xa6: {  	s5 =	sand.u32 $0xFFFFFFFE, s1  }
0xa7: {  	p0 =	sne.s32 s1, s5  }
0xa8: {  	s5 =	sshll.u32 @p0 s5, $0xE  }
0xa9: {  	s5 =	sadd.s32 @p0 $0x11B8D, s5;
	s6 =	sshll.u32 @p0 s4, $0x11  }
0xaa: {  	s5 =	sor.u32 @p0 s6, s5  }
0xab: {  	[sflag:s5] =	ssyncadd.remote.s32 @p0 $0x1;
	_ =	sdelay $0x1  }
0xac: {  	s5 =	simm.s32 @p0 $0x1B8D  }
0xad: {  	_ =	swait.eq @p0 [sflag:s5], $0x1  }
0xae: {  	[sflag:s5] =	ssyncadd.s32 @p0 $0xFFFFFFFF  }
0xaf: {  	s6 =	sshll.u32 @!p0 s1, $0xE  }
0xb0: {  	s6 =	sor.u32 @!p0 $0x4000, s6;
	s5 =	simm.s32 @!p0 $0x1B8D  }
0xb1: {  	s4 =	sshll.u32 @!p0 s4, $0x11;
	s6 =	sadd.s32 @!p0 $0x11B8D, s6;
	_ =	swait.eq @!p0 [sflag:s5], $0x1  }
0xb2: {  	s4 =	sor.u32 @!p0 s4, s6;
	[sflag:s5] =	ssyncadd.s32 @!p0 $0xFFFFFFFF  }
0xb3: {  	s25 =	simm.s32 $0x1B8E;
	s24 =	sld [smem:$0x3FFE];
	[sflag:s4] =	ssyncadd.remote.s32 @!p0 $0x1  }
0xb4: {  	s26 =	simm.s32 $execute0_lowered;
	[smem:$0x3FD2] =	sst s25  }
0xb5: {  	s5 =	sshll.u32 s26, $0x1;
	_ =	strace $0x80000049;
	[dreg:$0x1] =	wrdreg $0xFFFFFFFF  }
0xb6: {  	s28 =	simm.s32 $_size_execute0_lowered;
	s3 =	sadd.s32 s3, s5;
	[dreg:$0x0] =	wrdreg $0x0  }
0xb7: {  	s5 =	sshll.u32 s28, $0x1;
	[dreg:$0x2] =	wrdreg s3  }
0xb8: {  	[dreg:$0x3] =	wrdreg s5  }
0xb9: {  	[dreg:$0x4] =	wrdreg $0xC0  }
0xba: {  	_ =	task [dreg:s22], $0x5FFFF  }
0xbb: {  	[dreg:$0x1] =	wrdreg $0xFFFFFFFF  }
0xbc: {  	[dreg:$0x0] =	wrdreg $0x60  }
0xbd: {  	[dreg:$0x2] =	wrdreg s24  }
0xbe: {  	[dreg:$0x3] =	wrdreg $0x82000  }
0xbf: {  	[dreg:$0x4] =	wrdreg $0x9  }
0xc0: {  	_ =	task.clear_ibuf [dreg:s22], $0x5FFFF;
	_ =	strace $0x90000049  }
0xc1: {  	s29 =	simm.s32 $0x9;
	_ =	strace $0x8000004B  }
0xc2: {  	_ =	swait.ge [sflag:s29], $0x1  }
0xc3: {  	[sflag:s29] =	ssyncadd.s32 $0xFFFFFFFF  }
0xc4: {  	_ =	strace $0x9000004B  }
0xc5: {  	_ =	sfence  }
0xc6: {  	s30 =	sld [smem:$0x0];
	_ =	sdelay $0x2  }
0xc7: {  	s31 =	sshll.u32 s1, $0xD;
	s1 =	sshrl.u32 s1, $0x2  }
0xc8: {  	s4 =	sand.u32 $0x4000, s31;
	s1 =	sadd.s32 s1, s30  }
0xc9: {  	s0 =	sor.u32 s4, s0;
	s1 =	sshll.u32 s1, $0x11  }
0xca: {  	s0 =	sor.u32 s1, s0  }
0xcb: {  	s0 =	sadd.s32 $0x8F2B, s0  }
0xcc: {  	[sflag:s0] =	ssyncadd.remote.s32 $0x1  }
0xcd: {  	_ =	sfence.sel $0xFFFF  }
0xce: {  	[dreg:$0x0] =	wrdreg $0xFFFFFFFF;
	(pc) =	sbr.abs _section_cstart, $3  }
0xcf: {  	[dreg:$0x1] =	wrdreg $0xFFFFFFFF  }
0xd0: {  	_ =	task.clear_ibuf [dreg:s22], $0x2FFFF;
	_ =	strace $0x9FFFFFFF  }
0xd1: {  	(tm) =	ssettm $0x7FFFFFFF  }
tec
execute0_lowered:
.L_overlay_start_1:
0x0: {  	(tag) =	ssettag $0x1  }
0x1: {  	s0 =	rddreg [dreg:$0x0]  }
0x2: {  	s1 =	rddreg [dreg:$0x1]  }
0x3: {  	s26 =	stileid.u32;
	s2 =	srdreg.scid  }
0x4: {  	s3 =	simm.s32 $0x0;
	s20 =	simm.s32 $0x200;
	s28 =	simm.s32 $0x2  }
0x5: {  	s29 =	simm.s32 $0x3;
	s30 =	simm.s32 $0x4;
	s31 =	simm.s32 $0x0  }
0x6: {  	s4 =	smul.u32 $0x278, s26;
	s2 =	sand.u32 $0x1, s2;
	[smem:$0x7FF] =	sst s3  }
0x7: {  	s19 =	sadd.s32 $0x75A200, s0;
	s18 =	sadd.s32 $0x75F200, s0;
	s8 =	sshll.u32 s26, $0x1  }
0x8: {  	s14 =	smul.u32 $0x2700, s26;
	p0 =	sne.s32 s26, $0x0;
	s26 =	simm.s32 $0x4200  }
0x9: {  	s6 =	smul.u32 $0x138800, s2;
	_ =	strace $0x8000004A;
	s7 =	ssub.s32 $0x2, s2  }
0xa: {  	s8 =	sor.u32 s2, s8;
	s12 =	sshll.u32 s2, $0x4;
	s2 =	smul.u32 $0x1380, s2  }
0xb: {  	s5 =	smin.u32 s4, $0x2498;
	s4 =	sadd.s32 $0x55400, s0;
	s21 =	sshrl.u32 s7, $0x1  }
0xc: {  	s10 =	smul.u32 $0x1380, s8;
	s13 =	sor.u32 $0x4E00, s12;
	s5 =	sshll.u32 s5, $0x7  }
0xd: {  	s12 =	sadd.s32 s19, s13;
	s13 =	sadd.s32 s18, s13;
	s2 =	sadd.s32 s2, s14  }
0xe: {  	s6 =	sadd.s32 s6, s5;
	s5 =	sadd.s32 s5, s1;
	s10 =	sshrl.u32 s10, $0x3  }
0xf: {  	s25 =	sshrl.u32 s2, $0x3;
	s2 =	sadd.s32 $0x80, s2;
	s6 =	sshrl.u32 s6, $0x3  }
0x10: {  	s22 =	sadd.s32 $0x4000, s5;
	s23 =	sadd.s32 $0x8000, s5;
	s24 =	sadd.s32 $0xC000, s5  }
0x11: {  	s9 =	sadd.s32 $0x10000, s5;
	s11 =	sadd.s32 $0x260, s10;
	s16 =	sadd.s32 s25, s18  }
0x12: {  	s2 =	sshrl.u32 s2, $0x3;
	s17 =	sadd.s32 s25, s19;
	[dreg:$0x3] =	wrdreg s22  }
0x13: {  	s25 =	simm.s32 $0x1;
	s0 =	sadd.s32 s6, s0;
	[dreg:$0x4] =	wrdreg s23  }
0x14: {  	s6 =	ssub.s32 s7, s21;
	[dreg:$0x5] =	wrdreg s24;
	s10 =	sadd.s32 s19, s11  }
0x15: {  	s11 =	sadd.s32 s18, s11;
	s18 =	sadd.s32 s2, s18;
	s19 =	sadd.s32 s2, s19  }
0x16: {  	s21 =	simm.s32 $0x5;
	s22 =	simm.s32 $0x80;
	s23 =	simm.s32 $0x100  }
0x17: {  	v0 =	vimm.f32 $0.0e+00;
	s24 =	simm.s32 $0x180;
	s14 =	sadd.s32 $0x7C600, s0;
	s15 =	smax.u32 s6, $0x1  }
.LBB2_1:
0x18: {  	s0 =	simm.s32 $0x0;
	s2 =	simm.s32 $0x200  }
.LBB2_2:
0x19: {  	p1 =	sne.s32 s2, $0xFE00;
	[tilespmem:s0+$0x270] =	vst v0  }
0x1a: {  	[tilespmem:s0+$0x200] =	vst v0  }
0x1b: {  	[tilespmem:s0+$0x210] =	vst v0  }
.Ltmp0:
0x1c: {  	[tilespmem:s0+$0x220] =	vst v0;
	(pc) =	sbr.rel @p1 .LBB2_2-.Ltmp0, $4  }
0x1d: {  	[tilespmem:s0+$0x230] =	vst v0  }
0x1e: {  	[tilespmem:s0+$0x240] =	vst v0  }
0x1f: {  	[tilespmem:s0+$0x250] =	vst v0  }
0x20: {  	[tilespmem:s0+$0x260] =	vst v0;
	s0 =	sshra.s32 s2, $0x2;
	s2 =	sadd.s32 $0x200, s2  }
0x21: {  	[tilespmem:s0+$0x270] =	vst v0  }
0x22: {  	[tilespmem:s0+$0x200] =	vst v0  }
0x23: {  	[tilespmem:s0+$0x210] =	vst v0  }
0x24: {  	[tilespmem:s0+$0x220] =	vst v0  }
0x25: {  	[tilespmem:s0+$0x230] =	vst v0  }
0x26: {  	[tilespmem:s0+$0x240] =	vst v0  }
0x27: {  	[tilespmem:s0+$0x250] =	vst v0  }
0x28: {  	[tilespmem:s0+$0x260] =	vst v0  }
0x29: {  	[spmem:s5] =	stream.linear.scatter [tilespmem:s20], [sflag:$0x5], $0x4000, $0x38;
	[tilespmem:$0x1BA80] =	vst v63  }
0x2a: {  	_ =	swait.ge [sflag:s21], $0x4000  }
0x2b: {  	[sflag:s21] =	ssyncset.done $0x0  }
0x2c: {  	s6 =	rddreg [dreg:$0x3];
	[sflag:s21] =	ssyncadd.s32 $0xFFFFC000  }
0x2d: {  	[spmem:s6] =	stream.linear.scatter [tilespmem:s20], [sflag:$0x5], $0x4000, $0x38;
	[tilespmem:$0x1BA80] =	vst v63  }
0x2e: {  	_ =	swait.ge [sflag:s21], $0x4000  }
0x2f: {  	[sflag:s21] =	ssyncset.done $0x0  }
0x30: {  	s7 =	rddreg [dreg:$0x4];
	[sflag:s21] =	ssyncadd.s32 $0xFFFFC000  }
0x31: {  	[spmem:s7] =	stream.linear.scatter [tilespmem:s20], [sflag:$0x5], $0x4000, $0x38;
	[tilespmem:$0x1BA80] =	vst v63  }
0x32: {  	_ =	swait.ge [sflag:s21], $0x4000  }
0x33: {  	[sflag:s21] =	ssyncset.done $0x0  }
0x34: {  	s8 =	rddreg [dreg:$0x5];
	[sflag:s21] =	ssyncadd.s32 $0xFFFFC000  }
0x35: {  	[spmem:s8] =	stream.linear.scatter [tilespmem:s20], [sflag:$0x5], $0x4000, $0x38;
	[tilespmem:$0x1BA80] =	vst v63  }
0x36: {  	_ =	swait.ge [sflag:s21], $0x4000  }
0x37: {  	[sflag:s21] =	ssyncset.done $0x0  }
0x38: {  	[sflag:s21] =	ssyncadd.s32 $0xFFFFC000  }
0x39: {  	[spmem:s9] =	stream.linear.scatter [tilespmem:s20], [sflag:$0x5], $0x3C00, $0x38;
	[tilespmem:$0x1BA80] =	vst v63  }
0x3a: {  	_ =	swait.ge [sflag:s21], $0x3C00  }
0x3b: {  	[sflag:s21] =	ssyncset.done $0x0  }
0x3c: {  	[sflag:s21] =	ssyncadd.s32 $0xFFFFC400  }
0x3d: {  	s2 =	sadd.s32 $0x0, s17;
	[bflag:$0x0] =	sbarrier.arrive $0xFFFF  }
0x3e: {  	[tilespmem:s3], [sflag:$0x1] =	stream.linear.gather [hbm4b:s2+s3], $0x80, $0x38;
	[tilespmem:$0x1BA80] =	vst v63  }
0x3f: {  	s6 =	sadd.s32 $0x0, s16  }
0x40: {  	[tilespmem:s22], [sflag:$0x1] =	stream.linear.gather [hbm4b:s6+s3], $0x80, $0x38;
	[tilespmem:$0x1BA80] =	vst v63  }
0x41: {  	s7 =	sadd.s32 $0x0, s19  }
0x42: {  	[tilespmem:s23], [sflag:$0x1] =	stream.linear.gather [hbm4b:s7+s3], $0x80, $0x38;
	[tilespmem:$0x1BA80] =	vst v63  }
0x43: {  	s8 =	sadd.s32 $0x0, s18  }
0x44: {  	[tilespmem:s24], [sflag:$0x1] =	stream.linear.gather [hbm4b:s8+s3], $0x80, $0x38;
	[tilespmem:$0x1BA80] =	vst v63  }
0x45: {  	_ =	swait.ge [sflag:s25], $0x80  }
0x46: {  	[sflag:s25] =	ssyncset.done $0x0  }
0x47: {  	[sflag:s25] =	ssyncadd.s32 $0xFFFFFF80  }
0x48: {  	_ =	swait.ge [sflag:s25], $0x80  }
0x49: {  	[sflag:s25] =	ssyncset.done $0x0  }
0x4a: {  	[sflag:s25] =	ssyncadd.s32 $0xFFFFFF80  }
0x4b: {  	_ =	swait.ge [sflag:s25], $0x80  }
0x4c: {  	[sflag:s25] =	ssyncset.done $0x0  }
0x4d: {  	[sflag:s25] =	ssyncadd.s32 $0xFFFFFF80  }
0x4e: {  	_ =	swait.ge [sflag:s25], $0x80  }
0x4f: {  	[sflag:s25] =	ssyncset.done $0x0  }
0x50: {  	[sflag:s25] =	ssyncadd.s32 $0xFFFFFF80  }
0x51: {  	[tilespmem:s20], [sflag:$0x2] =	stream.indirect.gather [hbm4b:s4+s22], $0x80, s3, s22, $0xb8;
	[tilespmem:$0x1BA80] =	vst v63  }
0x52: {  	_ = 	snop  }
0x53: {  	[tilespmem:s26], [sflag:$0x3] =	stream.indirect.gather [hbm4b:s4+s22], $0x80, s23, s22, $0xb8;
	[tilespmem:$0x1BA80] =	vst v63  }
0x54: {  	_ =	swait.ge [sflag:s28], $0x4000  }
0x55: {  	[sflag:s28] =	ssyncset.done $0x0  }
0x56: {  	[sflag:s28] =	ssyncadd.s32 $0xFFFFC000  }
0x57: {  	[spmem:s1] =	stream.indirect.scatter.add.f32 [tilespmem:s20], [sflag:$0x4], $0x80, s22, s22, $0xb8;
	[tilespmem:$0x1BA80] =	vst v63  }
0x58: {  	_ =	swait.ge [sflag:s29], $0x4000  }
0x59: {  	[sflag:s29] =	ssyncset.done $0x0  }
0x5a: {  	[sflag:s29] =	ssyncadd.s32 $0xFFFFC000  }
0x5b: {  	[spmem:s1] =	stream.indirect.scatter.add.f32 [tilespmem:s26], [sflag:$0x4], $0x80, s24, s22, $0xb8;
	[tilespmem:$0x1BA80] =	vst v63  }
0x5c: {  	_ =	swait.ge [sflag:s30], $0x4000  }
0x5d: {  	[sflag:s30] =	ssyncset.done $0x0  }
0x5e: {  	[sflag:s30] =	ssyncadd.s32 $0xFFFFC000  }
0x5f: {  	_ =	swait.ge [sflag:s30], $0x4000  }
0x60: {  	s0 =	simm.s32 $0x20;
	s2 =	simm.s32 $0x40;
	[sflag:s30] =	ssyncset.done $0x0  }
.LBB2_4:
0x61: {  	s7 =	sadd.s32 s0, s17  }
0x62: {  	[sflag:s30] =	ssyncadd.s32 $0xFFFFC000;
	s8 =	smov.u32 s2;
	s6 =	sadd.s32 $0x20, s2  }
0x63: {  	[tilespmem:s3], [sflag:$0x1] =	stream.linear.gather [hbm4b:s7+s3], $0x80, $0x38;
	[tilespmem:$0x1BA80] =	vst v63  }
0x64: {  	p1 =	sne.s32 s2, $0x240;
	s2 =	sadd.s32 s0, s16  }
0x65: {  	[tilespmem:s22], [sflag:$0x1] =	stream.linear.gather [hbm4b:s2+s3], $0x80, $0x38;
	[tilespmem:$0x1BA80] =	vst v63  }
0x66: {  	s2 =	sadd.s32 s0, s19  }
0x67: {  	[tilespmem:s23], [sflag:$0x1] =	stream.linear.gather [hbm4b:s2+s3], $0x80, $0x38;
	[tilespmem:$0x1BA80] =	vst v63  }
0x68: {  	s2 =	sadd.s32 s0, s18;
	s0 =	smov.u32 s8  }
0x69: {  	[tilespmem:s24], [sflag:$0x1] =	stream.linear.gather [hbm4b:s2+s3], $0x80, $0x38;
	[tilespmem:$0x1BA80] =	vst v63  }
0x6a: {  	_ =	swait.ge [sflag:s25], $0x80  }
0x6b: {  	[sflag:s25] =	ssyncset.done $0x0  }
0x6c: {  	[sflag:s25] =	ssyncadd.s32 $0xFFFFFF80  }
0x6d: {  	_ =	swait.ge [sflag:s25], $0x80  }
0x6e: {  	[sflag:s25] =	ssyncset.done $0x0  }
0x6f: {  	[sflag:s25] =	ssyncadd.s32 $0xFFFFFF80  }
0x70: {  	_ =	swait.ge [sflag:s25], $0x80  }
0x71: {  	[sflag:s25] =	ssyncset.done $0x0  }
0x72: {  	[sflag:s25] =	ssyncadd.s32 $0xFFFFFF80  }
0x73: {  	_ =	swait.ge [sflag:s25], $0x80  }
0x74: {  	[sflag:s25] =	ssyncset.done $0x0  }
0x75: {  	[sflag:s25] =	ssyncadd.s32 $0xFFFFFF80  }
0x76: {  	[tilespmem:s20], [sflag:$0x2] =	stream.indirect.gather [hbm4b:s4+s22], $0x80, s3, s22, $0xb8;
	[tilespmem:$0x1BA80] =	vst v63  }
0x77: {  	_ = 	snop  }
0x78: {  	[tilespmem:s26], [sflag:$0x3] =	stream.indirect.gather [hbm4b:s4+s22], $0x80, s23, s22, $0xb8;
	[tilespmem:$0x1BA80] =	vst v63  }
0x79: {  	_ =	swait.ge [sflag:s28], $0x4000  }
0x7a: {  	[sflag:s28] =	ssyncset.done $0x0  }
0x7b: {  	[sflag:s28] =	ssyncadd.s32 $0xFFFFC000  }
0x7c: {  	[spmem:s1] =	stream.indirect.scatter.add.f32 [tilespmem:s20], [sflag:$0x4], $0x80, s22, s22, $0xb8;
	[tilespmem:$0x1BA80] =	vst v63  }
0x7d: {  	_ =	swait.ge [sflag:s29], $0x4000  }
0x7e: {  	[sflag:s29] =	ssyncset.done $0x0  }
0x7f: {  	[sflag:s29] =	ssyncadd.s32 $0xFFFFC000  }
0x80: {  	[spmem:s1] =	stream.indirect.scatter.add.f32 [tilespmem:s26], [sflag:$0x4], $0x80, s24, s22, $0xb8;
	[tilespmem:$0x1BA80] =	vst v63  }
.Ltmp1:
0x81: {  	_ =	swait.ge [sflag:s30], $0x4000;
	(pc) =	sbr.rel @p1 .LBB2_4-.Ltmp1, $4  }
0x82: {  	[sflag:s30] =	ssyncset.done $0x0  }
0x83: {  	[sflag:s30] =	ssyncadd.s32 $0xFFFFC000  }
0x84: {  	_ =	swait.ge [sflag:s30], $0x4000  }
0x85: {  	s2 =	smov.u32 s6;
	[sflag:s30] =	ssyncset.done $0x0  }
0x86: {  	s2 =	sadd.s32 s0, s17;
	[sflag:s30] =	ssyncadd.s32 $0xFFFFC000  }
0x87: {  	[tilespmem:s3], [sflag:$0x1] =	stream.linear.gather [hbm4b:s2+s3], $0x80, $0x38;
	[tilespmem:$0x1BA80] =	vst v63  }
0x88: {  	s7 =	sadd.s32 s0, s16  }
0x89: {  	[tilespmem:s22], [sflag:$0x1] =	stream.linear.gather [hbm4b:s7+s3], $0x80, $0x38;
	[tilespmem:$0x1BA80] =	vst v63  }
0x8a: {  	s8 =	sadd.s32 s0, s19  }
0x8b: {  	[tilespmem:s23], [sflag:$0x1] =	stream.linear.gather [hbm4b:s8+s3], $0x80, $0x38;
	[tilespmem:$0x1BA80] =	vst v63  }
0x8c: {  	s6 =	sadd.s32 s0, s18  }
0x8d: {  	[tilespmem:s24], [sflag:$0x1] =	stream.linear.gather [hbm4b:s6+s3], $0x80, $0x38;
	[tilespmem:$0x1BA80] =	vst v63  }
0x8e: {  	_ =	swait.ge [sflag:s25], $0x80  }
0x8f: {  	[sflag:s25] =	ssyncset.done $0x0  }
0x90: {  	[sflag:s25] =	ssyncadd.s32 $0xFFFFFF80  }
0x91: {  	_ =	swait.ge [sflag:s25], $0x80  }
0x92: {  	[sflag:s25] =	ssyncset.done $0x0  }
0x93: {  	[sflag:s25] =	ssyncadd.s32 $0xFFFFFF80  }
0x94: {  	_ =	swait.ge [sflag:s25], $0x80  }
0x95: {  	[sflag:s25] =	ssyncset.done $0x0  }
0x96: {  	[sflag:s25] =	ssyncadd.s32 $0xFFFFFF80  }
0x97: {  	_ =	swait.ge [sflag:s25], $0x80  }
0x98: {  	[sflag:s25] =	ssyncset.done $0x0  }
0x99: {  	[sflag:s25] =	ssyncadd.s32 $0xFFFFFF80  }
0x9a: {  	[tilespmem:s20], [sflag:$0x2] =	stream.indirect.gather [hbm4b:s4+s22], $0x80, s3, s22, $0xb8;
	[tilespmem:$0x1BA80] =	vst v63  }
0x9b: {  	_ = 	snop  }
0x9c: {  	[tilespmem:s26], [sflag:$0x3] =	stream.indirect.gather [hbm4b:s4+s22], $0x80, s23, s22, $0xb8;
	[tilespmem:$0x1BA80] =	vst v63  }
0x9d: {  	_ =	swait.ge [sflag:s28], $0x4000  }
0x9e: {  	[sflag:s28] =	ssyncset.done $0x0  }
0x9f: {  	[sflag:s28] =	ssyncadd.s32 $0xFFFFC000  }
0xa0: {  	[spmem:s1] =	stream.indirect.scatter.add.f32 [tilespmem:s20], [sflag:$0x4], $0x80, s22, s22, $0xb8;
	[tilespmem:$0x1BA80] =	vst v63  }
0xa1: {  	_ =	swait.ge [sflag:s29], $0x4000  }
0xa2: {  	[sflag:s29] =	ssyncset.done $0x0  }
0xa3: {  	[sflag:s29] =	ssyncadd.s32 $0xFFFFC000  }
0xa4: {  	[spmem:s1] =	stream.indirect.scatter.add.f32 [tilespmem:s26], [sflag:$0x4], $0x80, s24, s22, $0xb8;
	[tilespmem:$0x1BA80] =	vst v63  }
0xa5: {  	_ =	swait.ge [sflag:s30], $0x4000  }
0xa6: {  	[sflag:s30] =	ssyncset.done $0x0  }
0xa7: {  	[sflag:s30] =	ssyncadd.s32 $0xFFFFC000  }
0xa8: {  	_ =	swait.ge [sflag:s30], $0x4000  }
0xa9: {  	[sflag:s30] =	ssyncset.done $0x0  }
0xaa: {  	[sflag:s30] =	ssyncadd.s32 $0xFFFFC000  }
0xab: {  	[tilespmem:s3], [sflag:$0x5] =	stream.linear.gather [hbm4b:s10+s3], $0x80, $0x38;
	[tilespmem:$0x1BA80] =	vst v63  }
0xac: {  	_ =	swait.ge [sflag:s21], $0x80  }
0xad: {  	[sflag:s21] =	ssyncset.done $0x0  }
0xae: {  	[sflag:s21] =	ssyncadd.s32 $0xFFFFFF80  }
0xaf: {  	[tilespmem:s22], [sflag:$0x5] =	stream.linear.gather [hbm4b:s11+s3], $0x80, $0x38;
	[tilespmem:$0x1BA80] =	vst v63  }
0xb0: {  	_ =	swait.ge [sflag:s21], $0x80  }
0xb1: {  	[sflag:s21] =	ssyncset.done $0x0  }
0xb2: {  	[sflag:s21] =	ssyncadd.s32 $0xFFFFFF80  }
0xb3: {  	[tilespmem:s20], [sflag:$0x2] =	stream.indirect.gather [hbm4b:s4+s22], $0x80, s3, s22, $0xb8;
	[tilespmem:$0x1BA80] =	vst v63  }
0xb4: {  	_ =	swait.ge [sflag:s28], $0x4000  }
0xb5: {  	[sflag:s28] =	ssyncset.done $0x0  }
0xb6: {  	[sflag:s28] =	ssyncadd.s32 $0xFFFFC000  }
0xb7: {  	[spmem:s1] =	stream.indirect.scatter.add.f32 [tilespmem:s20], [sflag:$0x5], $0x80, s22, s22, $0xb8;
	[tilespmem:$0x1BA80] =	vst v63  }
0xb8: {  	_ =	swait.ge [sflag:s21], $0x4000  }
0xb9: {  	s0 =	simm.s32 @!p0 $0x0;
	[sflag:s21] =	ssyncset.done $0x0  }
0xba: {  	s2 =	simm.s32 @!p0 $0x100;
	s6 =	simm.s32 @!p0 $0x5;
	[sflag:s21] =	ssyncadd.s32 $0xFFFFC000  }
0xbb: {  	[tilespmem:s2], [sflag:$0x5] =	stream.linear.gather @!p0 [hbm4b:s12+s0], $0x80, $0x38;
	[tilespmem:$0x1BA80] =	vst v63  }
0xbc: {  	_ =	swait.ge @!p0 [sflag:s6], $0x80  }
0xbd: {  	[sflag:s6] =	ssyncset.done @!p0 $0x0  }
0xbe: {  	s7 =	simm.s32 @!p0 $0x180;
	[sflag:s6] =	ssyncadd.s32 @!p0 $0xFFFFFF80  }
0xbf: {  	[tilespmem:s7], [sflag:$0x5] =	stream.linear.gather @!p0 [hbm4b:s13+s0], $0x80, $0x38;
	[tilespmem:$0x1BA80] =	vst v63  }
0xc0: {  	_ =	swait.ge @!p0 [sflag:s6], $0x80  }
0xc1: {  	[sflag:s6] =	ssyncset.done @!p0 $0x0  }
0xc2: {  	s8 =	simm.s32 @!p0 $0x4200;
	s0 =	simm.s32 @!p0 $0x80;
	[sflag:s6] =	ssyncadd.s32 @!p0 $0xFFFFFF80  }
0xc3: {  	[tilespmem:s8], [sflag:$0x3] =	stream.indirect.gather @!p0 [hbm4b:s4+s0], $0x80, s2, s0, $0xb8;
	[tilespmem:$0x1BA80] =	vst v63  }
0xc4: {  	s2 =	simm.s32 @!p0 $0x3  }
0xc5: {  	_ =	swait.ge @!p0 [sflag:s2], $0x4000  }
0xc6: {  	[sflag:s2] =	ssyncset.done @!p0 $0x0  }
0xc7: {  	[sflag:s2] =	ssyncadd.s32 @!p0 $0xFFFFC000  }
0xc8: {  	[spmem:s1] =	stream.indirect.scatter.add.f32 @!p0 [tilespmem:s8], [sflag:$0x5], $0x80, s7, s0, $0xb8;
	[tilespmem:$0x1BA80] =	vst v63  }
0xc9: {  	s31 =	sadd.s32 $0x1, s31;
	_ =	swait.ge @!p0 [sflag:s6], $0x4000  }
0xca: {  	p1 =	sne.s32 s31, s15;
	s7 =	stileid.u32;
	[sflag:s6] =	ssyncset.done @!p0 $0x0  }
0xcb: {  	s8 =	sshrl.u32 s5, $0x3;
	s0 =	sshll.u32 s7, $0x6;
	[sflag:s6] =	ssyncadd.s32 @!p0 $0xFFFFC000  }
.Ltmp2:
0xcc: {  	s0 =	sor.u32 $0x1C05, s0;
	[bflag:$0x0] =	sbarrier.arrive $0xFFFF;
	(pc) =	sbr.rel @p1 .LBB2_1-.Ltmp2, $4  }
0xcd: {  	[hbm:s14], [sflag:s0] =	dma.local [spmem:s8], $0x2780  }
0xce: {  	_ =	swait.ge [sflag:s21], $0x2780  }
0xcf: {  	[sflag:s21] =	ssyncset.done $0x0  }
0xd0: {  	[sflag:s21] =	ssyncadd.s32 $0xFFFFD880  }
0xd1: {  	_ =	sfence.sel $0x180000  }
0xd2: {  	[bflag:$0x0] =	sbarrier.arrive $0xFFFF  }
0xd3: {  	_ =	strace $0x9000004A  }
0xd4: {  	[bflag:$0x2] =	sbarrier.arrive $0xFFFF  }
0xd5: {  	s0 =	rddreg [dreg:$0x2]  }
0xd6: {  	s0 =	sadd.s32 @!p0 $0x100000, s0  }
0xd7: {  	[sflag:s0] =	ssyncadd.tile.s32 @!p0 $0x1;
	_ =	shalt  }
.Lfunc_end2:
_tile_overlayer_lowered:
.L_overlay_start_2:
0xd8: {  	(tag) =	ssettag $0x2  }
0xd9: {  	s0 =	rddreg [dreg:$0x0];
	s2 =	stileid.u32  }
0xda: {  	s1 =	rddreg [dreg:$0x1];
	p0 =	sne.s32 s2, $0x0  }
0xdb: {  	s3 =	rddreg [dreg:$0x2];
	[bflag:$0x3] =	sbarrier.arrive $0xFFFF;
	s2 =	simm.s32 @!p0 $0x1C05  }
0xdc: {  	[timem:s3], [sflag:s2] =	dma.local @!p0 [hbm:s0], s1  }
0xdd: {  	s0 =	simm.s32 @!p0 $0x5  }
0xde: {  	_ =	swait.ge @!p0 [sflag:s0], s1  }
0xdf: {  	s1 =	ssub.s32 @!p0 $0x0, s1;
	[sflag:s0] =	ssyncset.done @!p0 $0x0  }
0xe0: {  	[sflag:s0] =	ssyncadd.s32 @!p0 s1  }
0xe1: {  	[bflag:$0x3] =	sbarrier.arrive $0xFFFF  }
0xe2: {  	_ =	shalt  }

// kernel: kernel.18.cloned.1.call-start
scs
__scs_entry_jumppad:
0x0: {  	(pc) =	sbr.rel $0x88, $3  }
0x1: {  	(tag) =	ssettag $0x0;
	lr =	simm.s32 $0x1  }
0x2: {  	[smem:$0x3F80] =	sst lr;
	_ =	strace $0xD0000000  }
0x3: {  	_ = 	snop  }
0x4: {  	_ = 	snop  }
0x5: {  	_ = 	snop  }
0x6: {  	_ = 	snop  }
0x7: {  	_ = 	snop  }
__scs_overlays_trampoline_lowered:
0x8: {  	[smem:$0x3F8F] =	sst s0  }
0x9: {  	[smem:$0x3F90] =	sst s1  }
0xa: {  	[smem:$0x3F91] =	sst s2  }
0xb: {  	[smem:$0x3F92] =	sst s3  }
0xc: {  	[smem:$0x3F93] =	sst s4  }
0xd: {  	[smem:$0x3F94] =	sst s5  }
0xe: {  	[smem:$0x3F95] =	sst s6  }
0xf: {  	[smem:$0x3F96] =	sst s7  }
0x10: {  	[smem:$0x3F97] =	sst s8  }
0x11: {  	[smem:$0x3F98] =	sst s9;
	s0 =	simm.s32 @!p0 $0x0  }
0x12: {  	s1 =	sld [smem:$0x3F7E];
	s0 =	simm.s32 @p0 $0x1  }
0x13: {  	[smem:$0x3F99] =	sst s0;
	s0 =	simm.s32 @!p1 $0x0  }
0x14: {  	s2 =	sld [smem:$0x3F7D];
	s0 =	simm.s32 @p1 $0x1  }
0x15: {  	[smem:$0x3F9A] =	sst s0;
	s0 =	simm.s32 @!p2 $0x0  }
0x16: {  	s3 =	sld [smem:$0x3FDB];
	s0 =	simm.s32 @p2 $0x1  }
0x17: {  	s4 =	simm.s32 $0x1BF5;
	[smem:$0x3F9C] =	sst s0  }
0x18: {  	s0 =	sld [smem:$0x3F7F];
	_ =	swait.ge [sflag:s4], $0x0  }
0x19: {  	s7 =	sld [smem:$0x3F80]  }
0x1a: {  	s8 =	sadd.s32 $0xFFFFE003, lr  }
0x1b: {  	s9 =	sadd.s32 $0xFFFFFEF7, lr;
	s5 =	simm.s32 $0xFFFFFFFF;
	p2 =	slt.u32 s8, $0xFFFFF086  }
0x1c: {  	p1 =	slt.u32 s9, $0xF7A;
	s5 =	simm.s32 @!p2 $0x0  }
0x1d: {  	s5 =	simm.s32 @p1 $0x1;
	p0 =	seq.s32 s7, s2  }
0x1e: {  	s7 =	smul.u32 @!p0 $0xF7A, s2;
	p2 =	seq.s32 @!p0 s5, $0x0  }
0x1f: {  	s9 =	smul.u32 $0xF7A, s1;
	s8 =	simm.s32 @!p0 $0x1BF5;
	p2 =	por !p2, p0  }
0x20: {  	[sflag:s8] =	ssyncset.s32 @!p0 $0xFFFFF086;
	s6 =	sadd.s32 @!p0 s3, s7;
	s7 =	simm.s32 @!p0 $0x108  }
0x21: {  	s3 =	sadd.s32 s3, s9;
	s6 =	sadd.s32 @!p0 $0x88, s6;
	s7 =	simm.s32 @p2 $0x1082  }
0x22: {  	[simem:s7], [sflag:s8] =	dma.local @!p0 [hbm:s6], $0xF7A  }
0x23: {  	s9 =	sor.u32 $0xD0000000, s2;
	s6 =	simm.s32 $0x108;
	_ =	swait.ge @!p0 [sflag:s8], $0x0  }
0x24: {  	s3 =	sadd.s32 $0x88, s3;
	s6 =	simm.s32 @!p1 $0x1082;
	[sflag:s4] =	ssyncset.s32 $0xFFFFF086  }
0x25: {  	[simem:s6], [sflag:s4] =	dma.local [hbm:s3], $0xF7A  }
0x26: {  	[smem:$0x3F80] =	sst s1;
	(tag) =	ssettag s2;
	_ =	strace s9  }
0x27: {  	s1 =	sld [smem:$0x3F90]  }
0x28: {  	s2 =	sld [smem:$0x3F91]  }
0x29: {  	s4 =	sld [smem:$0x3F93]  }
0x2a: {  	p0 =	seq.s32 s5, $0x0;
	s5 =	sld [smem:$0x3F94]  }
0x2b: {  	s6 =	sld [smem:$0x3F95]  }
0x2c: {  	s7 =	sld [smem:$0x3F96]  }
0x2d: {  	s3 =	simm.s32 $0x108;
	s8 =	sld [smem:$0x3F97]  }
0x2e: {  	s3 =	simm.s32 @!p0 $0x1082;
	s9 =	sld [smem:$0x3F98]  }
0x2f: {  	lr =	sadd.s32 s0, s3;
	s0 =	sld [smem:$0x3F8F]  }
0x30: {  	s3 =	sld [smem:$0x3F92]  }
0x31: {  	[smem:$0x3F9B] =	sst s10  }
0x32: {  	s10 =	sld [smem:$0x3F99];
	_ =	sdelay $0x3  }
0x33: {  	p0 =	seq.s32 s10, $0x1;
	s10 =	sld [smem:$0x3F9B];
	_ =	sdelay $0x3  }
0x34: {  	[smem:$0x3F9B] =	sst s10  }
0x35: {  	s10 =	sld [smem:$0x3F9A];
	_ =	sdelay $0x3  }
0x36: {  	p1 =	seq.s32 s10, $0x1;
	s10 =	sld [smem:$0x3F9B];
	_ =	sdelay $0x3  }
0x37: {  	[smem:$0x3F9B] =	sst s10  }
0x38: {  	s10 =	sld [smem:$0x3F9C]  }
0x39: {  	_ = 	snop;
	(pc) =	sbr.ind lr, $3  }
0x3a: {  	_ = 	snop  }
0x3b: {  	_ = 	snop  }
0x3c: {  	p2 =	seq.s32 s10, $0x1;
	s10 =	sld [smem:$0x3F9B]  }
0x3d: {  	_ =	shalt  }
0x3e: {  	_ =	shalt  }
0x3f: {  	_ =	shalt  }
0x40: {  	_ =	shalt  }
0x41: {  	_ =	shalt  }
0x42: {  	_ =	shalt  }
0x43: {  	_ =	shalt  }
0x44: {  	_ =	shalt  }
0x45: {  	_ =	shalt  }
0x46: {  	_ =	shalt  }
0x47: {  	_ =	shalt  }
0x48: {  	_ =	shalt  }
0x49: {  	_ =	shalt  }
0x4a: {  	_ =	shalt  }
0x4b: {  	_ =	shalt  }
0x4c: {  	_ =	shalt  }
0x4d: {  	_ =	shalt  }
0x4e: {  	_ =	shalt  }
0x4f: {  	_ =	shalt  }
0x50: {  	_ =	shalt  }
0x51: {  	_ =	shalt  }
0x52: {  	_ =	shalt  }
0x53: {  	_ =	shalt  }
0x54: {  	_ =	shalt  }
0x55: {  	_ =	shalt  }
0x56: {  	_ =	shalt  }
0x57: {  	_ =	shalt  }
0x58: {  	_ =	shalt  }
0x59: {  	_ =	shalt  }
0x5a: {  	_ =	shalt  }
0x5b: {  	_ =	shalt  }
0x5c: {  	_ =	shalt  }
0x5d: {  	_ =	shalt  }
0x5e: {  	_ =	shalt  }
0x5f: {  	_ =	shalt  }
0x60: {  	_ =	shalt  }
0x61: {  	_ =	shalt  }
0x62: {  	_ =	shalt  }
0x63: {  	_ =	shalt  }
0x64: {  	_ =	shalt  }
0x65: {  	_ =	shalt  }
0x66: {  	_ =	shalt  }
0x67: {  	_ =	shalt  }
0x68: {  	_ =	shalt  }
0x69: {  	_ =	shalt  }
0x6a: {  	_ =	shalt  }
0x6b: {  	_ =	shalt  }
0x6c: {  	_ =	shalt  }
0x6d: {  	_ =	shalt  }
0x6e: {  	_ =	shalt  }
0x6f: {  	_ =	shalt  }
0x70: {  	_ =	shalt  }
0x71: {  	_ =	shalt  }
0x72: {  	_ =	shalt  }
0x73: {  	_ =	shalt  }
0x74: {  	_ =	shalt  }
0x75: {  	_ =	shalt  }
0x76: {  	_ =	shalt  }
0x77: {  	_ =	shalt  }
0x78: {  	_ =	shalt  }
0x79: {  	_ =	shalt  }
0x7a: {  	_ =	shalt  }
0x7b: {  	_ =	shalt  }
0x7c: {  	_ =	shalt  }
0x7d: {  	_ =	shalt  }
0x7e: {  	_ =	shalt  }
0x7f: {  	_ =	shalt  }
0x80: {  	_ =	shalt  }
0x81: {  	_ =	shalt  }
0x82: {  	_ =	shalt  }
0x83: {  	_ =	shalt  }
0x84: {  	_ =	shalt  }
0x85: {  	_ =	shalt  }
0x86: {  	_ =	shalt  }
0x87: {  	_ =	shalt  }
.Lfunc_end0:
.L_simem_size_0:
called_computation.1_lowered:
.L_overlay_start_0:
0x88: {  	s2 =	sld [smem:$0x3FD9]  }
0x89: {  	s3 =	sld [smem:$0x3FFE];
	_ =	sdelay $0x1  }
0x8a: {  	s1 =	srdreg.scid  }
0x8b: {  	s0 =	sand.u32 $0x1, s1  }
0x8c: {  	s16 =	sshll.u32 s0, $0xA;
	s2 =	sadd.s32 s3, s2  }
0x8d: {  	s2 =	sadd.s32 s2, s16  }
0x8e: {  	[smem:$0x3FA7] =	sst s2  }
0x8f: {  	_ = 	snop  }
0x90: {  	(tm) =	ssettm $0x1  }
0x91: {  	s17 =	sld [smem:$0x3FFB];
	_ =	sdelay $0x3  }
0x92: {  	_ =	strace s17  }
0x93: {  	s2 =	sld [smem:$0x3FFC];
	_ =	sdelay $0x3  }
0x94: {  	_ =	strace s2  }
0x95: {  	s2 =	sld [smem:$0x3FFD];
	_ =	sdelay $0x3  }
0x96: {  	_ =	strace s2  }
0x97: {  	_ =	strace $0x8FFFFFFF  }
0x98: {  	s18 =	sld [smem:$0x3FDB];
	_ =	sdelay $0x1  }
0x99: {  	s19 =	simm.s32 $_scs_section_size  }
0x9a: {  	s4 =	simm.s32 $_size__tile_overlayer_lowered;
	s5 =	simm.s32 $_tile_overlayer_lowered  }
0x9b: {  	s22 =	simm.s32 $0x1BFF;
	s21 =	sshll.u32 s5, $0x1;
	s2 =	sadd.s32 s19, s18  }
0x9c: {  	s6 =	simm.s32 $0x0;
	s20 =	sshll.u32 s4, $0x1;
	s4 =	sadd.s32 s21, s2  }
0x9d: {  	[timem:s6], [sflag:s22] =	dma.local [hbm:s4], s20  }
0x9e: {  	_ =	swait.ge [sflag:s22], s20  }
0x9f: {  	s3 =	ssub.s32 $0x0, s20;
	[sflag:s22] =	ssyncset.done $0x0  }
0xa0: {  	[sflag:s22] =	ssyncadd.s32 s3;
	_ =	sdelay $0x1  }
0xa1: {  	s23 =	simm.s32 $0x1B8B  }
0xa2: {  	_ =	swait.ge [sflag:s23], $0x1  }
0xa3: {  	[sflag:s23] =	ssyncset.done $0x0  }
0xa4: {  	s25 =	simm.s32 $0x1B8E;
	s24 =	sld [smem:$0x3FFE];
	[sflag:s23] =	ssyncadd.s32 $0xFFFFFFFF  }
0xa5: {  	s26 =	simm.s32 $execute0_lowered;
	[smem:$0x3FD2] =	sst s25  }
0xa6: {  	s4 =	sshll.u32 s26, $0x1;
	_ =	strace $0x80000046;
	[dreg:$0x1] =	wrdreg $0xFFFFFFFF  }
0xa7: {  	s28 =	simm.s32 $_size_execute0_lowered;
	s2 =	sadd.s32 s2, s4;
	[dreg:$0x0] =	wrdreg $0x0  }
0xa8: {  	s4 =	sshll.u32 s28, $0x1;
	[dreg:$0x2] =	wrdreg s2  }
0xa9: {  	[dreg:$0x3] =	wrdreg s4  }
0xaa: {  	[dreg:$0x4] =	wrdreg $0xC0  }
0xab: {  	_ =	task [dreg:s6], $0x5FFFF  }
0xac: {  	[dreg:$0x1] =	wrdreg $0xFFFFFFFF  }
0xad: {  	[dreg:$0x0] =	wrdreg $0x60  }
0xae: {  	[dreg:$0x2] =	wrdreg s24  }
0xaf: {  	[dreg:$0x3] =	wrdreg $0xC1800  }
0xb0: {  	[dreg:$0x4] =	wrdreg $0xA  }
0xb1: {  	_ =	task.clear_ibuf [dreg:s6], $0x5FFFF;
	_ =	strace $0x90000046  }
0xb2: {  	s29 =	simm.s32 $0xA;
	_ =	strace $0x80000048  }
0xb3: {  	_ =	swait.ge [sflag:s29], $0x1  }
0xb4: {  	[sflag:s29] =	ssyncadd.s32 $0xFFFFFFFF  }
0xb5: {  	_ =	strace $0x90000048  }
0xb6: {  	_ =	sfence  }
0xb7: {  	s30 =	sld [smem:$0x0];
	_ =	sdelay $0x2  }
0xb8: {  	s31 =	sshll.u32 s1, $0xD;
	s1 =	sshrl.u32 s1, $0x2  }
0xb9: {  	s3 =	sand.u32 $0x4000, s31;
	s1 =	sadd.s32 s1, s30  }
0xba: {  	s0 =	sor.u32 s3, s0;
	s1 =	sshll.u32 s1, $0x11  }
0xbb: {  	s0 =	sor.u32 s1, s0  }
0xbc: {  	s0 =	sadd.s32 $0x8F2B, s0  }
0xbd: {  	[sflag:s0] =	ssyncadd.remote.s32 $0x1  }
0xbe: {  	_ =	sfence.sel $0xFFFF  }
0xbf: {  	[dreg:$0x0] =	wrdreg $0xFFFFFFFF;
	(pc) =	sbr.abs _section_cstart, $3  }
0xc0: {  	[dreg:$0x1] =	wrdreg $0xFFFFFFFF  }
0xc1: {  	_ =	task.clear_ibuf [dreg:s6], $0x2FFFF;
	_ =	strace $0x9FFFFFFF  }
0xc2: {  	(tm) =	ssettm $0x7FFFFFFF  }
0xc3: {  	_ =	shalt  }
tec
execute0_lowered:
.L_overlay_start_1:
0x0: {  	(tag) =	ssettag $0x1  }
0x1: {  	s5 =	rddreg [dreg:$0x0]  }
0x2: {  	s1 =	rddreg [dreg:$0x1]  }
0x3: {  	s2 =	stileid.u32;
	s4 =	srdreg.scid  }
0x4: {  	s3 =	simm.s32 $0x0;
	s20 =	simm.s32 $0x4180;
	s6 =	smul.u32 $0x278, s2  }
0x5: {  	s22 =	simm.s32 $0x8180;
	s10 =	sand.u32 $0x1, s4;
	s14 =	smul.u32 $0x27000, s2  }
0x6: {  	[smem:$0x7FF] =	sst s3;
	s12 =	sadd.s32 $0x764200, s5;
	s18 =	smul.u32 $0x2700, s2  }
0x7: {  	s21 =	simm.s32 $0x100;
	s16 =	sadd.s32 $0x75F200, s5;
	s24 =	smul.u32 $0x138800, s10  }
0x8: {  	p0 =	sne.s32 s2, $0x0;
	_ =	strace $0x80000047;
	s17 =	smul.u32 $0x13800, s10  }
0x9: {  	s7 =	ssub.s32 $0x2, s10;
	s25 =	sshll.u32 s10, $0x7;
	s19 =	smul.u32 $0x1380, s10  }
0xa: {  	s23 =	smin.u32 s6, $0x2498;
	s8 =	sshrl.u32 s7, $0x1;
	s15 =	sor.u32 $0x27000, s25  }
0xb: {  	s14 =	sadd.s32 s14, s12;
	s25 =	simm.s32 $0x0;
	s4 =	sshll.u32 s23, $0x7  }
0xc: {  	s13 =	ssub.s32 s7, s8;
	s9 =	sshrl.u32 s15, $0x3;
	s15 =	sshll.u32 s15, $0x4  }
0xd: {  	s26 =	sadd.s32 s19, s18;
	s19 =	simm.s32 $0x80;
	s23 =	simm.s32 $0x1  }
0xe: {  	s6 =	sadd.s32 s24, s4;
	s4 =	sadd.s32 s4, s1;
	s9 =	sadd.s32 s16, s9  }
0xf: {  	s10 =	sadd.s32 s12, s15;
	s12 =	smax.u32 s13, $0x1;
	s13 =	sadd.s32 s17, s14  }
0x10: {  	s28 =	sshrl.u32 s26, $0x3;
	s29 =	sadd.s32 $0x100, s26;
	s18 =	sadd.s32 $0x80, s26  }
0x11: {  	s17 =	simm.s32 $0x180;
	s24 =	simm.s32 $0x2;
	s6 =	sshrl.u32 s6, $0x3  }
0x12: {  	s7 =	sadd.s32 $0xC000, s4;
	s8 =	sadd.s32 $0x10000, s4;
	s14 =	sadd.s32 s28, s16  }
0x13: {  	s30 =	sshrl.u32 s29, $0x3;
	s31 =	sshrl.u32 s18, $0x3;
	s18 =	simm.s32 $0x3  }
0x14: {  	s11 =	sadd.s32 s6, s5;
	s5 =	sadd.s32 $0x4000, s4;
	s6 =	sadd.s32 $0x8000, s4  }
0x15: {  	v0 =	vimm.f32 $0.0e+00;
	s15 =	sadd.s32 s30, s16;
	s16 =	sadd.s32 s31, s16;
	s11 =	sadd.s32 $0x7200, s11  }
.LBB2_1:
0x16: {  	s26 =	simm.s32 $0x0;
	s28 =	simm.s32 $0x200  }
.LBB2_2:
0x17: {  	p1 =	sne.s32 s28, $0xFE00;
	[tilespmem:s26+$0x1F0] =	vst v0  }
0x18: {  	[tilespmem:s26+$0x180] =	vst v0  }
0x19: {  	[tilespmem:s26+$0x190] =	vst v0  }
.Ltmp0:
0x1a: {  	[tilespmem:s26+$0x1A0] =	vst v0;
	(pc) =	sbr.rel @p1 .LBB2_2-.Ltmp0, $4  }
0x1b: {  	[tilespmem:s26+$0x1B0] =	vst v0  }
0x1c: {  	[tilespmem:s26+$0x1C0] =	vst v0  }
0x1d: {  	[tilespmem:s26+$0x1D0] =	vst v0  }
0x1e: {  	[tilespmem:s26+$0x1E0] =	vst v0;
	s26 =	sshra.s32 s28, $0x2;
	s28 =	sadd.s32 $0x200, s28  }
0x1f: {  	[tilespmem:s26+$0x1F0] =	vst v0  }
0x20: {  	[tilespmem:s26+$0x180] =	vst v0  }
0x21: {  	[tilespmem:s26+$0x190] =	vst v0  }
0x22: {  	[tilespmem:s26+$0x1A0] =	vst v0  }
0x23: {  	[tilespmem:s26+$0x1B0] =	vst v0  }
0x24: {  	[tilespmem:s26+$0x1C0] =	vst v0  }
0x25: {  	[tilespmem:s26+$0x1D0] =	vst v0  }
0x26: {  	[tilespmem:s26+$0x1E0] =	vst v0  }
0x27: {  	[spmem:s4] =	stream.linear.scatter [tilespmem:s17], [sflag:$0x3], $0x4000, $0x38;
	[tilespmem:$0x1FA00] =	vst v63  }
0x28: {  	_ =	swait.ge [sflag:s18], $0x4000  }
0x29: {  	[sflag:s18] =	ssyncset.done $0x0  }
0x2a: {  	[sflag:s18] =	ssyncadd.s32 $0xFFFFC000  }
0x2b: {  	[spmem:s5] =	stream.linear.scatter [tilespmem:s17], [sflag:$0x3], $0x4000, $0x38;
	[tilespmem:$0x1FA00] =	vst v63  }
0x2c: {  	_ =	swait.ge [sflag:s18], $0x4000  }
0x2d: {  	[sflag:s18] =	ssyncset.done $0x0  }
0x2e: {  	[sflag:s18] =	ssyncadd.s32 $0xFFFFC000  }
0x2f: {  	[spmem:s6] =	stream.linear.scatter [tilespmem:s17], [sflag:$0x3], $0x4000, $0x38;
	[tilespmem:$0x1FA00] =	vst v63  }
0x30: {  	_ =	swait.ge [sflag:s18], $0x4000  }
0x31: {  	[sflag:s18] =	ssyncset.done $0x0  }
0x32: {  	[sflag:s18] =	ssyncadd.s32 $0xFFFFC000  }
0x33: {  	[spmem:s7] =	stream.linear.scatter [tilespmem:s17], [sflag:$0x3], $0x4000, $0x38;
	[tilespmem:$0x1FA00] =	vst v63  }
0x34: {  	_ =	swait.ge [sflag:s18], $0x4000  }
0x35: {  	[sflag:s18] =	ssyncset.done $0x0  }
0x36: {  	[sflag:s18] =	ssyncadd.s32 $0xFFFFC000  }
0x37: {  	[spmem:s8] =	stream.linear.scatter [tilespmem:s17], [sflag:$0x3], $0x3C00, $0x38;
	[tilespmem:$0x1FA00] =	vst v63  }
0x38: {  	_ =	swait.ge [sflag:s18], $0x3C00  }
0x39: {  	[sflag:s18] =	ssyncset.done $0x0  }
0x3a: {  	[sflag:s18] =	ssyncadd.s32 $0xFFFFC400  }
0x3b: {  	[bflag:$0x0] =	sbarrier.arrive $0xFFFF  }
0x3c: {  	[tilespmem:s3], [sflag:$0x1] =	stream.linear.gather [hbm4b:s14+s3], $0x80, $0x38;
	[tilespmem:$0x1FA00] =	vst v63  }
0x3d: {  	s31 =	sadd.s32 $0x0, s13  }
0x3e: {  	[tilespmem:s17], [sflag:$0x1] =	stream.linear.gather [hbm4b:s31+s3], $0x4000, $0x38;
	[tilespmem:$0x1FA00] =	vst v63  }
0x3f: {  	_ = 	snop  }
0x40: {  	[tilespmem:s19], [sflag:$0x1] =	stream.linear.gather [hbm4b:s16+s3], $0x80, $0x38;
	[tilespmem:$0x1FA00] =	vst v63  }
0x41: {  	s28 =	sadd.s32 $0x800, s31  }
0x42: {  	[tilespmem:s20], [sflag:$0x1] =	stream.linear.gather [hbm4b:s28+s3], $0x4000, $0x38;
	[tilespmem:$0x1FA00] =	vst v63  }
0x43: {  	_ = 	snop  }
0x44: {  	[tilespmem:s21], [sflag:$0x1] =	stream.linear.gather [hbm4b:s15+s3], $0x80, $0x38;
	[tilespmem:$0x1FA00] =	vst v63  }
0x45: {  	s26 =	sadd.s32 $0x1000, s31  }
0x46: {  	[tilespmem:s22], [sflag:$0x1] =	stream.linear.gather [hbm4b:s26+s3], $0x4000, $0x38;
	[tilespmem:$0x1FA00] =	vst v63  }
0x47: {  	_ =	swait.ge [sflag:s23], $0x80  }
0x48: {  	[sflag:s23] =	ssyncset.done $0x0  }
0x49: {  	[sflag:s23] =	ssyncadd.s32 $0xFFFFFF80  }
0x4a: {  	_ =	swait.ge [sflag:s23], $0x4000  }
0x4b: {  	[sflag:s23] =	ssyncset.done $0x0  }
0x4c: {  	[sflag:s23] =	ssyncadd.s32 $0xFFFFC000  }
0x4d: {  	_ =	swait.ge [sflag:s23], $0x80  }
0x4e: {  	[sflag:s23] =	ssyncset.done $0x0  }
0x4f: {  	[sflag:s23] =	ssyncadd.s32 $0xFFFFFF80  }
0x50: {  	_ =	swait.ge [sflag:s23], $0x4000  }
0x51: {  	[sflag:s23] =	ssyncset.done $0x0  }
0x52: {  	[sflag:s23] =	ssyncadd.s32 $0xFFFFC000  }
0x53: {  	_ =	swait.ge [sflag:s23], $0x80  }
0x54: {  	[sflag:s23] =	ssyncset.done $0x0  }
0x55: {  	[sflag:s23] =	ssyncadd.s32 $0xFFFFFF80  }
0x56: {  	_ =	swait.ge [sflag:s23], $0x4000  }
0x57: {  	[sflag:s23] =	ssyncset.done $0x0  }
0x58: {  	[sflag:s23] =	ssyncadd.s32 $0xFFFFC000  }
0x59: {  	[spmem:s1] =	stream.indirect.scatter.add.f32 [tilespmem:s17], [sflag:$0x2], $0x80, s3, s19, $0xb8;
	[tilespmem:$0x1FA00] =	vst v63  }
0x5a: {  	_ = 	snop  }
0x5b: {  	[spmem:s1] =	stream.indirect.scatter.add.f32 [tilespmem:s20], [sflag:$0x2], $0x80, s19, s19, $0xb8;
	[tilespmem:$0x1FA00] =	vst v63  }
0x5c: {  	_ = 	snop  }
0x5d: {  	[spmem:s1] =	stream.indirect.scatter.add.f32 [tilespmem:s22], [sflag:$0x2], $0x80, s21, s19, $0xb8;
	[tilespmem:$0x1FA00] =	vst v63  }
0x5e: {  	_ =	swait.ge [sflag:s24], $0x4000  }
0x5f: {  	[sflag:s24] =	ssyncset.done $0x0  }
0x60: {  	[sflag:s24] =	ssyncadd.s32 $0xFFFFC000  }
0x61: {  	_ =	swait.ge [sflag:s24], $0x4000  }
0x62: {  	[sflag:s24] =	ssyncset.done $0x0  }
0x63: {  	[sflag:s24] =	ssyncadd.s32 $0xFFFFC000  }
0x64: {  	s29 =	smov.u32 s14;
	s30 =	smov.u32 s15;
	_ =	swait.ge [sflag:s24], $0x4000  }
0x65: {  	s28 =	sadd.s32 $0x30, s16;
	s26 =	simm.s32 $0x1800;
	[sflag:s24] =	ssyncset.done $0x0  }
.LBB2_4:
0x66: {  	[sflag:s24] =	ssyncadd.s32 $0xFFFFC000;
	s29 =	sadd.s32 $0x30, s29;
	s30 =	sadd.s32 $0x30, s30  }
0x67: {  	[tilespmem:s3], [sflag:$0x1] =	stream.linear.gather [hbm4b:s29+s3], $0x80, $0x38;
	[tilespmem:$0x1FA00] =	vst v63  }
0x68: {  	s31 =	sadd.s32 s26, s13;
	p1 =	sne.s32 s26, $0x12000;
	s26 =	sadd.s32 $0x1800, s26  }
0x69: {  	[tilespmem:s17], [sflag:$0x1] =	stream.linear.gather [hbm4b:s31+s3], $0x4000, $0x38;
	[tilespmem:$0x1FA00] =	vst v63  }
0x6a: {  	_ = 	snop  }
0x6b: {  	[tilespmem:s19], [sflag:$0x1] =	stream.linear.gather [hbm4b:s28+s3], $0x80, $0x38;
	[tilespmem:$0x1FA00] =	vst v63  }
0x6c: {  	s0 =	sadd.s32 $0x800, s31  }
0x6d: {  	[tilespmem:s20], [sflag:$0x1] =	stream.linear.gather [hbm4b:s0+s3], $0x4000, $0x38;
	[tilespmem:$0x1FA00] =	vst v63  }
0x6e: {  	_ = 	snop  }
0x6f: {  	[tilespmem:s21], [sflag:$0x1] =	stream.linear.gather [hbm4b:s30+s3], $0x80, $0x38;
	[tilespmem:$0x1FA00] =	vst v63  }
0x70: {  	s0 =	sadd.s32 $0x1000, s31  }
0x71: {  	[tilespmem:s22], [sflag:$0x1] =	stream.linear.gather [hbm4b:s0+s3], $0x4000, $0x38;
	[tilespmem:$0x1FA00] =	vst v63  }
0x72: {  	_ =	swait.ge [sflag:s23], $0x80  }
0x73: {  	[sflag:s23] =	ssyncset.done $0x0  }
0x74: {  	[sflag:s23] =	ssyncadd.s32 $0xFFFFFF80  }
0x75: {  	_ =	swait.ge [sflag:s23], $0x4000  }
0x76: {  	[sflag:s23] =	ssyncset.done $0x0  }
0x77: {  	[sflag:s23] =	ssyncadd.s32 $0xFFFFC000  }
0x78: {  	_ =	swait.ge [sflag:s23], $0x80  }
0x79: {  	[sflag:s23] =	ssyncset.done $0x0  }
0x7a: {  	[sflag:s23] =	ssyncadd.s32 $0xFFFFFF80  }
0x7b: {  	_ =	swait.ge [sflag:s23], $0x4000  }
0x7c: {  	[sflag:s23] =	ssyncset.done $0x0  }
0x7d: {  	[sflag:s23] =	ssyncadd.s32 $0xFFFFC000  }
0x7e: {  	_ =	swait.ge [sflag:s23], $0x80  }
0x7f: {  	[sflag:s23] =	ssyncset.done $0x0  }
0x80: {  	[sflag:s23] =	ssyncadd.s32 $0xFFFFFF80  }
0x81: {  	_ =	swait.ge [sflag:s23], $0x4000  }
0x82: {  	[sflag:s23] =	ssyncset.done $0x0  }
0x83: {  	[sflag:s23] =	ssyncadd.s32 $0xFFFFC000  }
0x84: {  	[spmem:s1] =	stream.indirect.scatter.add.f32 [tilespmem:s17], [sflag:$0x2], $0x80, s3, s19, $0xb8;
	[tilespmem:$0x1FA00] =	vst v63  }
0x85: {  	_ = 	snop  }
0x86: {  	[spmem:s1] =	stream.indirect.scatter.add.f32 [tilespmem:s20], [sflag:$0x2], $0x80, s19, s19, $0xb8;
	[tilespmem:$0x1FA00] =	vst v63  }
0x87: {  	_ = 	snop  }
0x88: {  	[spmem:s1] =	stream.indirect.scatter.add.f32 [tilespmem:s22], [sflag:$0x2], $0x80, s21, s19, $0xb8;
	[tilespmem:$0x1FA00] =	vst v63  }
0x89: {  	_ =	swait.ge [sflag:s24], $0x4000  }
0x8a: {  	[sflag:s24] =	ssyncset.done $0x0  }
0x8b: {  	[sflag:s24] =	ssyncadd.s32 $0xFFFFC000  }
.Ltmp1:
0x8c: {  	_ =	swait.ge [sflag:s24], $0x4000;
	(pc) =	sbr.rel @p1 .LBB2_4-.Ltmp1, $4  }
0x8d: {  	[sflag:s24] =	ssyncset.done $0x0  }
0x8e: {  	[sflag:s24] =	ssyncadd.s32 $0xFFFFC000  }
0x8f: {  	_ =	swait.ge [sflag:s24], $0x4000  }
0x90: {  	s28 =	sadd.s32 $0x30, s28;
	[sflag:s24] =	ssyncset.done $0x0  }
0x91: {  	[sflag:s24] =	ssyncadd.s32 $0xFFFFC000  }
0x92: {  	s0 =	simm.s32 @!p0 $0x0;
	s26 =	simm.s32 @!p0 $0x80;
	s28 =	simm.s32 @!p0 $0x3  }
0x93: {  	[tilespmem:s26], [sflag:$0x3] =	stream.linear.gather @!p0 [hbm4b:s9+s0], $0x80, $0x38;
	[tilespmem:$0x1FA00] =	vst v63  }
0x94: {  	_ =	swait.ge @!p0 [sflag:s28], $0x80  }
0x95: {  	[sflag:s28] =	ssyncset.done @!p0 $0x0  }
0x96: {  	s29 =	simm.s32 @!p0 $0x4180;
	[sflag:s28] =	ssyncadd.s32 @!p0 $0xFFFFFF80  }
0x97: {  	[tilespmem:s29], [sflag:$0x3] =	stream.linear.gather @!p0 [hbm4b:s10+s0], $0x4000, $0x38;
	[tilespmem:$0x1FA00] =	vst v63  }
0x98: {  	_ =	swait.ge @!p0 [sflag:s28], $0x4000  }
0x99: {  	[sflag:s28] =	ssyncset.done @!p0 $0x0  }
0x9a: {  	[sflag:s28] =	ssyncadd.s32 @!p0 $0xFFFFC000  }
0x9b: {  	[spmem:s1] =	stream.indirect.scatter.add.f32 @!p0 [tilespmem:s29], [sflag:$0x3], $0x80, s26, s26, $0xb8;
	[tilespmem:$0x1FA00] =	vst v63  }
0x9c: {  	_ =	swait.ge @!p0 [sflag:s28], $0x4000  }
0x9d: {  	s30 =	sshll.u32 s2, $0x6;
	s25 =	sadd.s32 $0x1, s25;
	[sflag:s28] =	ssyncset.done @!p0 $0x0  }
0x9e: {  	s31 =	sshrl.u32 s4, $0x3;
	p1 =	sne.s32 s25, s12;
	[sflag:s28] =	ssyncadd.s32 @!p0 $0xFFFFC000  }
.Ltmp2:
0x9f: {  	s0 =	sor.u32 $0x1C03, s30;
	[bflag:$0x0] =	sbarrier.arrive $0xFFFF;
	(pc) =	sbr.rel @p1 .LBB2_1-.Ltmp2, $4  }
0xa0: {  	[hbm:s11], [sflag:s0] =	dma.local [spmem:s31], $0x2780  }
0xa1: {  	_ =	swait.ge [sflag:s18], $0x2780  }
0xa2: {  	[sflag:s18] =	ssyncset.done $0x0  }
0xa3: {  	[sflag:s18] =	ssyncadd.s32 $0xFFFFD880  }
0xa4: {  	_ =	sfence.sel $0x180000  }
0xa5: {  	[bflag:$0x0] =	sbarrier.arrive $0xFFFF  }
0xa6: {  	_ =	strace $0x90000047  }
0xa7: {  	[bflag:$0x2] =	sbarrier.arrive $0xFFFF  }
0xa8: {  	s0 =	rddreg [dreg:$0x2]  }
0xa9: {  	s0 =	sadd.s32 @!p0 $0x100000, s0  }
0xaa: {  	[sflag:s0] =	ssyncadd.tile.s32 @!p0 $0x1;
	_ =	shalt  }
.Lfunc_end2:
_tile_overlayer_lowered:
.L_overlay_start_2:
0xab: {  	(tag) =	ssettag $0x2  }
0xac: {  	s0 =	rddreg [dreg:$0x0];
	s2 =	stileid.u32  }
0xad: {  	s1 =	rddreg [dreg:$0x1];
	p0 =	sne.s32 s2, $0x0  }
0xae: {  	s3 =	rddreg [dreg:$0x2];
	[bflag:$0x3] =	sbarrier.arrive $0xFFFF;
	s2 =	simm.s32 @!p0 $0x1C03  }
0xaf: {  	[timem:s3], [sflag:s2] =	dma.local @!p0 [hbm:s0], s1  }
0xb0: {  	s0 =	simm.s32 @!p0 $0x3  }
0xb1: {  	_ =	swait.ge @!p0 [sflag:s0], s1  }
0xb2: {  	s1 =	ssub.s32 @!p0 $0x0, s1;
	[sflag:s0] =	ssyncset.done @!p0 $0x0  }
0xb3: {  	[sflag:s0] =	ssyncadd.s32 @!p0 s1  }
0xb4: {  	[bflag:$0x3] =	sbarrier.arrive $0xFFFF  }
0xb5: {  	_ =	shalt  }

// kernel: kernel.21.cloned.1.call-start
scs
__scs_entry_jumppad:
0x0: {  	(pc) =	sbr.rel $0x88, $3  }
0x1: {  	(tag) =	ssettag $0x0;
	lr =	simm.s32 $0x1  }
0x2: {  	[smem:$0x3F80] =	sst lr;
	_ =	strace $0xD0000000  }
0x3: {  	_ = 	snop  }
0x4: {  	_ = 	snop  }
0x5: {  	_ = 	snop  }
0x6: {  	_ = 	snop  }
0x7: {  	_ = 	snop  }
__scs_overlays_trampoline_lowered:
0x8: {  	[smem:$0x3F8F] =	sst s0  }
0x9: {  	[smem:$0x3F90] =	sst s1  }
0xa: {  	[smem:$0x3F91] =	sst s2  }
0xb: {  	[smem:$0x3F92] =	sst s3  }
0xc: {  	[smem:$0x3F93] =	sst s4  }
0xd: {  	[smem:$0x3F94] =	sst s5  }
0xe: {  	[smem:$0x3F95] =	sst s6  }
0xf: {  	[smem:$0x3F96] =	sst s7  }
0x10: {  	[smem:$0x3F97] =	sst s8  }
0x11: {  	[smem:$0x3F98] =	sst s9;
	s0 =	simm.s32 @!p0 $0x0  }
0x12: {  	s1 =	sld [smem:$0x3F7E];
	s0 =	simm.s32 @p0 $0x1  }
0x13: {  	[smem:$0x3F99] =	sst s0;
	s0 =	simm.s32 @!p1 $0x0  }
0x14: {  	s2 =	sld [smem:$0x3F7D];
	s0 =	simm.s32 @p1 $0x1  }
0x15: {  	[smem:$0x3F9A] =	sst s0;
	s0 =	simm.s32 @!p2 $0x0  }
0x16: {  	s3 =	sld [smem:$0x3FDB];
	s0 =	simm.s32 @p2 $0x1  }
0x17: {  	s4 =	simm.s32 $0x1BF5;
	[smem:$0x3F9C] =	sst s0  }
0x18: {  	s0 =	sld [smem:$0x3F7F];
	_ =	swait.ge [sflag:s4], $0x0  }
0x19: {  	s7 =	sld [smem:$0x3F80]  }
0x1a: {  	s8 =	sadd.s32 $0xFFFFE003, lr  }
0x1b: {  	s9 =	sadd.s32 $0xFFFFFEF7, lr;
	s5 =	simm.s32 $0xFFFFFFFF;
	p2 =	slt.u32 s8, $0xFFFFF086  }
0x1c: {  	p1 =	slt.u32 s9, $0xF7A;
	s5 =	simm.s32 @!p2 $0x0  }
0x1d: {  	s5 =	simm.s32 @p1 $0x1;
	p0 =	seq.s32 s7, s2  }
0x1e: {  	s7 =	smul.u32 @!p0 $0xF7A, s2;
	p2 =	seq.s32 @!p0 s5, $0x0  }
0x1f: {  	s9 =	smul.u32 $0xF7A, s1;
	s8 =	simm.s32 @!p0 $0x1BF5;
	p2 =	por !p2, p0  }
0x20: {  	[sflag:s8] =	ssyncset.s32 @!p0 $0xFFFFF086;
	s6 =	sadd.s32 @!p0 s3, s7;
	s7 =	simm.s32 @!p0 $0x108  }
0x21: {  	s3 =	sadd.s32 s3, s9;
	s6 =	sadd.s32 @!p0 $0x88, s6;
	s7 =	simm.s32 @p2 $0x1082  }
0x22: {  	[simem:s7], [sflag:s8] =	dma.local @!p0 [hbm:s6], $0xF7A  }
0x23: {  	s9 =	sor.u32 $0xD0000000, s2;
	s6 =	simm.s32 $0x108;
	_ =	swait.ge @!p0 [sflag:s8], $0x0  }
0x24: {  	s3 =	sadd.s32 $0x88, s3;
	s6 =	simm.s32 @!p1 $0x1082;
	[sflag:s4] =	ssyncset.s32 $0xFFFFF086  }
0x25: {  	[simem:s6], [sflag:s4] =	dma.local [hbm:s3], $0xF7A  }
0x26: {  	[smem:$0x3F80] =	sst s1;
	(tag) =	ssettag s2;
	_ =	strace s9  }
0x27: {  	s1 =	sld [smem:$0x3F90]  }
0x28: {  	s2 =	sld [smem:$0x3F91]  }
0x29: {  	s4 =	sld [smem:$0x3F93]  }
0x2a: {  	p0 =	seq.s32 s5, $0x0;
	s5 =	sld [smem:$0x3F94]  }
0x2b: {  	s6 =	sld [smem:$0x3F95]  }
0x2c: {  	s7 =	sld [smem:$0x3F96]  }
0x2d: {  	s3 =	simm.s32 $0x108;
	s8 =	sld [smem:$0x3F97]  }
0x2e: {  	s3 =	simm.s32 @!p0 $0x1082;
	s9 =	sld [smem:$0x3F98]  }
0x2f: {  	lr =	sadd.s32 s0, s3;
	s0 =	sld [smem:$0x3F8F]  }
0x30: {  	s3 =	sld [smem:$0x3F92]  }
0x31: {  	[smem:$0x3F9B] =	sst s10  }
0x32: {  	s10 =	sld [smem:$0x3F99];
	_ =	sdelay $0x3  }
0x33: {  	p0 =	seq.s32 s10, $0x1;
	s10 =	sld [smem:$0x3F9B];
	_ =	sdelay $0x3  }
0x34: {  	[smem:$0x3F9B] =	sst s10  }
0x35: {  	s10 =	sld [smem:$0x3F9A];
	_ =	sdelay $0x3  }
0x36: {  	p1 =	seq.s32 s10, $0x1;
	s10 =	sld [smem:$0x3F9B];
	_ =	sdelay $0x3  }
0x37: {  	[smem:$0x3F9B] =	sst s10  }
0x38: {  	s10 =	sld [smem:$0x3F9C]  }
0x39: {  	_ = 	snop;
	(pc) =	sbr.ind lr, $3  }
0x3a: {  	_ = 	snop  }
0x3b: {  	_ = 	snop  }
0x3c: {  	p2 =	seq.s32 s10, $0x1;
	s10 =	sld [smem:$0x3F9B]  }
0x3d: {  	_ =	shalt  }
0x3e: {  	_ =	shalt  }
0x3f: {  	_ =	shalt  }
0x40: {  	_ =	shalt  }
0x41: {  	_ =	shalt  }
0x42: {  	_ =	shalt  }
0x43: {  	_ =	shalt  }
0x44: {  	_ =	shalt  }
0x45: {  	_ =	shalt  }
0x46: {  	_ =	shalt  }
0x47: {  	_ =	shalt  }
0x48: {  	_ =	shalt  }
0x49: {  	_ =	shalt  }
0x4a: {  	_ =	shalt  }
0x4b: {  	_ =	shalt  }
0x4c: {  	_ =	shalt  }
0x4d: {  	_ =	shalt  }
0x4e: {  	_ =	shalt  }
0x4f: {  	_ =	shalt  }
0x50: {  	_ =	shalt  }
0x51: {  	_ =	shalt  }
0x52: {  	_ =	shalt  }
0x53: {  	_ =	shalt  }
0x54: {  	_ =	shalt  }
0x55: {  	_ =	shalt  }
0x56: {  	_ =	shalt  }
0x57: {  	_ =	shalt  }
0x58: {  	_ =	shalt  }
0x59: {  	_ =	shalt  }
0x5a: {  	_ =	shalt  }
0x5b: {  	_ =	shalt  }
0x5c: {  	_ =	shalt  }
0x5d: {  	_ =	shalt  }
0x5e: {  	_ =	shalt  }
0x5f: {  	_ =	shalt  }
0x60: {  	_ =	shalt  }
0x61: {  	_ =	shalt  }
0x62: {  	_ =	shalt  }
0x63: {  	_ =	shalt  }
0x64: {  	_ =	shalt  }
0x65: {  	_ =	shalt  }
0x66: {  	_ =	shalt  }
0x67: {  	_ =	shalt  }
0x68: {  	_ =	shalt  }
0x69: {  	_ =	shalt  }
0x6a: {  	_ =	shalt  }
0x6b: {  	_ =	shalt  }
0x6c: {  	_ =	shalt  }
0x6d: {  	_ =	shalt  }
0x6e: {  	_ =	shalt  }
0x6f: {  	_ =	shalt  }
0x70: {  	_ =	shalt  }
0x71: {  	_ =	shalt  }
0x72: {  	_ =	shalt  }
0x73: {  	_ =	shalt  }
0x74: {  	_ =	shalt  }
0x75: {  	_ =	shalt  }
0x76: {  	_ =	shalt  }
0x77: {  	_ =	shalt  }
0x78: {  	_ =	shalt  }
0x79: {  	_ =	shalt  }
0x7a: {  	_ =	shalt  }
0x7b: {  	_ =	shalt  }
0x7c: {  	_ =	shalt  }
0x7d: {  	_ =	shalt  }
0x7e: {  	_ =	shalt  }
0x7f: {  	_ =	shalt  }
0x80: {  	_ =	shalt  }
0x81: {  	_ =	shalt  }
0x82: {  	_ =	shalt  }
0x83: {  	_ =	shalt  }
0x84: {  	_ =	shalt  }
0x85: {  	_ =	shalt  }
0x86: {  	_ =	shalt  }
0x87: {  	_ =	shalt  }
.Lfunc_end0:
.L_simem_size_0:
called_computation.2_lowered:
.L_overlay_start_0:
0x88: {  	s2 =	sld [smem:$0x3FD9]  }
0x89: {  	s3 =	sld [smem:$0x3FFE];
	_ =	sdelay $0x1  }
0x8a: {  	s1 =	srdreg.scid  }
0x8b: {  	s0 =	sand.u32 $0x1, s1  }
0x8c: {  	s16 =	sshll.u32 s0, $0xA;
	s2 =	sadd.s32 s3, s2  }
0x8d: {  	s2 =	sadd.s32 s2, s16  }
0x8e: {  	[smem:$0x3FA7] =	sst s2  }
0x8f: {  	_ = 	snop  }
0x90: {  	(tm) =	ssettm $0x1  }
0x91: {  	s17 =	sld [smem:$0x3FFB];
	_ =	sdelay $0x3  }
0x92: {  	_ =	strace s17  }
0x93: {  	s2 =	sld [smem:$0x3FFC];
	_ =	sdelay $0x3  }
0x94: {  	_ =	strace s2  }
0x95: {  	s2 =	sld [smem:$0x3FFD];
	_ =	sdelay $0x3  }
0x96: {  	_ =	strace s2  }
0x97: {  	_ =	strace $0x8FFFFFFF  }
0x98: {  	s18 =	sld [smem:$0x3FDB];
	_ =	sdelay $0x1  }
0x99: {  	s19 =	simm.s32 $_scs_section_size  }
0x9a: {  	s4 =	simm.s32 $_size__tile_overlayer_lowered;
	s5 =	simm.s32 $_tile_overlayer_lowered  }
0x9b: {  	s22 =	simm.s32 $0x1BFF;
	s21 =	sshll.u32 s5, $0x1;
	s2 =	sadd.s32 s19, s18  }
0x9c: {  	s6 =	simm.s32 $0x0;
	s20 =	sshll.u32 s4, $0x1;
	s4 =	sadd.s32 s21, s2  }
0x9d: {  	[timem:s6], [sflag:s22] =	dma.local [hbm:s4], s20  }
0x9e: {  	_ =	swait.ge [sflag:s22], s20  }
0x9f: {  	s3 =	ssub.s32 $0x0, s20;
	[sflag:s22] =	ssyncset.done $0x0  }
0xa0: {  	[sflag:s22] =	ssyncadd.s32 s3;
	_ =	sdelay $0x1  }
0xa1: {  	s23 =	simm.s32 $0x1B8B  }
0xa2: {  	_ =	swait.ge [sflag:s23], $0x1  }
0xa3: {  	[sflag:s23] =	ssyncset.done $0x0  }
0xa4: {  	s25 =	simm.s32 $0x1B8E;
	s24 =	sld [smem:$0x3FFE];
	[sflag:s23] =	ssyncadd.s32 $0xFFFFFFFF  }
0xa5: {  	s26 =	simm.s32 $execute0_lowered;
	[smem:$0x3FD2] =	sst s25  }
0xa6: {  	s4 =	sshll.u32 s26, $0x1;
	_ =	strace $0x8000004C;
	[dreg:$0x1] =	wrdreg $0xFFFFFFFF  }
0xa7: {  	s28 =	simm.s32 $_size_execute0_lowered;
	s2 =	sadd.s32 s2, s4;
	[dreg:$0x0] =	wrdreg $0x0  }
0xa8: {  	s4 =	sshll.u32 s28, $0x1;
	[dreg:$0x2] =	wrdreg s2  }
0xa9: {  	[dreg:$0x3] =	wrdreg s4  }
0xaa: {  	[dreg:$0x4] =	wrdreg $0xC0  }
0xab: {  	_ =	task [dreg:s6], $0x5FFFF  }
0xac: {  	[dreg:$0x1] =	wrdreg $0xFFFFFFFF  }
0xad: {  	[dreg:$0x0] =	wrdreg $0x60  }
0xae: {  	[dreg:$0x2] =	wrdreg s24  }
0xaf: {  	[dreg:$0x3] =	wrdreg $0x82000  }
0xb0: {  	[dreg:$0x4] =	wrdreg $0x9  }
0xb1: {  	_ =	task.clear_ibuf [dreg:s6], $0x5FFFF;
	_ =	strace $0x9000004C  }
0xb2: {  	s29 =	simm.s32 $0x9;
	_ =	strace $0x8000004E  }
0xb3: {  	_ =	swait.ge [sflag:s29], $0x1  }
0xb4: {  	[sflag:s29] =	ssyncadd.s32 $0xFFFFFFFF  }
0xb5: {  	_ =	strace $0x9000004E  }
0xb6: {  	_ =	sfence  }
0xb7: {  	s30 =	sld [smem:$0x0];
	_ =	sdelay $0x2  }
0xb8: {  	s31 =	sshll.u32 s1, $0xD;
	s1 =	sshrl.u32 s1, $0x2  }
0xb9: {  	s3 =	sand.u32 $0x4000, s31;
	s1 =	sadd.s32 s1, s30  }
0xba: {  	s0 =	sor.u32 s3, s0;
	s1 =	sshll.u32 s1, $0x11  }
0xbb: {  	s0 =	sor.u32 s1, s0  }
0xbc: {  	s0 =	sadd.s32 $0x8F2B, s0  }
0xbd: {  	[sflag:s0] =	ssyncadd.remote.s32 $0x1  }
0xbe: {  	_ =	sfence.sel $0xFFFF  }
0xbf: {  	[dreg:$0x0] =	wrdreg $0xFFFFFFFF;
	(pc) =	sbr.abs _section_cstart, $3  }
0xc0: {  	[dreg:$0x1] =	wrdreg $0xFFFFFFFF  }
0xc1: {  	_ =	task.clear_ibuf [dreg:s6], $0x2FFFF;
	_ =	strace $0x9FFFFFFF  }
0xc2: {  	(tm) =	ssettm $0x7FFFFFFF  }
0xc3: {  	_ =	shalt  }
tec
execute0_lowered:
.L_overlay_start_1:
0x0: {  	(tag) =	ssettag $0x1  }
0x1: {  	s0 =	rddreg [dreg:$0x0]  }
0x2: {  	s1 =	rddreg [dreg:$0x1]  }
0x3: {  	s26 =	stileid.u32;
	s2 =	srdreg.scid  }
0x4: {  	s3 =	simm.s32 $0x0;
	s20 =	simm.s32 $0x200;
	s28 =	simm.s32 $0x2  }
0x5: {  	s29 =	simm.s32 $0x3;
	s30 =	simm.s32 $0x4;
	s31 =	simm.s32 $0x0  }
0x6: {  	s4 =	smul.u32 $0x278, s26;
	s2 =	sand.u32 $0x1, s2;
	[smem:$0x7FF] =	sst s3  }
0x7: {  	s19 =	sadd.s32 $0x75A200, s0;
	s18 =	sadd.s32 $0x75F200, s0;
	s8 =	sshll.u32 s26, $0x1  }
0x8: {  	s14 =	smul.u32 $0x2700, s26;
	p0 =	sne.s32 s26, $0x0;
	s26 =	simm.s32 $0x4200  }
0x9: {  	s6 =	smul.u32 $0x138800, s2;
	_ =	strace $0x8000004D;
	s7 =	ssub.s32 $0x2, s2  }
0xa: {  	s8 =	sor.u32 s2, s8;
	s12 =	sshll.u32 s2, $0x4;
	s2 =	smul.u32 $0x1380, s2  }
0xb: {  	s5 =	smin.u32 s4, $0x2498;
	s4 =	sadd.s32 $0x55400, s0;
	s21 =	sshrl.u32 s7, $0x1  }
0xc: {  	s10 =	smul.u32 $0x1380, s8;
	s13 =	sor.u32 $0x4E00, s12;
	s5 =	sshll.u32 s5, $0x7  }
0xd: {  	s12 =	sadd.s32 s19, s13;
	s13 =	sadd.s32 s18, s13;
	s2 =	sadd.s32 s2, s14  }
0xe: {  	s6 =	sadd.s32 s6, s5;
	s5 =	sadd.s32 s5, s1;
	s10 =	sshrl.u32 s10, $0x3  }
0xf: {  	s25 =	sshrl.u32 s2, $0x3;
	s2 =	sadd.s32 $0x80, s2;
	s6 =	sshrl.u32 s6, $0x3  }
0x10: {  	s22 =	sadd.s32 $0x4000, s5;
	s23 =	sadd.s32 $0x8000, s5;
	s24 =	sadd.s32 $0xC000, s5  }
0x11: {  	s9 =	sadd.s32 $0x10000, s5;
	s11 =	sadd.s32 $0x260, s10;
	s16 =	sadd.s32 s25, s18  }
0x12: {  	s2 =	sshrl.u32 s2, $0x3;
	s17 =	sadd.s32 s25, s19;
	[dreg:$0x3] =	wrdreg s22  }
0x13: {  	s25 =	simm.s32 $0x1;
	s0 =	sadd.s32 s6, s0;
	[dreg:$0x4] =	wrdreg s23  }
0x14: {  	s6 =	ssub.s32 s7, s21;
	[dreg:$0x5] =	wrdreg s24;
	s10 =	sadd.s32 s19, s11  }
0x15: {  	s11 =	sadd.s32 s18, s11;
	s18 =	sadd.s32 s2, s18;
	s19 =	sadd.s32 s2, s19  }
0x16: {  	s21 =	simm.s32 $0x5;
	s22 =	simm.s32 $0x80;
	s23 =	simm.s32 $0x100  }
0x17: {  	v0 =	vimm.f32 $0.0e+00;
	s24 =	simm.s32 $0x180;
	s14 =	sadd.s32 $0x7C600, s0;
	s15 =	smax.u32 s6, $0x1  }
.LBB2_1:
0x18: {  	s0 =	simm.s32 $0x0;
	s2 =	simm.s32 $0x200  }
.LBB2_2:
0x19: {  	p1 =	sne.s32 s2, $0xFE00;
	[tilespmem:s0+$0x270] =	vst v0  }
0x1a: {  	[tilespmem:s0+$0x200] =	vst v0  }
0x1b: {  	[tilespmem:s0+$0x210] =	vst v0  }
.Ltmp0:
0x1c: {  	[tilespmem:s0+$0x220] =	vst v0;
	(pc) =	sbr.rel @p1 .LBB2_2-.Ltmp0, $4  }
0x1d: {  	[tilespmem:s0+$0x230] =	vst v0  }
0x1e: {  	[tilespmem:s0+$0x240] =	vst v0  }
0x1f: {  	[tilespmem:s0+$0x250] =	vst v0  }
0x20: {  	[tilespmem:s0+$0x260] =	vst v0;
	s0 =	sshra.s32 s2, $0x2;
	s2 =	sadd.s32 $0x200, s2  }
0x21: {  	[tilespmem:s0+$0x270] =	vst v0  }
0x22: {  	[tilespmem:s0+$0x200] =	vst v0  }
0x23: {  	[tilespmem:s0+$0x210] =	vst v0  }
0x24: {  	[tilespmem:s0+$0x220] =	vst v0  }
0x25: {  	[tilespmem:s0+$0x230] =	vst v0  }
0x26: {  	[tilespmem:s0+$0x240] =	vst v0  }
0x27: {  	[tilespmem:s0+$0x250] =	vst v0  }
0x28: {  	[tilespmem:s0+$0x260] =	vst v0  }
0x29: {  	[spmem:s5] =	stream.linear.scatter [tilespmem:s20], [sflag:$0x5], $0x4000, $0x38;
	[tilespmem:$0x1BA80] =	vst v63  }
0x2a: {  	_ =	swait.ge [sflag:s21], $0x4000  }
0x2b: {  	[sflag:s21] =	ssyncset.done $0x0  }
0x2c: {  	s6 =	rddreg [dreg:$0x3];
	[sflag:s21] =	ssyncadd.s32 $0xFFFFC000  }
0x2d: {  	[spmem:s6] =	stream.linear.scatter [tilespmem:s20], [sflag:$0x5], $0x4000, $0x38;
	[tilespmem:$0x1BA80] =	vst v63  }
0x2e: {  	_ =	swait.ge [sflag:s21], $0x4000  }
0x2f: {  	[sflag:s21] =	ssyncset.done $0x0  }
0x30: {  	s7 =	rddreg [dreg:$0x4];
	[sflag:s21] =	ssyncadd.s32 $0xFFFFC000  }
0x31: {  	[spmem:s7] =	stream.linear.scatter [tilespmem:s20], [sflag:$0x5], $0x4000, $0x38;
	[tilespmem:$0x1BA80] =	vst v63  }
0x32: {  	_ =	swait.ge [sflag:s21], $0x4000  }
0x33: {  	[sflag:s21] =	ssyncset.done $0x0  }
0x34: {  	s8 =	rddreg [dreg:$0x5];
	[sflag:s21] =	ssyncadd.s32 $0xFFFFC000  }
0x35: {  	[spmem:s8] =	stream.linear.scatter [tilespmem:s20], [sflag:$0x5], $0x4000, $0x38;
	[tilespmem:$0x1BA80] =	vst v63  }
0x36: {  	_ =	swait.ge [sflag:s21], $0x4000  }
0x37: {  	[sflag:s21] =	ssyncset.done $0x0  }
0x38: {  	[sflag:s21] =	ssyncadd.s32 $0xFFFFC000  }
0x39: {  	[spmem:s9] =	stream.linear.scatter [tilespmem:s20], [sflag:$0x5], $0x3C00, $0x38;
	[tilespmem:$0x1BA80] =	vst v63  }
0x3a: {  	_ =	swait.ge [sflag:s21], $0x3C00  }
0x3b: {  	[sflag:s21] =	ssyncset.done $0x0  }
0x3c: {  	[sflag:s21] =	ssyncadd.s32 $0xFFFFC400  }
0x3d: {  	s2 =	sadd.s32 $0x0, s17;
	[bflag:$0x0] =	sbarrier.arrive $0xFFFF  }
0x3e: {  	[tilespmem:s3], [sflag:$0x1] =	stream.linear.gather [hbm4b:s2+s3], $0x80, $0x38;
	[tilespmem:$0x1BA80] =	vst v63  }
0x3f: {  	s6 =	sadd.s32 $0x0, s16  }
0x40: {  	[tilespmem:s22], [sflag:$0x1] =	stream.linear.gather [hbm4b:s6+s3], $0x80, $0x38;
	[tilespmem:$0x1BA80] =	vst v63  }
0x41: {  	s7 =	sadd.s32 $0x0, s19  }
0x42: {  	[tilespmem:s23], [sflag:$0x1] =	stream.linear.gather [hbm4b:s7+s3], $0x80, $0x38;
	[tilespmem:$0x1BA80] =	vst v63  }
0x43: {  	s8 =	sadd.s32 $0x0, s18  }
0x44: {  	[tilespmem:s24], [sflag:$0x1] =	stream.linear.gather [hbm4b:s8+s3], $0x80, $0x38;
	[tilespmem:$0x1BA80] =	vst v63  }
0x45: {  	_ =	swait.ge [sflag:s25], $0x80  }
0x46: {  	[sflag:s25] =	ssyncset.done $0x0  }
0x47: {  	[sflag:s25] =	ssyncadd.s32 $0xFFFFFF80  }
0x48: {  	_ =	swait.ge [sflag:s25], $0x80  }
0x49: {  	[sflag:s25] =	ssyncset.done $0x0  }
0x4a: {  	[sflag:s25] =	ssyncadd.s32 $0xFFFFFF80  }
0x4b: {  	_ =	swait.ge [sflag:s25], $0x80  }
0x4c: {  	[sflag:s25] =	ssyncset.done $0x0  }
0x4d: {  	[sflag:s25] =	ssyncadd.s32 $0xFFFFFF80  }
0x4e: {  	_ =	swait.ge [sflag:s25], $0x80  }
0x4f: {  	[sflag:s25] =	ssyncset.done $0x0  }
0x50: {  	[sflag:s25] =	ssyncadd.s32 $0xFFFFFF80  }
0x51: {  	[tilespmem:s20], [sflag:$0x2] =	stream.indirect.gather [hbm4b:s4+s22], $0x80, s3, s22, $0xb8;
	[tilespmem:$0x1BA80] =	vst v63  }
0x52: {  	_ = 	snop  }
0x53: {  	[tilespmem:s26], [sflag:$0x3] =	stream.indirect.gather [hbm4b:s4+s22], $0x80, s23, s22, $0xb8;
	[tilespmem:$0x1BA80] =	vst v63  }
0x54: {  	_ =	swait.ge [sflag:s28], $0x4000  }
0x55: {  	[sflag:s28] =	ssyncset.done $0x0  }
0x56: {  	[sflag:s28] =	ssyncadd.s32 $0xFFFFC000  }
0x57: {  	[spmem:s1] =	stream.indirect.scatter.add.f32 [tilespmem:s20], [sflag:$0x4], $0x80, s22, s22, $0xb8;
	[tilespmem:$0x1BA80] =	vst v63  }
0x58: {  	_ =	swait.ge [sflag:s29], $0x4000  }
0x59: {  	[sflag:s29] =	ssyncset.done $0x0  }
0x5a: {  	[sflag:s29] =	ssyncadd.s32 $0xFFFFC000  }
0x5b: {  	[spmem:s1] =	stream.indirect.scatter.add.f32 [tilespmem:s26], [sflag:$0x4], $0x80, s24, s22, $0xb8;
	[tilespmem:$0x1BA80] =	vst v63  }
0x5c: {  	_ =	swait.ge [sflag:s30], $0x4000  }
0x5d: {  	[sflag:s30] =	ssyncset.done $0x0  }
0x5e: {  	[sflag:s30] =	ssyncadd.s32 $0xFFFFC000  }
0x5f: {  	_ =	swait.ge [sflag:s30], $0x4000  }
0x60: {  	s0 =	simm.s32 $0x20;
	s2 =	simm.s32 $0x40;
	[sflag:s30] =	ssyncset.done $0x0  }
.LBB2_4:
0x61: {  	s7 =	sadd.s32 s0, s17  }
0x62: {  	[sflag:s30] =	ssyncadd.s32 $0xFFFFC000;
	s8 =	smov.u32 s2;
	s6 =	sadd.s32 $0x20, s2  }
0x63: {  	[tilespmem:s3], [sflag:$0x1] =	stream.linear.gather [hbm4b:s7+s3], $0x80, $0x38;
	[tilespmem:$0x1BA80] =	vst v63  }
0x64: {  	p1 =	sne.s32 s2, $0x240;
	s2 =	sadd.s32 s0, s16  }
0x65: {  	[tilespmem:s22], [sflag:$0x1] =	stream.linear.gather [hbm4b:s2+s3], $0x80, $0x38;
	[tilespmem:$0x1BA80] =	vst v63  }
0x66: {  	s2 =	sadd.s32 s0, s19  }
0x67: {  	[tilespmem:s23], [sflag:$0x1] =	stream.linear.gather [hbm4b:s2+s3], $0x80, $0x38;
	[tilespmem:$0x1BA80] =	vst v63  }
0x68: {  	s2 =	sadd.s32 s0, s18;
	s0 =	smov.u32 s8  }
0x69: {  	[tilespmem:s24], [sflag:$0x1] =	stream.linear.gather [hbm4b:s2+s3], $0x80, $0x38;
	[tilespmem:$0x1BA80] =	vst v63  }
0x6a: {  	_ =	swait.ge [sflag:s25], $0x80  }
0x6b: {  	[sflag:s25] =	ssyncset.done $0x0  }
0x6c: {  	[sflag:s25] =	ssyncadd.s32 $0xFFFFFF80  }
0x6d: {  	_ =	swait.ge [sflag:s25], $0x80  }
0x6e: {  	[sflag:s25] =	ssyncset.done $0x0  }
0x6f: {  	[sflag:s25] =	ssyncadd.s32 $0xFFFFFF80  }
0x70: {  	_ =	swait.ge [sflag:s25], $0x80  }
0x71: {  	[sflag:s25] =	ssyncset.done $0x0  }
0x72: {  	[sflag:s25] =	ssyncadd.s32 $0xFFFFFF80  }
0x73: {  	_ =	swait.ge [sflag:s25], $0x80  }
0x74: {  	[sflag:s25] =	ssyncset.done $0x0  }
0x75: {  	[sflag:s25] =	ssyncadd.s32 $0xFFFFFF80  }
0x76: {  	[tilespmem:s20], [sflag:$0x2] =	stream.indirect.gather [hbm4b:s4+s22], $0x80, s3, s22, $0xb8;
	[tilespmem:$0x1BA80] =	vst v63  }
0x77: {  	_ = 	snop  }
0x78: {  	[tilespmem:s26], [sflag:$0x3] =	stream.indirect.gather [hbm4b:s4+s22], $0x80, s23, s22, $0xb8;
	[tilespmem:$0x1BA80] =	vst v63  }
0x79: {  	_ =	swait.ge [sflag:s28], $0x4000  }
0x7a: {  	[sflag:s28] =	ssyncset.done $0x0  }
0x7b: {  	[sflag:s28] =	ssyncadd.s32 $0xFFFFC000  }
0x7c: {  	[spmem:s1] =	stream.indirect.scatter.add.f32 [tilespmem:s20], [sflag:$0x4], $0x80, s22, s22, $0xb8;
	[tilespmem:$0x1BA80] =	vst v63  }
0x7d: {  	_ =	swait.ge [sflag:s29], $0x4000  }
0x7e: {  	[sflag:s29] =	ssyncset.done $0x0  }
0x7f: {  	[sflag:s29] =	ssyncadd.s32 $0xFFFFC000  }
0x80: {  	[spmem:s1] =	stream.indirect.scatter.add.f32 [tilespmem:s26], [sflag:$0x4], $0x80, s24, s22, $0xb8;
	[tilespmem:$0x1BA80] =	vst v63  }
.Ltmp1:
0x81: {  	_ =	swait.ge [sflag:s30], $0x4000;
	(pc) =	sbr.rel @p1 .LBB2_4-.Ltmp1, $4  }
0x82: {  	[sflag:s30] =	ssyncset.done $0x0  }
0x83: {  	[sflag:s30] =	ssyncadd.s32 $0xFFFFC000  }
0x84: {  	_ =	swait.ge [sflag:s30], $0x4000  }
0x85: {  	s2 =	smov.u32 s6;
	[sflag:s30] =	ssyncset.done $0x0  }
0x86: {  	s2 =	sadd.s32 s0, s17;
	[sflag:s30] =	ssyncadd.s32 $0xFFFFC000  }
0x87: {  	[tilespmem:s3], [sflag:$0x1] =	stream.linear.gather [hbm4b:s2+s3], $0x80, $0x38;
	[tilespmem:$0x1BA80] =	vst v63  }
0x88: {  	s7 =	sadd.s32 s0, s16  }
0x89: {  	[tilespmem:s22], [sflag:$0x1] =	stream.linear.gather [hbm4b:s7+s3], $0x80, $0x38;
	[tilespmem:$0x1BA80] =	vst v63  }
0x8a: {  	s8 =	sadd.s32 s0, s19  }
0x8b: {  	[tilespmem:s23], [sflag:$0x1] =	stream.linear.gather [hbm4b:s8+s3], $0x80, $0x38;
	[tilespmem:$0x1BA80] =	vst v63  }
0x8c: {  	s6 =	sadd.s32 s0, s18  }
0x8d: {  	[tilespmem:s24], [sflag:$0x1] =	stream.linear.gather [hbm4b:s6+s3], $0x80, $0x38;
	[tilespmem:$0x1BA80] =	vst v63  }
0x8e: {  	_ =	swait.ge [sflag:s25], $0x80  }
0x8f: {  	[sflag:s25] =	ssyncset.done $0x0  }
0x90: {  	[sflag:s25] =	ssyncadd.s32 $0xFFFFFF80  }
0x91: {  	_ =	swait.ge [sflag:s25], $0x80  }
0x92: {  	[sflag:s25] =	ssyncset.done $0x0  }
0x93: {  	[sflag:s25] =	ssyncadd.s32 $0xFFFFFF80  }
0x94: {  	_ =	swait.ge [sflag:s25], $0x80  }
0x95: {  	[sflag:s25] =	ssyncset.done $0x0  }
0x96: {  	[sflag:s25] =	ssyncadd.s32 $0xFFFFFF80  }
0x97: {  	_ =	swait.ge [sflag:s25], $0x80  }
0x98: {  	[sflag:s25] =	ssyncset.done $0x0  }
0x99: {  	[sflag:s25] =	ssyncadd.s32 $0xFFFFFF80  }
0x9a: {  	[tilespmem:s20], [sflag:$0x2] =	stream.indirect.gather [hbm4b:s4+s22], $0x80, s3, s22, $0xb8;
	[tilespmem:$0x1BA80] =	vst v63  }
0x9b: {  	_ = 	snop  }
0x9c: {  	[tilespmem:s26], [sflag:$0x3] =	stream.indirect.gather [hbm4b:s4+s22], $0x80, s23, s22, $0xb8;
	[tilespmem:$0x1BA80] =	vst v63  }
0x9d: {  	_ =	swait.ge [sflag:s28], $0x4000  }
0x9e: {  	[sflag:s28] =	ssyncset.done $0x0  }
0x9f: {  	[sflag:s28] =	ssyncadd.s32 $0xFFFFC000  }
0xa0: {  	[spmem:s1] =	stream.indirect.scatter.add.f32 [tilespmem:s20], [sflag:$0x4], $0x80, s22, s22, $0xb8;
	[tilespmem:$0x1BA80] =	vst v63  }
0xa1: {  	_ =	swait.ge [sflag:s29], $0x4000  }
0xa2: {  	[sflag:s29] =	ssyncset.done $0x0  }
0xa3: {  	[sflag:s29] =	ssyncadd.s32 $0xFFFFC000  }
0xa4: {  	[spmem:s1] =	stream.indirect.scatter.add.f32 [tilespmem:s26], [sflag:$0x4], $0x80, s24, s22, $0xb8;
	[tilespmem:$0x1BA80] =	vst v63  }
0xa5: {  	_ =	swait.ge [sflag:s30], $0x4000  }
0xa6: {  	[sflag:s30] =	ssyncset.done $0x0  }
0xa7: {  	[sflag:s30] =	ssyncadd.s32 $0xFFFFC000  }
0xa8: {  	_ =	swait.ge [sflag:s30], $0x4000  }
0xa9: {  	[sflag:s30] =	ssyncset.done $0x0  }
0xaa: {  	[sflag:s30] =	ssyncadd.s32 $0xFFFFC000  }
0xab: {  	[tilespmem:s3], [sflag:$0x5] =	stream.linear.gather [hbm4b:s10+s3], $0x80, $0x38;
	[tilespmem:$0x1BA80] =	vst v63  }
0xac: {  	_ =	swait.ge [sflag:s21], $0x80  }
0xad: {  	[sflag:s21] =	ssyncset.done $0x0  }
0xae: {  	[sflag:s21] =	ssyncadd.s32 $0xFFFFFF80  }
0xaf: {  	[tilespmem:s22], [sflag:$0x5] =	stream.linear.gather [hbm4b:s11+s3], $0x80, $0x38;
	[tilespmem:$0x1BA80] =	vst v63  }
0xb0: {  	_ =	swait.ge [sflag:s21], $0x80  }
0xb1: {  	[sflag:s21] =	ssyncset.done $0x0  }
0xb2: {  	[sflag:s21] =	ssyncadd.s32 $0xFFFFFF80  }
0xb3: {  	[tilespmem:s20], [sflag:$0x2] =	stream.indirect.gather [hbm4b:s4+s22], $0x80, s3, s22, $0xb8;
	[tilespmem:$0x1BA80] =	vst v63  }
0xb4: {  	_ =	swait.ge [sflag:s28], $0x4000  }
0xb5: {  	[sflag:s28] =	ssyncset.done $0x0  }
0xb6: {  	[sflag:s28] =	ssyncadd.s32 $0xFFFFC000  }
0xb7: {  	[spmem:s1] =	stream.indirect.scatter.add.f32 [tilespmem:s20], [sflag:$0x5], $0x80, s22, s22, $0xb8;
	[tilespmem:$0x1BA80] =	vst v63  }
0xb8: {  	_ =	swait.ge [sflag:s21], $0x4000  }
0xb9: {  	s0 =	simm.s32 @!p0 $0x0;
	[sflag:s21] =	ssyncset.done $0x0  }
0xba: {  	s2 =	simm.s32 @!p0 $0x100;
	s6 =	simm.s32 @!p0 $0x5;
	[sflag:s21] =	ssyncadd.s32 $0xFFFFC000  }
0xbb: {  	[tilespmem:s2], [sflag:$0x5] =	stream.linear.gather @!p0 [hbm4b:s12+s0], $0x80, $0x38;
	[tilespmem:$0x1BA80] =	vst v63  }
0xbc: {  	_ =	swait.ge @!p0 [sflag:s6], $0x80  }
0xbd: {  	[sflag:s6] =	ssyncset.done @!p0 $0x0  }
0xbe: {  	s7 =	simm.s32 @!p0 $0x180;
	[sflag:s6] =	ssyncadd.s32 @!p0 $0xFFFFFF80  }
0xbf: {  	[tilespmem:s7], [sflag:$0x5] =	stream.linear.gather @!p0 [hbm4b:s13+s0], $0x80, $0x38;
	[tilespmem:$0x1BA80] =	vst v63  }
0xc0: {  	_ =	swait.ge @!p0 [sflag:s6], $0x80  }
0xc1: {  	[sflag:s6] =	ssyncset.done @!p0 $0x0  }
0xc2: {  	s8 =	simm.s32 @!p0 $0x4200;
	s0 =	simm.s32 @!p0 $0x80;
	[sflag:s6] =	ssyncadd.s32 @!p0 $0xFFFFFF80  }
0xc3: {  	[tilespmem:s8], [sflag:$0x3] =	stream.indirect.gather @!p0 [hbm4b:s4+s0], $0x80, s2, s0, $0xb8;
	[tilespmem:$0x1BA80] =	vst v63  }
0xc4: {  	s2 =	simm.s32 @!p0 $0x3  }
0xc5: {  	_ =	swait.ge @!p0 [sflag:s2], $0x4000  }
0xc6: {  	[sflag:s2] =	ssyncset.done @!p0 $0x0  }
0xc7: {  	[sflag:s2] =	ssyncadd.s32 @!p0 $0xFFFFC000  }
0xc8: {  	[spmem:s1] =	stream.indirect.scatter.add.f32 @!p0 [tilespmem:s8], [sflag:$0x5], $0x80, s7, s0, $0xb8;
	[tilespmem:$0x1BA80] =	vst v63  }
0xc9: {  	s31 =	sadd.s32 $0x1, s31;
	_ =	swait.ge @!p0 [sflag:s6], $0x4000  }
0xca: {  	p1 =	sne.s32 s31, s15;
	s7 =	stileid.u32;
	[sflag:s6] =	ssyncset.done @!p0 $0x0  }
0xcb: {  	s8 =	sshrl.u32 s5, $0x3;
	s0 =	sshll.u32 s7, $0x6;
	[sflag:s6] =	ssyncadd.s32 @!p0 $0xFFFFC000  }
.Ltmp2:
0xcc: {  	s0 =	sor.u32 $0x1C05, s0;
	[bflag:$0x0] =	sbarrier.arrive $0xFFFF;
	(pc) =	sbr.rel @p1 .LBB2_1-.Ltmp2, $4  }
0xcd: {  	[hbm:s14], [sflag:s0] =	dma.local [spmem:s8], $0x2780  }
0xce: {  	_ =	swait.ge [sflag:s21], $0x2780  }
0xcf: {  	[sflag:s21] =	ssyncset.done $0x0  }
0xd0: {  	[sflag:s21] =	ssyncadd.s32 $0xFFFFD880  }
0xd1: {  	_ =	sfence.sel $0x180000  }
0xd2: {  	[bflag:$0x0] =	sbarrier.arrive $0xFFFF  }
0xd3: {  	_ =	strace $0x9000004D  }
0xd4: {  	[bflag:$0x2] =	sbarrier.arrive $0xFFFF  }
0xd5: {  	s0 =	rddreg [dreg:$0x2]  }
0xd6: {  	s0 =	sadd.s32 @!p0 $0x100000, s0  }
0xd7: {  	[sflag:s0] =	ssyncadd.tile.s32 @!p0 $0x1;
	_ =	shalt  }
.Lfunc_end2:
_tile_overlayer_lowered:
.L_overlay_start_2:
0xd8: {  	(tag) =	ssettag $0x2  }
0xd9: {  	s0 =	rddreg [dreg:$0x0];
	s2 =	stileid.u32  }
0xda: {  	s1 =	rddreg [dreg:$0x1];
	p0 =	sne.s32 s2, $0x0  }
0xdb: {  	s3 =	rddreg [dreg:$0x2];
	[bflag:$0x3] =	sbarrier.arrive $0xFFFF;
	s2 =	simm.s32 @!p0 $0x1C05  }
0xdc: {  	[timem:s3], [sflag:s2] =	dma.local @!p0 [hbm:s0], s1  }
0xdd: {  	s0 =	simm.s32 @!p0 $0x5  }
0xde: {  	_ =	swait.ge @!p0 [sflag:s0], s1  }
0xdf: {  	s1 =	ssub.s32 @!p0 $0x0, s1;
	[sflag:s0] =	ssyncset.done @!p0 $0x0  }
0xe0: {  	[sflag:s0] =	ssyncadd.s32 @!p0 s1  }
0xe1: {  	[bflag:$0x3] =	sbarrier.arrive $0xFFFF  }
0xe2: {  	_ =	shalt  }

// kernel: kernel.24.cloned.1.call-start
scs
__scs_entry_jumppad:
0x0: {  	(pc) =	sbr.rel $0x88, $3  }
0x1: {  	(tag) =	ssettag $0x0;
	lr =	simm.s32 $0x1  }
0x2: {  	[smem:$0x3F80] =	sst lr;
	_ =	strace $0xD0000000  }
0x3: {  	_ = 	snop  }
0x4: {  	_ = 	snop  }
0x5: {  	_ = 	snop  }
0x6: {  	_ = 	snop  }
0x7: {  	_ = 	snop  }
__scs_overlays_trampoline_lowered:
0x8: {  	[smem:$0x3F8F] =	sst s0  }
0x9: {  	[smem:$0x3F90] =	sst s1  }
0xa: {  	[smem:$0x3F91] =	sst s2  }
0xb: {  	[smem:$0x3F92] =	sst s3  }
0xc: {  	[smem:$0x3F93] =	sst s4  }
0xd: {  	[smem:$0x3F94] =	sst s5  }
0xe: {  	[smem:$0x3F95] =	sst s6  }
0xf: {  	[smem:$0x3F96] =	sst s7  }
0x10: {  	[smem:$0x3F97] =	sst s8  }
0x11: {  	[smem:$0x3F98] =	sst s9;
	s0 =	simm.s32 @!p0 $0x0  }
0x12: {  	s1 =	sld [smem:$0x3F7E];
	s0 =	simm.s32 @p0 $0x1  }
0x13: {  	[smem:$0x3F99] =	sst s0;
	s0 =	simm.s32 @!p1 $0x0  }
0x14: {  	s2 =	sld [smem:$0x3F7D];
	s0 =	simm.s32 @p1 $0x1  }
0x15: {  	[smem:$0x3F9A] =	sst s0;
	s0 =	simm.s32 @!p2 $0x0  }
0x16: {  	s3 =	sld [smem:$0x3FDB];
	s0 =	simm.s32 @p2 $0x1  }
0x17: {  	s4 =	simm.s32 $0x1BF5;
	[smem:$0x3F9C] =	sst s0  }
0x18: {  	s0 =	sld [smem:$0x3F7F];
	_ =	swait.ge [sflag:s4], $0x0  }
0x19: {  	s7 =	sld [smem:$0x3F80]  }
0x1a: {  	s8 =	sadd.s32 $0xFFFFE003, lr  }
0x1b: {  	s9 =	sadd.s32 $0xFFFFFEF7, lr;
	s5 =	simm.s32 $0xFFFFFFFF;
	p2 =	slt.u32 s8, $0xFFFFF086  }
0x1c: {  	p1 =	slt.u32 s9, $0xF7A;
	s5 =	simm.s32 @!p2 $0x0  }
0x1d: {  	s5 =	simm.s32 @p1 $0x1;
	p0 =	seq.s32 s7, s2  }
0x1e: {  	s7 =	smul.u32 @!p0 $0xF7A, s2;
	p2 =	seq.s32 @!p0 s5, $0x0  }
0x1f: {  	s9 =	smul.u32 $0xF7A, s1;
	s8 =	simm.s32 @!p0 $0x1BF5;
	p2 =	por !p2, p0  }
0x20: {  	[sflag:s8] =	ssyncset.s32 @!p0 $0xFFFFF086;
	s6 =	sadd.s32 @!p0 s3, s7;
	s7 =	simm.s32 @!p0 $0x108  }
0x21: {  	s3 =	sadd.s32 s3, s9;
	s6 =	sadd.s32 @!p0 $0x88, s6;
	s7 =	simm.s32 @p2 $0x1082  }
0x22: {  	[simem:s7], [sflag:s8] =	dma.local @!p0 [hbm:s6], $0xF7A  }
0x23: {  	s9 =	sor.u32 $0xD0000000, s2;
	s6 =	simm.s32 $0x108;
	_ =	swait.ge @!p0 [sflag:s8], $0x0  }
0x24: {  	s3 =	sadd.s32 $0x88, s3;
	s6 =	simm.s32 @!p1 $0x1082;
	[sflag:s4] =	ssyncset.s32 $0xFFFFF086  }
0x25: {  	[simem:s6], [sflag:s4] =	dma.local [hbm:s3], $0xF7A  }
0x26: {  	[smem:$0x3F80] =	sst s1;
	(tag) =	ssettag s2;
	_ =	strace s9  }
0x27: {  	s1 =	sld [smem:$0x3F90]  }
0x28: {  	s2 =	sld [smem:$0x3F91]  }
0x29: {  	s4 =	sld [smem:$0x3F93]  }
0x2a: {  	p0 =	seq.s32 s5, $0x0;
	s5 =	sld [smem:$0x3F94]  }
0x2b: {  	s6 =	sld [smem:$0x3F95]  }
0x2c: {  	s7 =	sld [smem:$0x3F96]  }
0x2d: {  	s3 =	simm.s32 $0x108;
	s8 =	sld [smem:$0x3F97]  }
0x2e: {  	s3 =	simm.s32 @!p0 $0x1082;
	s9 =	sld [smem:$0x3F98]  }
0x2f: {  	lr =	sadd.s32 s0, s3;
	s0 =	sld [smem:$0x3F8F]  }
0x30: {  	s3 =	sld [smem:$0x3F92]  }
0x31: {  	[smem:$0x3F9B] =	sst s10  }
0x32: {  	s10 =	sld [smem:$0x3F99];
	_ =	sdelay $0x3  }
0x33: {  	p0 =	seq.s32 s10, $0x1;
	s10 =	sld [smem:$0x3F9B];
	_ =	sdelay $0x3  }
0x34: {  	[smem:$0x3F9B] =	sst s10  }
0x35: {  	s10 =	sld [smem:$0x3F9A];
	_ =	sdelay $0x3  }
0x36: {  	p1 =	seq.s32 s10, $0x1;
	s10 =	sld [smem:$0x3F9B];
	_ =	sdelay $0x3  }
0x37: {  	[smem:$0x3F9B] =	sst s10  }
0x38: {  	s10 =	sld [smem:$0x3F9C]  }
0x39: {  	_ = 	snop;
	(pc) =	sbr.ind lr, $3  }
0x3a: {  	_ = 	snop  }
0x3b: {  	_ = 	snop  }
0x3c: {  	p2 =	seq.s32 s10, $0x1;
	s10 =	sld [smem:$0x3F9B]  }
0x3d: {  	_ =	shalt  }
0x3e: {  	_ =	shalt  }
0x3f: {  	_ =	shalt  }
0x40: {  	_ =	shalt  }
0x41: {  	_ =	shalt  }
0x42: {  	_ =	shalt  }
0x43: {  	_ =	shalt  }
0x44: {  	_ =	shalt  }
0x45: {  	_ =	shalt  }
0x46: {  	_ =	shalt  }
0x47: {  	_ =	shalt  }
0x48: {  	_ =	shalt  }
0x49: {  	_ =	shalt  }
0x4a: {  	_ =	shalt  }
0x4b: {  	_ =	shalt  }
0x4c: {  	_ =	shalt  }
0x4d: {  	_ =	shalt  }
0x4e: {  	_ =	shalt  }
0x4f: {  	_ =	shalt  }
0x50: {  	_ =	shalt  }
0x51: {  	_ =	shalt  }
0x52: {  	_ =	shalt  }
0x53: {  	_ =	shalt  }
0x54: {  	_ =	shalt  }
0x55: {  	_ =	shalt  }
0x56: {  	_ =	shalt  }
0x57: {  	_ =	shalt  }
0x58: {  	_ =	shalt  }
0x59: {  	_ =	shalt  }
0x5a: {  	_ =	shalt  }
0x5b: {  	_ =	shalt  }
0x5c: {  	_ =	shalt  }
0x5d: {  	_ =	shalt  }
0x5e: {  	_ =	shalt  }
0x5f: {  	_ =	shalt  }
0x60: {  	_ =	shalt  }
0x61: {  	_ =	shalt  }
0x62: {  	_ =	shalt  }
0x63: {  	_ =	shalt  }
0x64: {  	_ =	shalt  }
0x65: {  	_ =	shalt  }
0x66: {  	_ =	shalt  }
0x67: {  	_ =	shalt  }
0x68: {  	_ =	shalt  }
0x69: {  	_ =	shalt  }
0x6a: {  	_ =	shalt  }
0x6b: {  	_ =	shalt  }
0x6c: {  	_ =	shalt  }
0x6d: {  	_ =	shalt  }
0x6e: {  	_ =	shalt  }
0x6f: {  	_ =	shalt  }
0x70: {  	_ =	shalt  }
0x71: {  	_ =	shalt  }
0x72: {  	_ =	shalt  }
0x73: {  	_ =	shalt  }
0x74: {  	_ =	shalt  }
0x75: {  	_ =	shalt  }
0x76: {  	_ =	shalt  }
0x77: {  	_ =	shalt  }
0x78: {  	_ =	shalt  }
0x79: {  	_ =	shalt  }
0x7a: {  	_ =	shalt  }
0x7b: {  	_ =	shalt  }
0x7c: {  	_ =	shalt  }
0x7d: {  	_ =	shalt  }
0x7e: {  	_ =	shalt  }
0x7f: {  	_ =	shalt  }
0x80: {  	_ =	shalt  }
0x81: {  	_ =	shalt  }
0x82: {  	_ =	shalt  }
0x83: {  	_ =	shalt  }
0x84: {  	_ =	shalt  }
0x85: {  	_ =	shalt  }
0x86: {  	_ =	shalt  }
0x87: {  	_ =	shalt  }
.Lfunc_end0:
.L_simem_size_0:
called_computation.3_lowered:
.L_overlay_start_0:
0x88: {  	s2 =	sld [smem:$0x3FD9]  }
0x89: {  	s3 =	sld [smem:$0x3FFE];
	_ =	sdelay $0x1  }
0x8a: {  	s1 =	srdreg.scid  }
0x8b: {  	s0 =	sand.u32 $0x1, s1  }
0x8c: {  	s16 =	sshll.u32 s0, $0xA;
	s2 =	sadd.s32 s3, s2  }
0x8d: {  	s2 =	sadd.s32 s2, s16  }
0x8e: {  	[smem:$0x3FA7] =	sst s2  }
0x8f: {  	_ = 	snop  }
0x90: {  	(tm) =	ssettm $0x1  }
0x91: {  	s17 =	sld [smem:$0x3FFB];
	_ =	sdelay $0x3  }
0x92: {  	_ =	strace s17  }
0x93: {  	s2 =	sld [smem:$0x3FFC];
	_ =	sdelay $0x3  }
0x94: {  	_ =	strace s2  }
0x95: {  	s2 =	sld [smem:$0x3FFD];
	_ =	sdelay $0x3  }
0x96: {  	_ =	strace s2  }
0x97: {  	_ =	strace $0x8FFFFFFF  }
0x98: {  	s18 =	sld [smem:$0x3FDB];
	_ =	sdelay $0x1  }
0x99: {  	s19 =	simm.s32 $_scs_section_size  }
0x9a: {  	s4 =	simm.s32 $_size__tile_overlayer_lowered;
	s5 =	simm.s32 $_tile_overlayer_lowered  }
0x9b: {  	s22 =	simm.s32 $0x1BFF;
	s21 =	sshll.u32 s5, $0x1;
	s2 =	sadd.s32 s19, s18  }
0x9c: {  	s6 =	simm.s32 $0x0;
	s20 =	sshll.u32 s4, $0x1;
	s4 =	sadd.s32 s21, s2  }
0x9d: {  	[timem:s6], [sflag:s22] =	dma.local [hbm:s4], s20  }
0x9e: {  	_ =	swait.ge [sflag:s22], s20  }
0x9f: {  	s3 =	ssub.s32 $0x0, s20;
	[sflag:s22] =	ssyncset.done $0x0  }
0xa0: {  	[sflag:s22] =	ssyncadd.s32 s3;
	_ =	sdelay $0x1  }
0xa1: {  	s23 =	simm.s32 $0x1B8B  }
0xa2: {  	_ =	swait.ge [sflag:s23], $0x1  }
0xa3: {  	[sflag:s23] =	ssyncset.done $0x0  }
0xa4: {  	s25 =	simm.s32 $0x1B8E;
	s24 =	sld [smem:$0x3FFE];
	[sflag:s23] =	ssyncadd.s32 $0xFFFFFFFF  }
0xa5: {  	s26 =	simm.s32 $execute0_lowered;
	[smem:$0x3FD2] =	sst s25  }
0xa6: {  	s4 =	sshll.u32 s26, $0x1;
	_ =	strace $0x8000004F;
	[dreg:$0x1] =	wrdreg $0xFFFFFFFF  }
0xa7: {  	s28 =	simm.s32 $_size_execute0_lowered;
	s2 =	sadd.s32 s2, s4;
	[dreg:$0x0] =	wrdreg $0x0  }
0xa8: {  	s4 =	sshll.u32 s28, $0x1;
	[dreg:$0x2] =	wrdreg s2  }
0xa9: {  	[dreg:$0x3] =	wrdreg s4  }
0xaa: {  	[dreg:$0x4] =	wrdreg $0xC0  }
0xab: {  	_ =	task [dreg:s6], $0x5FFFF  }
0xac: {  	[dreg:$0x1] =	wrdreg $0xFFFFFFFF  }
0xad: {  	[dreg:$0x0] =	wrdreg $0x60  }
0xae: {  	[dreg:$0x2] =	wrdreg s24  }
0xaf: {  	[dreg:$0x3] =	wrdreg $0x82000  }
0xb0: {  	[dreg:$0x4] =	wrdreg $0x9  }
0xb1: {  	_ =	task.clear_ibuf [dreg:s6], $0x5FFFF;
	_ =	strace $0x9000004F  }
0xb2: {  	s29 =	simm.s32 $0x9;
	_ =	strace $0x80000051  }
0xb3: {  	_ =	swait.ge [sflag:s29], $0x1  }
0xb4: {  	[sflag:s29] =	ssyncadd.s32 $0xFFFFFFFF  }
0xb5: {  	_ =	strace $0x90000051  }
0xb6: {  	_ =	sfence  }
0xb7: {  	s30 =	sld [smem:$0x0];
	_ =	sdelay $0x2  }
0xb8: {  	s31 =	sshll.u32 s1, $0xD;
	s1 =	sshrl.u32 s1, $0x2  }
0xb9: {  	s3 =	sand.u32 $0x4000, s31;
	s1 =	sadd.s32 s1, s30  }
0xba: {  	s0 =	sor.u32 s3, s0;
	s1 =	sshll.u32 s1, $0x11  }
0xbb: {  	s0 =	sor.u32 s1, s0  }
0xbc: {  	s0 =	sadd.s32 $0x8F2B, s0  }
0xbd: {  	[sflag:s0] =	ssyncadd.remote.s32 $0x1  }
0xbe: {  	_ =	sfence.sel $0xFFFF  }
0xbf: {  	[dreg:$0x0] =	wrdreg $0xFFFFFFFF;
	(pc) =	sbr.abs _section_cstart, $3  }
0xc0: {  	[dreg:$0x1] =	wrdreg $0xFFFFFFFF  }
0xc1: {  	_ =	task.clear_ibuf [dreg:s6], $0x2FFFF;
	_ =	strace $0x9FFFFFFF  }
0xc2: {  	(tm) =	ssettm $0x7FFFFFFF  }
0xc3: {  	_ =	shalt  }
tec
execute0_lowered:
.L_overlay_start_1:
0x0: {  	(tag) =	ssettag $0x1  }
0x1: {  	s0 =	rddreg [dreg:$0x0]  }
0x2: {  	s1 =	rddreg [dreg:$0x1]  }
0x3: {  	s26 =	stileid.u32;
	s2 =	srdreg.scid  }
0x4: {  	s3 =	simm.s32 $0x0;
	s20 =	simm.s32 $0x200;
	s28 =	simm.s32 $0x2  }
0x5: {  	s29 =	simm.s32 $0x3;
	s30 =	simm.s32 $0x4;
	s31 =	simm.s32 $0x0  }
0x6: {  	s4 =	smul.u32 $0x278, s26;
	s2 =	sand.u32 $0x1, s2;
	[smem:$0x7FF] =	sst s3  }
0x7: {  	s19 =	sadd.s32 $0x75A200, s0;
	s18 =	sadd.s32 $0x75F200, s0;
	s8 =	sshll.u32 s26, $0x1  }
0x8: {  	s14 =	smul.u32 $0x2700, s26;
	p0 =	sne.s32 s26, $0x0;
	s26 =	simm.s32 $0x4200  }
0x9: {  	s6 =	smul.u32 $0x138800, s2;
	_ =	strace $0x80000050;
	s7 =	ssub.s32 $0x2, s2  }
0xa: {  	s8 =	sor.u32 s2, s8;
	s12 =	sshll.u32 s2, $0x4;
	s2 =	smul.u32 $0x1380, s2  }
0xb: {  	s5 =	smin.u32 s4, $0x2498;
	s4 =	sadd.s32 $0x7200, s0;
	s21 =	sshrl.u32 s7, $0x1  }
0xc: {  	s10 =	smul.u32 $0x1380, s8;
	s13 =	sor.u32 $0x4E00, s12;
	s5 =	sshll.u32 s5, $0x7  }
0xd: {  	s12 =	sadd.s32 s19, s13;
	s13 =	sadd.s32 s18, s13;
	s2 =	sadd.s32 s2, s14  }
0xe: {  	s6 =	sadd.s32 s6, s5;
	s5 =	sadd.s32 s5, s1;
	s10 =	sshrl.u32 s10, $0x3  }
0xf: {  	s25 =	sshrl.u32 s2, $0x3;
	s2 =	sadd.s32 $0x80, s2;
	s6 =	sshrl.u32 s6, $0x3  }
0x10: {  	s22 =	sadd.s32 $0x4000, s5;
	s23 =	sadd.s32 $0x8000, s5;
	s24 =	sadd.s32 $0xC000, s5  }
0x11: {  	s9 =	sadd.s32 $0x10000, s5;
	s11 =	sadd.s32 $0x260, s10;
	s16 =	sadd.s32 s25, s18  }
0x12: {  	s2 =	sshrl.u32 s2, $0x3;
	s17 =	sadd.s32 s25, s19;
	[dreg:$0x3] =	wrdreg s22  }
0x13: {  	s25 =	simm.s32 $0x1;
	s0 =	sadd.s32 s6, s0;
	[dreg:$0x4] =	wrdreg s23  }
0x14: {  	s6 =	ssub.s32 s7, s21;
	[dreg:$0x5] =	wrdreg s24;
	s10 =	sadd.s32 s19, s11  }
0x15: {  	s11 =	sadd.s32 s18, s11;
	s18 =	sadd.s32 s2, s18;
	s19 =	sadd.s32 s2, s19  }
0x16: {  	s21 =	simm.s32 $0x5;
	s22 =	simm.s32 $0x80;
	s23 =	simm.s32 $0x100  }
0x17: {  	v0 =	vimm.f32 $0.0e+00;
	s24 =	simm.s32 $0x180;
	s14 =	sadd.s32 $0x2E400, s0;
	s15 =	smax.u32 s6, $0x1  }
.LBB2_1:
0x18: {  	s0 =	simm.s32 $0x0;
	s2 =	simm.s32 $0x200  }
.LBB2_2:
0x19: {  	p1 =	sne.s32 s2, $0xFE00;
	[tilespmem:s0+$0x270] =	vst v0  }
0x1a: {  	[tilespmem:s0+$0x200] =	vst v0  }
0x1b: {  	[tilespmem:s0+$0x210] =	vst v0  }
.Ltmp0:
0x1c: {  	[tilespmem:s0+$0x220] =	vst v0;
	(pc) =	sbr.rel @p1 .LBB2_2-.Ltmp0, $4  }
0x1d: {  	[tilespmem:s0+$0x230] =	vst v0  }
0x1e: {  	[tilespmem:s0+$0x240] =	vst v0  }
0x1f: {  	[tilespmem:s0+$0x250] =	vst v0  }
0x20: {  	[tilespmem:s0+$0x260] =	vst v0;
	s0 =	sshra.s32 s2, $0x2;
	s2 =	sadd.s32 $0x200, s2  }
0x21: {  	[tilespmem:s0+$0x270] =	vst v0  }
0x22: {  	[tilespmem:s0+$0x200] =	vst v0  }
0x23: {  	[tilespmem:s0+$0x210] =	vst v0  }
0x24: {  	[tilespmem:s0+$0x220] =	vst v0  }
0x25: {  	[tilespmem:s0+$0x230] =	vst v0  }
0x26: {  	[tilespmem:s0+$0x240] =	vst v0  }
0x27: {  	[tilespmem:s0+$0x250] =	vst v0  }
0x28: {  	[tilespmem:s0+$0x260] =	vst v0  }
0x29: {  	[spmem:s5] =	stream.linear.scatter [tilespmem:s20], [sflag:$0x5], $0x4000, $0x38;
	[tilespmem:$0x1BA80] =	vst v63  }
0x2a: {  	_ =	swait.ge [sflag:s21], $0x4000  }
0x2b: {  	[sflag:s21] =	ssyncset.done $0x0  }
0x2c: {  	s6 =	rddreg [dreg:$0x3];
	[sflag:s21] =	ssyncadd.s32 $0xFFFFC000  }
0x2d: {  	[spmem:s6] =	stream.linear.scatter [tilespmem:s20], [sflag:$0x5], $0x4000, $0x38;
	[tilespmem:$0x1BA80] =	vst v63  }
0x2e: {  	_ =	swait.ge [sflag:s21], $0x4000  }
0x2f: {  	[sflag:s21] =	ssyncset.done $0x0  }
0x30: {  	s7 =	rddreg [dreg:$0x4];
	[sflag:s21] =	ssyncadd.s32 $0xFFFFC000  }
0x31: {  	[spmem:s7] =	stream.linear.scatter [tilespmem:s20], [sflag:$0x5], $0x4000, $0x38;
	[tilespmem:$0x1BA80] =	vst v63  }
0x32: {  	_ =	swait.ge [sflag:s21], $0x4000  }
0x33: {  	[sflag:s21] =	ssyncset.done $0x0  }
0x34: {  	s8 =	rddreg [dreg:$0x5];
	[sflag:s21] =	ssyncadd.s32 $0xFFFFC000  }
0x35: {  	[spmem:s8] =	stream.linear.scatter [tilespmem:s20], [sflag:$0x5], $0x4000, $0x38;
	[tilespmem:$0x1BA80] =	vst v63  }
0x36: {  	_ =	swait.ge [sflag:s21], $0x4000  }
0x37: {  	[sflag:s21] =	ssyncset.done $0x0  }
0x38: {  	[sflag:s21] =	ssyncadd.s32 $0xFFFFC000  }
0x39: {  	[spmem:s9] =	stream.linear.scatter [tilespmem:s20], [sflag:$0x5], $0x3C00, $0x38;
	[tilespmem:$0x1BA80] =	vst v63  }
0x3a: {  	_ =	swait.ge [sflag:s21], $0x3C00  }
0x3b: {  	[sflag:s21] =	ssyncset.done $0x0  }
0x3c: {  	[sflag:s21] =	ssyncadd.s32 $0xFFFFC400  }
0x3d: {  	s2 =	sadd.s32 $0x0, s17;
	[bflag:$0x0] =	sbarrier.arrive $0xFFFF  }
0x3e: {  	[tilespmem:s3], [sflag:$0x1] =	stream.linear.gather [hbm4b:s2+s3], $0x80, $0x38;
	[tilespmem:$0x1BA80] =	vst v63  }
0x3f: {  	s6 =	sadd.s32 $0x0, s16  }
0x40: {  	[tilespmem:s22], [sflag:$0x1] =	stream.linear.gather [hbm4b:s6+s3], $0x80, $0x38;
	[tilespmem:$0x1BA80] =	vst v63  }
0x41: {  	s7 =	sadd.s32 $0x0, s19  }
0x42: {  	[tilespmem:s23], [sflag:$0x1] =	stream.linear.gather [hbm4b:s7+s3], $0x80, $0x38;
	[tilespmem:$0x1BA80] =	vst v63  }
0x43: {  	s8 =	sadd.s32 $0x0, s18  }
0x44: {  	[tilespmem:s24], [sflag:$0x1] =	stream.linear.gather [hbm4b:s8+s3], $0x80, $0x38;
	[tilespmem:$0x1BA80] =	vst v63  }
0x45: {  	_ =	swait.ge [sflag:s25], $0x80  }
0x46: {  	[sflag:s25] =	ssyncset.done $0x0  }
0x47: {  	[sflag:s25] =	ssyncadd.s32 $0xFFFFFF80  }
0x48: {  	_ =	swait.ge [sflag:s25], $0x80  }
0x49: {  	[sflag:s25] =	ssyncset.done $0x0  }
0x4a: {  	[sflag:s25] =	ssyncadd.s32 $0xFFFFFF80  }
0x4b: {  	_ =	swait.ge [sflag:s25], $0x80  }
0x4c: {  	[sflag:s25] =	ssyncset.done $0x0  }
0x4d: {  	[sflag:s25] =	ssyncadd.s32 $0xFFFFFF80  }
0x4e: {  	_ =	swait.ge [sflag:s25], $0x80  }
0x4f: {  	[sflag:s25] =	ssyncset.done $0x0  }
0x50: {  	[sflag:s25] =	ssyncadd.s32 $0xFFFFFF80  }
0x51: {  	[tilespmem:s20], [sflag:$0x2] =	stream.indirect.gather [hbm4b:s4+s22], $0x80, s3, s22, $0xb8;
	[tilespmem:$0x1BA80] =	vst v63  }
0x52: {  	_ = 	snop  }
0x53: {  	[tilespmem:s26], [sflag:$0x3] =	stream.indirect.gather [hbm4b:s4+s22], $0x80, s23, s22, $0xb8;
	[tilespmem:$0x1BA80] =	vst v63  }
0x54: {  	_ =	swait.ge [sflag:s28], $0x4000  }
0x55: {  	[sflag:s28] =	ssyncset.done $0x0  }
0x56: {  	[sflag:s28] =	ssyncadd.s32 $0xFFFFC000  }
0x57: {  	[spmem:s1] =	stream.indirect.scatter.add.f32 [tilespmem:s20], [sflag:$0x4], $0x80, s22, s22, $0xb8;
	[tilespmem:$0x1BA80] =	vst v63  }
0x58: {  	_ =	swait.ge [sflag:s29], $0x4000  }
0x59: {  	[sflag:s29] =	ssyncset.done $0x0  }
0x5a: {  	[sflag:s29] =	ssyncadd.s32 $0xFFFFC000  }
0x5b: {  	[spmem:s1] =	stream.indirect.scatter.add.f32 [tilespmem:s26], [sflag:$0x4], $0x80, s24, s22, $0xb8;
	[tilespmem:$0x1BA80] =	vst v63  }
0x5c: {  	_ =	swait.ge [sflag:s30], $0x4000  }
0x5d: {  	[sflag:s30] =	ssyncset.done $0x0  }
0x5e: {  	[sflag:s30] =	ssyncadd.s32 $0xFFFFC000  }
0x5f: {  	_ =	swait.ge [sflag:s30], $0x4000  }
0x60: {  	s0 =	simm.s32 $0x20;
	s2 =	simm.s32 $0x40;
	[sflag:s30] =	ssyncset.done $0x0  }
.LBB2_4:
0x61: {  	s7 =	sadd.s32 s0, s17  }
0x62: {  	[sflag:s30] =	ssyncadd.s32 $0xFFFFC000;
	s8 =	smov.u32 s2;
	s6 =	sadd.s32 $0x20, s2  }
0x63: {  	[tilespmem:s3], [sflag:$0x1] =	stream.linear.gather [hbm4b:s7+s3], $0x80, $0x38;
	[tilespmem:$0x1BA80] =	vst v63  }
0x64: {  	p1 =	sne.s32 s2, $0x240;
	s2 =	sadd.s32 s0, s16  }
0x65: {  	[tilespmem:s22], [sflag:$0x1] =	stream.linear.gather [hbm4b:s2+s3], $0x80, $0x38;
	[tilespmem:$0x1BA80] =	vst v63  }
0x66: {  	s2 =	sadd.s32 s0, s19  }
0x67: {  	[tilespmem:s23], [sflag:$0x1] =	stream.linear.gather [hbm4b:s2+s3], $0x80, $0x38;
	[tilespmem:$0x1BA80] =	vst v63  }
0x68: {  	s2 =	sadd.s32 s0, s18;
	s0 =	smov.u32 s8  }
0x69: {  	[tilespmem:s24], [sflag:$0x1] =	stream.linear.gather [hbm4b:s2+s3], $0x80, $0x38;
	[tilespmem:$0x1BA80] =	vst v63  }
0x6a: {  	_ =	swait.ge [sflag:s25], $0x80  }
0x6b: {  	[sflag:s25] =	ssyncset.done $0x0  }
0x6c: {  	[sflag:s25] =	ssyncadd.s32 $0xFFFFFF80  }
0x6d: {  	_ =	swait.ge [sflag:s25], $0x80  }
0x6e: {  	[sflag:s25] =	ssyncset.done $0x0  }
0x6f: {  	[sflag:s25] =	ssyncadd.s32 $0xFFFFFF80  }
0x70: {  	_ =	swait.ge [sflag:s25], $0x80  }
0x71: {  	[sflag:s25] =	ssyncset.done $0x0  }
0x72: {  	[sflag:s25] =	ssyncadd.s32 $0xFFFFFF80  }
0x73: {  	_ =	swait.ge [sflag:s25], $0x80  }
0x74: {  	[sflag:s25] =	ssyncset.done $0x0  }
0x75: {  	[sflag:s25] =	ssyncadd.s32 $0xFFFFFF80  }
0x76: {  	[tilespmem:s20], [sflag:$0x2] =	stream.indirect.gather [hbm4b:s4+s22], $0x80, s3, s22, $0xb8;
	[tilespmem:$0x1BA80] =	vst v63  }
0x77: {  	_ = 	snop  }
0x78: {  	[tilespmem:s26], [sflag:$0x3] =	stream.indirect.gather [hbm4b:s4+s22], $0x80, s23, s22, $0xb8;
	[tilespmem:$0x1BA80] =	vst v63  }
0x79: {  	_ =	swait.ge [sflag:s28], $0x4000  }
0x7a: {  	[sflag:s28] =	ssyncset.done $0x0  }
0x7b: {  	[sflag:s28] =	ssyncadd.s32 $0xFFFFC000  }
0x7c: {  	[spmem:s1] =	stream.indirect.scatter.add.f32 [tilespmem:s20], [sflag:$0x4], $0x80, s22, s22, $0xb8;
	[tilespmem:$0x1BA80] =	vst v63  }
0x7d: {  	_ =	swait.ge [sflag:s29], $0x4000  }
0x7e: {  	[sflag:s29] =	ssyncset.done $0x0  }
0x7f: {  	[sflag:s29] =	ssyncadd.s32 $0xFFFFC000  }
0x80: {  	[spmem:s1] =	stream.indirect.scatter.add.f32 [tilespmem:s26], [sflag:$0x4], $0x80, s24, s22, $0xb8;
	[tilespmem:$0x1BA80] =	vst v63  }
.Ltmp1:
0x81: {  	_ =	swait.ge [sflag:s30], $0x4000;
	(pc) =	sbr.rel @p1 .LBB2_4-.Ltmp1, $4  }
0x82: {  	[sflag:s30] =	ssyncset.done $0x0  }
0x83: {  	[sflag:s30] =	ssyncadd.s32 $0xFFFFC000  }
0x84: {  	_ =	swait.ge [sflag:s30], $0x4000  }
0x85: {  	s2 =	smov.u32 s6;
	[sflag:s30] =	ssyncset.done $0x0  }
0x86: {  	s2 =	sadd.s32 s0, s17;
	[sflag:s30] =	ssyncadd.s32 $0xFFFFC000  }
0x87: {  	[tilespmem:s3], [sflag:$0x1] =	stream.linear.gather [hbm4b:s2+s3], $0x80, $0x38;
	[tilespmem:$0x1BA80] =	vst v63  }
0x88: {  	s7 =	sadd.s32 s0, s16  }
0x89: {  	[tilespmem:s22], [sflag:$0x1] =	stream.linear.gather [hbm4b:s7+s3], $0x80, $0x38;
	[tilespmem:$0x1BA80] =	vst v63  }
0x8a: {  	s8 =	sadd.s32 s0, s19  }
0x8b: {  	[tilespmem:s23], [sflag:$0x1] =	stream.linear.gather [hbm4b:s8+s3], $0x80, $0x38;
	[tilespmem:$0x1BA80] =	vst v63  }
0x8c: {  	s6 =	sadd.s32 s0, s18  }
0x8d: {  	[tilespmem:s24], [sflag:$0x1] =	stream.linear.gather [hbm4b:s6+s3], $0x80, $0x38;
	[tilespmem:$0x1BA80] =	vst v63  }
0x8e: {  	_ =	swait.ge [sflag:s25], $0x80  }
0x8f: {  	[sflag:s25] =	ssyncset.done $0x0  }
0x90: {  	[sflag:s25] =	ssyncadd.s32 $0xFFFFFF80  }
0x91: {  	_ =	swait.ge [sflag:s25], $0x80  }
0x92: {  	[sflag:s25] =	ssyncset.done $0x0  }
0x93: {  	[sflag:s25] =	ssyncadd.s32 $0xFFFFFF80  }
0x94: {  	_ =	swait.ge [sflag:s25], $0x80  }
0x95: {  	[sflag:s25] =	ssyncset.done $0x0  }
0x96: {  	[sflag:s25] =	ssyncadd.s32 $0xFFFFFF80  }
0x97: {  	_ =	swait.ge [sflag:s25], $0x80  }
0x98: {  	[sflag:s25] =	ssyncset.done $0x0  }
0x99: {  	[sflag:s25] =	ssyncadd.s32 $0xFFFFFF80  }
0x9a: {  	[tilespmem:s20], [sflag:$0x2] =	stream.indirect.gather [hbm4b:s4+s22], $0x80, s3, s22, $0xb8;
	[tilespmem:$0x1BA80] =	vst v63  }
0x9b: {  	_ = 	snop  }
0x9c: {  	[tilespmem:s26], [sflag:$0x3] =	stream.indirect.gather [hbm4b:s4+s22], $0x80, s23, s22, $0xb8;
	[tilespmem:$0x1BA80] =	vst v63  }
0x9d: {  	_ =	swait.ge [sflag:s28], $0x4000  }
0x9e: {  	[sflag:s28] =	ssyncset.done $0x0  }
0x9f: {  	[sflag:s28] =	ssyncadd.s32 $0xFFFFC000  }
0xa0: {  	[spmem:s1] =	stream.indirect.scatter.add.f32 [tilespmem:s20], [sflag:$0x4], $0x80, s22, s22, $0xb8;
	[tilespmem:$0x1BA80] =	vst v63  }
0xa1: {  	_ =	swait.ge [sflag:s29], $0x4000  }
0xa2: {  	[sflag:s29] =	ssyncset.done $0x0  }
0xa3: {  	[sflag:s29] =	ssyncadd.s32 $0xFFFFC000  }
0xa4: {  	[spmem:s1] =	stream.indirect.scatter.add.f32 [tilespmem:s26], [sflag:$0x4], $0x80, s24, s22, $0xb8;
	[tilespmem:$0x1BA80] =	vst v63  }
0xa5: {  	_ =	swait.ge [sflag:s30], $0x4000  }
0xa6: {  	[sflag:s30] =	ssyncset.done $0x0  }
0xa7: {  	[sflag:s30] =	ssyncadd.s32 $0xFFFFC000  }
0xa8: {  	_ =	swait.ge [sflag:s30], $0x4000  }
0xa9: {  	[sflag:s30] =	ssyncset.done $0x0  }
0xaa: {  	[sflag:s30] =	ssyncadd.s32 $0xFFFFC000  }
0xab: {  	[tilespmem:s3], [sflag:$0x5] =	stream.linear.gather [hbm4b:s10+s3], $0x80, $0x38;
	[tilespmem:$0x1BA80] =	vst v63  }
0xac: {  	_ =	swait.ge [sflag:s21], $0x80  }
0xad: {  	[sflag:s21] =	ssyncset.done $0x0  }
0xae: {  	[sflag:s21] =	ssyncadd.s32 $0xFFFFFF80  }
0xaf: {  	[tilespmem:s22], [sflag:$0x5] =	stream.linear.gather [hbm4b:s11+s3], $0x80, $0x38;
	[tilespmem:$0x1BA80] =	vst v63  }
0xb0: {  	_ =	swait.ge [sflag:s21], $0x80  }
0xb1: {  	[sflag:s21] =	ssyncset.done $0x0  }
0xb2: {  	[sflag:s21] =	ssyncadd.s32 $0xFFFFFF80  }
0xb3: {  	[tilespmem:s20], [sflag:$0x2] =	stream.indirect.gather [hbm4b:s4+s22], $0x80, s3, s22, $0xb8;
	[tilespmem:$0x1BA80] =	vst v63  }
0xb4: {  	_ =	swait.ge [sflag:s28], $0x4000  }
0xb5: {  	[sflag:s28] =	ssyncset.done $0x0  }
0xb6: {  	[sflag:s28] =	ssyncadd.s32 $0xFFFFC000  }
0xb7: {  	[spmem:s1] =	stream.indirect.scatter.add.f32 [tilespmem:s20], [sflag:$0x5], $0x80, s22, s22, $0xb8;
	[tilespmem:$0x1BA80] =	vst v63  }
0xb8: {  	_ =	swait.ge [sflag:s21], $0x4000  }
0xb9: {  	s0 =	simm.s32 @!p0 $0x0;
	[sflag:s21] =	ssyncset.done $0x0  }
0xba: {  	s2 =	simm.s32 @!p0 $0x100;
	s6 =	simm.s32 @!p0 $0x5;
	[sflag:s21] =	ssyncadd.s32 $0xFFFFC000  }
0xbb: {  	[tilespmem:s2], [sflag:$0x5] =	stream.linear.gather @!p0 [hbm4b:s12+s0], $0x80, $0x38;
	[tilespmem:$0x1BA80] =	vst v63  }
0xbc: {  	_ =	swait.ge @!p0 [sflag:s6], $0x80  }
0xbd: {  	[sflag:s6] =	ssyncset.done @!p0 $0x0  }
0xbe: {  	s7 =	simm.s32 @!p0 $0x180;
	[sflag:s6] =	ssyncadd.s32 @!p0 $0xFFFFFF80  }
0xbf: {  	[tilespmem:s7], [sflag:$0x5] =	stream.linear.gather @!p0 [hbm4b:s13+s0], $0x80, $0x38;
	[tilespmem:$0x1BA80] =	vst v63  }
0xc0: {  	_ =	swait.ge @!p0 [sflag:s6], $0x80  }
0xc1: {  	[sflag:s6] =	ssyncset.done @!p0 $0x0  }
0xc2: {  	s8 =	simm.s32 @!p0 $0x4200;
	s0 =	simm.s32 @!p0 $0x80;
	[sflag:s6] =	ssyncadd.s32 @!p0 $0xFFFFFF80  }
0xc3: {  	[tilespmem:s8], [sflag:$0x3] =	stream.indirect.gather @!p0 [hbm4b:s4+s0], $0x80, s2, s0, $0xb8;
	[tilespmem:$0x1BA80] =	vst v63  }
0xc4: {  	s2 =	simm.s32 @!p0 $0x3  }
0xc5: {  	_ =	swait.ge @!p0 [sflag:s2], $0x4000  }
0xc6: {  	[sflag:s2] =	ssyncset.done @!p0 $0x0  }
0xc7: {  	[sflag:s2] =	ssyncadd.s32 @!p0 $0xFFFFC000  }
0xc8: {  	[spmem:s1] =	stream.indirect.scatter.add.f32 @!p0 [tilespmem:s8], [sflag:$0x5], $0x80, s7, s0, $0xb8;
	[tilespmem:$0x1BA80] =	vst v63  }
0xc9: {  	s31 =	sadd.s32 $0x1, s31;
	_ =	swait.ge @!p0 [sflag:s6], $0x4000  }
0xca: {  	p1 =	sne.s32 s31, s15;
	s7 =	stileid.u32;
	[sflag:s6] =	ssyncset.done @!p0 $0x0  }
0xcb: {  	s8 =	sshrl.u32 s5, $0x3;
	s0 =	sshll.u32 s7, $0x6;
	[sflag:s6] =	ssyncadd.s32 @!p0 $0xFFFFC000  }
.Ltmp2:
0xcc: {  	s0 =	sor.u32 $0x1C05, s0;
	[bflag:$0x0] =	sbarrier.arrive $0xFFFF;
	(pc) =	sbr.rel @p1 .LBB2_1-.Ltmp2, $4  }
0xcd: {  	[hbm:s14], [sflag:s0] =	dma.local [spmem:s8], $0x2780  }
0xce: {  	_ =	swait.ge [sflag:s21], $0x2780  }
0xcf: {  	[sflag:s21] =	ssyncset.done $0x0  }
0xd0: {  	[sflag:s21] =	ssyncadd.s32 $0xFFFFD880  }
0xd1: {  	_ =	sfence.sel $0x180000  }
0xd2: {  	[bflag:$0x0] =	sbarrier.arrive $0xFFFF  }
0xd3: {  	_ =	strace $0x90000050  }
0xd4: {  	[bflag:$0x2] =	sbarrier.arrive $0xFFFF  }
0xd5: {  	s0 =	rddreg [dreg:$0x2]  }
0xd6: {  	s0 =	sadd.s32 @!p0 $0x100000, s0  }
0xd7: {  	[sflag:s0] =	ssyncadd.tile.s32 @!p0 $0x1;
	_ =	shalt  }
.Lfunc_end2:
_tile_overlayer_lowered:
.L_overlay_start_2:
0xd8: {  	(tag) =	ssettag $0x2  }
0xd9: {  	s0 =	rddreg [dreg:$0x0];
	s2 =	stileid.u32  }
0xda: {  	s1 =	rddreg [dreg:$0x1];
	p0 =	sne.s32 s2, $0x0  }
0xdb: {  	s3 =	rddreg [dreg:$0x2];
	[bflag:$0x3] =	sbarrier.arrive $0xFFFF;
	s2 =	simm.s32 @!p0 $0x1C05  }
0xdc: {  	[timem:s3], [sflag:s2] =	dma.local @!p0 [hbm:s0], s1  }
0xdd: {  	s0 =	simm.s32 @!p0 $0x5  }
0xde: {  	_ =	swait.ge @!p0 [sflag:s0], s1  }
0xdf: {  	s1 =	ssub.s32 @!p0 $0x0, s1;
	[sflag:s0] =	ssyncset.done @!p0 $0x0  }
0xe0: {  	[sflag:s0] =	ssyncadd.s32 @!p0 s1  }
0xe1: {  	[bflag:$0x3] =	sbarrier.arrive $0xFFFF  }
0xe2: {  	_ =	shalt  }

// kernel: kernel.27.cloned.1.call-start
scs
__scs_entry_jumppad:
0x0: {  	(pc) =	sbr.rel $0x88, $3  }
0x1: {  	(tag) =	ssettag $0x0;
	lr =	simm.s32 $0x1  }
0x2: {  	[smem:$0x3F80] =	sst lr;
	_ =	strace $0xD0000000  }
0x3: {  	_ = 	snop  }
0x4: {  	_ = 	snop  }
0x5: {  	_ = 	snop  }
0x6: {  	_ = 	snop  }
0x7: {  	_ = 	snop  }
__scs_overlays_trampoline_lowered:
0x8: {  	[smem:$0x3F8F] =	sst s0  }
0x9: {  	[smem:$0x3F90] =	sst s1  }
0xa: {  	[smem:$0x3F91] =	sst s2  }
0xb: {  	[smem:$0x3F92] =	sst s3  }
0xc: {  	[smem:$0x3F93] =	sst s4  }
0xd: {  	[smem:$0x3F94] =	sst s5  }
0xe: {  	[smem:$0x3F95] =	sst s6  }
0xf: {  	[smem:$0x3F96] =	sst s7  }
0x10: {  	[smem:$0x3F97] =	sst s8  }
0x11: {  	[smem:$0x3F98] =	sst s9;
	s0 =	simm.s32 @!p0 $0x0  }
0x12: {  	s1 =	sld [smem:$0x3F7E];
	s0 =	simm.s32 @p0 $0x1  }
0x13: {  	[smem:$0x3F99] =	sst s0;
	s0 =	simm.s32 @!p1 $0x0  }
0x14: {  	s2 =	sld [smem:$0x3F7D];
	s0 =	simm.s32 @p1 $0x1  }
0x15: {  	[smem:$0x3F9A] =	sst s0;
	s0 =	simm.s32 @!p2 $0x0  }
0x16: {  	s3 =	sld [smem:$0x3FDB];
	s0 =	simm.s32 @p2 $0x1  }
0x17: {  	s4 =	simm.s32 $0x1BF5;
	[smem:$0x3F9C] =	sst s0  }
0x18: {  	s0 =	sld [smem:$0x3F7F];
	_ =	swait.ge [sflag:s4], $0x0  }
0x19: {  	s7 =	sld [smem:$0x3F80]  }
0x1a: {  	s8 =	sadd.s32 $0xFFFFE003, lr  }
0x1b: {  	s9 =	sadd.s32 $0xFFFFFEF7, lr;
	s5 =	simm.s32 $0xFFFFFFFF;
	p2 =	slt.u32 s8, $0xFFFFF086  }
0x1c: {  	p1 =	slt.u32 s9, $0xF7A;
	s5 =	simm.s32 @!p2 $0x0  }
0x1d: {  	s5 =	simm.s32 @p1 $0x1;
	p0 =	seq.s32 s7, s2  }
0x1e: {  	s7 =	smul.u32 @!p0 $0xF7A, s2;
	p2 =	seq.s32 @!p0 s5, $0x0  }
0x1f: {  	s9 =	smul.u32 $0xF7A, s1;
	s8 =	simm.s32 @!p0 $0x1BF5;
	p2 =	por !p2, p0  }
0x20: {  	[sflag:s8] =	ssyncset.s32 @!p0 $0xFFFFF086;
	s6 =	sadd.s32 @!p0 s3, s7;
	s7 =	simm.s32 @!p0 $0x108  }
0x21: {  	s3 =	sadd.s32 s3, s9;
	s6 =	sadd.s32 @!p0 $0x88, s6;
	s7 =	simm.s32 @p2 $0x1082  }
0x22: {  	[simem:s7], [sflag:s8] =	dma.local @!p0 [hbm:s6], $0xF7A  }
0x23: {  	s9 =	sor.u32 $0xD0000000, s2;
	s6 =	simm.s32 $0x108;
	_ =	swait.ge @!p0 [sflag:s8], $0x0  }
0x24: {  	s3 =	sadd.s32 $0x88, s3;
	s6 =	simm.s32 @!p1 $0x1082;
	[sflag:s4] =	ssyncset.s32 $0xFFFFF086  }
0x25: {  	[simem:s6], [sflag:s4] =	dma.local [hbm:s3], $0xF7A  }
0x26: {  	[smem:$0x3F80] =	sst s1;
	(tag) =	ssettag s2;
	_ =	strace s9  }
0x27: {  	s1 =	sld [smem:$0x3F90]  }
0x28: {  	s2 =	sld [smem:$0x3F91]  }
0x29: {  	s4 =	sld [smem:$0x3F93]  }
0x2a: {  	p0 =	seq.s32 s5, $0x0;
	s5 =	sld [smem:$0x3F94]  }
0x2b: {  	s6 =	sld [smem:$0x3F95]  }
0x2c: {  	s7 =	sld [smem:$0x3F96]  }
0x2d: {  	s3 =	simm.s32 $0x108;
	s8 =	sld [smem:$0x3F97]  }
0x2e: {  	s3 =	simm.s32 @!p0 $0x1082;
	s9 =	sld [smem:$0x3F98]  }
0x2f: {  	lr =	sadd.s32 s0, s3;
	s0 =	sld [smem:$0x3F8F]  }
0x30: {  	s3 =	sld [smem:$0x3F92]  }
0x31: {  	[smem:$0x3F9B] =	sst s10  }
0x32: {  	s10 =	sld [smem:$0x3F99];
	_ =	sdelay $0x3  }
0x33: {  	p0 =	seq.s32 s10, $0x1;
	s10 =	sld [smem:$0x3F9B];
	_ =	sdelay $0x3  }
0x34: {  	[smem:$0x3F9B] =	sst s10  }
0x35: {  	s10 =	sld [smem:$0x3F9A];
	_ =	sdelay $0x3  }
0x36: {  	p1 =	seq.s32 s10, $0x1;
	s10 =	sld [smem:$0x3F9B];
	_ =	sdelay $0x3  }
0x37: {  	[smem:$0x3F9B] =	sst s10  }
0x38: {  	s10 =	sld [smem:$0x3F9C]  }
0x39: {  	_ = 	snop;
	(pc) =	sbr.ind lr, $3  }
0x3a: {  	_ = 	snop  }
0x3b: {  	_ = 	snop  }
0x3c: {  	p2 =	seq.s32 s10, $0x1;
	s10 =	sld [smem:$0x3F9B]  }
0x3d: {  	_ =	shalt  }
0x3e: {  	_ =	shalt  }
0x3f: {  	_ =	shalt  }
0x40: {  	_ =	shalt  }
0x41: {  	_ =	shalt  }
0x42: {  	_ =	shalt  }
0x43: {  	_ =	shalt  }
0x44: {  	_ =	shalt  }
0x45: {  	_ =	shalt  }
0x46: {  	_ =	shalt  }
0x47: {  	_ =	shalt  }
0x48: {  	_ =	shalt  }
0x49: {  	_ =	shalt  }
0x4a: {  	_ =	shalt  }
0x4b: {  	_ =	shalt  }
0x4c: {  	_ =	shalt  }
0x4d: {  	_ =	shalt  }
0x4e: {  	_ =	shalt  }
0x4f: {  	_ =	shalt  }
0x50: {  	_ =	shalt  }
0x51: {  	_ =	shalt  }
0x52: {  	_ =	shalt  }
0x53: {  	_ =	shalt  }
0x54: {  	_ =	shalt  }
0x55: {  	_ =	shalt  }
0x56: {  	_ =	shalt  }
0x57: {  	_ =	shalt  }
0x58: {  	_ =	shalt  }
0x59: {  	_ =	shalt  }
0x5a: {  	_ =	shalt  }
0x5b: {  	_ =	shalt  }
0x5c: {  	_ =	shalt  }
0x5d: {  	_ =	shalt  }
0x5e: {  	_ =	shalt  }
0x5f: {  	_ =	shalt  }
0x60: {  	_ =	shalt  }
0x61: {  	_ =	shalt  }
0x62: {  	_ =	shalt  }
0x63: {  	_ =	shalt  }
0x64: {  	_ =	shalt  }
0x65: {  	_ =	shalt  }
0x66: {  	_ =	shalt  }
0x67: {  	_ =	shalt  }
0x68: {  	_ =	shalt  }
0x69: {  	_ =	shalt  }
0x6a: {  	_ =	shalt  }
0x6b: {  	_ =	shalt  }
0x6c: {  	_ =	shalt  }
0x6d: {  	_ =	shalt  }
0x6e: {  	_ =	shalt  }
0x6f: {  	_ =	shalt  }
0x70: {  	_ =	shalt  }
0x71: {  	_ =	shalt  }
0x72: {  	_ =	shalt  }
0x73: {  	_ =	shalt  }
0x74: {  	_ =	shalt  }
0x75: {  	_ =	shalt  }
0x76: {  	_ =	shalt  }
0x77: {  	_ =	shalt  }
0x78: {  	_ =	shalt  }
0x79: {  	_ =	shalt  }
0x7a: {  	_ =	shalt  }
0x7b: {  	_ =	shalt  }
0x7c: {  	_ =	shalt  }
0x7d: {  	_ =	shalt  }
0x7e: {  	_ =	shalt  }
0x7f: {  	_ =	shalt  }
0x80: {  	_ =	shalt  }
0x81: {  	_ =	shalt  }
0x82: {  	_ =	shalt  }
0x83: {  	_ =	shalt  }
0x84: {  	_ =	shalt  }
0x85: {  	_ =	shalt  }
0x86: {  	_ =	shalt  }
0x87: {  	_ =	shalt  }
.Lfunc_end0:
.L_simem_size_0:
called_computation.4_lowered:
.L_overlay_start_0:
0x88: {  	s2 =	sld [smem:$0x3FD9]  }
0x89: {  	s3 =	sld [smem:$0x3FFE];
	_ =	sdelay $0x1  }
0x8a: {  	s1 =	srdreg.scid  }
0x8b: {  	s0 =	sand.u32 $0x1, s1  }
0x8c: {  	s16 =	sshll.u32 s0, $0xA;
	s2 =	sadd.s32 s3, s2  }
0x8d: {  	s2 =	sadd.s32 s2, s16  }
0x8e: {  	[smem:$0x3FA7] =	sst s2  }
0x8f: {  	_ = 	snop  }
0x90: {  	(tm) =	ssettm $0x1  }
0x91: {  	s17 =	sld [smem:$0x3FFB];
	_ =	sdelay $0x3  }
0x92: {  	_ =	strace s17  }
0x93: {  	s2 =	sld [smem:$0x3FFC];
	_ =	sdelay $0x3  }
0x94: {  	_ =	strace s2  }
0x95: {  	s2 =	sld [smem:$0x3FFD];
	_ =	sdelay $0x3  }
0x96: {  	_ =	strace s2  }
0x97: {  	_ =	strace $0x8FFFFFFF  }
0x98: {  	s18 =	sld [smem:$0x3FDB];
	_ =	sdelay $0x1  }
0x99: {  	s19 =	simm.s32 $_scs_section_size  }
0x9a: {  	s4 =	simm.s32 $_size__tile_overlayer_lowered;
	s5 =	simm.s32 $_tile_overlayer_lowered  }
0x9b: {  	s22 =	simm.s32 $0x1BFF;
	s21 =	sshll.u32 s5, $0x1;
	s2 =	sadd.s32 s19, s18  }
0x9c: {  	s6 =	simm.s32 $0x0;
	s20 =	sshll.u32 s4, $0x1;
	s4 =	sadd.s32 s21, s2  }
0x9d: {  	[timem:s6], [sflag:s22] =	dma.local [hbm:s4], s20  }
0x9e: {  	_ =	swait.ge [sflag:s22], s20  }
0x9f: {  	s3 =	ssub.s32 $0x0, s20;
	[sflag:s22] =	ssyncset.done $0x0  }
0xa0: {  	[sflag:s22] =	ssyncadd.s32 s3;
	_ =	sdelay $0x1  }
0xa1: {  	s23 =	simm.s32 $0x1B8B  }
0xa2: {  	_ =	swait.ge [sflag:s23], $0x1  }
0xa3: {  	[sflag:s23] =	ssyncset.done $0x0  }
0xa4: {  	s25 =	simm.s32 $0x1B8E;
	s24 =	sld [smem:$0x3FFE];
	[sflag:s23] =	ssyncadd.s32 $0xFFFFFFFF  }
0xa5: {  	s26 =	simm.s32 $execute0_lowered;
	[smem:$0x3FD2] =	sst s25  }
0xa6: {  	s4 =	sshll.u32 s26, $0x1;
	_ =	strace $0x80000052;
	[dreg:$0x1] =	wrdreg $0xFFFFFFFF  }
0xa7: {  	s28 =	simm.s32 $_size_execute0_lowered;
	s2 =	sadd.s32 s2, s4;
	[dreg:$0x0] =	wrdreg $0x0  }
0xa8: {  	s4 =	sshll.u32 s28, $0x1;
	[dreg:$0x2] =	wrdreg s2  }
0xa9: {  	[dreg:$0x3] =	wrdreg s4  }
0xaa: {  	[dreg:$0x4] =	wrdreg $0xC0  }
0xab: {  	_ =	task [dreg:s6], $0x5FFFF  }
0xac: {  	[dreg:$0x1] =	wrdreg $0xFFFFFFFF  }
0xad: {  	[dreg:$0x0] =	wrdreg $0x60  }
0xae: {  	[dreg:$0x2] =	wrdreg s24  }
0xaf: {  	[dreg:$0x3] =	wrdreg $0x82000  }
0xb0: {  	[dreg:$0x4] =	wrdreg $0x9  }
0xb1: {  	_ =	task.clear_ibuf [dreg:s6], $0x5FFFF;
	_ =	strace $0x90000052  }
0xb2: {  	s29 =	simm.s32 $0x9;
	_ =	strace $0x80000054  }
0xb3: {  	_ =	swait.ge [sflag:s29], $0x1  }
0xb4: {  	[sflag:s29] =	ssyncadd.s32 $0xFFFFFFFF  }
0xb5: {  	_ =	strace $0x90000054  }
0xb6: {  	_ =	sfence  }
0xb7: {  	s30 =	sld [smem:$0x0];
	_ =	sdelay $0x2  }
0xb8: {  	s31 =	sshll.u32 s1, $0xD;
	s1 =	sshrl.u32 s1, $0x2  }
0xb9: {  	s3 =	sand.u32 $0x4000, s31;
	s1 =	sadd.s32 s1, s30  }
0xba: {  	s0 =	sor.u32 s3, s0;
	s1 =	sshll.u32 s1, $0x11  }
0xbb: {  	s0 =	sor.u32 s1, s0  }
0xbc: {  	s0 =	sadd.s32 $0x8F2B, s0  }
0xbd: {  	[sflag:s0] =	ssyncadd.remote.s32 $0x1  }
0xbe: {  	_ =	sfence.sel $0xFFFF  }
0xbf: {  	[dreg:$0x0] =	wrdreg $0xFFFFFFFF;
	(pc) =	sbr.abs _section_cstart, $3  }
0xc0: {  	[dreg:$0x1] =	wrdreg $0xFFFFFFFF  }
0xc1: {  	_ =	task.clear_ibuf [dreg:s6], $0x2FFFF;
	_ =	strace $0x9FFFFFFF  }
0xc2: {  	(tm) =	ssettm $0x7FFFFFFF  }
0xc3: {  	_ =	shalt  }
tec
execute0_lowered:
.L_overlay_start_1:
0x0: {  	(tag) =	ssettag $0x1  }
0x1: {  	s0 =	rddreg [dreg:$0x0]  }
0x2: {  	s1 =	rddreg [dreg:$0x1]  }
0x3: {  	s26 =	stileid.u32;
	s2 =	srdreg.scid  }
0x4: {  	s3 =	simm.s32 $0x0;
	s20 =	simm.s32 $0x200;
	s28 =	simm.s32 $0x2  }
0x5: {  	s29 =	simm.s32 $0x3;
	s30 =	simm.s32 $0x4;
	s31 =	simm.s32 $0x0  }
0x6: {  	s4 =	smul.u32 $0x278, s26;
	s2 =	sand.u32 $0x1, s2;
	[smem:$0x7FF] =	sst s3  }
0x7: {  	s19 =	sadd.s32 $0x75A200, s0;
	s18 =	sadd.s32 $0x75F200, s0;
	s8 =	sshll.u32 s26, $0x1  }
0x8: {  	s14 =	smul.u32 $0x2700, s26;
	p0 =	sne.s32 s26, $0x0;
	s26 =	simm.s32 $0x4200  }
0x9: {  	s6 =	smul.u32 $0x138800, s2;
	_ =	strace $0x80000053;
	s7 =	ssub.s32 $0x2, s2  }
0xa: {  	s8 =	sor.u32 s2, s8;
	s12 =	sshll.u32 s2, $0x4;
	s2 =	smul.u32 $0x1380, s2  }
0xb: {  	s5 =	smin.u32 s4, $0x2498;
	s4 =	sadd.s32 $0x7200, s0;
	s21 =	sshrl.u32 s7, $0x1  }
0xc: {  	s10 =	smul.u32 $0x1380, s8;
	s13 =	sor.u32 $0x4E00, s12;
	s5 =	sshll.u32 s5, $0x7  }
0xd: {  	s12 =	sadd.s32 s19, s13;
	s13 =	sadd.s32 s18, s13;
	s2 =	sadd.s32 s2, s14  }
0xe: {  	s6 =	sadd.s32 s6, s5;
	s5 =	sadd.s32 s5, s1;
	s10 =	sshrl.u32 s10, $0x3  }
0xf: {  	s25 =	sshrl.u32 s2, $0x3;
	s2 =	sadd.s32 $0x80, s2;
	s6 =	sshrl.u32 s6, $0x3  }
0x10: {  	s22 =	sadd.s32 $0x4000, s5;
	s23 =	sadd.s32 $0x8000, s5;
	s24 =	sadd.s32 $0xC000, s5  }
0x11: {  	s9 =	sadd.s32 $0x10000, s5;
	s11 =	sadd.s32 $0x260, s10;
	s16 =	sadd.s32 s25, s18  }
0x12: {  	s2 =	sshrl.u32 s2, $0x3;
	s17 =	sadd.s32 s25, s19;
	[dreg:$0x3] =	wrdreg s22  }
0x13: {  	s25 =	simm.s32 $0x1;
	s0 =	sadd.s32 s6, s0;
	[dreg:$0x4] =	wrdreg s23  }
0x14: {  	s6 =	ssub.s32 s7, s21;
	[dreg:$0x5] =	wrdreg s24;
	s10 =	sadd.s32 s19, s11  }
0x15: {  	s11 =	sadd.s32 s18, s11;
	s18 =	sadd.s32 s2, s18;
	s19 =	sadd.s32 s2, s19  }
0x16: {  	s21 =	simm.s32 $0x5;
	s22 =	simm.s32 $0x80;
	s23 =	simm.s32 $0x100  }
0x17: {  	v0 =	vimm.f32 $0.0e+00;
	s24 =	simm.s32 $0x180;
	s14 =	sadd.s32 $0x2E400, s0;
	s15 =	smax.u32 s6, $0x1  }
.LBB2_1:
0x18: {  	s0 =	simm.s32 $0x0;
	s2 =	simm.s32 $0x200  }
.LBB2_2:
0x19: {  	p1 =	sne.s32 s2, $0xFE00;
	[tilespmem:s0+$0x270] =	vst v0  }
0x1a: {  	[tilespmem:s0+$0x200] =	vst v0  }
0x1b: {  	[tilespmem:s0+$0x210] =	vst v0  }
.Ltmp0:
0x1c: {  	[tilespmem:s0+$0x220] =	vst v0;
	(pc) =	sbr.rel @p1 .LBB2_2-.Ltmp0, $4  }
0x1d: {  	[tilespmem:s0+$0x230] =	vst v0  }
0x1e: {  	[tilespmem:s0+$0x240] =	vst v0  }
0x1f: {  	[tilespmem:s0+$0x250] =	vst v0  }
0x20: {  	[tilespmem:s0+$0x260] =	vst v0;
	s0 =	sshra.s32 s2, $0x2;
	s2 =	sadd.s32 $0x200, s2  }
0x21: {  	[tilespmem:s0+$0x270] =	vst v0  }
0x22: {  	[tilespmem:s0+$0x200] =	vst v0  }
0x23: {  	[tilespmem:s0+$0x210] =	vst v0  }
0x24: {  	[tilespmem:s0+$0x220] =	vst v0  }
0x25: {  	[tilespmem:s0+$0x230] =	vst v0  }
0x26: {  	[tilespmem:s0+$0x240] =	vst v0  }
0x27: {  	[tilespmem:s0+$0x250] =	vst v0  }
0x28: {  	[tilespmem:s0+$0x260] =	vst v0  }
0x29: {  	[spmem:s5] =	stream.linear.scatter [tilespmem:s20], [sflag:$0x5], $0x4000, $0x38;
	[tilespmem:$0x1BA80] =	vst v63  }
0x2a: {  	_ =	swait.ge [sflag:s21], $0x4000  }
0x2b: {  	[sflag:s21] =	ssyncset.done $0x0  }
0x2c: {  	s6 =	rddreg [dreg:$0x3];
	[sflag:s21] =	ssyncadd.s32 $0xFFFFC000  }
0x2d: {  	[spmem:s6] =	stream.linear.scatter [tilespmem:s20], [sflag:$0x5], $0x4000, $0x38;
	[tilespmem:$0x1BA80] =	vst v63  }
0x2e: {  	_ =	swait.ge [sflag:s21], $0x4000  }
0x2f: {  	[sflag:s21] =	ssyncset.done $0x0  }
0x30: {  	s7 =	rddreg [dreg:$0x4];
	[sflag:s21] =	ssyncadd.s32 $0xFFFFC000  }
0x31: {  	[spmem:s7] =	stream.linear.scatter [tilespmem:s20], [sflag:$0x5], $0x4000, $0x38;
	[tilespmem:$0x1BA80] =	vst v63  }
0x32: {  	_ =	swait.ge [sflag:s21], $0x4000  }
0x33: {  	[sflag:s21] =	ssyncset.done $0x0  }
0x34: {  	s8 =	rddreg [dreg:$0x5];
	[sflag:s21] =	ssyncadd.s32 $0xFFFFC000  }
0x35: {  	[spmem:s8] =	stream.linear.scatter [tilespmem:s20], [sflag:$0x5], $0x4000, $0x38;
	[tilespmem:$0x1BA80] =	vst v63  }
0x36: {  	_ =	swait.ge [sflag:s21], $0x4000  }
0x37: {  	[sflag:s21] =	ssyncset.done $0x0  }
0x38: {  	[sflag:s21] =	ssyncadd.s32 $0xFFFFC000  }
0x39: {  	[spmem:s9] =	stream.linear.scatter [tilespmem:s20], [sflag:$0x5], $0x3C00, $0x38;
	[tilespmem:$0x1BA80] =	vst v63  }
0x3a: {  	_ =	swait.ge [sflag:s21], $0x3C00  }
0x3b: {  	[sflag:s21] =	ssyncset.done $0x0  }
0x3c: {  	[sflag:s21] =	ssyncadd.s32 $0xFFFFC400  }
0x3d: {  	s2 =	sadd.s32 $0x0, s17;
	[bflag:$0x0] =	sbarrier.arrive $0xFFFF  }
0x3e: {  	[tilespmem:s3], [sflag:$0x1] =	stream.linear.gather [hbm4b:s2+s3], $0x80, $0x38;
	[tilespmem:$0x1BA80] =	vst v63  }
0x3f: {  	s6 =	sadd.s32 $0x0, s16  }
0x40: {  	[tilespmem:s22], [sflag:$0x1] =	stream.linear.gather [hbm4b:s6+s3], $0x80, $0x38;
	[tilespmem:$0x1BA80] =	vst v63  }
0x41: {  	s7 =	sadd.s32 $0x0, s19  }
0x42: {  	[tilespmem:s23], [sflag:$0x1] =	stream.linear.gather [hbm4b:s7+s3], $0x80, $0x38;
	[tilespmem:$0x1BA80] =	vst v63  }
0x43: {  	s8 =	sadd.s32 $0x0, s18  }
0x44: {  	[tilespmem:s24], [sflag:$0x1] =	stream.linear.gather [hbm4b:s8+s3], $0x80, $0x38;
	[tilespmem:$0x1BA80] =	vst v63  }
0x45: {  	_ =	swait.ge [sflag:s25], $0x80  }
0x46: {  	[sflag:s25] =	ssyncset.done $0x0  }
0x47: {  	[sflag:s25] =	ssyncadd.s32 $0xFFFFFF80  }
0x48: {  	_ =	swait.ge [sflag:s25], $0x80  }
0x49: {  	[sflag:s25] =	ssyncset.done $0x0  }
0x4a: {  	[sflag:s25] =	ssyncadd.s32 $0xFFFFFF80  }
0x4b: {  	_ =	swait.ge [sflag:s25], $0x80  }
0x4c: {  	[sflag:s25] =	ssyncset.done $0x0  }
0x4d: {  	[sflag:s25] =	ssyncadd.s32 $0xFFFFFF80  }
0x4e: {  	_ =	swait.ge [sflag:s25], $0x80  }
0x4f: {  	[sflag:s25] =	ssyncset.done $0x0  }
0x50: {  	[sflag:s25] =	ssyncadd.s32 $0xFFFFFF80  }
0x51: {  	[tilespmem:s20], [sflag:$0x2] =	stream.indirect.gather [hbm4b:s4+s22], $0x80, s3, s22, $0xb8;
	[tilespmem:$0x1BA80] =	vst v63  }
0x52: {  	_ = 	snop  }
0x53: {  	[tilespmem:s26], [sflag:$0x3] =	stream.indirect.gather [hbm4b:s4+s22], $0x80, s23, s22, $0xb8;
	[tilespmem:$0x1BA80] =	vst v63  }
0x54: {  	_ =	swait.ge [sflag:s28], $0x4000  }
0x55: {  	[sflag:s28] =	ssyncset.done $0x0  }
0x56: {  	[sflag:s28] =	ssyncadd.s32 $0xFFFFC000  }
0x57: {  	[spmem:s1] =	stream.indirect.scatter.add.f32 [tilespmem:s20], [sflag:$0x4], $0x80, s22, s22, $0xb8;
	[tilespmem:$0x1BA80] =	vst v63  }
0x58: {  	_ =	swait.ge [sflag:s29], $0x4000  }
0x59: {  	[sflag:s29] =	ssyncset.done $0x0  }
0x5a: {  	[sflag:s29] =	ssyncadd.s32 $0xFFFFC000  }
0x5b: {  	[spmem:s1] =	stream.indirect.scatter.add.f32 [tilespmem:s26], [sflag:$0x4], $0x80, s24, s22, $0xb8;
	[tilespmem:$0x1BA80] =	vst v63  }
0x5c: {  	_ =	swait.ge [sflag:s30], $0x4000  }
0x5d: {  	[sflag:s30] =	ssyncset.done $0x0  }
0x5e: {  	[sflag:s30] =	ssyncadd.s32 $0xFFFFC000  }
0x5f: {  	_ =	swait.ge [sflag:s30], $0x4000  }
0x60: {  	s0 =	simm.s32 $0x20;
	s2 =	simm.s32 $0x40;
	[sflag:s30] =	ssyncset.done $0x0  }
.LBB2_4:
0x61: {  	s7 =	sadd.s32 s0, s17  }
0x62: {  	[sflag:s30] =	ssyncadd.s32 $0xFFFFC000;
	s8 =	smov.u32 s2;
	s6 =	sadd.s32 $0x20, s2  }
0x63: {  	[tilespmem:s3], [sflag:$0x1] =	stream.linear.gather [hbm4b:s7+s3], $0x80, $0x38;
	[tilespmem:$0x1BA80] =	vst v63  }
0x64: {  	p1 =	sne.s32 s2, $0x240;
	s2 =	sadd.s32 s0, s16  }
0x65: {  	[tilespmem:s22], [sflag:$0x1] =	stream.linear.gather [hbm4b:s2+s3], $0x80, $0x38;
	[tilespmem:$0x1BA80] =	vst v63  }
0x66: {  	s2 =	sadd.s32 s0, s19  }
0x67: {  	[tilespmem:s23], [sflag:$0x1] =	stream.linear.gather [hbm4b:s2+s3], $0x80, $0x38;
	[tilespmem:$0x1BA80] =	vst v63  }
0x68: {  	s2 =	sadd.s32 s0, s18;
	s0 =	smov.u32 s8  }
0x69: {  	[tilespmem:s24], [sflag:$0x1] =	stream.linear.gather [hbm4b:s2+s3], $0x80, $0x38;
	[tilespmem:$0x1BA80] =	vst v63  }
0x6a: {  	_ =	swait.ge [sflag:s25], $0x80  }
0x6b: {  	[sflag:s25] =	ssyncset.done $0x0  }
0x6c: {  	[sflag:s25] =	ssyncadd.s32 $0xFFFFFF80  }
0x6d: {  	_ =	swait.ge [sflag:s25], $0x80  }
0x6e: {  	[sflag:s25] =	ssyncset.done $0x0  }
0x6f: {  	[sflag:s25] =	ssyncadd.s32 $0xFFFFFF80  }
0x70: {  	_ =	swait.ge [sflag:s25], $0x80  }
0x71: {  	[sflag:s25] =	ssyncset.done $0x0  }
0x72: {  	[sflag:s25] =	ssyncadd.s32 $0xFFFFFF80  }
0x73: {  	_ =	swait.ge [sflag:s25], $0x80  }
0x74: {  	[sflag:s25] =	ssyncset.done $0x0  }
0x75: {  	[sflag:s25] =	ssyncadd.s32 $0xFFFFFF80  }
0x76: {  	[tilespmem:s20], [sflag:$0x2] =	stream.indirect.gather [hbm4b:s4+s22], $0x80, s3, s22, $0xb8;
	[tilespmem:$0x1BA80] =	vst v63  }
0x77: {  	_ = 	snop  }
0x78: {  	[tilespmem:s26], [sflag:$0x3] =	stream.indirect.gather [hbm4b:s4+s22], $0x80, s23, s22, $0xb8;
	[tilespmem:$0x1BA80] =	vst v63  }
0x79: {  	_ =	swait.ge [sflag:s28], $0x4000  }
0x7a: {  	[sflag:s28] =	ssyncset.done $0x0  }
0x7b: {  	[sflag:s28] =	ssyncadd.s32 $0xFFFFC000  }
0x7c: {  	[spmem:s1] =	stream.indirect.scatter.add.f32 [tilespmem:s20], [sflag:$0x4], $0x80, s22, s22, $0xb8;
	[tilespmem:$0x1BA80] =	vst v63  }
0x7d: {  	_ =	swait.ge [sflag:s29], $0x4000  }
0x7e: {  	[sflag:s29] =	ssyncset.done $0x0  }
0x7f: {  	[sflag:s29] =	ssyncadd.s32 $0xFFFFC000  }
0x80: {  	[spmem:s1] =	stream.indirect.scatter.add.f32 [tilespmem:s26], [sflag:$0x4], $0x80, s24, s22, $0xb8;
	[tilespmem:$0x1BA80] =	vst v63  }
.Ltmp1:
0x81: {  	_ =	swait.ge [sflag:s30], $0x4000;
	(pc) =	sbr.rel @p1 .LBB2_4-.Ltmp1, $4  }
0x82: {  	[sflag:s30] =	ssyncset.done $0x0  }
0x83: {  	[sflag:s30] =	ssyncadd.s32 $0xFFFFC000  }
0x84: {  	_ =	swait.ge [sflag:s30], $0x4000  }
0x85: {  	s2 =	smov.u32 s6;
	[sflag:s30] =	ssyncset.done $0x0  }
0x86: {  	s2 =	sadd.s32 s0, s17;
	[sflag:s30] =	ssyncadd.s32 $0xFFFFC000  }
0x87: {  	[tilespmem:s3], [sflag:$0x1] =	stream.linear.gather [hbm4b:s2+s3], $0x80, $0x38;
	[tilespmem:$0x1BA80] =	vst v63  }
0x88: {  	s7 =	sadd.s32 s0, s16  }
0x89: {  	[tilespmem:s22], [sflag:$0x1] =	stream.linear.gather [hbm4b:s7+s3], $0x80, $0x38;
	[tilespmem:$0x1BA80] =	vst v63  }
0x8a: {  	s8 =	sadd.s32 s0, s19  }
0x8b: {  	[tilespmem:s23], [sflag:$0x1] =	stream.linear.gather [hbm4b:s8+s3], $0x80, $0x38;
	[tilespmem:$0x1BA80] =	vst v63  }
0x8c: {  	s6 =	sadd.s32 s0, s18  }
0x8d: {  	[tilespmem:s24], [sflag:$0x1] =	stream.linear.gather [hbm4b:s6+s3], $0x80, $0x38;
	[tilespmem:$0x1BA80] =	vst v63  }
0x8e: {  	_ =	swait.ge [sflag:s25], $0x80  }
0x8f: {  	[sflag:s25] =	ssyncset.done $0x0  }
0x90: {  	[sflag:s25] =	ssyncadd.s32 $0xFFFFFF80  }
0x91: {  	_ =	swait.ge [sflag:s25], $0x80  }
0x92: {  	[sflag:s25] =	ssyncset.done $0x0  }
0x93: {  	[sflag:s25] =	ssyncadd.s32 $0xFFFFFF80  }
0x94: {  	_ =	swait.ge [sflag:s25], $0x80  }
0x95: {  	[sflag:s25] =	ssyncset.done $0x0  }
0x96: {  	[sflag:s25] =	ssyncadd.s32 $0xFFFFFF80  }
0x97: {  	_ =	swait.ge [sflag:s25], $0x80  }
0x98: {  	[sflag:s25] =	ssyncset.done $0x0  }
0x99: {  	[sflag:s25] =	ssyncadd.s32 $0xFFFFFF80  }
0x9a: {  	[tilespmem:s20], [sflag:$0x2] =	stream.indirect.gather [hbm4b:s4+s22], $0x80, s3, s22, $0xb8;
	[tilespmem:$0x1BA80] =	vst v63  }
0x9b: {  	_ = 	snop  }
0x9c: {  	[tilespmem:s26], [sflag:$0x3] =	stream.indirect.gather [hbm4b:s4+s22], $0x80, s23, s22, $0xb8;
	[tilespmem:$0x1BA80] =	vst v63  }
0x9d: {  	_ =	swait.ge [sflag:s28], $0x4000  }
0x9e: {  	[sflag:s28] =	ssyncset.done $0x0  }
0x9f: {  	[sflag:s28] =	ssyncadd.s32 $0xFFFFC000  }
0xa0: {  	[spmem:s1] =	stream.indirect.scatter.add.f32 [tilespmem:s20], [sflag:$0x4], $0x80, s22, s22, $0xb8;
	[tilespmem:$0x1BA80] =	vst v63  }
0xa1: {  	_ =	swait.ge [sflag:s29], $0x4000  }
0xa2: {  	[sflag:s29] =	ssyncset.done $0x0  }
0xa3: {  	[sflag:s29] =	ssyncadd.s32 $0xFFFFC000  }
0xa4: {  	[spmem:s1] =	stream.indirect.scatter.add.f32 [tilespmem:s26], [sflag:$0x4], $0x80, s24, s22, $0xb8;
	[tilespmem:$0x1BA80] =	vst v63  }
0xa5: {  	_ =	swait.ge [sflag:s30], $0x4000  }
0xa6: {  	[sflag:s30] =	ssyncset.done $0x0  }
0xa7: {  	[sflag:s30] =	ssyncadd.s32 $0xFFFFC000  }
0xa8: {  	_ =	swait.ge [sflag:s30], $0x4000  }
0xa9: {  	[sflag:s30] =	ssyncset.done $0x0  }
0xaa: {  	[sflag:s30] =	ssyncadd.s32 $0xFFFFC000  }
0xab: {  	[tilespmem:s3], [sflag:$0x5] =	stream.linear.gather [hbm4b:s10+s3], $0x80, $0x38;
	[tilespmem:$0x1BA80] =	vst v63  }
0xac: {  	_ =	swait.ge [sflag:s21], $0x80  }
0xad: {  	[sflag:s21] =	ssyncset.done $0x0  }
0xae: {  	[sflag:s21] =	ssyncadd.s32 $0xFFFFFF80  }
0xaf: {  	[tilespmem:s22], [sflag:$0x5] =	stream.linear.gather [hbm4b:s11+s3], $0x80, $0x38;
	[tilespmem:$0x1BA80] =	vst v63  }
0xb0: {  	_ =	swait.ge [sflag:s21], $0x80  }
0xb1: {  	[sflag:s21] =	ssyncset.done $0x0  }
0xb2: {  	[sflag:s21] =	ssyncadd.s32 $0xFFFFFF80  }
0xb3: {  	[tilespmem:s20], [sflag:$0x2] =	stream.indirect.gather [hbm4b:s4+s22], $0x80, s3, s22, $0xb8;
	[tilespmem:$0x1BA80] =	vst v63  }
0xb4: {  	_ =	swait.ge [sflag:s28], $0x4000  }
0xb5: {  	[sflag:s28] =	ssyncset.done $0x0  }
0xb6: {  	[sflag:s28] =	ssyncadd.s32 $0xFFFFC000  }
0xb7: {  	[spmem:s1] =	stream.indirect.scatter.add.f32 [tilespmem:s20], [sflag:$0x5], $0x80, s22, s22, $0xb8;
	[tilespmem:$0x1BA80] =	vst v63  }
0xb8: {  	_ =	swait.ge [sflag:s21], $0x4000  }
0xb9: {  	s0 =	simm.s32 @!p0 $0x0;
	[sflag:s21] =	ssyncset.done $0x0  }
0xba: {  	s2 =	simm.s32 @!p0 $0x100;
	s6 =	simm.s32 @!p0 $0x5;
	[sflag:s21] =	ssyncadd.s32 $0xFFFFC000  }
0xbb: {  	[tilespmem:s2], [sflag:$0x5] =	stream.linear.gather @!p0 [hbm4b:s12+s0], $0x80, $0x38;
	[tilespmem:$0x1BA80] =	vst v63  }
0xbc: {  	_ =	swait.ge @!p0 [sflag:s6], $0x80  }
0xbd: {  	[sflag:s6] =	ssyncset.done @!p0 $0x0  }
0xbe: {  	s7 =	simm.s32 @!p0 $0x180;
	[sflag:s6] =	ssyncadd.s32 @!p0 $0xFFFFFF80  }
0xbf: {  	[tilespmem:s7], [sflag:$0x5] =	stream.linear.gather @!p0 [hbm4b:s13+s0], $0x80, $0x38;
	[tilespmem:$0x1BA80] =	vst v63  }
0xc0: {  	_ =	swait.ge @!p0 [sflag:s6], $0x80  }
0xc1: {  	[sflag:s6] =	ssyncset.done @!p0 $0x0  }
0xc2: {  	s8 =	simm.s32 @!p0 $0x4200;
	s0 =	simm.s32 @!p0 $0x80;
	[sflag:s6] =	ssyncadd.s32 @!p0 $0xFFFFFF80  }
0xc3: {  	[tilespmem:s8], [sflag:$0x3] =	stream.indirect.gather @!p0 [hbm4b:s4+s0], $0x80, s2, s0, $0xb8;
	[tilespmem:$0x1BA80] =	vst v63  }
0xc4: {  	s2 =	simm.s32 @!p0 $0x3  }
0xc5: {  	_ =	swait.ge @!p0 [sflag:s2], $0x4000  }
0xc6: {  	[sflag:s2] =	ssyncset.done @!p0 $0x0  }
0xc7: {  	[sflag:s2] =	ssyncadd.s32 @!p0 $0xFFFFC000  }
0xc8: {  	[spmem:s1] =	stream.indirect.scatter.add.f32 @!p0 [tilespmem:s8], [sflag:$0x5], $0x80, s7, s0, $0xb8;
	[tilespmem:$0x1BA80] =	vst v63  }
0xc9: {  	s31 =	sadd.s32 $0x1, s31;
	_ =	swait.ge @!p0 [sflag:s6], $0x4000  }
0xca: {  	p1 =	sne.s32 s31, s15;
	s7 =	stileid.u32;
	[sflag:s6] =	ssyncset.done @!p0 $0x0  }
0xcb: {  	s8 =	sshrl.u32 s5, $0x3;
	s0 =	sshll.u32 s7, $0x6;
	[sflag:s6] =	ssyncadd.s32 @!p0 $0xFFFFC000  }
.Ltmp2:
0xcc: {  	s0 =	sor.u32 $0x1C05, s0;
	[bflag:$0x0] =	sbarrier.arrive $0xFFFF;
	(pc) =	sbr.rel @p1 .LBB2_1-.Ltmp2, $4  }
0xcd: {  	[hbm:s14], [sflag:s0] =	dma.local [spmem:s8], $0x2780  }
0xce: {  	_ =	swait.ge [sflag:s21], $0x2780  }
0xcf: {  	[sflag:s21] =	ssyncset.done $0x0  }
0xd0: {  	[sflag:s21] =	ssyncadd.s32 $0xFFFFD880  }
0xd1: {  	_ =	sfence.sel $0x180000  }
0xd2: {  	[bflag:$0x0] =	sbarrier.arrive $0xFFFF  }
0xd3: {  	_ =	strace $0x90000053  }
0xd4: {  	[bflag:$0x2] =	sbarrier.arrive $0xFFFF  }
0xd5: {  	s0 =	rddreg [dreg:$0x2]  }
0xd6: {  	s0 =	sadd.s32 @!p0 $0x100000, s0  }
0xd7: {  	[sflag:s0] =	ssyncadd.tile.s32 @!p0 $0x1;
	_ =	shalt  }
.Lfunc_end2:
_tile_overlayer_lowered:
.L_overlay_start_2:
0xd8: {  	(tag) =	ssettag $0x2  }
0xd9: {  	s0 =	rddreg [dreg:$0x0];
	s2 =	stileid.u32  }
0xda: {  	s1 =	rddreg [dreg:$0x1];
	p0 =	sne.s32 s2, $0x0  }
0xdb: {  	s3 =	rddreg [dreg:$0x2];
	[bflag:$0x3] =	sbarrier.arrive $0xFFFF;
	s2 =	simm.s32 @!p0 $0x1C05  }
0xdc: {  	[timem:s3], [sflag:s2] =	dma.local @!p0 [hbm:s0], s1  }
0xdd: {  	s0 =	simm.s32 @!p0 $0x5  }
0xde: {  	_ =	swait.ge @!p0 [sflag:s0], s1  }
0xdf: {  	s1 =	ssub.s32 @!p0 $0x0, s1;
	[sflag:s0] =	ssyncset.done @!p0 $0x0  }
0xe0: {  	[sflag:s0] =	ssyncadd.s32 @!p0 s1  }
0xe1: {  	[bflag:$0x3] =	sbarrier.arrive $0xFFFF  }
0xe2: {  	_ =	shalt  }

// kernel: kernel.30.cloned.1.call-start
scs
__scs_entry_jumppad:
0x0: {  	(pc) =	sbr.rel $0x88, $3  }
0x1: {  	(tag) =	ssettag $0x0;
	lr =	simm.s32 $0x1  }
0x2: {  	[smem:$0x3F80] =	sst lr;
	_ =	strace $0xD0000000  }
0x3: {  	_ = 	snop  }
0x4: {  	_ = 	snop  }
0x5: {  	_ = 	snop  }
0x6: {  	_ = 	snop  }
0x7: {  	_ = 	snop  }
__scs_overlays_trampoline_lowered:
0x8: {  	[smem:$0x3F8F] =	sst s0  }
0x9: {  	[smem:$0x3F90] =	sst s1  }
0xa: {  	[smem:$0x3F91] =	sst s2  }
0xb: {  	[smem:$0x3F92] =	sst s3  }
0xc: {  	[smem:$0x3F93] =	sst s4  }
0xd: {  	[smem:$0x3F94] =	sst s5  }
0xe: {  	[smem:$0x3F95] =	sst s6  }
0xf: {  	[smem:$0x3F96] =	sst s7  }
0x10: {  	[smem:$0x3F97] =	sst s8  }
0x11: {  	[smem:$0x3F98] =	sst s9;
	s0 =	simm.s32 @!p0 $0x0  }
0x12: {  	s1 =	sld [smem:$0x3F7E];
	s0 =	simm.s32 @p0 $0x1  }
0x13: {  	[smem:$0x3F99] =	sst s0;
	s0 =	simm.s32 @!p1 $0x0  }
0x14: {  	s2 =	sld [smem:$0x3F7D];
	s0 =	simm.s32 @p1 $0x1  }
0x15: {  	[smem:$0x3F9A] =	sst s0;
	s0 =	simm.s32 @!p2 $0x0  }
0x16: {  	s3 =	sld [smem:$0x3FDB];
	s0 =	simm.s32 @p2 $0x1  }
0x17: {  	s4 =	simm.s32 $0x1BF5;
	[smem:$0x3F9C] =	sst s0  }
0x18: {  	s0 =	sld [smem:$0x3F7F];
	_ =	swait.ge [sflag:s4], $0x0  }
0x19: {  	s7 =	sld [smem:$0x3F80]  }
0x1a: {  	s8 =	sadd.s32 $0xFFFFE003, lr  }
0x1b: {  	s9 =	sadd.s32 $0xFFFFFEF7, lr;
	s5 =	simm.s32 $0xFFFFFFFF;
	p2 =	slt.u32 s8, $0xFFFFF086  }
0x1c: {  	p1 =	slt.u32 s9, $0xF7A;
	s5 =	simm.s32 @!p2 $0x0  }
0x1d: {  	s5 =	simm.s32 @p1 $0x1;
	p0 =	seq.s32 s7, s2  }
0x1e: {  	s7 =	smul.u32 @!p0 $0xF7A, s2;
	p2 =	seq.s32 @!p0 s5, $0x0  }
0x1f: {  	s9 =	smul.u32 $0xF7A, s1;
	s8 =	simm.s32 @!p0 $0x1BF5;
	p2 =	por !p2, p0  }
0x20: {  	[sflag:s8] =	ssyncset.s32 @!p0 $0xFFFFF086;
	s6 =	sadd.s32 @!p0 s3, s7;
	s7 =	simm.s32 @!p0 $0x108  }
0x21: {  	s3 =	sadd.s32 s3, s9;
	s6 =	sadd.s32 @!p0 $0x88, s6;
	s7 =	simm.s32 @p2 $0x1082  }
0x22: {  	[simem:s7], [sflag:s8] =	dma.local @!p0 [hbm:s6], $0xF7A  }
0x23: {  	s9 =	sor.u32 $0xD0000000, s2;
	s6 =	simm.s32 $0x108;
	_ =	swait.ge @!p0 [sflag:s8], $0x0  }
0x24: {  	s3 =	sadd.s32 $0x88, s3;
	s6 =	simm.s32 @!p1 $0x1082;
	[sflag:s4] =	ssyncset.s32 $0xFFFFF086  }
0x25: {  	[simem:s6], [sflag:s4] =	dma.local [hbm:s3], $0xF7A  }
0x26: {  	[smem:$0x3F80] =	sst s1;
	(tag) =	ssettag s2;
	_ =	strace s9  }
0x27: {  	s1 =	sld [smem:$0x3F90]  }
0x28: {  	s2 =	sld [smem:$0x3F91]  }
0x29: {  	s4 =	sld [smem:$0x3F93]  }
0x2a: {  	p0 =	seq.s32 s5, $0x0;
	s5 =	sld [smem:$0x3F94]  }
0x2b: {  	s6 =	sld [smem:$0x3F95]  }
0x2c: {  	s7 =	sld [smem:$0x3F96]  }
0x2d: {  	s3 =	simm.s32 $0x108;
	s8 =	sld [smem:$0x3F97]  }
0x2e: {  	s3 =	simm.s32 @!p0 $0x1082;
	s9 =	sld [smem:$0x3F98]  }
0x2f: {  	lr =	sadd.s32 s0, s3;
	s0 =	sld [smem:$0x3F8F]  }
0x30: {  	s3 =	sld [smem:$0x3F92]  }
0x31: {  	[smem:$0x3F9B] =	sst s10  }
0x32: {  	s10 =	sld [smem:$0x3F99];
	_ =	sdelay $0x3  }
0x33: {  	p0 =	seq.s32 s10, $0x1;
	s10 =	sld [smem:$0x3F9B];
	_ =	sdelay $0x3  }
0x34: {  	[smem:$0x3F9B] =	sst s10  }
0x35: {  	s10 =	sld [smem:$0x3F9A];
	_ =	sdelay $0x3  }
0x36: {  	p1 =	seq.s32 s10, $0x1;
	s10 =	sld [smem:$0x3F9B];
	_ =	sdelay $0x3  }
0x37: {  	[smem:$0x3F9B] =	sst s10  }
0x38: {  	s10 =	sld [smem:$0x3F9C]  }
0x39: {  	_ = 	snop;
	(pc) =	sbr.ind lr, $3  }
0x3a: {  	_ = 	snop  }
0x3b: {  	_ = 	snop  }
0x3c: {  	p2 =	seq.s32 s10, $0x1;
	s10 =	sld [smem:$0x3F9B]  }
0x3d: {  	_ =	shalt  }
0x3e: {  	_ =	shalt  }
0x3f: {  	_ =	shalt  }
0x40: {  	_ =	shalt  }
0x41: {  	_ =	shalt  }
0x42: {  	_ =	shalt  }
0x43: {  	_ =	shalt  }
0x44: {  	_ =	shalt  }
0x45: {  	_ =	shalt  }
0x46: {  	_ =	shalt  }
0x47: {  	_ =	shalt  }
0x48: {  	_ =	shalt  }
0x49: {  	_ =	shalt  }
0x4a: {  	_ =	shalt  }
0x4b: {  	_ =	shalt  }
0x4c: {  	_ =	shalt  }
0x4d: {  	_ =	shalt  }
0x4e: {  	_ =	shalt  }
0x4f: {  	_ =	shalt  }
0x50: {  	_ =	shalt  }
0x51: {  	_ =	shalt  }
0x52: {  	_ =	shalt  }
0x53: {  	_ =	shalt  }
0x54: {  	_ =	shalt  }
0x55: {  	_ =	shalt  }
0x56: {  	_ =	shalt  }
0x57: {  	_ =	shalt  }
0x58: {  	_ =	shalt  }
0x59: {  	_ =	shalt  }
0x5a: {  	_ =	shalt  }
0x5b: {  	_ =	shalt  }
0x5c: {  	_ =	shalt  }
0x5d: {  	_ =	shalt  }
0x5e: {  	_ =	shalt  }
0x5f: {  	_ =	shalt  }
0x60: {  	_ =	shalt  }
0x61: {  	_ =	shalt  }
0x62: {  	_ =	shalt  }
0x63: {  	_ =	shalt  }
0x64: {  	_ =	shalt  }
0x65: {  	_ =	shalt  }
0x66: {  	_ =	shalt  }
0x67: {  	_ =	shalt  }
0x68: {  	_ =	shalt  }
0x69: {  	_ =	shalt  }
0x6a: {  	_ =	shalt  }
0x6b: {  	_ =	shalt  }
0x6c: {  	_ =	shalt  }
0x6d: {  	_ =	shalt  }
0x6e: {  	_ =	shalt  }
0x6f: {  	_ =	shalt  }
0x70: {  	_ =	shalt  }
0x71: {  	_ =	shalt  }
0x72: {  	_ =	shalt  }
0x73: {  	_ =	shalt  }
0x74: {  	_ =	shalt  }
0x75: {  	_ =	shalt  }
0x76: {  	_ =	shalt  }
0x77: {  	_ =	shalt  }
0x78: {  	_ =	shalt  }
0x79: {  	_ =	shalt  }
0x7a: {  	_ =	shalt  }
0x7b: {  	_ =	shalt  }
0x7c: {  	_ =	shalt  }
0x7d: {  	_ =	shalt  }
0x7e: {  	_ =	shalt  }
0x7f: {  	_ =	shalt  }
0x80: {  	_ =	shalt  }
0x81: {  	_ =	shalt  }
0x82: {  	_ =	shalt  }
0x83: {  	_ =	shalt  }
0x84: {  	_ =	shalt  }
0x85: {  	_ =	shalt  }
0x86: {  	_ =	shalt  }
0x87: {  	_ =	shalt  }
.Lfunc_end0:
.L_simem_size_0:
called_computation.5_lowered:
.L_overlay_start_0:
0x88: {  	s2 =	sld [smem:$0x3FD9]  }
0x89: {  	s3 =	sld [smem:$0x3FFE];
	_ =	sdelay $0x1  }
0x8a: {  	s1 =	srdreg.scid  }
0x8b: {  	s0 =	sand.u32 $0x1, s1  }
0x8c: {  	s16 =	sshll.u32 s0, $0xA;
	s2 =	sadd.s32 s3, s2  }
0x8d: {  	s2 =	sadd.s32 s2, s16  }
0x8e: {  	[smem:$0x3FA7] =	sst s2  }
0x8f: {  	_ = 	snop  }
0x90: {  	(tm) =	ssettm $0x1  }
0x91: {  	s17 =	sld [smem:$0x3FFB];
	_ =	sdelay $0x3  }
0x92: {  	_ =	strace s17  }
0x93: {  	s2 =	sld [smem:$0x3FFC];
	_ =	sdelay $0x3  }
0x94: {  	_ =	strace s2  }
0x95: {  	s2 =	sld [smem:$0x3FFD];
	_ =	sdelay $0x3  }
0x96: {  	_ =	strace s2  }
0x97: {  	_ =	strace $0x8FFFFFFF  }
0x98: {  	s18 =	sld [smem:$0x3FDB];
	_ =	sdelay $0x1  }
0x99: {  	s19 =	simm.s32 $_scs_section_size  }
0x9a: {  	s4 =	simm.s32 $_size__tile_overlayer_lowered;
	s5 =	simm.s32 $_tile_overlayer_lowered  }
0x9b: {  	s22 =	simm.s32 $0x1BFF;
	s21 =	sshll.u32 s5, $0x1;
	s2 =	sadd.s32 s19, s18  }
0x9c: {  	s6 =	simm.s32 $0x0;
	s20 =	sshll.u32 s4, $0x1;
	s4 =	sadd.s32 s21, s2  }
0x9d: {  	[timem:s6], [sflag:s22] =	dma.local [hbm:s4], s20  }
0x9e: {  	_ =	swait.ge [sflag:s22], s20  }
0x9f: {  	s3 =	ssub.s32 $0x0, s20;
	[sflag:s22] =	ssyncset.done $0x0  }
0xa0: {  	[sflag:s22] =	ssyncadd.s32 s3;
	_ =	sdelay $0x1  }
0xa1: {  	s23 =	simm.s32 $0x1B8B  }
0xa2: {  	_ =	swait.ge [sflag:s23], $0x1  }
0xa3: {  	[sflag:s23] =	ssyncset.done $0x0  }
0xa4: {  	s25 =	simm.s32 $0x1B8E;
	s24 =	sld [smem:$0x3FFE];
	[sflag:s23] =	ssyncadd.s32 $0xFFFFFFFF  }
0xa5: {  	s26 =	simm.s32 $execute0_lowered;
	[smem:$0x3FD2] =	sst s25  }
0xa6: {  	s4 =	sshll.u32 s26, $0x1;
	_ =	strace $0x80000055;
	[dreg:$0x1] =	wrdreg $0xFFFFFFFF  }
0xa7: {  	s28 =	simm.s32 $_size_execute0_lowered;
	s2 =	sadd.s32 s2, s4;
	[dreg:$0x0] =	wrdreg $0x0  }
0xa8: {  	s4 =	sshll.u32 s28, $0x1;
	[dreg:$0x2] =	wrdreg s2  }
0xa9: {  	[dreg:$0x3] =	wrdreg s4  }
0xaa: {  	[dreg:$0x4] =	wrdreg $0xC0  }
0xab: {  	_ =	task [dreg:s6], $0x5FFFF  }
0xac: {  	[dreg:$0x1] =	wrdreg $0xFFFFFFFF  }
0xad: {  	[dreg:$0x0] =	wrdreg $0x60  }
0xae: {  	[dreg:$0x2] =	wrdreg s24  }
0xaf: {  	[dreg:$0x3] =	wrdreg $0x82000  }
0xb0: {  	[dreg:$0x4] =	wrdreg $0x9  }
0xb1: {  	_ =	task.clear_ibuf [dreg:s6], $0x5FFFF;
	_ =	strace $0x90000055  }
0xb2: {  	s29 =	simm.s32 $0x9;
	_ =	strace $0x80000057  }
0xb3: {  	_ =	swait.ge [sflag:s29], $0x1  }
0xb4: {  	[sflag:s29] =	ssyncadd.s32 $0xFFFFFFFF  }
0xb5: {  	_ =	strace $0x90000057  }
0xb6: {  	_ =	sfence  }
0xb7: {  	s30 =	sld [smem:$0x0];
	_ =	sdelay $0x2  }
0xb8: {  	s31 =	sshll.u32 s1, $0xD;
	s1 =	sshrl.u32 s1, $0x2  }
0xb9: {  	s3 =	sand.u32 $0x4000, s31;
	s1 =	sadd.s32 s1, s30  }
0xba: {  	s0 =	sor.u32 s3, s0;
	s1 =	sshll.u32 s1, $0x11  }
0xbb: {  	s0 =	sor.u32 s1, s0  }
0xbc: {  	s0 =	sadd.s32 $0x8F2B, s0  }
0xbd: {  	[sflag:s0] =	ssyncadd.remote.s32 $0x1  }
0xbe: {  	_ =	sfence.sel $0xFFFF  }
0xbf: {  	[dreg:$0x0] =	wrdreg $0xFFFFFFFF;
	(pc) =	sbr.abs _section_cstart, $3  }
0xc0: {  	[dreg:$0x1] =	wrdreg $0xFFFFFFFF  }
0xc1: {  	_ =	task.clear_ibuf [dreg:s6], $0x2FFFF;
	_ =	strace $0x9FFFFFFF  }
0xc2: {  	(tm) =	ssettm $0x7FFFFFFF  }
0xc3: {  	_ =	shalt  }
tec
execute0_lowered:
.L_overlay_start_1:
0x0: {  	(tag) =	ssettag $0x1  }
0x1: {  	s0 =	rddreg [dreg:$0x0]  }
0x2: {  	s1 =	rddreg [dreg:$0x1]  }
0x3: {  	s26 =	stileid.u32;
	s2 =	srdreg.scid  }
0x4: {  	s3 =	simm.s32 $0x0;
	s20 =	simm.s32 $0x200;
	s28 =	simm.s32 $0x2  }
0x5: {  	s29 =	simm.s32 $0x3;
	s30 =	simm.s32 $0x4;
	s31 =	simm.s32 $0x0  }
0x6: {  	s4 =	smul.u32 $0x278, s26;
	s2 =	sand.u32 $0x1, s2;
	[smem:$0x7FF] =	sst s3  }
0x7: {  	s19 =	sadd.s32 $0x75A200, s0;
	s18 =	sadd.s32 $0x75F200, s0;
	s8 =	sshll.u32 s26, $0x1  }
0x8: {  	s14 =	smul.u32 $0x2700, s26;
	p0 =	sne.s32 s26, $0x0;
	s26 =	simm.s32 $0x4200  }
0x9: {  	s6 =	smul.u32 $0x138800, s2;
	_ =	strace $0x80000056;
	s7 =	ssub.s32 $0x2, s2  }
0xa: {  	s8 =	sor.u32 s2, s8;
	s12 =	sshll.u32 s2, $0x4;
	s2 =	smul.u32 $0x1380, s2  }
0xb: {  	s5 =	smin.u32 s4, $0x2498;
	s4 =	sadd.s32 $0x7200, s0;
	s21 =	sshrl.u32 s7, $0x1  }
0xc: {  	s10 =	smul.u32 $0x1380, s8;
	s13 =	sor.u32 $0x4E00, s12;
	s5 =	sshll.u32 s5, $0x7  }
0xd: {  	s12 =	sadd.s32 s19, s13;
	s13 =	sadd.s32 s18, s13;
	s2 =	sadd.s32 s2, s14  }
0xe: {  	s6 =	sadd.s32 s6, s5;
	s5 =	sadd.s32 s5, s1;
	s10 =	sshrl.u32 s10, $0x3  }
0xf: {  	s25 =	sshrl.u32 s2, $0x3;
	s2 =	sadd.s32 $0x80, s2;
	s6 =	sshrl.u32 s6, $0x3  }
0x10: {  	s22 =	sadd.s32 $0x4000, s5;
	s23 =	sadd.s32 $0x8000, s5;
	s24 =	sadd.s32 $0xC000, s5  }
0x11: {  	s9 =	sadd.s32 $0x10000, s5;
	s11 =	sadd.s32 $0x260, s10;
	s16 =	sadd.s32 s25, s18  }
0x12: {  	s2 =	sshrl.u32 s2, $0x3;
	s17 =	sadd.s32 s25, s19;
	[dreg:$0x3] =	wrdreg s22  }
0x13: {  	s25 =	simm.s32 $0x1;
	s0 =	sadd.s32 s6, s0;
	[dreg:$0x4] =	wrdreg s23  }
0x14: {  	s6 =	ssub.s32 s7, s21;
	[dreg:$0x5] =	wrdreg s24;
	s10 =	sadd.s32 s19, s11  }
0x15: {  	s11 =	sadd.s32 s18, s11;
	s18 =	sadd.s32 s2, s18;
	s19 =	sadd.s32 s2, s19  }
0x16: {  	s21 =	simm.s32 $0x5;
	s22 =	simm.s32 $0x80;
	s23 =	simm.s32 $0x100  }
0x17: {  	v0 =	vimm.f32 $0.0e+00;
	s24 =	simm.s32 $0x180;
	s14 =	sadd.s32 $0x2E400, s0;
	s15 =	smax.u32 s6, $0x1  }
.LBB2_1:
0x18: {  	s0 =	simm.s32 $0x0;
	s2 =	simm.s32 $0x200  }
.LBB2_2:
0x19: {  	p1 =	sne.s32 s2, $0xFE00;
	[tilespmem:s0+$0x270] =	vst v0  }
0x1a: {  	[tilespmem:s0+$0x200] =	vst v0  }
0x1b: {  	[tilespmem:s0+$0x210] =	vst v0  }
.Ltmp0:
0x1c: {  	[tilespmem:s0+$0x220] =	vst v0;
	(pc) =	sbr.rel @p1 .LBB2_2-.Ltmp0, $4  }
0x1d: {  	[tilespmem:s0+$0x230] =	vst v0  }
0x1e: {  	[tilespmem:s0+$0x240] =	vst v0  }
0x1f: {  	[tilespmem:s0+$0x250] =	vst v0  }
0x20: {  	[tilespmem:s0+$0x260] =	vst v0;
	s0 =	sshra.s32 s2, $0x2;
	s2 =	sadd.s32 $0x200, s2  }
0x21: {  	[tilespmem:s0+$0x270] =	vst v0  }
0x22: {  	[tilespmem:s0+$0x200] =	vst v0  }
0x23: {  	[tilespmem:s0+$0x210] =	vst v0  }
0x24: {  	[tilespmem:s0+$0x220] =	vst v0  }
0x25: {  	[tilespmem:s0+$0x230] =	vst v0  }
0x26: {  	[tilespmem:s0+$0x240] =	vst v0  }
0x27: {  	[tilespmem:s0+$0x250] =	vst v0  }
0x28: {  	[tilespmem:s0+$0x260] =	vst v0  }
0x29: {  	[spmem:s5] =	stream.linear.scatter [tilespmem:s20], [sflag:$0x5], $0x4000, $0x38;
	[tilespmem:$0x1BA80] =	vst v63  }
0x2a: {  	_ =	swait.ge [sflag:s21], $0x4000  }
0x2b: {  	[sflag:s21] =	ssyncset.done $0x0  }
0x2c: {  	s6 =	rddreg [dreg:$0x3];
	[sflag:s21] =	ssyncadd.s32 $0xFFFFC000  }
0x2d: {  	[spmem:s6] =	stream.linear.scatter [tilespmem:s20], [sflag:$0x5], $0x4000, $0x38;
	[tilespmem:$0x1BA80] =	vst v63  }
0x2e: {  	_ =	swait.ge [sflag:s21], $0x4000  }
0x2f: {  	[sflag:s21] =	ssyncset.done $0x0  }
0x30: {  	s7 =	rddreg [dreg:$0x4];
	[sflag:s21] =	ssyncadd.s32 $0xFFFFC000  }
0x31: {  	[spmem:s7] =	stream.linear.scatter [tilespmem:s20], [sflag:$0x5], $0x4000, $0x38;
	[tilespmem:$0x1BA80] =	vst v63  }
0x32: {  	_ =	swait.ge [sflag:s21], $0x4000  }
0x33: {  	[sflag:s21] =	ssyncset.done $0x0  }
0x34: {  	s8 =	rddreg [dreg:$0x5];
	[sflag:s21] =	ssyncadd.s32 $0xFFFFC000  }
0x35: {  	[spmem:s8] =	stream.linear.scatter [tilespmem:s20], [sflag:$0x5], $0x4000, $0x38;
	[tilespmem:$0x1BA80] =	vst v63  }
0x36: {  	_ =	swait.ge [sflag:s21], $0x4000  }
0x37: {  	[sflag:s21] =	ssyncset.done $0x0  }
0x38: {  	[sflag:s21] =	ssyncadd.s32 $0xFFFFC000  }
0x39: {  	[spmem:s9] =	stream.linear.scatter [tilespmem:s20], [sflag:$0x5], $0x3C00, $0x38;
	[tilespmem:$0x1BA80] =	vst v63  }
0x3a: {  	_ =	swait.ge [sflag:s21], $0x3C00  }
0x3b: {  	[sflag:s21] =	ssyncset.done $0x0  }
0x3c: {  	[sflag:s21] =	ssyncadd.s32 $0xFFFFC400  }
0x3d: {  	s2 =	sadd.s32 $0x0, s17;
	[bflag:$0x0] =	sbarrier.arrive $0xFFFF  }
0x3e: {  	[tilespmem:s3], [sflag:$0x1] =	stream.linear.gather [hbm4b:s2+s3], $0x80, $0x38;
	[tilespmem:$0x1BA80] =	vst v63  }
0x3f: {  	s6 =	sadd.s32 $0x0, s16  }
0x40: {  	[tilespmem:s22], [sflag:$0x1] =	stream.linear.gather [hbm4b:s6+s3], $0x80, $0x38;
	[tilespmem:$0x1BA80] =	vst v63  }
0x41: {  	s7 =	sadd.s32 $0x0, s19  }
0x42: {  	[tilespmem:s23], [sflag:$0x1] =	stream.linear.gather [hbm4b:s7+s3], $0x80, $0x38;
	[tilespmem:$0x1BA80] =	vst v63  }
0x43: {  	s8 =	sadd.s32 $0x0, s18  }
0x44: {  	[tilespmem:s24], [sflag:$0x1] =	stream.linear.gather [hbm4b:s8+s3], $0x80, $0x38;
	[tilespmem:$0x1BA80] =	vst v63  }
0x45: {  	_ =	swait.ge [sflag:s25], $0x80  }
0x46: {  	[sflag:s25] =	ssyncset.done $0x0  }
0x47: {  	[sflag:s25] =	ssyncadd.s32 $0xFFFFFF80  }
0x48: {  	_ =	swait.ge [sflag:s25], $0x80  }
0x49: {  	[sflag:s25] =	ssyncset.done $0x0  }
0x4a: {  	[sflag:s25] =	ssyncadd.s32 $0xFFFFFF80  }
0x4b: {  	_ =	swait.ge [sflag:s25], $0x80  }
0x4c: {  	[sflag:s25] =	ssyncset.done $0x0  }
0x4d: {  	[sflag:s25] =	ssyncadd.s32 $0xFFFFFF80  }
0x4e: {  	_ =	swait.ge [sflag:s25], $0x80  }
0x4f: {  	[sflag:s25] =	ssyncset.done $0x0  }
0x50: {  	[sflag:s25] =	ssyncadd.s32 $0xFFFFFF80  }
0x51: {  	[tilespmem:s20], [sflag:$0x2] =	stream.indirect.gather [hbm4b:s4+s22], $0x80, s3, s22, $0xb8;
	[tilespmem:$0x1BA80] =	vst v63  }
0x52: {  	_ = 	snop  }
0x53: {  	[tilespmem:s26], [sflag:$0x3] =	stream.indirect.gather [hbm4b:s4+s22], $0x80, s23, s22, $0xb8;
	[tilespmem:$0x1BA80] =	vst v63  }
0x54: {  	_ =	swait.ge [sflag:s28], $0x4000  }
0x55: {  	[sflag:s28] =	ssyncset.done $0x0  }
0x56: {  	[sflag:s28] =	ssyncadd.s32 $0xFFFFC000  }
0x57: {  	[spmem:s1] =	stream.indirect.scatter.add.f32 [tilespmem:s20], [sflag:$0x4], $0x80, s22, s22, $0xb8;
	[tilespmem:$0x1BA80] =	vst v63  }
0x58: {  	_ =	swait.ge [sflag:s29], $0x4000  }
0x59: {  	[sflag:s29] =	ssyncset.done $0x0  }
0x5a: {  	[sflag:s29] =	ssyncadd.s32 $0xFFFFC000  }
0x5b: {  	[spmem:s1] =	stream.indirect.scatter.add.f32 [tilespmem:s26], [sflag:$0x4], $0x80, s24, s22, $0xb8;
	[tilespmem:$0x1BA80] =	vst v63  }
0x5c: {  	_ =	swait.ge [sflag:s30], $0x4000  }
0x5d: {  	[sflag:s30] =	ssyncset.done $0x0  }
0x5e: {  	[sflag:s30] =	ssyncadd.s32 $0xFFFFC000  }
0x5f: {  	_ =	swait.ge [sflag:s30], $0x4000  }
0x60: {  	s0 =	simm.s32 $0x20;
	s2 =	simm.s32 $0x40;
	[sflag:s30] =	ssyncset.done $0x0  }
.LBB2_4:
0x61: {  	s7 =	sadd.s32 s0, s17  }
0x62: {  	[sflag:s30] =	ssyncadd.s32 $0xFFFFC000;
	s8 =	smov.u32 s2;
	s6 =	sadd.s32 $0x20, s2  }
0x63: {  	[tilespmem:s3], [sflag:$0x1] =	stream.linear.gather [hbm4b:s7+s3], $0x80, $0x38;
	[tilespmem:$0x1BA80] =	vst v63  }
0x64: {  	p1 =	sne.s32 s2, $0x240;
	s2 =	sadd.s32 s0, s16  }
0x65: {  	[tilespmem:s22], [sflag:$0x1] =	stream.linear.gather [hbm4b:s2+s3], $0x80, $0x38;
	[tilespmem:$0x1BA80] =	vst v63  }
0x66: {  	s2 =	sadd.s32 s0, s19  }
0x67: {  	[tilespmem:s23], [sflag:$0x1] =	stream.linear.gather [hbm4b:s2+s3], $0x80, $0x38;
	[tilespmem:$0x1BA80] =	vst v63  }
0x68: {  	s2 =	sadd.s32 s0, s18;
	s0 =	smov.u32 s8  }
0x69: {  	[tilespmem:s24], [sflag:$0x1] =	stream.linear.gather [hbm4b:s2+s3], $0x80, $0x38;
	[tilespmem:$0x1BA80] =	vst v63  }
0x6a: {  	_ =	swait.ge [sflag:s25], $0x80  }
0x6b: {  	[sflag:s25] =	ssyncset.done $0x0  }
0x6c: {  	[sflag:s25] =	ssyncadd.s32 $0xFFFFFF80  }
0x6d: {  	_ =	swait.ge [sflag:s25], $0x80  }
0x6e: {  	[sflag:s25] =	ssyncset.done $0x0  }
0x6f: {  	[sflag:s25] =	ssyncadd.s32 $0xFFFFFF80  }
0x70: {  	_ =	swait.ge [sflag:s25], $0x80  }
0x71: {  	[sflag:s25] =	ssyncset.done $0x0  }
0x72: {  	[sflag:s25] =	ssyncadd.s32 $0xFFFFFF80  }
0x73: {  	_ =	swait.ge [sflag:s25], $0x80  }
0x74: {  	[sflag:s25] =	ssyncset.done $0x0  }
0x75: {  	[sflag:s25] =	ssyncadd.s32 $0xFFFFFF80  }
0x76: {  	[tilespmem:s20], [sflag:$0x2] =	stream.indirect.gather [hbm4b:s4+s22], $0x80, s3, s22, $0xb8;
	[tilespmem:$0x1BA80] =	vst v63  }
0x77: {  	_ = 	snop  }
0x78: {  	[tilespmem:s26], [sflag:$0x3] =	stream.indirect.gather [hbm4b:s4+s22], $0x80, s23, s22, $0xb8;
	[tilespmem:$0x1BA80] =	vst v63  }
0x79: {  	_ =	swait.ge [sflag:s28], $0x4000  }
0x7a: {  	[sflag:s28] =	ssyncset.done $0x0  }
0x7b: {  	[sflag:s28] =	ssyncadd.s32 $0xFFFFC000  }
0x7c: {  	[spmem:s1] =	stream.indirect.scatter.add.f32 [tilespmem:s20], [sflag:$0x4], $0x80, s22, s22, $0xb8;
	[tilespmem:$0x1BA80] =	vst v63  }
0x7d: {  	_ =	swait.ge [sflag:s29], $0x4000  }
0x7e: {  	[sflag:s29] =	ssyncset.done $0x0  }
0x7f: {  	[sflag:s29] =	ssyncadd.s32 $0xFFFFC000  }
0x80: {  	[spmem:s1] =	stream.indirect.scatter.add.f32 [tilespmem:s26], [sflag:$0x4], $0x80, s24, s22, $0xb8;
	[tilespmem:$0x1BA80] =	vst v63  }
.Ltmp1:
0x81: {  	_ =	swait.ge [sflag:s30], $0x4000;
	(pc) =	sbr.rel @p1 .LBB2_4-.Ltmp1, $4  }
0x82: {  	[sflag:s30] =	ssyncset.done $0x0  }
0x83: {  	[sflag:s30] =	ssyncadd.s32 $0xFFFFC000  }
0x84: {  	_ =	swait.ge [sflag:s30], $0x4000  }
0x85: {  	s2 =	smov.u32 s6;
	[sflag:s30] =	ssyncset.done $0x0  }
0x86: {  	s2 =	sadd.s32 s0, s17;
	[sflag:s30] =	ssyncadd.s32 $0xFFFFC000  }
0x87: {  	[tilespmem:s3], [sflag:$0x1] =	stream.linear.gather [hbm4b:s2+s3], $0x80, $0x38;
	[tilespmem:$0x1BA80] =	vst v63  }
0x88: {  	s7 =	sadd.s32 s0, s16  }
0x89: {  	[tilespmem:s22], [sflag:$0x1] =	stream.linear.gather [hbm4b:s7+s3], $0x80, $0x38;
	[tilespmem:$0x1BA80] =	vst v63  }
0x8a: {  	s8 =	sadd.s32 s0, s19  }
0x8b: {  	[tilespmem:s23], [sflag:$0x1] =	stream.linear.gather [hbm4b:s8+s3], $0x80, $0x38;
	[tilespmem:$0x1BA80] =	vst v63  }
0x8c: {  	s6 =	sadd.s32 s0, s18  }
0x8d: {  	[tilespmem:s24], [sflag:$0x1] =	stream.linear.gather [hbm4b:s6+s3], $0x80, $0x38;
	[tilespmem:$0x1BA80] =	vst v63  }
0x8e: {  	_ =	swait.ge [sflag:s25], $0x80  }
0x8f: {  	[sflag:s25] =	ssyncset.done $0x0  }
0x90: {  	[sflag:s25] =	ssyncadd.s32 $0xFFFFFF80  }
0x91: {  	_ =	swait.ge [sflag:s25], $0x80  }
0x92: {  	[sflag:s25] =	ssyncset.done $0x0  }
0x93: {  	[sflag:s25] =	ssyncadd.s32 $0xFFFFFF80  }
0x94: {  	_ =	swait.ge [sflag:s25], $0x80  }
0x95: {  	[sflag:s25] =	ssyncset.done $0x0  }
0x96: {  	[sflag:s25] =	ssyncadd.s32 $0xFFFFFF80  }
0x97: {  	_ =	swait.ge [sflag:s25], $0x80  }
0x98: {  	[sflag:s25] =	ssyncset.done $0x0  }
0x99: {  	[sflag:s25] =	ssyncadd.s32 $0xFFFFFF80  }
0x9a: {  	[tilespmem:s20], [sflag:$0x2] =	stream.indirect.gather [hbm4b:s4+s22], $0x80, s3, s22, $0xb8;
	[tilespmem:$0x1BA80] =	vst v63  }
0x9b: {  	_ = 	snop  }
0x9c: {  	[tilespmem:s26], [sflag:$0x3] =	stream.indirect.gather [hbm4b:s4+s22], $0x80, s23, s22, $0xb8;
	[tilespmem:$0x1BA80] =	vst v63  }
0x9d: {  	_ =	swait.ge [sflag:s28], $0x4000  }
0x9e: {  	[sflag:s28] =	ssyncset.done $0x0  }
0x9f: {  	[sflag:s28] =	ssyncadd.s32 $0xFFFFC000  }
0xa0: {  	[spmem:s1] =	stream.indirect.scatter.add.f32 [tilespmem:s20], [sflag:$0x4], $0x80, s22, s22, $0xb8;
	[tilespmem:$0x1BA80] =	vst v63  }
0xa1: {  	_ =	swait.ge [sflag:s29], $0x4000  }
0xa2: {  	[sflag:s29] =	ssyncset.done $0x0  }
0xa3: {  	[sflag:s29] =	ssyncadd.s32 $0xFFFFC000  }
0xa4: {  	[spmem:s1] =	stream.indirect.scatter.add.f32 [tilespmem:s26], [sflag:$0x4], $0x80, s24, s22, $0xb8;
	[tilespmem:$0x1BA80] =	vst v63  }
0xa5: {  	_ =	swait.ge [sflag:s30], $0x4000  }
0xa6: {  	[sflag:s30] =	ssyncset.done $0x0  }
0xa7: {  	[sflag:s30] =	ssyncadd.s32 $0xFFFFC000  }
0xa8: {  	_ =	swait.ge [sflag:s30], $0x4000  }
0xa9: {  	[sflag:s30] =	ssyncset.done $0x0  }
0xaa: {  	[sflag:s30] =	ssyncadd.s32 $0xFFFFC000  }
0xab: {  	[tilespmem:s3], [sflag:$0x5] =	stream.linear.gather [hbm4b:s10+s3], $0x80, $0x38;
	[tilespmem:$0x1BA80] =	vst v63  }
0xac: {  	_ =	swait.ge [sflag:s21], $0x80  }
0xad: {  	[sflag:s21] =	ssyncset.done $0x0  }
0xae: {  	[sflag:s21] =	ssyncadd.s32 $0xFFFFFF80  }
0xaf: {  	[tilespmem:s22], [sflag:$0x5] =	stream.linear.gather [hbm4b:s11+s3], $0x80, $0x38;
	[tilespmem:$0x1BA80] =	vst v63  }
0xb0: {  	_ =	swait.ge [sflag:s21], $0x80  }
0xb1: {  	[sflag:s21] =	ssyncset.done $0x0  }
0xb2: {  	[sflag:s21] =	ssyncadd.s32 $0xFFFFFF80  }
0xb3: {  	[tilespmem:s20], [sflag:$0x2] =	stream.indirect.gather [hbm4b:s4+s22], $0x80, s3, s22, $0xb8;
	[tilespmem:$0x1BA80] =	vst v63  }
0xb4: {  	_ =	swait.ge [sflag:s28], $0x4000  }
0xb5: {  	[sflag:s28] =	ssyncset.done $0x0  }
0xb6: {  	[sflag:s28] =	ssyncadd.s32 $0xFFFFC000  }
0xb7: {  	[spmem:s1] =	stream.indirect.scatter.add.f32 [tilespmem:s20], [sflag:$0x5], $0x80, s22, s22, $0xb8;
	[tilespmem:$0x1BA80] =	vst v63  }
0xb8: {  	_ =	swait.ge [sflag:s21], $0x4000  }
0xb9: {  	s0 =	simm.s32 @!p0 $0x0;
	[sflag:s21] =	ssyncset.done $0x0  }
0xba: {  	s2 =	simm.s32 @!p0 $0x100;
	s6 =	simm.s32 @!p0 $0x5;
	[sflag:s21] =	ssyncadd.s32 $0xFFFFC000  }
0xbb: {  	[tilespmem:s2], [sflag:$0x5] =	stream.linear.gather @!p0 [hbm4b:s12+s0], $0x80, $0x38;
	[tilespmem:$0x1BA80] =	vst v63  }
0xbc: {  	_ =	swait.ge @!p0 [sflag:s6], $0x80  }
0xbd: {  	[sflag:s6] =	ssyncset.done @!p0 $0x0  }
0xbe: {  	s7 =	simm.s32 @!p0 $0x180;
	[sflag:s6] =	ssyncadd.s32 @!p0 $0xFFFFFF80  }
0xbf: {  	[tilespmem:s7], [sflag:$0x5] =	stream.linear.gather @!p0 [hbm4b:s13+s0], $0x80, $0x38;
	[tilespmem:$0x1BA80] =	vst v63  }
0xc0: {  	_ =	swait.ge @!p0 [sflag:s6], $0x80  }
0xc1: {  	[sflag:s6] =	ssyncset.done @!p0 $0x0  }
0xc2: {  	s8 =	simm.s32 @!p0 $0x4200;
	s0 =	simm.s32 @!p0 $0x80;
	[sflag:s6] =	ssyncadd.s32 @!p0 $0xFFFFFF80  }
0xc3: {  	[tilespmem:s8], [sflag:$0x3] =	stream.indirect.gather @!p0 [hbm4b:s4+s0], $0x80, s2, s0, $0xb8;
	[tilespmem:$0x1BA80] =	vst v63  }
0xc4: {  	s2 =	simm.s32 @!p0 $0x3  }
0xc5: {  	_ =	swait.ge @!p0 [sflag:s2], $0x4000  }
0xc6: {  	[sflag:s2] =	ssyncset.done @!p0 $0x0  }
0xc7: {  	[sflag:s2] =	ssyncadd.s32 @!p0 $0xFFFFC000  }
0xc8: {  	[spmem:s1] =	stream.indirect.scatter.add.f32 @!p0 [tilespmem:s8], [sflag:$0x5], $0x80, s7, s0, $0xb8;
	[tilespmem:$0x1BA80] =	vst v63  }
0xc9: {  	s31 =	sadd.s32 $0x1, s31;
	_ =	swait.ge @!p0 [sflag:s6], $0x4000  }
0xca: {  	p1 =	sne.s32 s31, s15;
	s7 =	stileid.u32;
	[sflag:s6] =	ssyncset.done @!p0 $0x0  }
0xcb: {  	s8 =	sshrl.u32 s5, $0x3;
	s0 =	sshll.u32 s7, $0x6;
	[sflag:s6] =	ssyncadd.s32 @!p0 $0xFFFFC000  }
.Ltmp2:
0xcc: {  	s0 =	sor.u32 $0x1C05, s0;
	[bflag:$0x0] =	sbarrier.arrive $0xFFFF;
	(pc) =	sbr.rel @p1 .LBB2_1-.Ltmp2, $4  }
0xcd: {  	[hbm:s14], [sflag:s0] =	dma.local [spmem:s8], $0x2780  }
0xce: {  	_ =	swait.ge [sflag:s21], $0x2780  }
0xcf: {  	[sflag:s21] =	ssyncset.done $0x0  }
0xd0: {  	[sflag:s21] =	ssyncadd.s32 $0xFFFFD880  }
0xd1: {  	_ =	sfence.sel $0x180000  }
0xd2: {  	[bflag:$0x0] =	sbarrier.arrive $0xFFFF  }
0xd3: {  	_ =	strace $0x90000056  }
0xd4: {  	[bflag:$0x2] =	sbarrier.arrive $0xFFFF  }
0xd5: {  	s0 =	rddreg [dreg:$0x2]  }
0xd6: {  	s0 =	sadd.s32 @!p0 $0x100000, s0  }
0xd7: {  	[sflag:s0] =	ssyncadd.tile.s32 @!p0 $0x1;
	_ =	shalt  }
.Lfunc_end2:
_tile_overlayer_lowered:
.L_overlay_start_2:
0xd8: {  	(tag) =	ssettag $0x2  }
0xd9: {  	s0 =	rddreg [dreg:$0x0];
	s2 =	stileid.u32  }
0xda: {  	s1 =	rddreg [dreg:$0x1];
	p0 =	sne.s32 s2, $0x0  }
0xdb: {  	s3 =	rddreg [dreg:$0x2];
	[bflag:$0x3] =	sbarrier.arrive $0xFFFF;
	s2 =	simm.s32 @!p0 $0x1C05  }
0xdc: {  	[timem:s3], [sflag:s2] =	dma.local @!p0 [hbm:s0], s1  }
0xdd: {  	s0 =	simm.s32 @!p0 $0x5  }
0xde: {  	_ =	swait.ge @!p0 [sflag:s0], s1  }
0xdf: {  	s1 =	ssub.s32 @!p0 $0x0, s1;
	[sflag:s0] =	ssyncset.done @!p0 $0x0  }
0xe0: {  	[sflag:s0] =	ssyncadd.s32 @!p0 s1  }
0xe1: {  	[bflag:$0x3] =	sbarrier.arrive $0xFFFF  }
0xe2: {  	_ =	shalt  }

</sc_bundles>
